<compile_context>
chip_gen: v7x
topology: tpu7x:2x2x1
jax: 0.10.2.dev20260603
libtpu: 0.0.44.dev20260713+nightly
codegen_flags: <defaults>
</compile_context>

<pallas_src>
import dataclasses
import functools

import jax
import jax.numpy as jnp
from jax import lax
from jax.experimental import pallas as pl
from jax.experimental.pallas import tpu as pltpu
from jax.experimental.pallas import tpu_sc as plsc

N = 10000
E = 320000
D = 128
L = 5
EPS = 1e-5

NC = 2
NS = 16
NW = NC * NS
EPW = E // NW
CH = 128
NFULL = EPW // CH
TAIL = EPW - NFULL * CH
NPAD = 10240
RPT = NPAD // NS

_mesh = plsc.VectorSubcoreMesh(core_axis_name="c", subcore_axis_name="s")

_cp_no_layout = pltpu.CompilerParams()
if "needs_layout_passes" in pltpu.CompilerParams.__dataclass_fields__:
    _cp_no_layout = dataclasses.replace(_cp_no_layout, needs_layout_passes=False)


def _zero_shared(shared, z_hbm, sid):
    pltpu.sync_copy(z_hbm, shared.at[pl.ds(sid * RPT, RPT)])


def _writeout_shared(shared, out_hbm, cid, sid):
    pltpu.sync_copy(shared.at[pl.ds(sid * RPT, RPT)],
                    out_hbm.at[cid, pl.ds(sid * RPT, RPT)])


def _sc_deg(col, zn):
    @functools.partial(
        pl.kernel,
        out_type=jax.ShapeDtypeStruct((NW, NPAD), jnp.float32),
        mesh=_mesh,
        scratch_types=[
            pltpu.VMEM((EPW,), jnp.int32),
            pltpu.VMEM((NPAD,), jnp.float32),
        ],
        compiler_params=_cp_no_layout,
    )
    def k(col_hbm, z_hbm, out_hbm, idx_v, acc_v):
        cid = lax.axis_index("c")
        sid = lax.axis_index("s")
        wid = sid * NC + cid
        base = wid * EPW

        pltpu.sync_copy(z_hbm, acc_v)
        pltpu.sync_copy(col_hbm.at[pl.ds(base, EPW)], idx_v)
        ones = jnp.full((16,), 1.0, jnp.float32)

        @pl.loop(0, EPW // 16)
        def _(g):
            cv = idx_v[pl.ds(g * 16, 16)]
            plsc.addupdate_scatter(acc_v, [cv], ones)

        pltpu.sync_copy(acc_v, out_hbm.at[wid])

    return k(col, zn)


EAC = 2000


def _sc_bacc(ea_r, row, col, dinv1d, z4):
    @functools.partial(
        pl.kernel,
        out_type=jax.ShapeDtypeStruct((NW, 4 * NPAD), jnp.float32),
        mesh=_mesh,
        scratch_types=[
            pltpu.VMEM((EPW,), jnp.int32),
            pltpu.VMEM((EPW,), jnp.int32),
            pltpu.VMEM((EAC * 4,), jnp.float32),
            pltpu.VMEM((NPAD,), jnp.float32),
            pltpu.VMEM((4 * NPAD,), jnp.float32),
        ],
        compiler_params=_cp_no_layout,
    )
    def k(ea_hbm, row_hbm, col_hbm, dinv_hbm, z_hbm, out_hbm, ridx_v, cidx_v,
          buf_v, dinv_v, acc_v):
        cid = lax.axis_index("c")
        sid = lax.axis_index("s")
        wid = sid * NC + cid
        base = wid * EPW

        pltpu.sync_copy(dinv_hbm, dinv_v)
        pltpu.sync_copy(z_hbm, acc_v)
        pltpu.sync_copy(row_hbm.at[pl.ds(base, EPW)], ridx_v)
        pltpu.sync_copy(col_hbm.at[pl.ds(base, EPW)], cidx_v)

        @pl.loop(0, EPW // EAC)
        def _(ch):
            off = ch * EAC
            pltpu.sync_copy(ea_hbm.at[pl.ds((base + off) * 4, EAC * 4)],
                            buf_v)

            @plsc.parallel_loop(0, EAC // 16, unroll=4)
            def _(g):
                rv = ridx_v[pl.ds(off + g * 16, 16)]
                cv = cidx_v[pl.ds(off + g * 16, 16)]
                dvals = plsc.load_gather(dinv_v, [rv])
                eidx4 = (lax.iota(jnp.int32, 16) + g * 16) * 4
                for f in range(4):
                    vals = plsc.load_gather(buf_v, [eidx4 + f])
                    plsc.addupdate_scatter(acc_v, [cv + f * NPAD],
                                           vals * dvals)

        pltpu.sync_copy(acc_v, out_hbm.at[wid])

    return k(ea_r.reshape(E * 4), row, col, dinv1d, z4)


NBUF = 2


def _sc_spmm(g, row, col, z128):
    @functools.partial(
        pl.kernel,
        out_type=jax.ShapeDtypeStruct((NC, NPAD, D), jnp.float32),
        mesh=_mesh,
        scratch_types=[
            pltpu.VMEM((NBUF, CH), jnp.int32),
            pltpu.VMEM((NBUF, CH), jnp.int32),
            pltpu.VMEM((NBUF, CH, D), jnp.float32),
            pltpu.VMEM((TAIL,), jnp.int32),
            pltpu.VMEM((TAIL,), jnp.int32),
            pltpu.VMEM_SHARED((NPAD, D), jnp.float32),
            pltpu.SemaphoreType.DMA,
            pltpu.SemaphoreType.DMA,
            pltpu.SemaphoreType.DMA,
            pltpu.SemaphoreType.DMA,
            pltpu.SemaphoreType.DMA,
            pltpu.SemaphoreType.DMA,
        ],
    )
    def k(g_hbm, row_hbm, col_hbm, z_hbm, out_hbm, ridx_v, cidx_v, rows_v,
          rt_v, ct_v, shared, si0, si1, sg0, sg1, ss0, ss1):
        cid = lax.axis_index("c")
        sid = lax.axis_index("s")
        wid = sid * NC + cid
        base = wid * EPW
        sem_i = (si0, si1)
        sem_g = (sg0, sg1)
        sem_s = (ss0, ss1)

        _zero_shared(shared, z_hbm, sid)
        plsc.subcore_barrier()

        def idx_start(slot, c):
            pltpu.async_copy(row_hbm.at[pl.ds(base + c * CH, CH)],
                             ridx_v.at[slot], sem_i[slot])
            pltpu.async_copy(col_hbm.at[pl.ds(base + c * CH, CH)],
                             cidx_v.at[slot], sem_i[slot])

        def idx_wait(slot, c):
            pltpu.make_async_copy(row_hbm.at[pl.ds(base + c * CH, CH)],
                                  ridx_v.at[slot], sem_i[slot]).wait()
            pltpu.make_async_copy(col_hbm.at[pl.ds(base + c * CH, CH)],
                                  cidx_v.at[slot], sem_i[slot]).wait()

        def gather_start(slot):
            pltpu.async_copy(g_hbm.at[ridx_v.at[slot]], rows_v.at[slot],
                             sem_g[slot])

        def gather_wait(slot):
            pltpu.make_async_copy(g_hbm.at[ridx_v.at[slot]], rows_v.at[slot],
                                  sem_g[slot]).wait()

        def scatter_start(slot):
            pltpu.async_copy(rows_v.at[slot], shared.at[cidx_v.at[slot]],
                             sem_s[slot], add=True)

        def scatter_wait(slot):
            pltpu.make_async_copy(rows_v.at[slot], shared.at[cidx_v.at[slot]],
                                  sem_s[slot]).wait()

        idx_start(0, 0)
        idx_wait(0, 0)
        gather_start(0)

        @pl.loop(0, NFULL // NBUF)
        def _(it):
            for p in range(NBUF):
                b = p
                o = 1 - p
                c = it * NBUF + p

                @pl.when(c + 1 < NFULL)
                def _():
                    @pl.when(c >= 1)
                    def _():
                        scatter_wait(o)
                    idx_start(o, c + 1)
                    idx_wait(o, c + 1)
                    gather_start(o)

                gather_wait(b)
                scatter_start(b)

        scatter_wait(0)
        scatter_wait(1)

        if TAIL:
            off = base + NFULL * CH
            pltpu.sync_copy(row_hbm.at[pl.ds(off, TAIL)], rt_v)
            pltpu.sync_copy(col_hbm.at[pl.ds(off, TAIL)], ct_v)
            pltpu.sync_copy(g_hbm.at[rt_v], rows_v.at[0, pl.ds(0, TAIL)])
            pltpu.sync_copy(rows_v.at[0, pl.ds(0, TAIL)], shared.at[ct_v],
                            add=True)

        plsc.subcore_barrier()
        _writeout_shared(shared, out_hbm, cid, sid)

    return k(g, row, col, z128)


def _tc_prep(deg_parts, x):
    def body(degp_ref, x_ref, dinv1d_ref, dinvb_ref, g0_ref):
        deg = jnp.sum(degp_ref[...], axis=0, keepdims=True)
        dinv = jnp.where(deg > 0, lax.rsqrt(deg), 0.0)
        dinv1d_ref[...] = dinv.reshape(NPAD)
        dinvb = jnp.broadcast_to(dinv.reshape(NPAD, 1)[:N], (N, D))
        dinvb_ref[...] = dinvb
        g0_ref[...] = x_ref[...] * dinvb

    return pl.pallas_call(
        body,
        out_shape=(jax.ShapeDtypeStruct((NPAD,), jnp.float32),
                   jax.ShapeDtypeStruct((N, D), jnp.float32),
                   jax.ShapeDtypeStruct((N, D), jnp.float32)),
    )(deg_parts, x)


def _tc_ef(b_parts, dinvb, g_all):
    def body(bp_ref, dinvb_ref, g_ref, out_ref):
        b4f = jnp.sum(bp_ref[...], axis=0)
        ef = lax.dot_general(b4f, g_ref[0], (((0,), (0,)), ((), ())),
                             precision=lax.Precision.HIGHEST,
                             preferred_element_type=jnp.float32)
        out_ref[0] = dinvb_ref[...] * ef[:N]

    return pl.pallas_call(
        body,
        grid=(L,),
        in_specs=[
            pl.BlockSpec((NW, 4, NPAD), lambda l: (0, 0, 0)),
            pl.BlockSpec((N, D), lambda l: (0, 0)),
            pl.BlockSpec((1, 4, D), lambda l: (l, 0, 0)),
        ],
        out_specs=pl.BlockSpec((1, N, D), lambda l: (l, 0, 0)),
        out_shape=jax.ShapeDtypeStruct((L, N, D), jnp.float32),
    )(b_parts, dinvb, g_all)


NB = 1000


def _tc_mlp_stats(h, agg_parts, efd_l, dinvb, wm, bm):
    def body(h_ref, aggp_ref, efd_ref, dinvb_ref, wm_ref, bm_ref,
             h2_ref, st_ref):
        agg = dinvb_ref[...] * (aggp_ref[0] + aggp_ref[1]) + efd_ref[...]
        cat = jnp.concatenate([h_ref[...], agg], axis=1)
        z = lax.dot_general(cat, wm_ref[...], (((1,), (1,)), ((), ())),
                            preferred_element_type=jnp.float32)
        h2 = jnp.maximum(z + bm_ref[...], 0.0)
        h2_ref[...] = h2

        @pl.when(pl.program_id(0) == 0)
        def _():
            st_ref[...] = jnp.zeros_like(st_ref)

        st_ref[...] += jnp.concatenate(
            [jnp.sum(h2, axis=0, keepdims=True),
             jnp.sum(h2 * h2, axis=0, keepdims=True)], axis=0)

    return pl.pallas_call(
        body,
        grid=(N // NB,),
        in_specs=[
            pl.BlockSpec((NB, D), lambda i: (i, 0)),
            pl.BlockSpec((NC, NB, D), lambda i: (0, i, 0)),
            pl.BlockSpec((NB, D), lambda i: (i, 0)),
            pl.BlockSpec((NB, D), lambda i: (i, 0)),
            pl.BlockSpec((D, 2 * D), lambda i: (0, 0)),
            pl.BlockSpec((1, D), lambda i: (0, 0)),
        ],
        out_specs=(pl.BlockSpec((NB, D), lambda i: (i, 0)),
                   pl.BlockSpec((2, D), lambda i: (0, 0))),
        out_shape=(jax.ShapeDtypeStruct((N, D), jnp.float32),
                   jax.ShapeDtypeStruct((2, D), jnp.float32)),
    )(h, agg_parts, efd_l, dinvb, wm, bm)


def _tc_bn_apply(h2, stats, dinvb, gm, bt, last):
    def body(h2_ref, st_ref, dinvb_ref, gm_ref, bt_ref, hout_ref, gout_ref):
        st = st_ref[...]
        mean = st[0:1] / N
        var = st[1:2] / N - mean * mean
        hn = (h2_ref[...] - mean) / jnp.sqrt(var + EPS) * gm_ref[...] \
            + bt_ref[...]
        if not last:
            hn = jnp.maximum(hn, 0.0)
        hout_ref[...] = hn
        gout_ref[...] = hn * dinvb_ref[...]

    return pl.pallas_call(
        body,
        grid=(N // NB,),
        in_specs=[
            pl.BlockSpec((NB, D), lambda i: (i, 0)),
            pl.BlockSpec((2, D), lambda i: (0, 0)),
            pl.BlockSpec((NB, D), lambda i: (i, 0)),
            pl.BlockSpec((1, D), lambda i: (0, 0)),
            pl.BlockSpec((1, D), lambda i: (0, 0)),
        ],
        out_specs=(pl.BlockSpec((NB, D), lambda i: (i, 0)),
                   pl.BlockSpec((NB, D), lambda i: (i, 0))),
        out_shape=(jax.ShapeDtypeStruct((N, D), jnp.float32),
                   jax.ShapeDtypeStruct((N, D), jnp.float32)),
    )(h2, stats, dinvb, gm, bt)


def kernel(x, edge_attr, Wmlp, bmlp, We1, We2, gamma, beta, edge_index):
    row = edge_index[0]
    col = edge_index[1]
    ea_r = edge_attr.astype(jnp.bfloat16).astype(jnp.float32)
    we1_all = We1.reshape(L, 1, D // 2).astype(jnp.bfloat16).astype(jnp.float32)
    we2_all = jnp.swapaxes(We2, 1, 2).astype(jnp.bfloat16).astype(jnp.float32)
    zn = jnp.zeros((NPAD,), jnp.float32)
    z4 = jnp.zeros((4 * NPAD,), jnp.float32)
    z128 = jnp.zeros((RPT, D), jnp.float32)

    deg_parts = _sc_deg(col, zn)
    dinv1d, dinvb, g = _tc_prep(deg_parts, x)
    b_parts = _sc_bacc(ea_r, row, col, dinv1d, z4)
    b_parts = b_parts.reshape(NW, 4, NPAD)
    zpad = jnp.zeros((L, 3, D // 2), jnp.float32)
    zpad1 = jnp.zeros((L, 1, D // 2), jnp.float32)
    g_all = jnp.concatenate(
        [jnp.concatenate([zpad, we1_all], axis=1),
         jnp.concatenate([we2_all, zpad1], axis=1)], axis=2)
    efd = _tc_ef(b_parts, dinvb, g_all)

    h = x
    for l in range(L):
        agg_parts = _sc_spmm(g, row, col, z128)
        h2, stats = _tc_mlp_stats(h, agg_parts, efd[l], dinvb,
                                  Wmlp[l], bmlp[l].reshape(1, D))
        h, g = _tc_bn_apply(h2, stats, dinvb,
                            gamma[l].reshape(1, D), beta[l].reshape(1, D),
                            last=(l == L - 1))
    return h

# --- scband reference (transcript-rebuilt; emitter-appended) ---
"""Pipeline reference for scband-mpnn-79044578115931 (READ-ONLY COPY).

The authoritative reference and input builder live on the scoring server;
editing this copy changes nothing except your own understanding.
"""

import jax, jax.numpy as jnp
import numpy as np

N = 10000
E = 320000
D = 128
L = 5
EPS = 1e-5


def setup_inputs(seed: int = 0) -> dict:
    key = jax.random.key(seed)
    ks = jax.random.split(key, 8)
    x = jax.random.normal(ks[0], (N, D), dtype=jnp.float32)
    edge_index = jax.random.randint(ks[1], (2, E), 0, N, dtype=jnp.int32)
    edge_attr = jax.random.uniform(ks[2], (E, 4), dtype=jnp.float32)
    # per-layer parameters, stacked on leading layer axis
    Wmlp = jax.random.normal(ks[3], (L, D, 2 * D), dtype=jnp.float32) * (1.0 / np.sqrt(2 * D))
    bmlp = jnp.zeros((L, D), dtype=jnp.float32)
    We1 = jax.random.normal(ks[4], (L, D // 2, 1), dtype=jnp.float32) * 0.5
    We2 = jax.random.normal(ks[5], (L, D // 2, 3), dtype=jnp.float32) * 0.5
    gamma = jnp.ones((L, D), dtype=jnp.float32)
    beta = jnp.zeros((L, D), dtype=jnp.float32)
    return {"x": x, "edge_attr": edge_attr, "Wmlp": Wmlp, "bmlp": bmlp,
            "We1": We1, "We2": We2, "gamma": gamma, "beta": beta,
            "edge_index": edge_index}


def reference(x, edge_attr, Wmlp, bmlp, We1, We2, gamma, beta, edge_index):
    row = edge_index[0]
    col = edge_index[1]
    # symmetric GCN normalization: deg computed over dst (col)
    deg = jax.ops.segment_sum(jnp.ones((E,), dtype=x.dtype), col, num_segments=N)
    dinv = jnp.where(deg > 0, deg ** -0.5, 0.0)
    norm = dinv[row] * dinv[col]
    h = x
    for l in range(L):
        # edge feature projection: col 3 -> D/2, cols 0:3 -> D/2
        ef = jnp.concatenate([edge_attr[:, 3:] @ We1[l].T,
                              edge_attr[:, 0:3] @ We2[l].T], axis=-1)
        # message: norm * (x_j + edge_fea), gathered from source nodes (row)
        msg = norm[:, None] * (h[row] + ef)
        # aggregate (add) into destination nodes (col)
        agg = jax.ops.segment_sum(msg, col, num_segments=N)
        # mlp on [x || aggregated]
        h2 = jax.nn.relu(jnp.concatenate([h, agg], axis=1) @ Wmlp[l].T + bmlp[l])
        # BatchNorm1d (training-mode batch statistics, biased variance)
        mean = jnp.mean(h2, axis=0)
        var = jnp.var(h2, axis=0)
        h2 = (h2 - mean) / jnp.sqrt(var + EPS) * gamma[l] + beta[l]
        # dropout with p=0 is identity; relu on all but last layer
        if l < L - 1:
            h2 = jax.nn.relu(h2)
        h = h2
    return h

if __name__ == "__main__":
    import jax
    _d = setup_inputs()
    print(jax.jit(kernel)(*tuple(_d.values())))

</pallas_src>

<mosaic_0001>
#map = affine_map<(d0, d1) -> (0, 0)>
#map1 = affine_map<(d0, d1) -> (0)>
#map2 = affine_map<(d0, d1) -> (0, 0, 0)>
module attributes {stable_mosaic.version = 14 : i64} {
  func.func @k(%arg0: i32, %arg1: i32, %arg2: memref<10000x128xf32, #tpu.memory_space<hbm>>, %arg3: memref<320000xi32, #tpu.memory_space<hbm>>, %arg4: memref<320000xi32, #tpu.memory_space<hbm>>, %arg5: memref<640x128xf32, #tpu.memory_space<hbm>>, %arg6: memref<2x10240x128xf32, #tpu.memory_space<hbm>>, %arg7: memref<2x128xi32, #tpu.memory_space<vmem>>, %arg8: memref<2x128xi32, #tpu.memory_space<vmem>>, %arg9: memref<2x128x128xf32, #tpu.memory_space<vmem>>, %arg10: memref<16xi32, #tpu.memory_space<vmem>>, %arg11: memref<16xi32, #tpu.memory_space<vmem>>, %arg12: memref<10240x128xf32, #tpu.memory_space<vmem_shared>>, %arg13: memref<!tpu.dma_semaphore, #tpu.memory_space<semaphore_mem>>, %arg14: memref<!tpu.dma_semaphore, #tpu.memory_space<semaphore_mem>>, %arg15: memref<!tpu.dma_semaphore, #tpu.memory_space<semaphore_mem>>, %arg16: memref<!tpu.dma_semaphore, #tpu.memory_space<semaphore_mem>>, %arg17: memref<!tpu.dma_semaphore, #tpu.memory_space<semaphore_mem>>, %arg18: memref<!tpu.dma_semaphore, #tpu.memory_space<semaphore_mem>>) attributes {dimension_semantics = [#tpu.dimension_semantics<core_parallel>, #tpu.dimension_semantics<subcore_parallel>], iteration_bounds = array<i64: 2, 16>, scalar_prefetch = 0 : i64, scratch_operands = 12 : i64, tpu.core_type = #tpu.core_type<sc_vector_subcore>, window_params = [{transform_indices = #map}, {transform_indices = #map1}, {transform_indices = #map1}, {transform_indices = #map}, {transform_indices = #map2}]} {
    %mul3A = arith.constant 2 : i32
    %mul3A_0 = arith.muli %arg1, %mul3A : i32
    %add3A = arith.addi %mul3A_0, %arg0 : i32
    %mul3A_1 = arith.constant 10000 : i32
    %mul3A_2 = arith.muli %add3A, %mul3A_1 : i32
    %mul3A_3 = arith.constant 640 : i32
    %mul3A_4 = arith.muli %arg1, %mul3A_3 : i32
    "tpu.region"() ({
      %run_scoped3A_95 = tpu.sem_alloc : memref<!tpu.dma_semaphore, #tpu.memory_space<semaphore_mem>>
      %dma_start3A_96 = arith.constant 0 : i32
      %dma_start3A_97 = tpu.memref_slice %arg12[%mul3A_4, %dma_start3A_96] : memref<10240x128xf32, #tpu.memory_space<vmem_shared>> -> memref<640x128xf32, #tpu.memory_space<vmem_shared>>
      tpu.enqueue_dma source(%arg5 : memref<640x128xf32, #tpu.memory_space<hbm>>) target(%dma_start3A_97 : memref<640x128xf32, #tpu.memory_space<vmem_shared>>) target_semaphore(%run_scoped3A_95 : memref<!tpu.dma_semaphore, #tpu.memory_space<semaphore_mem>>)
      %dma_wait3A_98 = arith.constant 0 : i32
      %dma_wait3A_99 = tpu.memref_slice %arg12[%mul3A_4, %dma_wait3A_98] : memref<10240x128xf32, #tpu.memory_space<vmem_shared>> -> memref<640x128xf32, #tpu.memory_space<vmem_shared>>
      tpu.wait_dma2 semaphore(%run_scoped3A_95 : memref<!tpu.dma_semaphore, #tpu.memory_space<semaphore_mem>>) src(%arg5 : memref<640x128xf32, #tpu.memory_space<hbm>>) dst(%dma_wait3A_99 : memref<640x128xf32, #tpu.memory_space<vmem_shared>>)
      tpu.yield
    }) : () -> ()
    %barrier3A = arith.constant 0 : index
    tpu.barrier barrier_id(%barrier3A)
    %add3A_5 = arith.constant 0 : i32
    %add3A_6 = arith.addi %mul3A_2, %add3A_5 : i32
    %dma_start3A = arith.constant 0 : i32
    %dma_start3A_7 = arith.constant 0 : i32
    %dma_start3A_8 = tpu.memref_slice %arg7[%dma_start3A, %dma_start3A_7] : memref<2x128xi32, #tpu.memory_space<vmem>> -> memref<1x128xi32, #tpu.memory_space<vmem>>
    %dma_start3A_9 = tpu.memref_squeeze %dma_start3A_8 : memref<1x128xi32, #tpu.memory_space<vmem>> -> memref<128xi32, #tpu.memory_space<vmem>>
    %dma_start3A_10 = tpu.memref_slice %arg3[%add3A_6] : memref<320000xi32, #tpu.memory_space<hbm>> -> memref<128xi32, #tpu.memory_space<hbm>>
    %dma_start3A_11 = arith.constant 0 : i32
    %dma_start3A_12 = tpu.memref_slice %arg7[%dma_start3A, %dma_start3A_11] : memref<2x128xi32, #tpu.memory_space<vmem>> -> memref<1x128xi32, #tpu.memory_space<vmem>>
    %dma_start3A_13 = tpu.memref_squeeze %dma_start3A_12 : memref<1x128xi32, #tpu.memory_space<vmem>> -> memref<128xi32, #tpu.memory_space<vmem>>
    %dma_start3A_14 = tpu.memref_slice %arg3[%add3A_6] : memref<320000xi32, #tpu.memory_space<hbm>> -> memref<128xi32, #tpu.memory_space<hbm>>
    tpu.enqueue_dma source(%dma_start3A_14 : memref<128xi32, #tpu.memory_space<hbm>>) target(%dma_start3A_13 : memref<128xi32, #tpu.memory_space<vmem>>) target_semaphore(%arg13 : memref<!tpu.dma_semaphore, #tpu.memory_space<semaphore_mem>>)
    %add3A_15 = arith.constant 0 : i32
    %add3A_16 = arith.addi %mul3A_2, %add3A_15 : i32
    %dma_start3A_17 = arith.constant 0 : i32
    %dma_start3A_18 = arith.constant 0 : i32
    %dma_start3A_19 = tpu.memref_slice %arg8[%dma_start3A_17, %dma_start3A_18] : memref<2x128xi32, #tpu.memory_space<vmem>> -> memref<1x128xi32, #tpu.memory_space<vmem>>
    %dma_start3A_20 = tpu.memref_squeeze %dma_start3A_19 : memref<1x128xi32, #tpu.memory_space<vmem>> -> memref<128xi32, #tpu.memory_space<vmem>>
    %dma_start3A_21 = tpu.memref_slice %arg4[%add3A_16] : memref<320000xi32, #tpu.memory_space<hbm>> -> memref<128xi32, #tpu.memory_space<hbm>>
    %dma_start3A_22 = arith.constant 0 : i32
    %dma_start3A_23 = tpu.memref_slice %arg8[%dma_start3A_17, %dma_start3A_22] : memref<2x128xi32, #tpu.memory_space<vmem>> -> memref<1x128xi32, #tpu.memory_space<vmem>>
    %dma_start3A_24 = tpu.memref_squeeze %dma_start3A_23 : memref<1x128xi32, #tpu.memory_space<vmem>> -> memref<128xi32, #tpu.memory_space<vmem>>
    %dma_start3A_25 = tpu.memref_slice %arg4[%add3A_16] : memref<320000xi32, #tpu.memory_space<hbm>> -> memref<128xi32, #tpu.memory_space<hbm>>
    tpu.enqueue_dma source(%dma_start3A_25 : memref<128xi32, #tpu.memory_space<hbm>>) target(%dma_start3A_24 : memref<128xi32, #tpu.memory_space<vmem>>) target_semaphore(%arg13 : memref<!tpu.dma_semaphore, #tpu.memory_space<semaphore_mem>>)
    %add3A_26 = arith.constant 0 : i32
    %add3A_27 = arith.addi %mul3A_2, %add3A_26 : i32
    %dma_wait3A = arith.constant 0 : i32
    %dma_wait3A_28 = arith.constant 0 : i32
    %dma_wait3A_29 = tpu.memref_slice %arg7[%dma_wait3A, %dma_wait3A_28] : memref<2x128xi32, #tpu.memory_space<vmem>> -> memref<1x128xi32, #tpu.memory_space<vmem>>
    %dma_wait3A_30 = tpu.memref_squeeze %dma_wait3A_29 : memref<1x128xi32, #tpu.memory_space<vmem>> -> memref<128xi32, #tpu.memory_space<vmem>>
    %dma_wait3A_31 = tpu.memref_slice %arg3[%add3A_27] : memref<320000xi32, #tpu.memory_space<hbm>> -> memref<128xi32, #tpu.memory_space<hbm>>
    %dma_wait3A_32 = arith.constant 0 : i32
    %dma_wait3A_33 = tpu.memref_slice %arg7[%dma_wait3A, %dma_wait3A_32] : memref<2x128xi32, #tpu.memory_space<vmem>> -> memref<1x128xi32, #tpu.memory_space<vmem>>
    %dma_wait3A_34 = tpu.memref_squeeze %dma_wait3A_33 : memref<1x128xi32, #tpu.memory_space<vmem>> -> memref<128xi32, #tpu.memory_space<vmem>>
    %dma_wait3A_35 = tpu.memref_slice %arg3[%add3A_27] : memref<320000xi32, #tpu.memory_space<hbm>> -> memref<128xi32, #tpu.memory_space<hbm>>
    tpu.wait_dma2 semaphore(%arg13 : memref<!tpu.dma_semaphore, #tpu.memory_space<semaphore_mem>>) src(%dma_wait3A_35 : memref<128xi32, #tpu.memory_space<hbm>>) dst(%dma_wait3A_34 : memref<128xi32, #tpu.memory_space<vmem>>)
    %add3A_36 = arith.constant 0 : i32
    %add3A_37 = arith.addi %mul3A_2, %add3A_36 : i32
    %dma_wait3A_38 = arith.constant 0 : i32
    %dma_wait3A_39 = arith.constant 0 : i32
    %dma_wait3A_40 = tpu.memref_slice %arg8[%dma_wait3A_38, %dma_wait3A_39] : memref<2x128xi32, #tpu.memory_space<vmem>> -> memref<1x128xi32, #tpu.memory_space<vmem>>
    %dma_wait3A_41 = tpu.memref_squeeze %dma_wait3A_40 : memref<1x128xi32, #tpu.memory_space<vmem>> -> memref<128xi32, #tpu.memory_space<vmem>>
    %dma_wait3A_42 = tpu.memref_slice %arg4[%add3A_37] : memref<320000xi32, #tpu.memory_space<hbm>> -> memref<128xi32, #tpu.memory_space<hbm>>
    %dma_wait3A_43 = arith.constant 0 : i32
    %dma_wait3A_44 = tpu.memref_slice %arg8[%dma_wait3A_38, %dma_wait3A_43] : memref<2x128xi32, #tpu.memory_space<vmem>> -> memref<1x128xi32, #tpu.memory_space<vmem>>
    %dma_wait3A_45 = tpu.memref_squeeze %dma_wait3A_44 : memref<1x128xi32, #tpu.memory_space<vmem>> -> memref<128xi32, #tpu.memory_space<vmem>>
    %dma_wait3A_46 = tpu.memref_slice %arg4[%add3A_37] : memref<320000xi32, #tpu.memory_space<hbm>> -> memref<128xi32, #tpu.memory_space<hbm>>
    tpu.wait_dma2 semaphore(%arg13 : memref<!tpu.dma_semaphore, #tpu.memory_space<semaphore_mem>>) src(%dma_wait3A_46 : memref<128xi32, #tpu.memory_space<hbm>>) dst(%dma_wait3A_45 : memref<128xi32, #tpu.memory_space<vmem>>)
    %dma_start3A_47 = arith.constant 0 : i32
    %dma_start3A_48 = arith.constant 0 : i32
    %dma_start3A_49 = arith.constant 0 : i32
    %dma_start3A_50 = arith.constant 0 : i32
    %dma_start3A_51 = tpu.memref_slice %arg9[%dma_start3A_48, %dma_start3A_49, %dma_start3A_50] : memref<2x128x128xf32, #tpu.memory_space<vmem>> -> memref<1x128x128xf32, #tpu.memory_space<vmem>>
    %dma_start3A_52 = tpu.memref_squeeze %dma_start3A_51 : memref<1x128x128xf32, #tpu.memory_space<vmem>> -> memref<128x128xf32, #tpu.memory_space<vmem>>
    %dma_start3A_53 = arith.constant 0 : i32
    %dma_start3A_54 = tpu.memref_slice %arg7[%dma_start3A_47, %dma_start3A_53] : memref<2x128xi32, #tpu.memory_space<vmem>> -> memref<1x128xi32, #tpu.memory_space<vmem>>
    %dma_start3A_55 = tpu.memref_squeeze %dma_start3A_54 : memref<1x128xi32, #tpu.memory_space<vmem>> -> memref<128xi32, #tpu.memory_space<vmem>>
    %dma_start3A_56 = arith.constant 0 : i32
    %dma_start3A_57 = arith.constant 0 : i32
    %dma_start3A_58 = tpu.memref_slice %arg2[%dma_start3A_56, %dma_start3A_57] : memref<10000x128xf32, #tpu.memory_space<hbm>> -> memref<10000x128xf32, #tpu.memory_space<hbm>>
    tpu.enqueue_indirect_dma source(%dma_start3A_58 : memref<10000x128xf32, #tpu.memory_space<hbm>>) target(%dma_start3A_52 : memref<128x128xf32, #tpu.memory_space<vmem>>) offsets(%dma_start3A_55 : memref<128xi32, #tpu.memory_space<vmem>>) semaphore(%arg15 : memref<!tpu.dma_semaphore, #tpu.memory_space<semaphore_mem>>)
    %scan3A = arith.constant 0 : i32
    %scan3A_59 = arith.constant 39 : i32
    %scan3A_60 = arith.addi %scan3A, %scan3A_59 : i32
    %scan3A_61 = arith.constant 1 : i32
    scf.for %scan3A_95 = %scan3A to %scan3A_60 step %scan3A_61  : i32 {
      %mul3A_96 = arith.constant 1 : i32
      %mul3A_97 = arith.muli %scan3A_95, %mul3A_96 : i32
      %add3A_98 = arith.constant 0 : i32
      %add3A_99 = arith.addi %add3A_98, %mul3A_97 : i32
      %mul3A_100 = arith.constant 2 : i32
      %mul3A_101 = arith.muli %add3A_99, %mul3A_100 : i32
      %add3A_102 = arith.constant 0 : i32
      %add3A_103 = arith.addi %mul3A_101, %add3A_102 : i32
      %add3A_104 = arith.constant 1 : i32
      %add3A_105 = arith.addi %add3A_103, %add3A_104 : i32
      %lt3A = arith.constant 78 : i32
      %lt3A_106 = arith.cmpi slt, %add3A_105, %lt3A : i32
      %convert_element_type3A = arith.extui %lt3A_106 : i1 to i32
      %cond3A = arith.constant 0 : i32
      %cond3A_107 = arith.cmpi ne, %convert_element_type3A, %cond3A : i32
      scf.if %cond3A_107 {
        %ge3A = arith.constant 1 : i32
        %ge3A_167 = arith.cmpi sge, %add3A_103, %ge3A : i32
        %convert_element_type3A_168 = arith.extui %ge3A_167 : i1 to i32
        %cond3A_169 = arith.constant 0 : i32
        %cond3A_170 = arith.cmpi ne, %convert_element_type3A_168, %cond3A_169 : i32
        scf.if %cond3A_170 {
          %dma_wait3A_235 = arith.constant 1 : i32
          %dma_wait3A_236 = arith.constant 1 : i32
          %dma_wait3A_237 = arith.constant 0 : i32
          %dma_wait3A_238 = arith.constant 0 : i32
          %dma_wait3A_239 = tpu.memref_slice %arg9[%dma_wait3A_235, %dma_wait3A_237, %dma_wait3A_238] : memref<2x128x128xf32, #tpu.memory_space<vmem>> -> memref<1x128x128xf32, #tpu.memory_space<vmem>>
          %dma_wait3A_240 = tpu.memref_squeeze %dma_wait3A_239 : memref<1x128x128xf32, #tpu.memory_space<vmem>> -> memref<128x128xf32, #tpu.memory_space<vmem>>
          %dma_wait3A_241 = arith.constant 0 : i32
          %dma_wait3A_242 = tpu.memref_slice %arg8[%dma_wait3A_236, %dma_wait3A_241] : memref<2x128xi32, #tpu.memory_space<vmem>> -> memref<1x128xi32, #tpu.memory_space<vmem>>
          %dma_wait3A_243 = tpu.memref_squeeze %dma_wait3A_242 : memref<1x128xi32, #tpu.memory_space<vmem>> -> memref<128xi32, #tpu.memory_space<vmem>>
          %dma_wait3A_244 = arith.constant 0 : i32
          %dma_wait3A_245 = arith.constant 0 : i32
          %dma_wait3A_246 = tpu.memref_slice %arg12[%dma_wait3A_244, %dma_wait3A_245] : memref<10240x128xf32, #tpu.memory_space<vmem_shared>> -> memref<10240x128xf32, #tpu.memory_space<vmem_shared>>
          tpu.wait_indirect_dma semaphore(%arg18 : memref<!tpu.dma_semaphore, #tpu.memory_space<semaphore_mem>>) src(%dma_wait3A_240 : memref<128x128xf32, #tpu.memory_space<vmem>>) dst(%dma_wait3A_246 : memref<10240x128xf32, #tpu.memory_space<vmem_shared>>)
        } else {
        }
        %add3A_171 = arith.constant 1 : i32
        %add3A_172 = arith.addi %add3A_103, %add3A_171 : i32
        %mul3A_173 = arith.constant 128 : i32
        %mul3A_174 = arith.muli %add3A_172, %mul3A_173 : i32
        %add3A_175 = arith.addi %mul3A_2, %mul3A_174 : i32
        %dma_start3A_176 = arith.constant 1 : i32
        %dma_start3A_177 = arith.constant 0 : i32
        %dma_start3A_178 = tpu.memref_slice %arg7[%dma_start3A_176, %dma_start3A_177] : memref<2x128xi32, #tpu.memory_space<vmem>> -> memref<1x128xi32, #tpu.memory_space<vmem>>
        %dma_start3A_179 = tpu.memref_squeeze %dma_start3A_178 : memref<1x128xi32, #tpu.memory_space<vmem>> -> memref<128xi32, #tpu.memory_space<vmem>>
        %dma_start3A_180 = tpu.memref_slice %arg3[%add3A_175] : memref<320000xi32, #tpu.memory_space<hbm>> -> memref<128xi32, #tpu.memory_space<hbm>>
        %dma_start3A_181 = arith.constant 0 : i32
        %dma_start3A_182 = tpu.memref_slice %arg7[%dma_start3A_176, %dma_start3A_181] : memref<2x128xi32, #tpu.memory_space<vmem>> -> memref<1x128xi32, #tpu.memory_space<vmem>>
        %dma_start3A_183 = tpu.memref_squeeze %dma_start3A_182 : memref<1x128xi32, #tpu.memory_space<vmem>> -> memref<128xi32, #tpu.memory_space<vmem>>
        %dma_start3A_184 = tpu.memref_slice %arg3[%add3A_175] : memref<320000xi32, #tpu.memory_space<hbm>> -> memref<128xi32, #tpu.memory_space<hbm>>
        tpu.enqueue_dma source(%dma_start3A_184 : memref<128xi32, #tpu.memory_space<hbm>>) target(%dma_start3A_183 : memref<128xi32, #tpu.memory_space<vmem>>) target_semaphore(%arg14 : memref<!tpu.dma_semaphore, #tpu.memory_space<semaphore_mem>>)
        %mul3A_185 = arith.constant 128 : i32
        %mul3A_186 = arith.muli %add3A_172, %mul3A_185 : i32
        %add3A_187 = arith.addi %mul3A_2, %mul3A_186 : i32
        %dma_start3A_188 = arith.constant 1 : i32
        %dma_start3A_189 = arith.constant 0 : i32
        %dma_start3A_190 = tpu.memref_slice %arg8[%dma_start3A_188, %dma_start3A_189] : memref<2x128xi32, #tpu.memory_space<vmem>> -> memref<1x128xi32, #tpu.memory_space<vmem>>
        %dma_start3A_191 = tpu.memref_squeeze %dma_start3A_190 : memref<1x128xi32, #tpu.memory_space<vmem>> -> memref<128xi32, #tpu.memory_space<vmem>>
        %dma_start3A_192 = tpu.memref_slice %arg4[%add3A_187] : memref<320000xi32, #tpu.memory_space<hbm>> -> memref<128xi32, #tpu.memory_space<hbm>>
        %dma_start3A_193 = arith.constant 0 : i32
        %dma_start3A_194 = tpu.memref_slice %arg8[%dma_start3A_188, %dma_start3A_193] : memref<2x128xi32, #tpu.memory_space<vmem>> -> memref<1x128xi32, #tpu.memory_space<vmem>>
        %dma_start3A_195 = tpu.memref_squeeze %dma_start3A_194 : memref<1x128xi32, #tpu.memory_space<vmem>> -> memref<128xi32, #tpu.memory_space<vmem>>
        %dma_start3A_196 = tpu.memref_slice %arg4[%add3A_187] : memref<320000xi32, #tpu.memory_space<hbm>> -> memref<128xi32, #tpu.memory_space<hbm>>
        tpu.enqueue_dma source(%dma_start3A_196 : memref<128xi32, #tpu.memory_space<hbm>>) target(%dma_start3A_195 : memref<128xi32, #tpu.memory_space<vmem>>) target_semaphore(%arg14 : memref<!tpu.dma_semaphore, #tpu.memory_space<semaphore_mem>>)
        %add3A_197 = arith.constant 1 : i32
        %add3A_198 = arith.addi %add3A_103, %add3A_197 : i32
        %mul3A_199 = arith.constant 128 : i32
        %mul3A_200 = arith.muli %add3A_198, %mul3A_199 : i32
        %add3A_201 = arith.addi %mul3A_2, %mul3A_200 : i32
        %dma_wait3A_202 = arith.constant 1 : i32
        %dma_wait3A_203 = arith.constant 0 : i32
        %dma_wait3A_204 = tpu.memref_slice %arg7[%dma_wait3A_202, %dma_wait3A_203] : memref<2x128xi32, #tpu.memory_space<vmem>> -> memref<1x128xi32, #tpu.memory_space<vmem>>
        %dma_wait3A_205 = tpu.memref_squeeze %dma_wait3A_204 : memref<1x128xi32, #tpu.memory_space<vmem>> -> memref<128xi32, #tpu.memory_space<vmem>>
        %dma_wait3A_206 = tpu.memref_slice %arg3[%add3A_201] : memref<320000xi32, #tpu.memory_space<hbm>> -> memref<128xi32, #tpu.memory_space<hbm>>
        %dma_wait3A_207 = arith.constant 0 : i32
        %dma_wait3A_208 = tpu.memref_slice %arg7[%dma_wait3A_202, %dma_wait3A_207] : memref<2x128xi32, #tpu.memory_space<vmem>> -> memref<1x128xi32, #tpu.memory_space<vmem>>
        %dma_wait3A_209 = tpu.memref_squeeze %dma_wait3A_208 : memref<1x128xi32, #tpu.memory_space<vmem>> -> memref<128xi32, #tpu.memory_space<vmem>>
        %dma_wait3A_210 = tpu.memref_slice %arg3[%add3A_201] : memref<320000xi32, #tpu.memory_space<hbm>> -> memref<128xi32, #tpu.memory_space<hbm>>
        tpu.wait_dma2 semaphore(%arg14 : memref<!tpu.dma_semaphore, #tpu.memory_space<semaphore_mem>>) src(%dma_wait3A_210 : memref<128xi32, #tpu.memory_space<hbm>>) dst(%dma_wait3A_209 : memref<128xi32, #tpu.memory_space<vmem>>)
        %mul3A_211 = arith.constant 128 : i32
        %mul3A_212 = arith.muli %add3A_198, %mul3A_211 : i32
        %add3A_213 = arith.addi %mul3A_2, %mul3A_212 : i32
        %dma_wait3A_214 = arith.constant 1 : i32
        %dma_wait3A_215 = arith.constant 0 : i32
        %dma_wait3A_216 = tpu.memref_slice %arg8[%dma_wait3A_214, %dma_wait3A_215] : memref<2x128xi32, #tpu.memory_space<vmem>> -> memref<1x128xi32, #tpu.memory_space<vmem>>
        %dma_wait3A_217 = tpu.memref_squeeze %dma_wait3A_216 : memref<1x128xi32, #tpu.memory_space<vmem>> -> memref<128xi32, #tpu.memory_space<vmem>>
        %dma_wait3A_218 = tpu.memref_slice %arg4[%add3A_213] : memref<320000xi32, #tpu.memory_space<hbm>> -> memref<128xi32, #tpu.memory_space<hbm>>
        %dma_wait3A_219 = arith.constant 0 : i32
        %dma_wait3A_220 = tpu.memref_slice %arg8[%dma_wait3A_214, %dma_wait3A_219] : memref<2x128xi32, #tpu.memory_space<vmem>> -> memref<1x128xi32, #tpu.memory_space<vmem>>
        %dma_wait3A_221 = tpu.memref_squeeze %dma_wait3A_220 : memref<1x128xi32, #tpu.memory_space<vmem>> -> memref<128xi32, #tpu.memory_space<vmem>>
        %dma_wait3A_222 = tpu.memref_slice %arg4[%add3A_213] : memref<320000xi32, #tpu.memory_space<hbm>> -> memref<128xi32, #tpu.memory_space<hbm>>
        tpu.wait_dma2 semaphore(%arg14 : memref<!tpu.dma_semaphore, #tpu.memory_space<semaphore_mem>>) src(%dma_wait3A_222 : memref<128xi32, #tpu.memory_space<hbm>>) dst(%dma_wait3A_221 : memref<128xi32, #tpu.memory_space<vmem>>)
        %dma_start3A_223 = arith.constant 1 : i32
        %dma_start3A_224 = arith.constant 1 : i32
        %dma_start3A_225 = arith.constant 0 : i32
        %dma_start3A_226 = arith.constant 0 : i32
        %dma_start3A_227 = tpu.memref_slice %arg9[%dma_start3A_224, %dma_start3A_225, %dma_start3A_226] : memref<2x128x128xf32, #tpu.memory_space<vmem>> -> memref<1x128x128xf32, #tpu.memory_space<vmem>>
        %dma_start3A_228 = tpu.memref_squeeze %dma_start3A_227 : memref<1x128x128xf32, #tpu.memory_space<vmem>> -> memref<128x128xf32, #tpu.memory_space<vmem>>
        %dma_start3A_229 = arith.constant 0 : i32
        %dma_start3A_230 = tpu.memref_slice %arg7[%dma_start3A_223, %dma_start3A_229] : memref<2x128xi32, #tpu.memory_space<vmem>> -> memref<1x128xi32, #tpu.memory_space<vmem>>
        %dma_start3A_231 = tpu.memref_squeeze %dma_start3A_230 : memref<1x128xi32, #tpu.memory_space<vmem>> -> memref<128xi32, #tpu.memory_space<vmem>>
        %dma_start3A_232 = arith.constant 0 : i32
        %dma_start3A_233 = arith.constant 0 : i32
        %dma_start3A_234 = tpu.memref_slice %arg2[%dma_start3A_232, %dma_start3A_233] : memref<10000x128xf32, #tpu.memory_space<hbm>> -> memref<10000x128xf32, #tpu.memory_space<hbm>>
        tpu.enqueue_indirect_dma source(%dma_start3A_234 : memref<10000x128xf32, #tpu.memory_space<hbm>>) target(%dma_start3A_228 : memref<128x128xf32, #tpu.memory_space<vmem>>) offsets(%dma_start3A_231 : memref<128xi32, #tpu.memory_space<vmem>>) semaphore(%arg16 : memref<!tpu.dma_semaphore, #tpu.memory_space<semaphore_mem>>)
      } else {
      }
      %dma_wait3A_108 = arith.constant 0 : i32
      %dma_wait3A_109 = arith.constant 0 : i32
      %dma_wait3A_110 = arith.constant 0 : i32
      %dma_wait3A_111 = arith.constant 0 : i32
      %dma_wait3A_112 = tpu.memref_slice %arg9[%dma_wait3A_109, %dma_wait3A_110, %dma_wait3A_111] : memref<2x128x128xf32, #tpu.memory_space<vmem>> -> memref<1x128x128xf32, #tpu.memory_space<vmem>>
      %dma_wait3A_113 = tpu.memref_squeeze %dma_wait3A_112 : memref<1x128x128xf32, #tpu.memory_space<vmem>> -> memref<128x128xf32, #tpu.memory_space<vmem>>
      %dma_wait3A_114 = arith.constant 0 : i32
      %dma_wait3A_115 = tpu.memref_slice %arg7[%dma_wait3A_108, %dma_wait3A_114] : memref<2x128xi32, #tpu.memory_space<vmem>> -> memref<1x128xi32, #tpu.memory_space<vmem>>
      %dma_wait3A_116 = tpu.memref_squeeze %dma_wait3A_115 : memref<1x128xi32, #tpu.memory_space<vmem>> -> memref<128xi32, #tpu.memory_space<vmem>>
      %dma_wait3A_117 = arith.constant 0 : i32
      %dma_wait3A_118 = arith.constant 0 : i32
      %dma_wait3A_119 = tpu.memref_slice %arg2[%dma_wait3A_117, %dma_wait3A_118] : memref<10000x128xf32, #tpu.memory_space<hbm>> -> memref<10000x128xf32, #tpu.memory_space<hbm>>
      tpu.wait_indirect_dma semaphore(%arg15 : memref<!tpu.dma_semaphore, #tpu.memory_space<semaphore_mem>>) src(%dma_wait3A_119 : memref<10000x128xf32, #tpu.memory_space<hbm>>) dst(%dma_wait3A_113 : memref<128x128xf32, #tpu.memory_space<vmem>>)
      %dma_start3A_120 = arith.constant 0 : i32
      %dma_start3A_121 = arith.constant 0 : i32
      %dma_start3A_122 = arith.constant 0 : i32
      %dma_start3A_123 = arith.constant 0 : i32
      %dma_start3A_124 = tpu.memref_slice %arg9[%dma_start3A_120, %dma_start3A_122, %dma_start3A_123] : memref<2x128x128xf32, #tpu.memory_space<vmem>> -> memref<1x128x128xf32, #tpu.memory_space<vmem>>
      %dma_start3A_125 = tpu.memref_squeeze %dma_start3A_124 : memref<1x128x128xf32, #tpu.memory_space<vmem>> -> memref<128x128xf32, #tpu.memory_space<vmem>>
      %dma_start3A_126 = arith.constant 0 : i32
      %dma_start3A_127 = tpu.memref_slice %arg8[%dma_start3A_121, %dma_start3A_126] : memref<2x128xi32, #tpu.memory_space<vmem>> -> memref<1x128xi32, #tpu.memory_space<vmem>>
      %dma_start3A_128 = tpu.memref_squeeze %dma_start3A_127 : memref<1x128xi32, #tpu.memory_space<vmem>> -> memref<128xi32, #tpu.memory_space<vmem>>
      %dma_start3A_129 = arith.constant 0 : i32
      %dma_start3A_130 = arith.constant 0 : i32
      %dma_start3A_131 = tpu.memref_slice %arg12[%dma_start3A_129, %dma_start3A_130] : memref<10240x128xf32, #tpu.memory_space<vmem_shared>> -> memref<10240x128xf32, #tpu.memory_space<vmem_shared>>
      tpu.enqueue_indirect_dma source(%dma_start3A_125 : memref<128x128xf32, #tpu.memory_space<vmem>>) target(%dma_start3A_131 : memref<10240x128xf32, #tpu.memory_space<vmem_shared>>) offsets(%dma_start3A_128 : memref<128xi32, #tpu.memory_space<vmem>>) semaphore(%arg17 : memref<!tpu.dma_semaphore, #tpu.memory_space<semaphore_mem>>) {add = true}
      %mul3A_132 = arith.constant 2 : i32
      %mul3A_133 = arith.muli %add3A_99, %mul3A_132 : i32
      %add3A_134 = arith.constant 1 : i32
      %add3A_135 = arith.addi %mul3A_133, %add3A_134 : i32
      %add3A_136 = arith.constant 1 : i32
      %add3A_137 = arith.addi %add3A_135, %add3A_136 : i32
      %lt3A_138 = arith.constant 78 : i32
      %lt3A_139 = arith.cmpi slt, %add3A_137, %lt3A_138 : i32
      %convert_element_type3A_140 = arith.extui %lt3A_139 : i1 to i32
      %cond3A_141 = arith.constant 0 : i32
      %cond3A_142 = arith.cmpi ne, %convert_element_type3A_140, %cond3A_141 : i32
      scf.if %cond3A_142 {
        %ge3A = arith.constant 1 : i32
        %ge3A_167 = arith.cmpi sge, %add3A_135, %ge3A : i32
        %convert_element_type3A_168 = arith.extui %ge3A_167 : i1 to i32
        %cond3A_169 = arith.constant 0 : i32
        %cond3A_170 = arith.cmpi ne, %convert_element_type3A_168, %cond3A_169 : i32
        scf.if %cond3A_170 {
          %dma_wait3A_235 = arith.constant 0 : i32
          %dma_wait3A_236 = arith.constant 0 : i32
          %dma_wait3A_237 = arith.constant 0 : i32
          %dma_wait3A_238 = arith.constant 0 : i32
          %dma_wait3A_239 = tpu.memref_slice %arg9[%dma_wait3A_235, %dma_wait3A_237, %dma_wait3A_238] : memref<2x128x128xf32, #tpu.memory_space<vmem>> -> memref<1x128x128xf32, #tpu.memory_space<vmem>>
          %dma_wait3A_240 = tpu.memref_squeeze %dma_wait3A_239 : memref<1x128x128xf32, #tpu.memory_space<vmem>> -> memref<128x128xf32, #tpu.memory_space<vmem>>
          %dma_wait3A_241 = arith.constant 0 : i32
          %dma_wait3A_242 = tpu.memref_slice %arg8[%dma_wait3A_236, %dma_wait3A_241] : memref<2x128xi32, #tpu.memory_space<vmem>> -> memref<1x128xi32, #tpu.memory_space<vmem>>
          %dma_wait3A_243 = tpu.memref_squeeze %dma_wait3A_242 : memref<1x128xi32, #tpu.memory_space<vmem>> -> memref<128xi32, #tpu.memory_space<vmem>>
          %dma_wait3A_244 = arith.constant 0 : i32
          %dma_wait3A_245 = arith.constant 0 : i32
          %dma_wait3A_246 = tpu.memref_slice %arg12[%dma_wait3A_244, %dma_wait3A_245] : memref<10240x128xf32, #tpu.memory_space<vmem_shared>> -> memref<10240x128xf32, #tpu.memory_space<vmem_shared>>
          tpu.wait_indirect_dma semaphore(%arg17 : memref<!tpu.dma_semaphore, #tpu.memory_space<semaphore_mem>>) src(%dma_wait3A_240 : memref<128x128xf32, #tpu.memory_space<vmem>>) dst(%dma_wait3A_246 : memref<10240x128xf32, #tpu.memory_space<vmem_shared>>)
        } else {
        }
        %add3A_171 = arith.constant 1 : i32
        %add3A_172 = arith.addi %add3A_135, %add3A_171 : i32
        %mul3A_173 = arith.constant 128 : i32
        %mul3A_174 = arith.muli %add3A_172, %mul3A_173 : i32
        %add3A_175 = arith.addi %mul3A_2, %mul3A_174 : i32
        %dma_start3A_176 = arith.constant 0 : i32
        %dma_start3A_177 = arith.constant 0 : i32
        %dma_start3A_178 = tpu.memref_slice %arg7[%dma_start3A_176, %dma_start3A_177] : memref<2x128xi32, #tpu.memory_space<vmem>> -> memref<1x128xi32, #tpu.memory_space<vmem>>
        %dma_start3A_179 = tpu.memref_squeeze %dma_start3A_178 : memref<1x128xi32, #tpu.memory_space<vmem>> -> memref<128xi32, #tpu.memory_space<vmem>>
        %dma_start3A_180 = tpu.memref_slice %arg3[%add3A_175] : memref<320000xi32, #tpu.memory_space<hbm>> -> memref<128xi32, #tpu.memory_space<hbm>>
        %dma_start3A_181 = arith.constant 0 : i32
        %dma_start3A_182 = tpu.memref_slice %arg7[%dma_start3A_176, %dma_start3A_181] : memref<2x128xi32, #tpu.memory_space<vmem>> -> memref<1x128xi32, #tpu.memory_space<vmem>>
        %dma_start3A_183 = tpu.memref_squeeze %dma_start3A_182 : memref<1x128xi32, #tpu.memory_space<vmem>> -> memref<128xi32, #tpu.memory_space<vmem>>
        %dma_start3A_184 = tpu.memref_slice %arg3[%add3A_175] : memref<320000xi32, #tpu.memory_space<hbm>> -> memref<128xi32, #tpu.memory_space<hbm>>
        tpu.enqueue_dma source(%dma_start3A_184 : memref<128xi32, #tpu.memory_space<hbm>>) target(%dma_start3A_183 : memref<128xi32, #tpu.memory_space<vmem>>) target_semaphore(%arg13 : memref<!tpu.dma_semaphore, #tpu.memory_space<semaphore_mem>>)
        %mul3A_185 = arith.constant 128 : i32
        %mul3A_186 = arith.muli %add3A_172, %mul3A_185 : i32
        %add3A_187 = arith.addi %mul3A_2, %mul3A_186 : i32
        %dma_start3A_188 = arith.constant 0 : i32
        %dma_start3A_189 = arith.constant 0 : i32
        %dma_start3A_190 = tpu.memref_slice %arg8[%dma_start3A_188, %dma_start3A_189] : memref<2x128xi32, #tpu.memory_space<vmem>> -> memref<1x128xi32, #tpu.memory_space<vmem>>
        %dma_start3A_191 = tpu.memref_squeeze %dma_start3A_190 : memref<1x128xi32, #tpu.memory_space<vmem>> -> memref<128xi32, #tpu.memory_space<vmem>>
        %dma_start3A_192 = tpu.memref_slice %arg4[%add3A_187] : memref<320000xi32, #tpu.memory_space<hbm>> -> memref<128xi32, #tpu.memory_space<hbm>>
        %dma_start3A_193 = arith.constant 0 : i32
        %dma_start3A_194 = tpu.memref_slice %arg8[%dma_start3A_188, %dma_start3A_193] : memref<2x128xi32, #tpu.memory_space<vmem>> -> memref<1x128xi32, #tpu.memory_space<vmem>>
        %dma_start3A_195 = tpu.memref_squeeze %dma_start3A_194 : memref<1x128xi32, #tpu.memory_space<vmem>> -> memref<128xi32, #tpu.memory_space<vmem>>
        %dma_start3A_196 = tpu.memref_slice %arg4[%add3A_187] : memref<320000xi32, #tpu.memory_space<hbm>> -> memref<128xi32, #tpu.memory_space<hbm>>
        tpu.enqueue_dma source(%dma_start3A_196 : memref<128xi32, #tpu.memory_space<hbm>>) target(%dma_start3A_195 : memref<128xi32, #tpu.memory_space<vmem>>) target_semaphore(%arg13 : memref<!tpu.dma_semaphore, #tpu.memory_space<semaphore_mem>>)
        %add3A_197 = arith.constant 1 : i32
        %add3A_198 = arith.addi %add3A_135, %add3A_197 : i32
        %mul3A_199 = arith.constant 128 : i32
        %mul3A_200 = arith.muli %add3A_198, %mul3A_199 : i32
        %add3A_201 = arith.addi %mul3A_2, %mul3A_200 : i32
        %dma_wait3A_202 = arith.constant 0 : i32
        %dma_wait3A_203 = arith.constant 0 : i32
        %dma_wait3A_204 = tpu.memref_slice %arg7[%dma_wait3A_202, %dma_wait3A_203] : memref<2x128xi32, #tpu.memory_space<vmem>> -> memref<1x128xi32, #tpu.memory_space<vmem>>
        %dma_wait3A_205 = tpu.memref_squeeze %dma_wait3A_204 : memref<1x128xi32, #tpu.memory_space<vmem>> -> memref<128xi32, #tpu.memory_space<vmem>>
        %dma_wait3A_206 = tpu.memref_slice %arg3[%add3A_201] : memref<320000xi32, #tpu.memory_space<hbm>> -> memref<128xi32, #tpu.memory_space<hbm>>
        %dma_wait3A_207 = arith.constant 0 : i32
        %dma_wait3A_208 = tpu.memref_slice %arg7[%dma_wait3A_202, %dma_wait3A_207] : memref<2x128xi32, #tpu.memory_space<vmem>> -> memref<1x128xi32, #tpu.memory_space<vmem>>
        %dma_wait3A_209 = tpu.memref_squeeze %dma_wait3A_208 : memref<1x128xi32, #tpu.memory_space<vmem>> -> memref<128xi32, #tpu.memory_space<vmem>>
        %dma_wait3A_210 = tpu.memref_slice %arg3[%add3A_201] : memref<320000xi32, #tpu.memory_space<hbm>> -> memref<128xi32, #tpu.memory_space<hbm>>
        tpu.wait_dma2 semaphore(%arg13 : memref<!tpu.dma_semaphore, #tpu.memory_space<semaphore_mem>>) src(%dma_wait3A_210 : memref<128xi32, #tpu.memory_space<hbm>>) dst(%dma_wait3A_209 : memref<128xi32, #tpu.memory_space<vmem>>)
        %mul3A_211 = arith.constant 128 : i32
        %mul3A_212 = arith.muli %add3A_198, %mul3A_211 : i32
        %add3A_213 = arith.addi %mul3A_2, %mul3A_212 : i32
        %dma_wait3A_214 = arith.constant 0 : i32
        %dma_wait3A_215 = arith.constant 0 : i32
        %dma_wait3A_216 = tpu.memref_slice %arg8[%dma_wait3A_214, %dma_wait3A_215] : memref<2x128xi32, #tpu.memory_space<vmem>> -> memref<1x128xi32, #tpu.memory_space<vmem>>
        %dma_wait3A_217 = tpu.memref_squeeze %dma_wait3A_216 : memref<1x128xi32, #tpu.memory_space<vmem>> -> memref<128xi32, #tpu.memory_space<vmem>>
        %dma_wait3A_218 = tpu.memref_slice %arg4[%add3A_213] : memref<320000xi32, #tpu.memory_space<hbm>> -> memref<128xi32, #tpu.memory_space<hbm>>
        %dma_wait3A_219 = arith.constant 0 : i32
        %dma_wait3A_220 = tpu.memref_slice %arg8[%dma_wait3A_214, %dma_wait3A_219] : memref<2x128xi32, #tpu.memory_space<vmem>> -> memref<1x128xi32, #tpu.memory_space<vmem>>
        %dma_wait3A_221 = tpu.memref_squeeze %dma_wait3A_220 : memref<1x128xi32, #tpu.memory_space<vmem>> -> memref<128xi32, #tpu.memory_space<vmem>>
        %dma_wait3A_222 = tpu.memref_slice %arg4[%add3A_213] : memref<320000xi32, #tpu.memory_space<hbm>> -> memref<128xi32, #tpu.memory_space<hbm>>
        tpu.wait_dma2 semaphore(%arg13 : memref<!tpu.dma_semaphore, #tpu.memory_space<semaphore_mem>>) src(%dma_wait3A_222 : memref<128xi32, #tpu.memory_space<hbm>>) dst(%dma_wait3A_221 : memref<128xi32, #tpu.memory_space<vmem>>)
        %dma_start3A_223 = arith.constant 0 : i32
        %dma_start3A_224 = arith.constant 0 : i32
        %dma_start3A_225 = arith.constant 0 : i32
        %dma_start3A_226 = arith.constant 0 : i32
        %dma_start3A_227 = tpu.memref_slice %arg9[%dma_start3A_224, %dma_start3A_225, %dma_start3A_226] : memref<2x128x128xf32, #tpu.memory_space<vmem>> -> memref<1x128x128xf32, #tpu.memory_space<vmem>>
        %dma_start3A_228 = tpu.memref_squeeze %dma_start3A_227 : memref<1x128x128xf32, #tpu.memory_space<vmem>> -> memref<128x128xf32, #tpu.memory_space<vmem>>
        %dma_start3A_229 = arith.constant 0 : i32
        %dma_start3A_230 = tpu.memref_slice %arg7[%dma_start3A_223, %dma_start3A_229] : memref<2x128xi32, #tpu.memory_space<vmem>> -> memref<1x128xi32, #tpu.memory_space<vmem>>
        %dma_start3A_231 = tpu.memref_squeeze %dma_start3A_230 : memref<1x128xi32, #tpu.memory_space<vmem>> -> memref<128xi32, #tpu.memory_space<vmem>>
        %dma_start3A_232 = arith.constant 0 : i32
        %dma_start3A_233 = arith.constant 0 : i32
        %dma_start3A_234 = tpu.memref_slice %arg2[%dma_start3A_232, %dma_start3A_233] : memref<10000x128xf32, #tpu.memory_space<hbm>> -> memref<10000x128xf32, #tpu.memory_space<hbm>>
        tpu.enqueue_indirect_dma source(%dma_start3A_234 : memref<10000x128xf32, #tpu.memory_space<hbm>>) target(%dma_start3A_228 : memref<128x128xf32, #tpu.memory_space<vmem>>) offsets(%dma_start3A_231 : memref<128xi32, #tpu.memory_space<vmem>>) semaphore(%arg15 : memref<!tpu.dma_semaphore, #tpu.memory_space<semaphore_mem>>)
      } else {
      }
      %dma_wait3A_143 = arith.constant 1 : i32
      %dma_wait3A_144 = arith.constant 1 : i32
      %dma_wait3A_145 = arith.constant 0 : i32
      %dma_wait3A_146 = arith.constant 0 : i32
      %dma_wait3A_147 = tpu.memref_slice %arg9[%dma_wait3A_144, %dma_wait3A_145, %dma_wait3A_146] : memref<2x128x128xf32, #tpu.memory_space<vmem>> -> memref<1x128x128xf32, #tpu.memory_space<vmem>>
      %dma_wait3A_148 = tpu.memref_squeeze %dma_wait3A_147 : memref<1x128x128xf32, #tpu.memory_space<vmem>> -> memref<128x128xf32, #tpu.memory_space<vmem>>
      %dma_wait3A_149 = arith.constant 0 : i32
      %dma_wait3A_150 = tpu.memref_slice %arg7[%dma_wait3A_143, %dma_wait3A_149] : memref<2x128xi32, #tpu.memory_space<vmem>> -> memref<1x128xi32, #tpu.memory_space<vmem>>
      %dma_wait3A_151 = tpu.memref_squeeze %dma_wait3A_150 : memref<1x128xi32, #tpu.memory_space<vmem>> -> memref<128xi32, #tpu.memory_space<vmem>>
      %dma_wait3A_152 = arith.constant 0 : i32
      %dma_wait3A_153 = arith.constant 0 : i32
      %dma_wait3A_154 = tpu.memref_slice %arg2[%dma_wait3A_152, %dma_wait3A_153] : memref<10000x128xf32, #tpu.memory_space<hbm>> -> memref<10000x128xf32, #tpu.memory_space<hbm>>
      tpu.wait_indirect_dma semaphore(%arg16 : memref<!tpu.dma_semaphore, #tpu.memory_space<semaphore_mem>>) src(%dma_wait3A_154 : memref<10000x128xf32, #tpu.memory_space<hbm>>) dst(%dma_wait3A_148 : memref<128x128xf32, #tpu.memory_space<vmem>>)
      %dma_start3A_155 = arith.constant 1 : i32
      %dma_start3A_156 = arith.constant 1 : i32
      %dma_start3A_157 = arith.constant 0 : i32
      %dma_start3A_158 = arith.constant 0 : i32
      %dma_start3A_159 = tpu.memref_slice %arg9[%dma_start3A_155, %dma_start3A_157, %dma_start3A_158] : memref<2x128x128xf32, #tpu.memory_space<vmem>> -> memref<1x128x128xf32, #tpu.memory_space<vmem>>
      %dma_start3A_160 = tpu.memref_squeeze %dma_start3A_159 : memref<1x128x128xf32, #tpu.memory_space<vmem>> -> memref<128x128xf32, #tpu.memory_space<vmem>>
      %dma_start3A_161 = arith.constant 0 : i32
      %dma_start3A_162 = tpu.memref_slice %arg8[%dma_start3A_156, %dma_start3A_161] : memref<2x128xi32, #tpu.memory_space<vmem>> -> memref<1x128xi32, #tpu.memory_space<vmem>>
      %dma_start3A_163 = tpu.memref_squeeze %dma_start3A_162 : memref<1x128xi32, #tpu.memory_space<vmem>> -> memref<128xi32, #tpu.memory_space<vmem>>
      %dma_start3A_164 = arith.constant 0 : i32
      %dma_start3A_165 = arith.constant 0 : i32
      %dma_start3A_166 = tpu.memref_slice %arg12[%dma_start3A_164, %dma_start3A_165] : memref<10240x128xf32, #tpu.memory_space<vmem_shared>> -> memref<10240x128xf32, #tpu.memory_space<vmem_shared>>
      tpu.enqueue_indirect_dma source(%dma_start3A_160 : memref<128x128xf32, #tpu.memory_space<vmem>>) target(%dma_start3A_166 : memref<10240x128xf32, #tpu.memory_space<vmem_shared>>) offsets(%dma_start3A_163 : memref<128xi32, #tpu.memory_space<vmem>>) semaphore(%arg18 : memref<!tpu.dma_semaphore, #tpu.memory_space<semaphore_mem>>) {add = true}
    }
    %scan3A_62 = arith.constant 39 : i32
    %dma_wait3A_63 = arith.constant 0 : i32
    %dma_wait3A_64 = arith.constant 0 : i32
    %dma_wait3A_65 = arith.constant 0 : i32
    %dma_wait3A_66 = arith.constant 0 : i32
    %dma_wait3A_67 = tpu.memref_slice %arg9[%dma_wait3A_63, %dma_wait3A_65, %dma_wait3A_66] : memref<2x128x128xf32, #tpu.memory_space<vmem>> -> memref<1x128x128xf32, #tpu.memory_space<vmem>>
    %dma_wait3A_68 = tpu.memref_squeeze %dma_wait3A_67 : memref<1x128x128xf32, #tpu.memory_space<vmem>> -> memref<128x128xf32, #tpu.memory_space<vmem>>
    %dma_wait3A_69 = arith.constant 0 : i32
    %dma_wait3A_70 = tpu.memref_slice %arg8[%dma_wait3A_64, %dma_wait3A_69] : memref<2x128xi32, #tpu.memory_space<vmem>> -> memref<1x128xi32, #tpu.memory_space<vmem>>
    %dma_wait3A_71 = tpu.memref_squeeze %dma_wait3A_70 : memref<1x128xi32, #tpu.memory_space<vmem>> -> memref<128xi32, #tpu.memory_space<vmem>>
    %dma_wait3A_72 = arith.constant 0 : i32
    %dma_wait3A_73 = arith.constant 0 : i32
    %dma_wait3A_74 = tpu.memref_slice %arg12[%dma_wait3A_72, %dma_wait3A_73] : memref<10240x128xf32, #tpu.memory_space<vmem_shared>> -> memref<10240x128xf32, #tpu.memory_space<vmem_shared>>
    tpu.wait_indirect_dma semaphore(%arg17 : memref<!tpu.dma_semaphore, #tpu.memory_space<semaphore_mem>>) src(%dma_wait3A_68 : memref<128x128xf32, #tpu.memory_space<vmem>>) dst(%dma_wait3A_74 : memref<10240x128xf32, #tpu.memory_space<vmem_shared>>)
    %dma_wait3A_75 = arith.constant 1 : i32
    %dma_wait3A_76 = arith.constant 1 : i32
    %dma_wait3A_77 = arith.constant 0 : i32
    %dma_wait3A_78 = arith.constant 0 : i32
    %dma_wait3A_79 = tpu.memref_slice %arg9[%dma_wait3A_75, %dma_wait3A_77, %dma_wait3A_78] : memref<2x128x128xf32, #tpu.memory_space<vmem>> -> memref<1x128x128xf32, #tpu.memory_space<vmem>>
    %dma_wait3A_80 = tpu.memref_squeeze %dma_wait3A_79 : memref<1x128x128xf32, #tpu.memory_space<vmem>> -> memref<128x128xf32, #tpu.memory_space<vmem>>
    %dma_wait3A_81 = arith.constant 0 : i32
    %dma_wait3A_82 = tpu.memref_slice %arg8[%dma_wait3A_76, %dma_wait3A_81] : memref<2x128xi32, #tpu.memory_space<vmem>> -> memref<1x128xi32, #tpu.memory_space<vmem>>
    %dma_wait3A_83 = tpu.memref_squeeze %dma_wait3A_82 : memref<1x128xi32, #tpu.memory_space<vmem>> -> memref<128xi32, #tpu.memory_space<vmem>>
    %dma_wait3A_84 = arith.constant 0 : i32
    %dma_wait3A_85 = arith.constant 0 : i32
    %dma_wait3A_86 = tpu.memref_slice %arg12[%dma_wait3A_84, %dma_wait3A_85] : memref<10240x128xf32, #tpu.memory_space<vmem_shared>> -> memref<10240x128xf32, #tpu.memory_space<vmem_shared>>
    tpu.wait_indirect_dma semaphore(%arg18 : memref<!tpu.dma_semaphore, #tpu.memory_space<semaphore_mem>>) src(%dma_wait3A_80 : memref<128x128xf32, #tpu.memory_space<vmem>>) dst(%dma_wait3A_86 : memref<10240x128xf32, #tpu.memory_space<vmem_shared>>)
    %add3A_87 = arith.constant 9984 : i32
    %add3A_88 = arith.addi %mul3A_2, %add3A_87 : i32
    "tpu.region"() ({
      %run_scoped3A_95 = tpu.sem_alloc : memref<!tpu.dma_semaphore, #tpu.memory_space<semaphore_mem>>
      %dma_start3A_96 = tpu.memref_slice %arg3[%add3A_88] : memref<320000xi32, #tpu.memory_space<hbm>> -> memref<16xi32, #tpu.memory_space<hbm>>
      %dma_start3A_97 = tpu.memref_slice %arg3[%add3A_88] : memref<320000xi32, #tpu.memory_space<hbm>> -> memref<16xi32, #tpu.memory_space<hbm>>
      tpu.enqueue_dma source(%dma_start3A_97 : memref<16xi32, #tpu.memory_space<hbm>>) target(%arg10 : memref<16xi32, #tpu.memory_space<vmem>>) target_semaphore(%run_scoped3A_95 : memref<!tpu.dma_semaphore, #tpu.memory_space<semaphore_mem>>)
      %dma_wait3A_98 = tpu.memref_slice %arg3[%add3A_88] : memref<320000xi32, #tpu.memory_space<hbm>> -> memref<16xi32, #tpu.memory_space<hbm>>
      %dma_wait3A_99 = tpu.memref_slice %arg3[%add3A_88] : memref<320000xi32, #tpu.memory_space<hbm>> -> memref<16xi32, #tpu.memory_space<hbm>>
      tpu.wait_dma2 semaphore(%run_scoped3A_95 : memref<!tpu.dma_semaphore, #tpu.memory_space<semaphore_mem>>) src(%dma_wait3A_99 : memref<16xi32, #tpu.memory_space<hbm>>) dst(%arg10 : memref<16xi32, #tpu.memory_space<vmem>>)
      tpu.yield
    }) : () -> ()
    "tpu.region"() ({
      %run_scoped3A_95 = tpu.sem_alloc : memref<!tpu.dma_semaphore, #tpu.memory_space<semaphore_mem>>
      %dma_start3A_96 = tpu.memref_slice %arg4[%add3A_88] : memref<320000xi32, #tpu.memory_space<hbm>> -> memref<16xi32, #tpu.memory_space<hbm>>
      %dma_start3A_97 = tpu.memref_slice %arg4[%add3A_88] : memref<320000xi32, #tpu.memory_space<hbm>> -> memref<16xi32, #tpu.memory_space<hbm>>
      tpu.enqueue_dma source(%dma_start3A_97 : memref<16xi32, #tpu.memory_space<hbm>>) target(%arg11 : memref<16xi32, #tpu.memory_space<vmem>>) target_semaphore(%run_scoped3A_95 : memref<!tpu.dma_semaphore, #tpu.memory_space<semaphore_mem>>)
      %dma_wait3A_98 = tpu.memref_slice %arg4[%add3A_88] : memref<320000xi32, #tpu.memory_space<hbm>> -> memref<16xi32, #tpu.memory_space<hbm>>
      %dma_wait3A_99 = tpu.memref_slice %arg4[%add3A_88] : memref<320000xi32, #tpu.memory_space<hbm>> -> memref<16xi32, #tpu.memory_space<hbm>>
      tpu.wait_dma2 semaphore(%run_scoped3A_95 : memref<!tpu.dma_semaphore, #tpu.memory_space<semaphore_mem>>) src(%dma_wait3A_99 : memref<16xi32, #tpu.memory_space<hbm>>) dst(%arg11 : memref<16xi32, #tpu.memory_space<vmem>>)
      tpu.yield
    }) : () -> ()
    %run_scoped3A = arith.constant 0 : i32
    "tpu.region"() ({
      %run_scoped3A_95 = tpu.sem_alloc : memref<!tpu.dma_semaphore, #tpu.memory_space<semaphore_mem>>
      %dma_start3A_96 = arith.constant 0 : i32
      %dma_start3A_97 = arith.constant 0 : i32
      %dma_start3A_98 = tpu.memref_slice %arg9[%run_scoped3A, %dma_start3A_96, %dma_start3A_97] : memref<2x128x128xf32, #tpu.memory_space<vmem>> -> memref<1x16x128xf32, #tpu.memory_space<vmem>>
      %dma_start3A_99 = tpu.memref_squeeze %dma_start3A_98 : memref<1x16x128xf32, #tpu.memory_space<vmem>> -> memref<16x128xf32, #tpu.memory_space<vmem>>
      %dma_start3A_100 = arith.constant 0 : i32
      %dma_start3A_101 = arith.constant 0 : i32
      %dma_start3A_102 = tpu.memref_slice %arg2[%dma_start3A_100, %dma_start3A_101] : memref<10000x128xf32, #tpu.memory_space<hbm>> -> memref<10000x128xf32, #tpu.memory_space<hbm>>
      tpu.enqueue_indirect_dma source(%dma_start3A_102 : memref<10000x128xf32, #tpu.memory_space<hbm>>) target(%dma_start3A_99 : memref<16x128xf32, #tpu.memory_space<vmem>>) offsets(%arg10 : memref<16xi32, #tpu.memory_space<vmem>>) semaphore(%run_scoped3A_95 : memref<!tpu.dma_semaphore, #tpu.memory_space<semaphore_mem>>)
      %dma_wait3A_103 = arith.constant 0 : i32
      %dma_wait3A_104 = arith.constant 0 : i32
      %dma_wait3A_105 = tpu.memref_slice %arg9[%run_scoped3A, %dma_wait3A_103, %dma_wait3A_104] : memref<2x128x128xf32, #tpu.memory_space<vmem>> -> memref<1x16x128xf32, #tpu.memory_space<vmem>>
      %dma_wait3A_106 = tpu.memref_squeeze %dma_wait3A_105 : memref<1x16x128xf32, #tpu.memory_space<vmem>> -> memref<16x128xf32, #tpu.memory_space<vmem>>
      %dma_wait3A_107 = arith.constant 0 : i32
      %dma_wait3A_108 = arith.constant 0 : i32
      %dma_wait3A_109 = tpu.memref_slice %arg2[%dma_wait3A_107, %dma_wait3A_108] : memref<10000x128xf32, #tpu.memory_space<hbm>> -> memref<10000x128xf32, #tpu.memory_space<hbm>>
      tpu.wait_indirect_dma semaphore(%run_scoped3A_95 : memref<!tpu.dma_semaphore, #tpu.memory_space<semaphore_mem>>) src(%dma_wait3A_109 : memref<10000x128xf32, #tpu.memory_space<hbm>>) dst(%dma_wait3A_106 : memref<16x128xf32, #tpu.memory_space<vmem>>)
      tpu.yield
    }) : () -> ()
    %run_scoped3A_89 = arith.constant 0 : i32
    "tpu.region"() ({
      %run_scoped3A_95 = tpu.sem_alloc : memref<!tpu.dma_semaphore, #tpu.memory_space<semaphore_mem>>
      %dma_start3A_96 = arith.constant 0 : i32
      %dma_start3A_97 = arith.constant 0 : i32
      %dma_start3A_98 = tpu.memref_slice %arg9[%run_scoped3A_89, %dma_start3A_96, %dma_start3A_97] : memref<2x128x128xf32, #tpu.memory_space<vmem>> -> memref<1x16x128xf32, #tpu.memory_space<vmem>>
      %dma_start3A_99 = tpu.memref_squeeze %dma_start3A_98 : memref<1x16x128xf32, #tpu.memory_space<vmem>> -> memref<16x128xf32, #tpu.memory_space<vmem>>
      %dma_start3A_100 = arith.constant 0 : i32
      %dma_start3A_101 = arith.constant 0 : i32
      %dma_start3A_102 = tpu.memref_slice %arg12[%dma_start3A_100, %dma_start3A_101] : memref<10240x128xf32, #tpu.memory_space<vmem_shared>> -> memref<10240x128xf32, #tpu.memory_space<vmem_shared>>
      tpu.enqueue_indirect_dma source(%dma_start3A_99 : memref<16x128xf32, #tpu.memory_space<vmem>>) target(%dma_start3A_102 : memref<10240x128xf32, #tpu.memory_space<vmem_shared>>) offsets(%arg11 : memref<16xi32, #tpu.memory_space<vmem>>) semaphore(%run_scoped3A_95 : memref<!tpu.dma_semaphore, #tpu.memory_space<semaphore_mem>>) {add = true}
      %dma_wait3A_103 = arith.constant 0 : i32
      %dma_wait3A_104 = arith.constant 0 : i32
      %dma_wait3A_105 = tpu.memref_slice %arg9[%run_scoped3A_89, %dma_wait3A_103, %dma_wait3A_104] : memref<2x128x128xf32, #tpu.memory_space<vmem>> -> memref<1x16x128xf32, #tpu.memory_space<vmem>>
      %dma_wait3A_106 = tpu.memref_squeeze %dma_wait3A_105 : memref<1x16x128xf32, #tpu.memory_space<vmem>> -> memref<16x128xf32, #tpu.memory_space<vmem>>
      %dma_wait3A_107 = arith.constant 0 : i32
      %dma_wait3A_108 = arith.constant 0 : i32
      %dma_wait3A_109 = tpu.memref_slice %arg12[%dma_wait3A_107, %dma_wait3A_108] : memref<10240x128xf32, #tpu.memory_space<vmem_shared>> -> memref<10240x128xf32, #tpu.memory_space<vmem_shared>>
      tpu.wait_indirect_dma semaphore(%run_scoped3A_95 : memref<!tpu.dma_semaphore, #tpu.memory_space<semaphore_mem>>) src(%dma_wait3A_106 : memref<16x128xf32, #tpu.memory_space<vmem>>) dst(%dma_wait3A_109 : memref<10240x128xf32, #tpu.memory_space<vmem_shared>>)
      tpu.yield
    }) : () -> ()
    %barrier3A_90 = arith.constant 0 : index
    tpu.barrier barrier_id(%barrier3A_90)
    %mul3A_91 = arith.constant 640 : i32
    %mul3A_92 = arith.muli %arg1, %mul3A_91 : i32
    %mul3A_93 = arith.constant 640 : i32
    %mul3A_94 = arith.muli %arg1, %mul3A_93 : i32
    "tpu.region"() ({
      %run_scoped3A_95 = tpu.sem_alloc : memref<!tpu.dma_semaphore, #tpu.memory_space<semaphore_mem>>
      %dma_start3A_96 = arith.constant 0 : i32
      %dma_start3A_97 = tpu.memref_slice %arg6[%arg0, %mul3A_94, %dma_start3A_96] : memref<2x10240x128xf32, #tpu.memory_space<hbm>> -> memref<1x640x128xf32, #tpu.memory_space<hbm>>
      %dma_start3A_98 = tpu.memref_squeeze %dma_start3A_97 : memref<1x640x128xf32, #tpu.memory_space<hbm>> -> memref<640x128xf32, #tpu.memory_space<hbm>>
      %dma_start3A_99 = arith.constant 0 : i32
      %dma_start3A_100 = tpu.memref_slice %arg12[%mul3A_92, %dma_start3A_99] : memref<10240x128xf32, #tpu.memory_space<vmem_shared>> -> memref<640x128xf32, #tpu.memory_space<vmem_shared>>
      tpu.enqueue_dma source(%dma_start3A_100 : memref<640x128xf32, #tpu.memory_space<vmem_shared>>) target(%dma_start3A_98 : memref<640x128xf32, #tpu.memory_space<hbm>>) target_semaphore(%run_scoped3A_95 : memref<!tpu.dma_semaphore, #tpu.memory_space<semaphore_mem>>)
      %dma_wait3A_101 = arith.constant 0 : i32
      %dma_wait3A_102 = tpu.memref_slice %arg6[%arg0, %mul3A_94, %dma_wait3A_101] : memref<2x10240x128xf32, #tpu.memory_space<hbm>> -> memref<1x640x128xf32, #tpu.memory_space<hbm>>
      %dma_wait3A_103 = tpu.memref_squeeze %dma_wait3A_102 : memref<1x640x128xf32, #tpu.memory_space<hbm>> -> memref<640x128xf32, #tpu.memory_space<hbm>>
      %dma_wait3A_104 = arith.constant 0 : i32
      %dma_wait3A_105 = tpu.memref_slice %arg12[%mul3A_92, %dma_wait3A_104] : memref<10240x128xf32, #tpu.memory_space<vmem_shared>> -> memref<640x128xf32, #tpu.memory_space<vmem_shared>>
      tpu.wait_dma2 semaphore(%run_scoped3A_95 : memref<!tpu.dma_semaphore, #tpu.memory_space<semaphore_mem>>) src(%dma_wait3A_105 : memref<640x128xf32, #tpu.memory_space<vmem_shared>>) dst(%dma_wait3A_103 : memref<640x128xf32, #tpu.memory_space<hbm>>)
      tpu.yield
    }) : () -> ()
    return
  }
}

#map = affine_map<(d0, d1) -> (0)>
#map1 = affine_map<(d0, d1) -> (0, 0)>
module attributes {stable_mosaic.version = 14 : i64} {
  func.func @k(%arg0: i32, %arg1: i32, %arg2: memref<320000xi32, #tpu.memory_space<hbm>>, %arg3: memref<10240xf32, #tpu.memory_space<hbm>>, %arg4: memref<32x10240xf32, #tpu.memory_space<hbm>>, %arg5: memref<10000xi32, #tpu.memory_space<vmem>>, %arg6: memref<10240xf32, #tpu.memory_space<vmem>>) attributes {dimension_semantics = [#tpu.dimension_semantics<core_parallel>, #tpu.dimension_semantics<subcore_parallel>], iteration_bounds = array<i64: 2, 16>, scalar_prefetch = 0 : i64, scratch_operands = 2 : i64, tpu.core_type = #tpu.core_type<sc_vector_subcore>, window_params = [{transform_indices = #map}, {transform_indices = #map}, {transform_indices = #map1}]} {
    %mul3A = arith.constant 2 : i32
    %mul3A_0 = arith.muli %arg1, %mul3A : i32
    %add3A = arith.addi %mul3A_0, %arg0 : i32
    %mul3A_1 = arith.constant 10000 : i32
    %mul3A_2 = arith.muli %add3A, %mul3A_1 : i32
    "tpu.region"() ({
      %run_scoped3A = tpu.sem_alloc : memref<!tpu.dma_semaphore, #tpu.memory_space<semaphore_mem>>
      tpu.enqueue_dma source(%arg3 : memref<10240xf32, #tpu.memory_space<hbm>>) target(%arg6 : memref<10240xf32, #tpu.memory_space<vmem>>) target_semaphore(%run_scoped3A : memref<!tpu.dma_semaphore, #tpu.memory_space<semaphore_mem>>)
      tpu.wait_dma2 semaphore(%run_scoped3A : memref<!tpu.dma_semaphore, #tpu.memory_space<semaphore_mem>>) src(%arg3 : memref<10240xf32, #tpu.memory_space<hbm>>) dst(%arg6 : memref<10240xf32, #tpu.memory_space<vmem>>)
      tpu.yield
    }) : () -> ()
    "tpu.region"() ({
      %run_scoped3A = tpu.sem_alloc : memref<!tpu.dma_semaphore, #tpu.memory_space<semaphore_mem>>
      %dma_start3A = tpu.memref_slice %arg2[%mul3A_2] : memref<320000xi32, #tpu.memory_space<hbm>> -> memref<10000xi32, #tpu.memory_space<hbm>>
      %dma_start3A_8 = tpu.memref_slice %arg2[%mul3A_2] : memref<320000xi32, #tpu.memory_space<hbm>> -> memref<10000xi32, #tpu.memory_space<hbm>>
      tpu.enqueue_dma source(%dma_start3A_8 : memref<10000xi32, #tpu.memory_space<hbm>>) target(%arg5 : memref<10000xi32, #tpu.memory_space<vmem>>) target_semaphore(%run_scoped3A : memref<!tpu.dma_semaphore, #tpu.memory_space<semaphore_mem>>)
      %dma_wait3A = tpu.memref_slice %arg2[%mul3A_2] : memref<320000xi32, #tpu.memory_space<hbm>> -> memref<10000xi32, #tpu.memory_space<hbm>>
      %dma_wait3A_9 = tpu.memref_slice %arg2[%mul3A_2] : memref<320000xi32, #tpu.memory_space<hbm>> -> memref<10000xi32, #tpu.memory_space<hbm>>
      tpu.wait_dma2 semaphore(%run_scoped3A : memref<!tpu.dma_semaphore, #tpu.memory_space<semaphore_mem>>) src(%dma_wait3A_9 : memref<10000xi32, #tpu.memory_space<hbm>>) dst(%arg5 : memref<10000xi32, #tpu.memory_space<vmem>>)
      tpu.yield
    }) : () -> ()
    %broadcast_in_dim3A = arith.constant 1.000000e+00 : f32
    %broadcast_in_dim3A_3 = vector.broadcast %broadcast_in_dim3A : f32 to vector<16xf32>
    %scan3A = arith.constant 0 : i32
    %scan3A_4 = arith.constant 625 : i32
    %scan3A_5 = arith.addi %scan3A, %scan3A_4 : i32
    %scan3A_6 = arith.constant 1 : i32
    scf.for %scan3A_8 = %scan3A to %scan3A_5 step %scan3A_6  : i32 {
      %mul3A_9 = arith.constant 1 : i32
      %mul3A_10 = arith.muli %scan3A_8, %mul3A_9 : i32
      %add3A_11 = arith.constant 0 : i32
      %add3A_12 = arith.addi %add3A_11, %mul3A_10 : i32
      %mul3A_13 = arith.constant 16 : i32
      %mul3A_14 = arith.muli %add3A_12, %mul3A_13 : i32
      %get3A = arith.index_cast %mul3A_14 : i32 to index
      %get3A_15 = tpu.vector_load %arg5[%get3A] {strides = array<i32>} : memref<10000xi32, #tpu.memory_space<vmem>>, vector<16xi32>,
      tpu.vector_store_idx %arg6[%get3A_15], %broadcast_in_dim3A_3 {add = true} : memref<10240xf32, #tpu.memory_space<vmem>>[vector<16xi32>], vector<16xf32>,
    }
    %scan3A_7 = arith.constant 625 : i32
    "tpu.region"() ({
      %run_scoped3A = tpu.sem_alloc : memref<!tpu.dma_semaphore, #tpu.memory_space<semaphore_mem>>
      %dma_start3A = arith.constant 0 : i32
      %dma_start3A_8 = tpu.memref_slice %arg4[%add3A, %dma_start3A] : memref<32x10240xf32, #tpu.memory_space<hbm>> -> memref<1x10240xf32, #tpu.memory_space<hbm>>
      %dma_start3A_9 = tpu.memref_squeeze %dma_start3A_8 : memref<1x10240xf32, #tpu.memory_space<hbm>> -> memref<10240xf32, #tpu.memory_space<hbm>>
      %dma_start3A_10 = arith.constant 0 : i32
      %dma_start3A_11 = tpu.memref_slice %arg4[%add3A, %dma_start3A_10] : memref<32x10240xf32, #tpu.memory_space<hbm>> -> memref<1x10240xf32, #tpu.memory_space<hbm>>
      %dma_start3A_12 = tpu.memref_squeeze %dma_start3A_11 : memref<1x10240xf32, #tpu.memory_space<hbm>> -> memref<10240xf32, #tpu.memory_space<hbm>>
      tpu.enqueue_dma source(%arg6 : memref<10240xf32, #tpu.memory_space<vmem>>) target(%dma_start3A_12 : memref<10240xf32, #tpu.memory_space<hbm>>) target_semaphore(%run_scoped3A : memref<!tpu.dma_semaphore, #tpu.memory_space<semaphore_mem>>)
      %dma_wait3A = arith.constant 0 : i32
      %dma_wait3A_13 = tpu.memref_slice %arg4[%add3A, %dma_wait3A] : memref<32x10240xf32, #tpu.memory_space<hbm>> -> memref<1x10240xf32, #tpu.memory_space<hbm>>
      %dma_wait3A_14 = tpu.memref_squeeze %dma_wait3A_13 : memref<1x10240xf32, #tpu.memory_space<hbm>> -> memref<10240xf32, #tpu.memory_space<hbm>>
      %dma_wait3A_15 = arith.constant 0 : i32
      %dma_wait3A_16 = tpu.memref_slice %arg4[%add3A, %dma_wait3A_15] : memref<32x10240xf32, #tpu.memory_space<hbm>> -> memref<1x10240xf32, #tpu.memory_space<hbm>>
      %dma_wait3A_17 = tpu.memref_squeeze %dma_wait3A_16 : memref<1x10240xf32, #tpu.memory_space<hbm>> -> memref<10240xf32, #tpu.memory_space<hbm>>
      tpu.wait_dma2 semaphore(%run_scoped3A : memref<!tpu.dma_semaphore, #tpu.memory_space<semaphore_mem>>) src(%arg6 : memref<10240xf32, #tpu.memory_space<vmem>>) dst(%dma_wait3A_17 : memref<10240xf32, #tpu.memory_space<hbm>>)
      tpu.yield
    }) : () -> ()
    return
  }
}

#map = affine_map<(d0, d1) -> (0, 0)>
#map1 = affine_map<(d0, d1) -> (0)>
#map2 = affine_map<(d0, d1) -> (0, 0, 0)>
module attributes {stable_mosaic.version = 14 : i64} {
  func.func @k(%arg0: i32, %arg1: i32, %arg2: memref<10000x128xf32, #tpu.memory_space<hbm>>, %arg3: memref<320000xi32, #tpu.memory_space<hbm>>, %arg4: memref<320000xi32, #tpu.memory_space<hbm>>, %arg5: memref<640x128xf32, #tpu.memory_space<hbm>>, %arg6: memref<2x10240x128xf32, #tpu.memory_space<hbm>>, %arg7: memref<2x128xi32, #tpu.memory_space<vmem>>, %arg8: memref<2x128xi32, #tpu.memory_space<vmem>>, %arg9: memref<2x128x128xf32, #tpu.memory_space<vmem>>, %arg10: memref<16xi32, #tpu.memory_space<vmem>>, %arg11: memref<16xi32, #tpu.memory_space<vmem>>, %arg12: memref<10240x128xf32, #tpu.memory_space<vmem_shared>>, %arg13: memref<!tpu.dma_semaphore, #tpu.memory_space<semaphore_mem>>, %arg14: memref<!tpu.dma_semaphore, #tpu.memory_space<semaphore_mem>>, %arg15: memref<!tpu.dma_semaphore, #tpu.memory_space<semaphore_mem>>, %arg16: memref<!tpu.dma_semaphore, #tpu.memory_space<semaphore_mem>>, %arg17: memref<!tpu.dma_semaphore, #tpu.memory_space<semaphore_mem>>, %arg18: memref<!tpu.dma_semaphore, #tpu.memory_space<semaphore_mem>>) attributes {dimension_semantics = [#tpu.dimension_semantics<core_parallel>, #tpu.dimension_semantics<subcore_parallel>], iteration_bounds = array<i64: 2, 16>, scalar_prefetch = 0 : i64, scratch_operands = 12 : i64, tpu.core_type = #tpu.core_type<sc_vector_subcore>, window_params = [{transform_indices = #map}, {transform_indices = #map1}, {transform_indices = #map1}, {transform_indices = #map}, {transform_indices = #map2}]} {
    %mul3A = arith.constant 2 : i32
    %mul3A_0 = arith.muli %arg1, %mul3A : i32
    %add3A = arith.addi %mul3A_0, %arg0 : i32
    %mul3A_1 = arith.constant 10000 : i32
    %mul3A_2 = arith.muli %add3A, %mul3A_1 : i32
    %mul3A_3 = arith.constant 640 : i32
    %mul3A_4 = arith.muli %arg1, %mul3A_3 : i32
    "tpu.region"() ({
      %run_scoped3A_95 = tpu.sem_alloc : memref<!tpu.dma_semaphore, #tpu.memory_space<semaphore_mem>>
      %dma_start3A_96 = arith.constant 0 : i32
      %dma_start3A_97 = tpu.memref_slice %arg12[%mul3A_4, %dma_start3A_96] : memref<10240x128xf32, #tpu.memory_space<vmem_shared>> -> memref<640x128xf32, #tpu.memory_space<vmem_shared>>
      tpu.enqueue_dma source(%arg5 : memref<640x128xf32, #tpu.memory_space<hbm>>) target(%dma_start3A_97 : memref<640x128xf32, #tpu.memory_space<vmem_shared>>) target_semaphore(%run_scoped3A_95 : memref<!tpu.dma_semaphore, #tpu.memory_space<semaphore_mem>>)
      %dma_wait3A_98 = arith.constant 0 : i32
      %dma_wait3A_99 = tpu.memref_slice %arg12[%mul3A_4, %dma_wait3A_98] : memref<10240x128xf32, #tpu.memory_space<vmem_shared>> -> memref<640x128xf32, #tpu.memory_space<vmem_shared>>
      tpu.wait_dma2 semaphore(%run_scoped3A_95 : memref<!tpu.dma_semaphore, #tpu.memory_space<semaphore_mem>>) src(%arg5 : memref<640x128xf32, #tpu.memory_space<hbm>>) dst(%dma_wait3A_99 : memref<640x128xf32, #tpu.memory_space<vmem_shared>>)
      tpu.yield
    }) : () -> ()
    %barrier3A = arith.constant 0 : index
    tpu.barrier barrier_id(%barrier3A)
    %add3A_5 = arith.constant 0 : i32
    %add3A_6 = arith.addi %mul3A_2, %add3A_5 : i32
    %dma_start3A = arith.constant 0 : i32
    %dma_start3A_7 = arith.constant 0 : i32
    %dma_start3A_8 = tpu.memref_slice %arg7[%dma_start3A, %dma_start3A_7] : memref<2x128xi32, #tpu.memory_space<vmem>> -> memref<1x128xi32, #tpu.memory_space<vmem>>
    %dma_start3A_9 = tpu.memref_squeeze %dma_start3A_8 : memref<1x128xi32, #tpu.memory_space<vmem>> -> memref<128xi32, #tpu.memory_space<vmem>>
    %dma_start3A_10 = tpu.memref_slice %arg3[%add3A_6] : memref<320000xi32, #tpu.memory_space<hbm>> -> memref<128xi32, #tpu.memory_space<hbm>>
    %dma_start3A_11 = arith.constant 0 : i32
    %dma_start3A_12 = tpu.memref_slice %arg7[%dma_start3A, %dma_start3A_11] : memref<2x128xi32, #tpu.memory_space<vmem>> -> memref<1x128xi32, #tpu.memory_space<vmem>>
    %dma_start3A_13 = tpu.memref_squeeze %dma_start3A_12 : memref<1x128xi32, #tpu.memory_space<vmem>> -> memref<128xi32, #tpu.memory_space<vmem>>
    %dma_start3A_14 = tpu.memref_slice %arg3[%add3A_6] : memref<320000xi32, #tpu.memory_space<hbm>> -> memref<128xi32, #tpu.memory_space<hbm>>
    tpu.enqueue_dma source(%dma_start3A_14 : memref<128xi32, #tpu.memory_space<hbm>>) target(%dma_start3A_13 : memref<128xi32, #tpu.memory_space<vmem>>) target_semaphore(%arg13 : memref<!tpu.dma_semaphore, #tpu.memory_space<semaphore_mem>>)
    %add3A_15 = arith.constant 0 : i32
    %add3A_16 = arith.addi %mul3A_2, %add3A_15 : i32
    %dma_start3A_17 = arith.constant 0 : i32
    %dma_start3A_18 = arith.constant 0 : i32
    %dma_start3A_19 = tpu.memref_slice %arg8[%dma_start3A_17, %dma_start3A_18] : memref<2x128xi32, #tpu.memory_space<vmem>> -> memref<1x128xi32, #tpu.memory_space<vmem>>
    %dma_start3A_20 = tpu.memref_squeeze %dma_start3A_19 : memref<1x128xi32, #tpu.memory_space<vmem>> -> memref<128xi32, #tpu.memory_space<vmem>>
    %dma_start3A_21 = tpu.memref_slice %arg4[%add3A_16] : memref<320000xi32, #tpu.memory_space<hbm>> -> memref<128xi32, #tpu.memory_space<hbm>>
    %dma_start3A_22 = arith.constant 0 : i32
    %dma_start3A_23 = tpu.memref_slice %arg8[%dma_start3A_17, %dma_start3A_22] : memref<2x128xi32, #tpu.memory_space<vmem>> -> memref<1x128xi32, #tpu.memory_space<vmem>>
    %dma_start3A_24 = tpu.memref_squeeze %dma_start3A_23 : memref<1x128xi32, #tpu.memory_space<vmem>> -> memref<128xi32, #tpu.memory_space<vmem>>
    %dma_start3A_25 = tpu.memref_slice %arg4[%add3A_16] : memref<320000xi32, #tpu.memory_space<hbm>> -> memref<128xi32, #tpu.memory_space<hbm>>
    tpu.enqueue_dma source(%dma_start3A_25 : memref<128xi32, #tpu.memory_space<hbm>>) target(%dma_start3A_24 : memref<128xi32, #tpu.memory_space<vmem>>) target_semaphore(%arg13 : memref<!tpu.dma_semaphore, #tpu.memory_space<semaphore_mem>>)
    %add3A_26 = arith.constant 0 : i32
    %add3A_27 = arith.addi %mul3A_2, %add3A_26 : i32
    %dma_wait3A = arith.constant 0 : i32
    %dma_wait3A_28 = arith.constant 0 : i32
    %dma_wait3A_29 = tpu.memref_slice %arg7[%dma_wait3A, %dma_wait3A_28] : memref<2x128xi32, #tpu.memory_space<vmem>> -> memref<1x128xi32, #tpu.memory_space<vmem>>
    %dma_wait3A_30 = tpu.memref_squeeze %dma_wait3A_29 : memref<1x128xi32, #tpu.memory_space<vmem>> -> memref<128xi32, #tpu.memory_space<vmem>>
    %dma_wait3A_31 = tpu.memref_slice %arg3[%add3A_27] : memref<320000xi32, #tpu.memory_space<hbm>> -> memref<128xi32, #tpu.memory_space<hbm>>
    %dma_wait3A_32 = arith.constant 0 : i32
    %dma_wait3A_33 = tpu.memref_slice %arg7[%dma_wait3A, %dma_wait3A_32] : memref<2x128xi32, #tpu.memory_space<vmem>> -> memref<1x128xi32, #tpu.memory_space<vmem>>
    %dma_wait3A_34 = tpu.memref_squeeze %dma_wait3A_33 : memref<1x128xi32, #tpu.memory_space<vmem>> -> memref<128xi32, #tpu.memory_space<vmem>>
    %dma_wait3A_35 = tpu.memref_slice %arg3[%add3A_27] : memref<320000xi32, #tpu.memory_space<hbm>> -> memref<128xi32, #tpu.memory_space<hbm>>
    tpu.wait_dma2 semaphore(%arg13 : memref<!tpu.dma_semaphore, #tpu.memory_space<semaphore_mem>>) src(%dma_wait3A_35 : memref<128xi32, #tpu.memory_space<hbm>>) dst(%dma_wait3A_34 : memref<128xi32, #tpu.memory_space<vmem>>)
    %add3A_36 = arith.constant 0 : i32
    %add3A_37 = arith.addi %mul3A_2, %add3A_36 : i32
    %dma_wait3A_38 = arith.constant 0 : i32
    %dma_wait3A_39 = arith.constant 0 : i32
    %dma_wait3A_40 = tpu.memref_slice %arg8[%dma_wait3A_38, %dma_wait3A_39] : memref<2x128xi32, #tpu.memory_space<vmem>> -> memref<1x128xi32, #tpu.memory_space<vmem>>
    %dma_wait3A_41 = tpu.memref_squeeze %dma_wait3A_40 : memref<1x128xi32, #tpu.memory_space<vmem>> -> memref<128xi32, #tpu.memory_space<vmem>>
    %dma_wait3A_42 = tpu.memref_slice %arg4[%add3A_37] : memref<320000xi32, #tpu.memory_space<hbm>> -> memref<128xi32, #tpu.memory_space<hbm>>
    %dma_wait3A_43 = arith.constant 0 : i32
    %dma_wait3A_44 = tpu.memref_slice %arg8[%dma_wait3A_38, %dma_wait3A_43] : memref<2x128xi32, #tpu.memory_space<vmem>> -> memref<1x128xi32, #tpu.memory_space<vmem>>
    %dma_wait3A_45 = tpu.memref_squeeze %dma_wait3A_44 : memref<1x128xi32, #tpu.memory_space<vmem>> -> memref<128xi32, #tpu.memory_space<vmem>>
    %dma_wait3A_46 = tpu.memref_slice %arg4[%add3A_37] : memref<320000xi32, #tpu.memory_space<hbm>> -> memref<128xi32, #tpu.memory_space<hbm>>
    tpu.wait_dma2 semaphore(%arg13 : memref<!tpu.dma_semaphore, #tpu.memory_space<semaphore_mem>>) src(%dma_wait3A_46 : memref<128xi32, #tpu.memory_space<hbm>>) dst(%dma_wait3A_45 : memref<128xi32, #tpu.memory_space<vmem>>)
    %dma_start3A_47 = arith.constant 0 : i32
    %dma_start3A_48 = arith.constant 0 : i32
    %dma_start3A_49 = arith.constant 0 : i32
    %dma_start3A_50 = arith.constant 0 : i32
    %dma_start3A_51 = tpu.memref_slice %arg9[%dma_start3A_48, %dma_start3A_49, %dma_start3A_50] : memref<2x128x128xf32, #tpu.memory_space<vmem>> -> memref<1x128x128xf32, #tpu.memory_space<vmem>>
    %dma_start3A_52 = tpu.memref_squeeze %dma_start3A_51 : memref<1x128x128xf32, #tpu.memory_space<vmem>> -> memref<128x128xf32, #tpu.memory_space<vmem>>
    %dma_start3A_53 = arith.constant 0 : i32
    %dma_start3A_54 = tpu.memref_slice %arg7[%dma_start3A_47, %dma_start3A_53] : memref<2x128xi32, #tpu.memory_space<vmem>> -> memref<1x128xi32, #tpu.memory_space<vmem>>
    %dma_start3A_55 = tpu.memref_squeeze %dma_start3A_54 : memref<1x128xi32, #tpu.memory_space<vmem>> -> memref<128xi32, #tpu.memory_space<vmem>>
    %dma_start3A_56 = arith.constant 0 : i32
    %dma_start3A_57 = arith.constant 0 : i32
    %dma_start3A_58 = tpu.memref_slice %arg2[%dma_start3A_56, %dma_start3A_57] : memref<10000x128xf32, #tpu.memory_space<hbm>> -> memref<10000x128xf32, #tpu.memory_space<hbm>>
    tpu.enqueue_indirect_dma source(%dma_start3A_58 : memref<10000x128xf32, #tpu.memory_space<hbm>>) target(%dma_start3A_52 : memref<128x128xf32, #tpu.memory_space<vmem>>) offsets(%dma_start3A_55 : memref<128xi32, #tpu.memory_space<vmem>>) semaphore(%arg15 : memref<!tpu.dma_semaphore, #tpu.memory_space<semaphore_mem>>)
    %scan3A = arith.constant 0 : i32
    %scan3A_59 = arith.constant 39 : i32
    %scan3A_60 = arith.addi %scan3A, %scan3A_59 : i32
    %scan3A_61 = arith.constant 1 : i32
    scf.for %scan3A_95 = %scan3A to %scan3A_60 step %scan3A_61  : i32 {
      %mul3A_96 = arith.constant 1 : i32
      %mul3A_97 = arith.muli %scan3A_95, %mul3A_96 : i32
      %add3A_98 = arith.constant 0 : i32
      %add3A_99 = arith.addi %add3A_98, %mul3A_97 : i32
      %mul3A_100 = arith.constant 2 : i32
      %mul3A_101 = arith.muli %add3A_99, %mul3A_100 : i32
      %add3A_102 = arith.constant 0 : i32
      %add3A_103 = arith.addi %mul3A_101, %add3A_102 : i32
      %add3A_104 = arith.constant 1 : i32
      %add3A_105 = arith.addi %add3A_103, %add3A_104 : i32
      %lt3A = arith.constant 78 : i32
      %lt3A_106 = arith.cmpi slt, %add3A_105, %lt3A : i32
      %convert_element_type3A = arith.extui %lt3A_106 : i1 to i32
      %cond3A = arith.constant 0 : i32
      %cond3A_107 = arith.cmpi ne, %convert_element_type3A, %cond3A : i32
      scf.if %cond3A_107 {
        %ge3A = arith.constant 1 : i32
        %ge3A_167 = arith.cmpi sge, %add3A_103, %ge3A : i32
        %convert_element_type3A_168 = arith.extui %ge3A_167 : i1 to i32
        %cond3A_169 = arith.constant 0 : i32
        %cond3A_170 = arith.cmpi ne, %convert_element_type3A_168, %cond3A_169 : i32
        scf.if %cond3A_170 {
          %dma_wait3A_235 = arith.constant 1 : i32
          %dma_wait3A_236 = arith.constant 1 : i32
          %dma_wait3A_237 = arith.constant 0 : i32
          %dma_wait3A_238 = arith.constant 0 : i32
          %dma_wait3A_239 = tpu.memref_slice %arg9[%dma_wait3A_235, %dma_wait3A_237, %dma_wait3A_238] : memref<2x128x128xf32, #tpu.memory_space<vmem>> -> memref<1x128x128xf32, #tpu.memory_space<vmem>>
          %dma_wait3A_240 = tpu.memref_squeeze %dma_wait3A_239 : memref<1x128x128xf32, #tpu.memory_space<vmem>> -> memref<128x128xf32, #tpu.memory_space<vmem>>
          %dma_wait3A_241 = arith.constant 0 : i32
          %dma_wait3A_242 = tpu.memref_slice %arg8[%dma_wait3A_236, %dma_wait3A_241] : memref<2x128xi32, #tpu.memory_space<vmem>> -> memref<1x128xi32, #tpu.memory_space<vmem>>
          %dma_wait3A_243 = tpu.memref_squeeze %dma_wait3A_242 : memref<1x128xi32, #tpu.memory_space<vmem>> -> memref<128xi32, #tpu.memory_space<vmem>>
          %dma_wait3A_244 = arith.constant 0 : i32
          %dma_wait3A_245 = arith.constant 0 : i32
          %dma_wait3A_246 = tpu.memref_slice %arg12[%dma_wait3A_244, %dma_wait3A_245] : memref<10240x128xf32, #tpu.memory_space<vmem_shared>> -> memref<10240x128xf32, #tpu.memory_space<vmem_shared>>
          tpu.wait_indirect_dma semaphore(%arg18 : memref<!tpu.dma_semaphore, #tpu.memory_space<semaphore_mem>>) src(%dma_wait3A_240 : memref<128x128xf32, #tpu.memory_space<vmem>>) dst(%dma_wait3A_246 : memref<10240x128xf32, #tpu.memory_space<vmem_shared>>)
        } else {
        }
        %add3A_171 = arith.constant 1 : i32
        %add3A_172 = arith.addi %add3A_103, %add3A_171 : i32
        %mul3A_173 = arith.constant 128 : i32
        %mul3A_174 = arith.muli %add3A_172, %mul3A_173 : i32
        %add3A_175 = arith.addi %mul3A_2, %mul3A_174 : i32
        %dma_start3A_176 = arith.constant 1 : i32
        %dma_start3A_177 = arith.constant 0 : i32
        %dma_start3A_178 = tpu.memref_slice %arg7[%dma_start3A_176, %dma_start3A_177] : memref<2x128xi32, #tpu.memory_space<vmem>> -> memref<1x128xi32, #tpu.memory_space<vmem>>
        %dma_start3A_179 = tpu.memref_squeeze %dma_start3A_178 : memref<1x128xi32, #tpu.memory_space<vmem>> -> memref<128xi32, #tpu.memory_space<vmem>>
        %dma_start3A_180 = tpu.memref_slice %arg3[%add3A_175] : memref<320000xi32, #tpu.memory_space<hbm>> -> memref<128xi32, #tpu.memory_space<hbm>>
        %dma_start3A_181 = arith.constant 0 : i32
        %dma_start3A_182 = tpu.memref_slice %arg7[%dma_start3A_176, %dma_start3A_181] : memref<2x128xi32, #tpu.memory_space<vmem>> -> memref<1x128xi32, #tpu.memory_space<vmem>>
        %dma_start3A_183 = tpu.memref_squeeze %dma_start3A_182 : memref<1x128xi32, #tpu.memory_space<vmem>> -> memref<128xi32, #tpu.memory_space<vmem>>
        %dma_start3A_184 = tpu.memref_slice %arg3[%add3A_175] : memref<320000xi32, #tpu.memory_space<hbm>> -> memref<128xi32, #tpu.memory_space<hbm>>
        tpu.enqueue_dma source(%dma_start3A_184 : memref<128xi32, #tpu.memory_space<hbm>>) target(%dma_start3A_183 : memref<128xi32, #tpu.memory_space<vmem>>) target_semaphore(%arg14 : memref<!tpu.dma_semaphore, #tpu.memory_space<semaphore_mem>>)
        %mul3A_185 = arith.constant 128 : i32
        %mul3A_186 = arith.muli %add3A_172, %mul3A_185 : i32
        %add3A_187 = arith.addi %mul3A_2, %mul3A_186 : i32
        %dma_start3A_188 = arith.constant 1 : i32
        %dma_start3A_189 = arith.constant 0 : i32
        %dma_start3A_190 = tpu.memref_slice %arg8[%dma_start3A_188, %dma_start3A_189] : memref<2x128xi32, #tpu.memory_space<vmem>> -> memref<1x128xi32, #tpu.memory_space<vmem>>
        %dma_start3A_191 = tpu.memref_squeeze %dma_start3A_190 : memref<1x128xi32, #tpu.memory_space<vmem>> -> memref<128xi32, #tpu.memory_space<vmem>>
        %dma_start3A_192 = tpu.memref_slice %arg4[%add3A_187] : memref<320000xi32, #tpu.memory_space<hbm>> -> memref<128xi32, #tpu.memory_space<hbm>>
        %dma_start3A_193 = arith.constant 0 : i32
        %dma_start3A_194 = tpu.memref_slice %arg8[%dma_start3A_188, %dma_start3A_193] : memref<2x128xi32, #tpu.memory_space<vmem>> -> memref<1x128xi32, #tpu.memory_space<vmem>>
        %dma_start3A_195 = tpu.memref_squeeze %dma_start3A_194 : memref<1x128xi32, #tpu.memory_space<vmem>> -> memref<128xi32, #tpu.memory_space<vmem>>
        %dma_start3A_196 = tpu.memref_slice %arg4[%add3A_187] : memref<320000xi32, #tpu.memory_space<hbm>> -> memref<128xi32, #tpu.memory_space<hbm>>
        tpu.enqueue_dma source(%dma_start3A_196 : memref<128xi32, #tpu.memory_space<hbm>>) target(%dma_start3A_195 : memref<128xi32, #tpu.memory_space<vmem>>) target_semaphore(%arg14 : memref<!tpu.dma_semaphore, #tpu.memory_space<semaphore_mem>>)
        %add3A_197 = arith.constant 1 : i32
        %add3A_198 = arith.addi %add3A_103, %add3A_197 : i32
        %mul3A_199 = arith.constant 128 : i32
        %mul3A_200 = arith.muli %add3A_198, %mul3A_199 : i32
        %add3A_201 = arith.addi %mul3A_2, %mul3A_200 : i32
        %dma_wait3A_202 = arith.constant 1 : i32
        %dma_wait3A_203 = arith.constant 0 : i32
        %dma_wait3A_204 = tpu.memref_slice %arg7[%dma_wait3A_202, %dma_wait3A_203] : memref<2x128xi32, #tpu.memory_space<vmem>> -> memref<1x128xi32, #tpu.memory_space<vmem>>
        %dma_wait3A_205 = tpu.memref_squeeze %dma_wait3A_204 : memref<1x128xi32, #tpu.memory_space<vmem>> -> memref<128xi32, #tpu.memory_space<vmem>>
        %dma_wait3A_206 = tpu.memref_slice %arg3[%add3A_201] : memref<320000xi32, #tpu.memory_space<hbm>> -> memref<128xi32, #tpu.memory_space<hbm>>
        %dma_wait3A_207 = arith.constant 0 : i32
        %dma_wait3A_208 = tpu.memref_slice %arg7[%dma_wait3A_202, %dma_wait3A_207] : memref<2x128xi32, #tpu.memory_space<vmem>> -> memref<1x128xi32, #tpu.memory_space<vmem>>
        %dma_wait3A_209 = tpu.memref_squeeze %dma_wait3A_208 : memref<1x128xi32, #tpu.memory_space<vmem>> -> memref<128xi32, #tpu.memory_space<vmem>>
        %dma_wait3A_210 = tpu.memref_slice %arg3[%add3A_201] : memref<320000xi32, #tpu.memory_space<hbm>> -> memref<128xi32, #tpu.memory_space<hbm>>
        tpu.wait_dma2 semaphore(%arg14 : memref<!tpu.dma_semaphore, #tpu.memory_space<semaphore_mem>>) src(%dma_wait3A_210 : memref<128xi32, #tpu.memory_space<hbm>>) dst(%dma_wait3A_209 : memref<128xi32, #tpu.memory_space<vmem>>)
        %mul3A_211 = arith.constant 128 : i32
        %mul3A_212 = arith.muli %add3A_198, %mul3A_211 : i32
        %add3A_213 = arith.addi %mul3A_2, %mul3A_212 : i32
        %dma_wait3A_214 = arith.constant 1 : i32
        %dma_wait3A_215 = arith.constant 0 : i32
        %dma_wait3A_216 = tpu.memref_slice %arg8[%dma_wait3A_214, %dma_wait3A_215] : memref<2x128xi32, #tpu.memory_space<vmem>> -> memref<1x128xi32, #tpu.memory_space<vmem>>
        %dma_wait3A_217 = tpu.memref_squeeze %dma_wait3A_216 : memref<1x128xi32, #tpu.memory_space<vmem>> -> memref<128xi32, #tpu.memory_space<vmem>>
        %dma_wait3A_218 = tpu.memref_slice %arg4[%add3A_213] : memref<320000xi32, #tpu.memory_space<hbm>> -> memref<128xi32, #tpu.memory_space<hbm>>
        %dma_wait3A_219 = arith.constant 0 : i32
        %dma_wait3A_220 = tpu.memref_slice %arg8[%dma_wait3A_214, %dma_wait3A_219] : memref<2x128xi32, #tpu.memory_space<vmem>> -> memref<1x128xi32, #tpu.memory_space<vmem>>
        %dma_wait3A_221 = tpu.memref_squeeze %dma_wait3A_220 : memref<1x128xi32, #tpu.memory_space<vmem>> -> memref<128xi32, #tpu.memory_space<vmem>>
        %dma_wait3A_222 = tpu.memref_slice %arg4[%add3A_213] : memref<320000xi32, #tpu.memory_space<hbm>> -> memref<128xi32, #tpu.memory_space<hbm>>
        tpu.wait_dma2 semaphore(%arg14 : memref<!tpu.dma_semaphore, #tpu.memory_space<semaphore_mem>>) src(%dma_wait3A_222 : memref<128xi32, #tpu.memory_space<hbm>>) dst(%dma_wait3A_221 : memref<128xi32, #tpu.memory_space<vmem>>)
        %dma_start3A_223 = arith.constant 1 : i32
        %dma_start3A_224 = arith.constant 1 : i32
        %dma_start3A_225 = arith.constant 0 : i32
        %dma_start3A_226 = arith.constant 0 : i32
        %dma_start3A_227 = tpu.memref_slice %arg9[%dma_start3A_224, %dma_start3A_225, %dma_start3A_226] : memref<2x128x128xf32, #tpu.memory_space<vmem>> -> memref<1x128x128xf32, #tpu.memory_space<vmem>>
        %dma_start3A_228 = tpu.memref_squeeze %dma_start3A_227 : memref<1x128x128xf32, #tpu.memory_space<vmem>> -> memref<128x128xf32, #tpu.memory_space<vmem>>
        %dma_start3A_229 = arith.constant 0 : i32
        %dma_start3A_230 = tpu.memref_slice %arg7[%dma_start3A_223, %dma_start3A_229] : memref<2x128xi32, #tpu.memory_space<vmem>> -> memref<1x128xi32, #tpu.memory_space<vmem>>
        %dma_start3A_231 = tpu.memref_squeeze %dma_start3A_230 : memref<1x128xi32, #tpu.memory_space<vmem>> -> memref<128xi32, #tpu.memory_space<vmem>>
        %dma_start3A_232 = arith.constant 0 : i32
        %dma_start3A_233 = arith.constant 0 : i32
        %dma_start3A_234 = tpu.memref_slice %arg2[%dma_start3A_232, %dma_start3A_233] : memref<10000x128xf32, #tpu.memory_space<hbm>> -> memref<10000x128xf32, #tpu.memory_space<hbm>>
        tpu.enqueue_indirect_dma source(%dma_start3A_234 : memref<10000x128xf32, #tpu.memory_space<hbm>>) target(%dma_start3A_228 : memref<128x128xf32, #tpu.memory_space<vmem>>) offsets(%dma_start3A_231 : memref<128xi32, #tpu.memory_space<vmem>>) semaphore(%arg16 : memref<!tpu.dma_semaphore, #tpu.memory_space<semaphore_mem>>)
      } else {
      }
      %dma_wait3A_108 = arith.constant 0 : i32
      %dma_wait3A_109 = arith.constant 0 : i32
      %dma_wait3A_110 = arith.constant 0 : i32
      %dma_wait3A_111 = arith.constant 0 : i32
      %dma_wait3A_112 = tpu.memref_slice %arg9[%dma_wait3A_109, %dma_wait3A_110, %dma_wait3A_111] : memref<2x128x128xf32, #tpu.memory_space<vmem>> -> memref<1x128x128xf32, #tpu.memory_space<vmem>>
      %dma_wait3A_113 = tpu.memref_squeeze %dma_wait3A_112 : memref<1x128x128xf32, #tpu.memory_space<vmem>> -> memref<128x128xf32, #tpu.memory_space<vmem>>
      %dma_wait3A_114 = arith.constant 0 : i32
      %dma_wait3A_115 = tpu.memref_slice %arg7[%dma_wait3A_108, %dma_wait3A_114] : memref<2x128xi32, #tpu.memory_space<vmem>> -> memref<1x128xi32, #tpu.memory_space<vmem>>
      %dma_wait3A_116 = tpu.memref_squeeze %dma_wait3A_115 : memref<1x128xi32, #tpu.memory_space<vmem>> -> memref<128xi32, #tpu.memory_space<vmem>>
      %dma_wait3A_117 = arith.constant 0 : i32
      %dma_wait3A_118 = arith.constant 0 : i32
      %dma_wait3A_119 = tpu.memref_slice %arg2[%dma_wait3A_117, %dma_wait3A_118] : memref<10000x128xf32, #tpu.memory_space<hbm>> -> memref<10000x128xf32, #tpu.memory_space<hbm>>
      tpu.wait_indirect_dma semaphore(%arg15 : memref<!tpu.dma_semaphore, #tpu.memory_space<semaphore_mem>>) src(%dma_wait3A_119 : memref<10000x128xf32, #tpu.memory_space<hbm>>) dst(%dma_wait3A_113 : memref<128x128xf32, #tpu.memory_space<vmem>>)
      %dma_start3A_120 = arith.constant 0 : i32
      %dma_start3A_121 = arith.constant 0 : i32
      %dma_start3A_122 = arith.constant 0 : i32
      %dma_start3A_123 = arith.constant 0 : i32
      %dma_start3A_124 = tpu.memref_slice %arg9[%dma_start3A_120, %dma_start3A_122, %dma_start3A_123] : memref<2x128x128xf32, #tpu.memory_space<vmem>> -> memref<1x128x128xf32, #tpu.memory_space<vmem>>
      %dma_start3A_125 = tpu.memref_squeeze %dma_start3A_124 : memref<1x128x128xf32, #tpu.memory_space<vmem>> -> memref<128x128xf32, #tpu.memory_space<vmem>>
      %dma_start3A_126 = arith.constant 0 : i32
      %dma_start3A_127 = tpu.memref_slice %arg8[%dma_start3A_121, %dma_start3A_126] : memref<2x128xi32, #tpu.memory_space<vmem>> -> memref<1x128xi32, #tpu.memory_space<vmem>>
      %dma_start3A_128 = tpu.memref_squeeze %dma_start3A_127 : memref<1x128xi32, #tpu.memory_space<vmem>> -> memref<128xi32, #tpu.memory_space<vmem>>
      %dma_start3A_129 = arith.constant 0 : i32
      %dma_start3A_130 = arith.constant 0 : i32
      %dma_start3A_131 = tpu.memref_slice %arg12[%dma_start3A_129, %dma_start3A_130] : memref<10240x128xf32, #tpu.memory_space<vmem_shared>> -> memref<10240x128xf32, #tpu.memory_space<vmem_shared>>
      tpu.enqueue_indirect_dma source(%dma_start3A_125 : memref<128x128xf32, #tpu.memory_space<vmem>>) target(%dma_start3A_131 : memref<10240x128xf32, #tpu.memory_space<vmem_shared>>) offsets(%dma_start3A_128 : memref<128xi32, #tpu.memory_space<vmem>>) semaphore(%arg17 : memref<!tpu.dma_semaphore, #tpu.memory_space<semaphore_mem>>) {add = true}
      %mul3A_132 = arith.constant 2 : i32
      %mul3A_133 = arith.muli %add3A_99, %mul3A_132 : i32
      %add3A_134 = arith.constant 1 : i32
      %add3A_135 = arith.addi %mul3A_133, %add3A_134 : i32
      %add3A_136 = arith.constant 1 : i32
      %add3A_137 = arith.addi %add3A_135, %add3A_136 : i32
      %lt3A_138 = arith.constant 78 : i32
      %lt3A_139 = arith.cmpi slt, %add3A_137, %lt3A_138 : i32
      %convert_element_type3A_140 = arith.extui %lt3A_139 : i1 to i32
      %cond3A_141 = arith.constant 0 : i32
      %cond3A_142 = arith.cmpi ne, %convert_element_type3A_140, %cond3A_141 : i32
      scf.if %cond3A_142 {
        %ge3A = arith.constant 1 : i32
        %ge3A_167 = arith.cmpi sge, %add3A_135, %ge3A : i32
        %convert_element_type3A_168 = arith.extui %ge3A_167 : i1 to i32
        %cond3A_169 = arith.constant 0 : i32
        %cond3A_170 = arith.cmpi ne, %convert_element_type3A_168, %cond3A_169 : i32
        scf.if %cond3A_170 {
          %dma_wait3A_235 = arith.constant 0 : i32
          %dma_wait3A_236 = arith.constant 0 : i32
          %dma_wait3A_237 = arith.constant 0 : i32
          %dma_wait3A_238 = arith.constant 0 : i32
          %dma_wait3A_239 = tpu.memref_slice %arg9[%dma_wait3A_235, %dma_wait3A_237, %dma_wait3A_238] : memref<2x128x128xf32, #tpu.memory_space<vmem>> -> memref<1x128x128xf32, #tpu.memory_space<vmem>>
          %dma_wait3A_240 = tpu.memref_squeeze %dma_wait3A_239 : memref<1x128x128xf32, #tpu.memory_space<vmem>> -> memref<128x128xf32, #tpu.memory_space<vmem>>
          %dma_wait3A_241 = arith.constant 0 : i32
          %dma_wait3A_242 = tpu.memref_slice %arg8[%dma_wait3A_236, %dma_wait3A_241] : memref<2x128xi32, #tpu.memory_space<vmem>> -> memref<1x128xi32, #tpu.memory_space<vmem>>
          %dma_wait3A_243 = tpu.memref_squeeze %dma_wait3A_242 : memref<1x128xi32, #tpu.memory_space<vmem>> -> memref<128xi32, #tpu.memory_space<vmem>>
          %dma_wait3A_244 = arith.constant 0 : i32
          %dma_wait3A_245 = arith.constant 0 : i32
          %dma_wait3A_246 = tpu.memref_slice %arg12[%dma_wait3A_244, %dma_wait3A_245] : memref<10240x128xf32, #tpu.memory_space<vmem_shared>> -> memref<10240x128xf32, #tpu.memory_space<vmem_shared>>
          tpu.wait_indirect_dma semaphore(%arg17 : memref<!tpu.dma_semaphore, #tpu.memory_space<semaphore_mem>>) src(%dma_wait3A_240 : memref<128x128xf32, #tpu.memory_space<vmem>>) dst(%dma_wait3A_246 : memref<10240x128xf32, #tpu.memory_space<vmem_shared>>)
        } else {
        }
        %add3A_171 = arith.constant 1 : i32
        %add3A_172 = arith.addi %add3A_135, %add3A_171 : i32
        %mul3A_173 = arith.constant 128 : i32
        %mul3A_174 = arith.muli %add3A_172, %mul3A_173 : i32
        %add3A_175 = arith.addi %mul3A_2, %mul3A_174 : i32
        %dma_start3A_176 = arith.constant 0 : i32
        %dma_start3A_177 = arith.constant 0 : i32
        %dma_start3A_178 = tpu.memref_slice %arg7[%dma_start3A_176, %dma_start3A_177] : memref<2x128xi32, #tpu.memory_space<vmem>> -> memref<1x128xi32, #tpu.memory_space<vmem>>
        %dma_start3A_179 = tpu.memref_squeeze %dma_start3A_178 : memref<1x128xi32, #tpu.memory_space<vmem>> -> memref<128xi32, #tpu.memory_space<vmem>>
        %dma_start3A_180 = tpu.memref_slice %arg3[%add3A_175] : memref<320000xi32, #tpu.memory_space<hbm>> -> memref<128xi32, #tpu.memory_space<hbm>>
        %dma_start3A_181 = arith.constant 0 : i32
        %dma_start3A_182 = tpu.memref_slice %arg7[%dma_start3A_176, %dma_start3A_181] : memref<2x128xi32, #tpu.memory_space<vmem>> -> memref<1x128xi32, #tpu.memory_space<vmem>>
        %dma_start3A_183 = tpu.memref_squeeze %dma_start3A_182 : memref<1x128xi32, #tpu.memory_space<vmem>> -> memref<128xi32, #tpu.memory_space<vmem>>
        %dma_start3A_184 = tpu.memref_slice %arg3[%add3A_175] : memref<320000xi32, #tpu.memory_space<hbm>> -> memref<128xi32, #tpu.memory_space<hbm>>
        tpu.enqueue_dma source(%dma_start3A_184 : memref<128xi32, #tpu.memory_space<hbm>>) target(%dma_start3A_183 : memref<128xi32, #tpu.memory_space<vmem>>) target_semaphore(%arg13 : memref<!tpu.dma_semaphore, #tpu.memory_space<semaphore_mem>>)
        %mul3A_185 = arith.constant 128 : i32
        %mul3A_186 = arith.muli %add3A_172, %mul3A_185 : i32
        %add3A_187 = arith.addi %mul3A_2, %mul3A_186 : i32
        %dma_start3A_188 = arith.constant 0 : i32
        %dma_start3A_189 = arith.constant 0 : i32
        %dma_start3A_190 = tpu.memref_slice %arg8[%dma_start3A_188, %dma_start3A_189] : memref<2x128xi32, #tpu.memory_space<vmem>> -> memref<1x128xi32, #tpu.memory_space<vmem>>
        %dma_start3A_191 = tpu.memref_squeeze %dma_start3A_190 : memref<1x128xi32, #tpu.memory_space<vmem>> -> memref<128xi32, #tpu.memory_space<vmem>>
        %dma_start3A_192 = tpu.memref_slice %arg4[%add3A_187] : memref<320000xi32, #tpu.memory_space<hbm>> -> memref<128xi32, #tpu.memory_space<hbm>>
        %dma_start3A_193 = arith.constant 0 : i32
        %dma_start3A_194 = tpu.memref_slice %arg8[%dma_start3A_188, %dma_start3A_193] : memref<2x128xi32, #tpu.memory_space<vmem>> -> memref<1x128xi32, #tpu.memory_space<vmem>>
        %dma_start3A_195 = tpu.memref_squeeze %dma_start3A_194 : memref<1x128xi32, #tpu.memory_space<vmem>> -> memref<128xi32, #tpu.memory_space<vmem>>
        %dma_start3A_196 = tpu.memref_slice %arg4[%add3A_187] : memref<320000xi32, #tpu.memory_space<hbm>> -> memref<128xi32, #tpu.memory_space<hbm>>
        tpu.enqueue_dma source(%dma_start3A_196 : memref<128xi32, #tpu.memory_space<hbm>>) target(%dma_start3A_195 : memref<128xi32, #tpu.memory_space<vmem>>) target_semaphore(%arg13 : memref<!tpu.dma_semaphore, #tpu.memory_space<semaphore_mem>>)
        %add3A_197 = arith.constant 1 : i32
        %add3A_198 = arith.addi %add3A_135, %add3A_197 : i32
        %mul3A_199 = arith.constant 128 : i32
        %mul3A_200 = arith.muli %add3A_198, %mul3A_199 : i32
        %add3A_201 = arith.addi %mul3A_2, %mul3A_200 : i32
        %dma_wait3A_202 = arith.constant 0 : i32
        %dma_wait3A_203 = arith.constant 0 : i32
        %dma_wait3A_204 = tpu.memref_slice %arg7[%dma_wait3A_202, %dma_wait3A_203] : memref<2x128xi32, #tpu.memory_space<vmem>> -> memref<1x128xi32, #tpu.memory_space<vmem>>
        %dma_wait3A_205 = tpu.memref_squeeze %dma_wait3A_204 : memref<1x128xi32, #tpu.memory_space<vmem>> -> memref<128xi32, #tpu.memory_space<vmem>>
        %dma_wait3A_206 = tpu.memref_slice %arg3[%add3A_201] : memref<320000xi32, #tpu.memory_space<hbm>> -> memref<128xi32, #tpu.memory_space<hbm>>
        %dma_wait3A_207 = arith.constant 0 : i32
        %dma_wait3A_208 = tpu.memref_slice %arg7[%dma_wait3A_202, %dma_wait3A_207] : memref<2x128xi32, #tpu.memory_space<vmem>> -> memref<1x128xi32, #tpu.memory_space<vmem>>
        %dma_wait3A_209 = tpu.memref_squeeze %dma_wait3A_208 : memref<1x128xi32, #tpu.memory_space<vmem>> -> memref<128xi32, #tpu.memory_space<vmem>>
        %dma_wait3A_210 = tpu.memref_slice %arg3[%add3A_201] : memref<320000xi32, #tpu.memory_space<hbm>> -> memref<128xi32, #tpu.memory_space<hbm>>
        tpu.wait_dma2 semaphore(%arg13 : memref<!tpu.dma_semaphore, #tpu.memory_space<semaphore_mem>>) src(%dma_wait3A_210 : memref<128xi32, #tpu.memory_space<hbm>>) dst(%dma_wait3A_209 : memref<128xi32, #tpu.memory_space<vmem>>)
        %mul3A_211 = arith.constant 128 : i32
        %mul3A_212 = arith.muli %add3A_198, %mul3A_211 : i32
        %add3A_213 = arith.addi %mul3A_2, %mul3A_212 : i32
        %dma_wait3A_214 = arith.constant 0 : i32
        %dma_wait3A_215 = arith.constant 0 : i32
        %dma_wait3A_216 = tpu.memref_slice %arg8[%dma_wait3A_214, %dma_wait3A_215] : memref<2x128xi32, #tpu.memory_space<vmem>> -> memref<1x128xi32, #tpu.memory_space<vmem>>
        %dma_wait3A_217 = tpu.memref_squeeze %dma_wait3A_216 : memref<1x128xi32, #tpu.memory_space<vmem>> -> memref<128xi32, #tpu.memory_space<vmem>>
        %dma_wait3A_218 = tpu.memref_slice %arg4[%add3A_213] : memref<320000xi32, #tpu.memory_space<hbm>> -> memref<128xi32, #tpu.memory_space<hbm>>
        %dma_wait3A_219 = arith.constant 0 : i32
        %dma_wait3A_220 = tpu.memref_slice %arg8[%dma_wait3A_214, %dma_wait3A_219] : memref<2x128xi32, #tpu.memory_space<vmem>> -> memref<1x128xi32, #tpu.memory_space<vmem>>
        %dma_wait3A_221 = tpu.memref_squeeze %dma_wait3A_220 : memref<1x128xi32, #tpu.memory_space<vmem>> -> memref<128xi32, #tpu.memory_space<vmem>>
        %dma_wait3A_222 = tpu.memref_slice %arg4[%add3A_213] : memref<320000xi32, #tpu.memory_space<hbm>> -> memref<128xi32, #tpu.memory_space<hbm>>
        tpu.wait_dma2 semaphore(%arg13 : memref<!tpu.dma_semaphore, #tpu.memory_space<semaphore_mem>>) src(%dma_wait3A_222 : memref<128xi32, #tpu.memory_space<hbm>>) dst(%dma_wait3A_221 : memref<128xi32, #tpu.memory_space<vmem>>)
        %dma_start3A_223 = arith.constant 0 : i32
        %dma_start3A_224 = arith.constant 0 : i32
        %dma_start3A_225 = arith.constant 0 : i32
        %dma_start3A_226 = arith.constant 0 : i32
        %dma_start3A_227 = tpu.memref_slice %arg9[%dma_start3A_224, %dma_start3A_225, %dma_start3A_226] : memref<2x128x128xf32, #tpu.memory_space<vmem>> -> memref<1x128x128xf32, #tpu.memory_space<vmem>>
        %dma_start3A_228 = tpu.memref_squeeze %dma_start3A_227 : memref<1x128x128xf32, #tpu.memory_space<vmem>> -> memref<128x128xf32, #tpu.memory_space<vmem>>
        %dma_start3A_229 = arith.constant 0 : i32
        %dma_start3A_230 = tpu.memref_slice %arg7[%dma_start3A_223, %dma_start3A_229] : memref<2x128xi32, #tpu.memory_space<vmem>> -> memref<1x128xi32, #tpu.memory_space<vmem>>
        %dma_start3A_231 = tpu.memref_squeeze %dma_start3A_230 : memref<1x128xi32, #tpu.memory_space<vmem>> -> memref<128xi32, #tpu.memory_space<vmem>>
        %dma_start3A_232 = arith.constant 0 : i32
        %dma_start3A_233 = arith.constant 0 : i32
        %dma_start3A_234 = tpu.memref_slice %arg2[%dma_start3A_232, %dma_start3A_233] : memref<10000x128xf32, #tpu.memory_space<hbm>> -> memref<10000x128xf32, #tpu.memory_space<hbm>>
        tpu.enqueue_indirect_dma source(%dma_start3A_234 : memref<10000x128xf32, #tpu.memory_space<hbm>>) target(%dma_start3A_228 : memref<128x128xf32, #tpu.memory_space<vmem>>) offsets(%dma_start3A_231 : memref<128xi32, #tpu.memory_space<vmem>>) semaphore(%arg15 : memref<!tpu.dma_semaphore, #tpu.memory_space<semaphore_mem>>)
      } else {
      }
      %dma_wait3A_143 = arith.constant 1 : i32
      %dma_wait3A_144 = arith.constant 1 : i32
      %dma_wait3A_145 = arith.constant 0 : i32
      %dma_wait3A_146 = arith.constant 0 : i32
      %dma_wait3A_147 = tpu.memref_slice %arg9[%dma_wait3A_144, %dma_wait3A_145, %dma_wait3A_146] : memref<2x128x128xf32, #tpu.memory_space<vmem>> -> memref<1x128x128xf32, #tpu.memory_space<vmem>>
      %dma_wait3A_148 = tpu.memref_squeeze %dma_wait3A_147 : memref<1x128x128xf32, #tpu.memory_space<vmem>> -> memref<128x128xf32, #tpu.memory_space<vmem>>
      %dma_wait3A_149 = arith.constant 0 : i32
      %dma_wait3A_150 = tpu.memref_slice %arg7[%dma_wait3A_143, %dma_wait3A_149] : memref<2x128xi32, #tpu.memory_space<vmem>> -> memref<1x128xi32, #tpu.memory_space<vmem>>
      %dma_wait3A_151 = tpu.memref_squeeze %dma_wait3A_150 : memref<1x128xi32, #tpu.memory_space<vmem>> -> memref<128xi32, #tpu.memory_space<vmem>>
      %dma_wait3A_152 = arith.constant 0 : i32
      %dma_wait3A_153 = arith.constant 0 : i32
      %dma_wait3A_154 = tpu.memref_slice %arg2[%dma_wait3A_152, %dma_wait3A_153] : memref<10000x128xf32, #tpu.memory_space<hbm>> -> memref<10000x128xf32, #tpu.memory_space<hbm>>
      tpu.wait_indirect_dma semaphore(%arg16 : memref<!tpu.dma_semaphore, #tpu.memory_space<semaphore_mem>>) src(%dma_wait3A_154 : memref<10000x128xf32, #tpu.memory_space<hbm>>) dst(%dma_wait3A_148 : memref<128x128xf32, #tpu.memory_space<vmem>>)
      %dma_start3A_155 = arith.constant 1 : i32
      %dma_start3A_156 = arith.constant 1 : i32
      %dma_start3A_157 = arith.constant 0 : i32
      %dma_start3A_158 = arith.constant 0 : i32
      %dma_start3A_159 = tpu.memref_slice %arg9[%dma_start3A_155, %dma_start3A_157, %dma_start3A_158] : memref<2x128x128xf32, #tpu.memory_space<vmem>> -> memref<1x128x128xf32, #tpu.memory_space<vmem>>
      %dma_start3A_160 = tpu.memref_squeeze %dma_start3A_159 : memref<1x128x128xf32, #tpu.memory_space<vmem>> -> memref<128x128xf32, #tpu.memory_space<vmem>>
      %dma_start3A_161 = arith.constant 0 : i32
      %dma_start3A_162 = tpu.memref_slice %arg8[%dma_start3A_156, %dma_start3A_161] : memref<2x128xi32, #tpu.memory_space<vmem>> -> memref<1x128xi32, #tpu.memory_space<vmem>>
      %dma_start3A_163 = tpu.memref_squeeze %dma_start3A_162 : memref<1x128xi32, #tpu.memory_space<vmem>> -> memref<128xi32, #tpu.memory_space<vmem>>
      %dma_start3A_164 = arith.constant 0 : i32
      %dma_start3A_165 = arith.constant 0 : i32
      %dma_start3A_166 = tpu.memref_slice %arg12[%dma_start3A_164, %dma_start3A_165] : memref<10240x128xf32, #tpu.memory_space<vmem_shared>> -> memref<10240x128xf32, #tpu.memory_space<vmem_shared>>
      tpu.enqueue_indirect_dma source(%dma_start3A_160 : memref<128x128xf32, #tpu.memory_space<vmem>>) target(%dma_start3A_166 : memref<10240x128xf32, #tpu.memory_space<vmem_shared>>) offsets(%dma_start3A_163 : memref<128xi32, #tpu.memory_space<vmem>>) semaphore(%arg18 : memref<!tpu.dma_semaphore, #tpu.memory_space<semaphore_mem>>) {add = true}
    }
    %scan3A_62 = arith.constant 39 : i32
    %dma_wait3A_63 = arith.constant 0 : i32
    %dma_wait3A_64 = arith.constant 0 : i32
    %dma_wait3A_65 = arith.constant 0 : i32
    %dma_wait3A_66 = arith.constant 0 : i32
    %dma_wait3A_67 = tpu.memref_slice %arg9[%dma_wait3A_63, %dma_wait3A_65, %dma_wait3A_66] : memref<2x128x128xf32, #tpu.memory_space<vmem>> -> memref<1x128x128xf32, #tpu.memory_space<vmem>>
    %dma_wait3A_68 = tpu.memref_squeeze %dma_wait3A_67 : memref<1x128x128xf32, #tpu.memory_space<vmem>> -> memref<128x128xf32, #tpu.memory_space<vmem>>
    %dma_wait3A_69 = arith.constant 0 : i32
    %dma_wait3A_70 = tpu.memref_slice %arg8[%dma_wait3A_64, %dma_wait3A_69] : memref<2x128xi32, #tpu.memory_space<vmem>> -> memref<1x128xi32, #tpu.memory_space<vmem>>
    %dma_wait3A_71 = tpu.memref_squeeze %dma_wait3A_70 : memref<1x128xi32, #tpu.memory_space<vmem>> -> memref<128xi32, #tpu.memory_space<vmem>>
    %dma_wait3A_72 = arith.constant 0 : i32
    %dma_wait3A_73 = arith.constant 0 : i32
    %dma_wait3A_74 = tpu.memref_slice %arg12[%dma_wait3A_72, %dma_wait3A_73] : memref<10240x128xf32, #tpu.memory_space<vmem_shared>> -> memref<10240x128xf32, #tpu.memory_space<vmem_shared>>
    tpu.wait_indirect_dma semaphore(%arg17 : memref<!tpu.dma_semaphore, #tpu.memory_space<semaphore_mem>>) src(%dma_wait3A_68 : memref<128x128xf32, #tpu.memory_space<vmem>>) dst(%dma_wait3A_74 : memref<10240x128xf32, #tpu.memory_space<vmem_shared>>)
    %dma_wait3A_75 = arith.constant 1 : i32
    %dma_wait3A_76 = arith.constant 1 : i32
    %dma_wait3A_77 = arith.constant 0 : i32
    %dma_wait3A_78 = arith.constant 0 : i32
    %dma_wait3A_79 = tpu.memref_slice %arg9[%dma_wait3A_75, %dma_wait3A_77, %dma_wait3A_78] : memref<2x128x128xf32, #tpu.memory_space<vmem>> -> memref<1x128x128xf32, #tpu.memory_space<vmem>>
    %dma_wait3A_80 = tpu.memref_squeeze %dma_wait3A_79 : memref<1x128x128xf32, #tpu.memory_space<vmem>> -> memref<128x128xf32, #tpu.memory_space<vmem>>
    %dma_wait3A_81 = arith.constant 0 : i32
    %dma_wait3A_82 = tpu.memref_slice %arg8[%dma_wait3A_76, %dma_wait3A_81] : memref<2x128xi32, #tpu.memory_space<vmem>> -> memref<1x128xi32, #tpu.memory_space<vmem>>
    %dma_wait3A_83 = tpu.memref_squeeze %dma_wait3A_82 : memref<1x128xi32, #tpu.memory_space<vmem>> -> memref<128xi32, #tpu.memory_space<vmem>>
    %dma_wait3A_84 = arith.constant 0 : i32
    %dma_wait3A_85 = arith.constant 0 : i32
    %dma_wait3A_86 = tpu.memref_slice %arg12[%dma_wait3A_84, %dma_wait3A_85] : memref<10240x128xf32, #tpu.memory_space<vmem_shared>> -> memref<10240x128xf32, #tpu.memory_space<vmem_shared>>
    tpu.wait_indirect_dma semaphore(%arg18 : memref<!tpu.dma_semaphore, #tpu.memory_space<semaphore_mem>>) src(%dma_wait3A_80 : memref<128x128xf32, #tpu.memory_space<vmem>>) dst(%dma_wait3A_86 : memref<10240x128xf32, #tpu.memory_space<vmem_shared>>)
    %add3A_87 = arith.constant 9984 : i32
    %add3A_88 = arith.addi %mul3A_2, %add3A_87 : i32
    "tpu.region"() ({
      %run_scoped3A_95 = tpu.sem_alloc : memref<!tpu.dma_semaphore, #tpu.memory_space<semaphore_mem>>
      %dma_start3A_96 = tpu.memref_slice %arg3[%add3A_88] : memref<320000xi32, #tpu.memory_space<hbm>> -> memref<16xi32, #tpu.memory_space<hbm>>
      %dma_start3A_97 = tpu.memref_slice %arg3[%add3A_88] : memref<320000xi32, #tpu.memory_space<hbm>> -> memref<16xi32, #tpu.memory_space<hbm>>
      tpu.enqueue_dma source(%dma_start3A_97 : memref<16xi32, #tpu.memory_space<hbm>>) target(%arg10 : memref<16xi32, #tpu.memory_space<vmem>>) target_semaphore(%run_scoped3A_95 : memref<!tpu.dma_semaphore, #tpu.memory_space<semaphore_mem>>)
      %dma_wait3A_98 = tpu.memref_slice %arg3[%add3A_88] : memref<320000xi32, #tpu.memory_space<hbm>> -> memref<16xi32, #tpu.memory_space<hbm>>
      %dma_wait3A_99 = tpu.memref_slice %arg3[%add3A_88] : memref<320000xi32, #tpu.memory_space<hbm>> -> memref<16xi32, #tpu.memory_space<hbm>>
      tpu.wait_dma2 semaphore(%run_scoped3A_95 : memref<!tpu.dma_semaphore, #tpu.memory_space<semaphore_mem>>) src(%dma_wait3A_99 : memref<16xi32, #tpu.memory_space<hbm>>) dst(%arg10 : memref<16xi32, #tpu.memory_space<vmem>>)
      tpu.yield
    }) : () -> ()
    "tpu.region"() ({
      %run_scoped3A_95 = tpu.sem_alloc : memref<!tpu.dma_semaphore, #tpu.memory_space<semaphore_mem>>
      %dma_start3A_96 = tpu.memref_slice %arg4[%add3A_88] : memref<320000xi32, #tpu.memory_space<hbm>> -> memref<16xi32, #tpu.memory_space<hbm>>
      %dma_start3A_97 = tpu.memref_slice %arg4[%add3A_88] : memref<320000xi32, #tpu.memory_space<hbm>> -> memref<16xi32, #tpu.memory_space<hbm>>
      tpu.enqueue_dma source(%dma_start3A_97 : memref<16xi32, #tpu.memory_space<hbm>>) target(%arg11 : memref<16xi32, #tpu.memory_space<vmem>>) target_semaphore(%run_scoped3A_95 : memref<!tpu.dma_semaphore, #tpu.memory_space<semaphore_mem>>)
      %dma_wait3A_98 = tpu.memref_slice %arg4[%add3A_88] : memref<320000xi32, #tpu.memory_space<hbm>> -> memref<16xi32, #tpu.memory_space<hbm>>
      %dma_wait3A_99 = tpu.memref_slice %arg4[%add3A_88] : memref<320000xi32, #tpu.memory_space<hbm>> -> memref<16xi32, #tpu.memory_space<hbm>>
      tpu.wait_dma2 semaphore(%run_scoped3A_95 : memref<!tpu.dma_semaphore, #tpu.memory_space<semaphore_mem>>) src(%dma_wait3A_99 : memref<16xi32, #tpu.memory_space<hbm>>) dst(%arg11 : memref<16xi32, #tpu.memory_space<vmem>>)
      tpu.yield
    }) : () -> ()
    %run_scoped3A = arith.constant 0 : i32
    "tpu.region"() ({
      %run_scoped3A_95 = tpu.sem_alloc : memref<!tpu.dma_semaphore, #tpu.memory_space<semaphore_mem>>
      %dma_start3A_96 = arith.constant 0 : i32
      %dma_start3A_97 = arith.constant 0 : i32
      %dma_start3A_98 = tpu.memref_slice %arg9[%run_scoped3A, %dma_start3A_96, %dma_start3A_97] : memref<2x128x128xf32, #tpu.memory_space<vmem>> -> memref<1x16x128xf32, #tpu.memory_space<vmem>>
      %dma_start3A_99 = tpu.memref_squeeze %dma_start3A_98 : memref<1x16x128xf32, #tpu.memory_space<vmem>> -> memref<16x128xf32, #tpu.memory_space<vmem>>
      %dma_start3A_100 = arith.constant 0 : i32
      %dma_start3A_101 = arith.constant 0 : i32
      %dma_start3A_102 = tpu.memref_slice %arg2[%dma_start3A_100, %dma_start3A_101] : memref<10000x128xf32, #tpu.memory_space<hbm>> -> memref<10000x128xf32, #tpu.memory_space<hbm>>
      tpu.enqueue_indirect_dma source(%dma_start3A_102 : memref<10000x128xf32, #tpu.memory_space<hbm>>) target(%dma_start3A_99 : memref<16x128xf32, #tpu.memory_space<vmem>>) offsets(%arg10 : memref<16xi32, #tpu.memory_space<vmem>>) semaphore(%run_scoped3A_95 : memref<!tpu.dma_semaphore, #tpu.memory_space<semaphore_mem>>)
      %dma_wait3A_103 = arith.constant 0 : i32
      %dma_wait3A_104 = arith.constant 0 : i32
      %dma_wait3A_105 = tpu.memref_slice %arg9[%run_scoped3A, %dma_wait3A_103, %dma_wait3A_104] : memref<2x128x128xf32, #tpu.memory_space<vmem>> -> memref<1x16x128xf32, #tpu.memory_space<vmem>>
      %dma_wait3A_106 = tpu.memref_squeeze %dma_wait3A_105 : memref<1x16x128xf32, #tpu.memory_space<vmem>> -> memref<16x128xf32, #tpu.memory_space<vmem>>
      %dma_wait3A_107 = arith.constant 0 : i32
      %dma_wait3A_108 = arith.constant 0 : i32
      %dma_wait3A_109 = tpu.memref_slice %arg2[%dma_wait3A_107, %dma_wait3A_108] : memref<10000x128xf32, #tpu.memory_space<hbm>> -> memref<10000x128xf32, #tpu.memory_space<hbm>>
      tpu.wait_indirect_dma semaphore(%run_scoped3A_95 : memref<!tpu.dma_semaphore, #tpu.memory_space<semaphore_mem>>) src(%dma_wait3A_109 : memref<10000x128xf32, #tpu.memory_space<hbm>>) dst(%dma_wait3A_106 : memref<16x128xf32, #tpu.memory_space<vmem>>)
      tpu.yield
    }) : () -> ()
    %run_scoped3A_89 = arith.constant 0 : i32
    "tpu.region"() ({
      %run_scoped3A_95 = tpu.sem_alloc : memref<!tpu.dma_semaphore, #tpu.memory_space<semaphore_mem>>
      %dma_start3A_96 = arith.constant 0 : i32
      %dma_start3A_97 = arith.constant 0 : i32
      %dma_start3A_98 = tpu.memref_slice %arg9[%run_scoped3A_89, %dma_start3A_96, %dma_start3A_97] : memref<2x128x128xf32, #tpu.memory_space<vmem>> -> memref<1x16x128xf32, #tpu.memory_space<vmem>>
      %dma_start3A_99 = tpu.memref_squeeze %dma_start3A_98 : memref<1x16x128xf32, #tpu.memory_space<vmem>> -> memref<16x128xf32, #tpu.memory_space<vmem>>
      %dma_start3A_100 = arith.constant 0 : i32
      %dma_start3A_101 = arith.constant 0 : i32
      %dma_start3A_102 = tpu.memref_slice %arg12[%dma_start3A_100, %dma_start3A_101] : memref<10240x128xf32, #tpu.memory_space<vmem_shared>> -> memref<10240x128xf32, #tpu.memory_space<vmem_shared>>
      tpu.enqueue_indirect_dma source(%dma_start3A_99 : memref<16x128xf32, #tpu.memory_space<vmem>>) target(%dma_start3A_102 : memref<10240x128xf32, #tpu.memory_space<vmem_shared>>) offsets(%arg11 : memref<16xi32, #tpu.memory_space<vmem>>) semaphore(%run_scoped3A_95 : memref<!tpu.dma_semaphore, #tpu.memory_space<semaphore_mem>>) {add = true}
      %dma_wait3A_103 = arith.constant 0 : i32
      %dma_wait3A_104 = arith.constant 0 : i32
      %dma_wait3A_105 = tpu.memref_slice %arg9[%run_scoped3A_89, %dma_wait3A_103, %dma_wait3A_104] : memref<2x128x128xf32, #tpu.memory_space<vmem>> -> memref<1x16x128xf32, #tpu.memory_space<vmem>>
      %dma_wait3A_106 = tpu.memref_squeeze %dma_wait3A_105 : memref<1x16x128xf32, #tpu.memory_space<vmem>> -> memref<16x128xf32, #tpu.memory_space<vmem>>
      %dma_wait3A_107 = arith.constant 0 : i32
      %dma_wait3A_108 = arith.constant 0 : i32
      %dma_wait3A_109 = tpu.memref_slice %arg12[%dma_wait3A_107, %dma_wait3A_108] : memref<10240x128xf32, #tpu.memory_space<vmem_shared>> -> memref<10240x128xf32, #tpu.memory_space<vmem_shared>>
      tpu.wait_indirect_dma semaphore(%run_scoped3A_95 : memref<!tpu.dma_semaphore, #tpu.memory_space<semaphore_mem>>) src(%dma_wait3A_106 : memref<16x128xf32, #tpu.memory_space<vmem>>) dst(%dma_wait3A_109 : memref<10240x128xf32, #tpu.memory_space<vmem_shared>>)
      tpu.yield
    }) : () -> ()
    %barrier3A_90 = arith.constant 0 : index
    tpu.barrier barrier_id(%barrier3A_90)
    %mul3A_91 = arith.constant 640 : i32
    %mul3A_92 = arith.muli %arg1, %mul3A_91 : i32
    %mul3A_93 = arith.constant 640 : i32
    %mul3A_94 = arith.muli %arg1, %mul3A_93 : i32
    "tpu.region"() ({
      %run_scoped3A_95 = tpu.sem_alloc : memref<!tpu.dma_semaphore, #tpu.memory_space<semaphore_mem>>
      %dma_start3A_96 = arith.constant 0 : i32
      %dma_start3A_97 = tpu.memref_slice %arg6[%arg0, %mul3A_94, %dma_start3A_96] : memref<2x10240x128xf32, #tpu.memory_space<hbm>> -> memref<1x640x128xf32, #tpu.memory_space<hbm>>
      %dma_start3A_98 = tpu.memref_squeeze %dma_start3A_97 : memref<1x640x128xf32, #tpu.memory_space<hbm>> -> memref<640x128xf32, #tpu.memory_space<hbm>>
      %dma_start3A_99 = arith.constant 0 : i32
      %dma_start3A_100 = tpu.memref_slice %arg12[%mul3A_92, %dma_start3A_99] : memref<10240x128xf32, #tpu.memory_space<vmem_shared>> -> memref<640x128xf32, #tpu.memory_space<vmem_shared>>
      tpu.enqueue_dma source(%dma_start3A_100 : memref<640x128xf32, #tpu.memory_space<vmem_shared>>) target(%dma_start3A_98 : memref<640x128xf32, #tpu.memory_space<hbm>>) target_semaphore(%run_scoped3A_95 : memref<!tpu.dma_semaphore, #tpu.memory_space<semaphore_mem>>)
      %dma_wait3A_101 = arith.constant 0 : i32
      %dma_wait3A_102 = tpu.memref_slice %arg6[%arg0, %mul3A_94, %dma_wait3A_101] : memref<2x10240x128xf32, #tpu.memory_space<hbm>> -> memref<1x640x128xf32, #tpu.memory_space<hbm>>
      %dma_wait3A_103 = tpu.memref_squeeze %dma_wait3A_102 : memref<1x640x128xf32, #tpu.memory_space<hbm>> -> memref<640x128xf32, #tpu.memory_space<hbm>>
      %dma_wait3A_104 = arith.constant 0 : i32
      %dma_wait3A_105 = tpu.memref_slice %arg12[%mul3A_92, %dma_wait3A_104] : memref<10240x128xf32, #tpu.memory_space<vmem_shared>> -> memref<640x128xf32, #tpu.memory_space<vmem_shared>>
      tpu.wait_dma2 semaphore(%run_scoped3A_95 : memref<!tpu.dma_semaphore, #tpu.memory_space<semaphore_mem>>) src(%dma_wait3A_105 : memref<640x128xf32, #tpu.memory_space<vmem_shared>>) dst(%dma_wait3A_103 : memref<640x128xf32, #tpu.memory_space<hbm>>)
      tpu.yield
    }) : () -> ()
    return
  }
}

#map = affine_map<(d0, d1) -> (0)>
#map1 = affine_map<(d0, d1) -> (0, 0)>
module attributes {stable_mosaic.version = 14 : i64} {
  func.func @k(%arg0: i32, %arg1: i32, %arg2: memref<1280000xf32, #tpu.memory_space<hbm>>, %arg3: memref<320000xi32, #tpu.memory_space<hbm>>, %arg4: memref<320000xi32, #tpu.memory_space<hbm>>, %arg5: memref<10240xf32, #tpu.memory_space<hbm>>, %arg6: memref<40960xf32, #tpu.memory_space<hbm>>, %arg7: memref<32x40960xf32, #tpu.memory_space<hbm>>, %arg8: memref<10000xi32, #tpu.memory_space<vmem>>, %arg9: memref<10000xi32, #tpu.memory_space<vmem>>, %arg10: memref<8000xf32, #tpu.memory_space<vmem>>, %arg11: memref<10240xf32, #tpu.memory_space<vmem>>, %arg12: memref<40960xf32, #tpu.memory_space<vmem>>) attributes {dimension_semantics = [#tpu.dimension_semantics<core_parallel>, #tpu.dimension_semantics<subcore_parallel>], iteration_bounds = array<i64: 2, 16>, scalar_prefetch = 0 : i64, scratch_operands = 5 : i64, tpu.core_type = #tpu.core_type<sc_vector_subcore>, window_params = [{transform_indices = #map}, {transform_indices = #map}, {transform_indices = #map}, {transform_indices = #map}, {transform_indices = #map}, {transform_indices = #map1}]} {
    %mul3A = arith.constant 2 : i32
    %mul3A_0 = arith.muli %arg1, %mul3A : i32
    %add3A = arith.addi %mul3A_0, %arg0 : i32
    %mul3A_1 = arith.constant 10000 : i32
    %mul3A_2 = arith.muli %add3A, %mul3A_1 : i32
    "tpu.region"() ({
      %run_scoped3A = tpu.sem_alloc : memref<!tpu.dma_semaphore, #tpu.memory_space<semaphore_mem>>
      tpu.enqueue_dma source(%arg5 : memref<10240xf32, #tpu.memory_space<hbm>>) target(%arg11 : memref<10240xf32, #tpu.memory_space<vmem>>) target_semaphore(%run_scoped3A : memref<!tpu.dma_semaphore, #tpu.memory_space<semaphore_mem>>)
      tpu.wait_dma2 semaphore(%run_scoped3A : memref<!tpu.dma_semaphore, #tpu.memory_space<semaphore_mem>>) src(%arg5 : memref<10240xf32, #tpu.memory_space<hbm>>) dst(%arg11 : memref<10240xf32, #tpu.memory_space<vmem>>)
      tpu.yield
    }) : () -> ()
    "tpu.region"() ({
      %run_scoped3A = tpu.sem_alloc : memref<!tpu.dma_semaphore, #tpu.memory_space<semaphore_mem>>
      tpu.enqueue_dma source(%arg6 : memref<40960xf32, #tpu.memory_space<hbm>>) target(%arg12 : memref<40960xf32, #tpu.memory_space<vmem>>) target_semaphore(%run_scoped3A : memref<!tpu.dma_semaphore, #tpu.memory_space<semaphore_mem>>)
      tpu.wait_dma2 semaphore(%run_scoped3A : memref<!tpu.dma_semaphore, #tpu.memory_space<semaphore_mem>>) src(%arg6 : memref<40960xf32, #tpu.memory_space<hbm>>) dst(%arg12 : memref<40960xf32, #tpu.memory_space<vmem>>)
      tpu.yield
    }) : () -> ()
    "tpu.region"() ({
      %run_scoped3A = tpu.sem_alloc : memref<!tpu.dma_semaphore, #tpu.memory_space<semaphore_mem>>
      %dma_start3A = tpu.memref_slice %arg3[%mul3A_2] : memref<320000xi32, #tpu.memory_space<hbm>> -> memref<10000xi32, #tpu.memory_space<hbm>>
      %dma_start3A_7 = tpu.memref_slice %arg3[%mul3A_2] : memref<320000xi32, #tpu.memory_space<hbm>> -> memref<10000xi32, #tpu.memory_space<hbm>>
      tpu.enqueue_dma source(%dma_start3A_7 : memref<10000xi32, #tpu.memory_space<hbm>>) target(%arg8 : memref<10000xi32, #tpu.memory_space<vmem>>) target_semaphore(%run_scoped3A : memref<!tpu.dma_semaphore, #tpu.memory_space<semaphore_mem>>)
      %dma_wait3A = tpu.memref_slice %arg3[%mul3A_2] : memref<320000xi32, #tpu.memory_space<hbm>> -> memref<10000xi32, #tpu.memory_space<hbm>>
      %dma_wait3A_8 = tpu.memref_slice %arg3[%mul3A_2] : memref<320000xi32, #tpu.memory_space<hbm>> -> memref<10000xi32, #tpu.memory_space<hbm>>
      tpu.wait_dma2 semaphore(%run_scoped3A : memref<!tpu.dma_semaphore, #tpu.memory_space<semaphore_mem>>) src(%dma_wait3A_8 : memref<10000xi32, #tpu.memory_space<hbm>>) dst(%arg8 : memref<10000xi32, #tpu.memory_space<vmem>>)
      tpu.yield
    }) : () -> ()
    "tpu.region"() ({
      %run_scoped3A = tpu.sem_alloc : memref<!tpu.dma_semaphore, #tpu.memory_space<semaphore_mem>>
      %dma_start3A = tpu.memref_slice %arg4[%mul3A_2] : memref<320000xi32, #tpu.memory_space<hbm>> -> memref<10000xi32, #tpu.memory_space<hbm>>
      %dma_start3A_7 = tpu.memref_slice %arg4[%mul3A_2] : memref<320000xi32, #tpu.memory_space<hbm>> -> memref<10000xi32, #tpu.memory_space<hbm>>
      tpu.enqueue_dma source(%dma_start3A_7 : memref<10000xi32, #tpu.memory_space<hbm>>) target(%arg9 : memref<10000xi32, #tpu.memory_space<vmem>>) target_semaphore(%run_scoped3A : memref<!tpu.dma_semaphore, #tpu.memory_space<semaphore_mem>>)
      %dma_wait3A = tpu.memref_slice %arg4[%mul3A_2] : memref<320000xi32, #tpu.memory_space<hbm>> -> memref<10000xi32, #tpu.memory_space<hbm>>
      %dma_wait3A_8 = tpu.memref_slice %arg4[%mul3A_2] : memref<320000xi32, #tpu.memory_space<hbm>> -> memref<10000xi32, #tpu.memory_space<hbm>>
      tpu.wait_dma2 semaphore(%run_scoped3A : memref<!tpu.dma_semaphore, #tpu.memory_space<semaphore_mem>>) src(%dma_wait3A_8 : memref<10000xi32, #tpu.memory_space<hbm>>) dst(%arg9 : memref<10000xi32, #tpu.memory_space<vmem>>)
      tpu.yield
    }) : () -> ()
    %scan3A = arith.constant 0 : i32
    %scan3A_3 = arith.constant 5 : i32
    %scan3A_4 = arith.addi %scan3A, %scan3A_3 : i32
    %scan3A_5 = arith.constant 1 : i32
    scf.for %scan3A_7 = %scan3A to %scan3A_4 step %scan3A_5  : i32 {
      %mul3A_8 = arith.constant 1 : i32
      %mul3A_9 = arith.muli %scan3A_7, %mul3A_8 : i32
      %add3A_10 = arith.constant 0 : i32
      %add3A_11 = arith.addi %add3A_10, %mul3A_9 : i32
      %mul3A_12 = arith.constant 2000 : i32
      %mul3A_13 = arith.muli %add3A_11, %mul3A_12 : i32
      %add3A_14 = arith.addi %mul3A_2, %mul3A_13 : i32
      %mul3A_15 = arith.constant 4 : i32
      %mul3A_16 = arith.muli %add3A_14, %mul3A_15 : i32
      "tpu.region"() ({
        %run_scoped3A = tpu.sem_alloc : memref<!tpu.dma_semaphore, #tpu.memory_space<semaphore_mem>>
        %dma_start3A = tpu.memref_slice %arg2[%mul3A_16] : memref<1280000xf32, #tpu.memory_space<hbm>> -> memref<8000xf32, #tpu.memory_space<hbm>>
        %dma_start3A_19 = tpu.memref_slice %arg2[%mul3A_16] : memref<1280000xf32, #tpu.memory_space<hbm>> -> memref<8000xf32, #tpu.memory_space<hbm>>
        tpu.enqueue_dma source(%dma_start3A_19 : memref<8000xf32, #tpu.memory_space<hbm>>) target(%arg10 : memref<8000xf32, #tpu.memory_space<vmem>>) target_semaphore(%run_scoped3A : memref<!tpu.dma_semaphore, #tpu.memory_space<semaphore_mem>>)
        %dma_wait3A = tpu.memref_slice %arg2[%mul3A_16] : memref<1280000xf32, #tpu.memory_space<hbm>> -> memref<8000xf32, #tpu.memory_space<hbm>>
        %dma_wait3A_20 = tpu.memref_slice %arg2[%mul3A_16] : memref<1280000xf32, #tpu.memory_space<hbm>> -> memref<8000xf32, #tpu.memory_space<hbm>>
        tpu.wait_dma2 semaphore(%run_scoped3A : memref<!tpu.dma_semaphore, #tpu.memory_space<semaphore_mem>>) src(%dma_wait3A_20 : memref<8000xf32, #tpu.memory_space<hbm>>) dst(%arg10 : memref<8000xf32, #tpu.memory_space<vmem>>)
        tpu.yield
      }) : () -> ()
      %parallel_loop3A = arith.constant 0 : i32
      %parallel_loop3A_17 = arith.constant 125 : i32
      %parallel_loop3A_18 = arith.constant 1 : i32
      scf.for %parallel_loop3A_19 = %parallel_loop3A to %parallel_loop3A_17 step %parallel_loop3A_18  : i32 {
        %parallel_loop3A_20 = arith.constant 16 : i32
        %parallel_loop3A_21 = arith.muli %parallel_loop3A_19, %parallel_loop3A_20 : i32
        %parallel_loop3A_22 = arith.addi %mul3A_13, %parallel_loop3A_21 : i32
        %parallel_loop3A_23 = arith.index_cast %parallel_loop3A_22 : i32 to index
        %parallel_loop3A_24 = tpu.vector_load %arg8[%parallel_loop3A_23] {strides = array<i32>} : memref<10000xi32, #tpu.memory_space<vmem>>, vector<16xi32>,
        %parallel_loop3A_25 = arith.constant 16 : i32
        %parallel_loop3A_26 = arith.muli %parallel_loop3A_19, %parallel_loop3A_25 : i32
        %parallel_loop3A_27 = arith.addi %mul3A_13, %parallel_loop3A_26 : i32
        %parallel_loop3A_28 = arith.index_cast %parallel_loop3A_27 : i32 to index
        %parallel_loop3A_29 = tpu.vector_load %arg9[%parallel_loop3A_28] {strides = array<i32>} : memref<10000xi32, #tpu.memory_space<vmem>>, vector<16xi32>,
        %parallel_loop3A_30 = tpu.vector_load_idx %arg11[%parallel_loop3A_24] : memref<10240xf32, #tpu.memory_space<vmem>>[vector<16xi32>], vector<16xf32>,
        %parallel_loop3A_31 = tpu.iota {dimensions = array<i32: 0>} : vector<16xi32>
        %parallel_loop3A_32 = arith.constant 16 : i32
        %parallel_loop3A_33 = arith.muli %parallel_loop3A_19, %parallel_loop3A_32 : i32
        %parallel_loop3A_34 = vector.broadcast %parallel_loop3A_33 : i32 to vector<16xi32>
        %parallel_loop3A_35 = arith.addi %parallel_loop3A_31, %parallel_loop3A_34 : vector<16xi32>
        %parallel_loop3A_36 = arith.constant 4 : i32
        %parallel_loop3A_37 = vector.broadcast %parallel_loop3A_36 : i32 to vector<16xi32>
        %parallel_loop3A_38 = arith.muli %parallel_loop3A_35, %parallel_loop3A_37 : vector<16xi32>
        %parallel_loop3A_39 = arith.constant 0 : i32
        %parallel_loop3A_40 = vector.broadcast %parallel_loop3A_39 : i32 to vector<16xi32>
        %parallel_loop3A_41 = arith.addi %parallel_loop3A_38, %parallel_loop3A_40 : vector<16xi32>
        %parallel_loop3A_42 = tpu.vector_load_idx %arg10[%parallel_loop3A_41] : memref<8000xf32, #tpu.memory_space<vmem>>[vector<16xi32>], vector<16xf32>,
        %parallel_loop3A_43 = arith.constant 0 : i32
        %parallel_loop3A_44 = vector.broadcast %parallel_loop3A_43 : i32 to vector<16xi32>
        %parallel_loop3A_45 = arith.addi %parallel_loop3A_29, %parallel_loop3A_44 : vector<16xi32>
        %parallel_loop3A_46 = arith.mulf %parallel_loop3A_42, %parallel_loop3A_30 : vector<16xf32>
        tpu.vector_store_idx %arg12[%parallel_loop3A_45], %parallel_loop3A_46 {add = true} : memref<40960xf32, #tpu.memory_space<vmem>>[vector<16xi32>], vector<16xf32>,
        %parallel_loop3A_47 = arith.constant 1 : i32
        %parallel_loop3A_48 = vector.broadcast %parallel_loop3A_47 : i32 to vector<16xi32>
        %parallel_loop3A_49 = arith.addi %parallel_loop3A_38, %parallel_loop3A_48 : vector<16xi32>
        %parallel_loop3A_50 = tpu.vector_load_idx %arg10[%parallel_loop3A_49] : memref<8000xf32, #tpu.memory_space<vmem>>[vector<16xi32>], vector<16xf32>,
        %parallel_loop3A_51 = arith.constant 10240 : i32
        %parallel_loop3A_52 = vector.broadcast %parallel_loop3A_51 : i32 to vector<16xi32>
        %parallel_loop3A_53 = arith.addi %parallel_loop3A_29, %parallel_loop3A_52 : vector<16xi32>
        %parallel_loop3A_54 = arith.mulf %parallel_loop3A_50, %parallel_loop3A_30 : vector<16xf32>
        tpu.vector_store_idx %arg12[%parallel_loop3A_53], %parallel_loop3A_54 {add = true} : memref<40960xf32, #tpu.memory_space<vmem>>[vector<16xi32>], vector<16xf32>,
        %parallel_loop3A_55 = arith.constant 2 : i32
        %parallel_loop3A_56 = vector.broadcast %parallel_loop3A_55 : i32 to vector<16xi32>
        %parallel_loop3A_57 = arith.addi %parallel_loop3A_38, %parallel_loop3A_56 : vector<16xi32>
        %parallel_loop3A_58 = tpu.vector_load_idx %arg10[%parallel_loop3A_57] : memref<8000xf32, #tpu.memory_space<vmem>>[vector<16xi32>], vector<16xf32>,
        %parallel_loop3A_59 = arith.constant 20480 : i32
        %parallel_loop3A_60 = vector.broadcast %parallel_loop3A_59 : i32 to vector<16xi32>
        %parallel_loop3A_61 = arith.addi %parallel_loop3A_29, %parallel_loop3A_60 : vector<16xi32>
        %parallel_loop3A_62 = arith.mulf %parallel_loop3A_58, %parallel_loop3A_30 : vector<16xf32>
        tpu.vector_store_idx %arg12[%parallel_loop3A_61], %parallel_loop3A_62 {add = true} : memref<40960xf32, #tpu.memory_space<vmem>>[vector<16xi32>], vector<16xf32>,
        %parallel_loop3A_63 = arith.constant 3 : i32
        %parallel_loop3A_64 = vector.broadcast %parallel_loop3A_63 : i32 to vector<16xi32>
        %parallel_loop3A_65 = arith.addi %parallel_loop3A_38, %parallel_loop3A_64 : vector<16xi32>
        %parallel_loop3A_66 = tpu.vector_load_idx %arg10[%parallel_loop3A_65] : memref<8000xf32, #tpu.memory_space<vmem>>[vector<16xi32>], vector<16xf32>,
        %parallel_loop3A_67 = arith.constant 30720 : i32
        %parallel_loop3A_68 = vector.broadcast %parallel_loop3A_67 : i32 to vector<16xi32>
        %parallel_loop3A_69 = arith.addi %parallel_loop3A_29, %parallel_loop3A_68 : vector<16xi32>
        %parallel_loop3A_70 = arith.mulf %parallel_loop3A_66, %parallel_loop3A_30 : vector<16xf32>
        tpu.vector_store_idx %arg12[%parallel_loop3A_69], %parallel_loop3A_70 {add = true} : memref<40960xf32, #tpu.memory_space<vmem>>[vector<16xi32>], vector<16xf32>,
      } {sc.loop_unroll_factor = 4 : i64, sc.parallel_access}
    }
    %scan3A_6 = arith.constant 5 : i32
    "tpu.region"() ({
      %run_scoped3A = tpu.sem_alloc : memref<!tpu.dma_semaphore, #tpu.memory_space<semaphore_mem>>
      %dma_start3A = arith.constant 0 : i32
      %dma_start3A_7 = tpu.memref_slice %arg7[%add3A, %dma_start3A] : memref<32x40960xf32, #tpu.memory_space<hbm>> -> memref<1x40960xf32, #tpu.memory_space<hbm>>
      %dma_start3A_8 = tpu.memref_squeeze %dma_start3A_7 : memref<1x40960xf32, #tpu.memory_space<hbm>> -> memref<40960xf32, #tpu.memory_space<hbm>>
      %dma_start3A_9 = arith.constant 0 : i32
      %dma_start3A_10 = tpu.memref_slice %arg7[%add3A, %dma_start3A_9] : memref<32x40960xf32, #tpu.memory_space<hbm>> -> memref<1x40960xf32, #tpu.memory_space<hbm>>
      %dma_start3A_11 = tpu.memref_squeeze %dma_start3A_10 : memref<1x40960xf32, #tpu.memory_space<hbm>> -> memref<40960xf32, #tpu.memory_space<hbm>>
      tpu.enqueue_dma source(%arg12 : memref<40960xf32, #tpu.memory_space<vmem>>) target(%dma_start3A_11 : memref<40960xf32, #tpu.memory_space<hbm>>) target_semaphore(%run_scoped3A : memref<!tpu.dma_semaphore, #tpu.memory_space<semaphore_mem>>)
      %dma_wait3A = arith.constant 0 : i32
      %dma_wait3A_12 = tpu.memref_slice %arg7[%add3A, %dma_wait3A] : memref<32x40960xf32, #tpu.memory_space<hbm>> -> memref<1x40960xf32, #tpu.memory_space<hbm>>
      %dma_wait3A_13 = tpu.memref_squeeze %dma_wait3A_12 : memref<1x40960xf32, #tpu.memory_space<hbm>> -> memref<40960xf32, #tpu.memory_space<hbm>>
      %dma_wait3A_14 = arith.constant 0 : i32
      %dma_wait3A_15 = tpu.memref_slice %arg7[%add3A, %dma_wait3A_14] : memref<32x40960xf32, #tpu.memory_space<hbm>> -> memref<1x40960xf32, #tpu.memory_space<hbm>>
      %dma_wait3A_16 = tpu.memref_squeeze %dma_wait3A_15 : memref<1x40960xf32, #tpu.memory_space<hbm>> -> memref<40960xf32, #tpu.memory_space<hbm>>
      tpu.wait_dma2 semaphore(%run_scoped3A : memref<!tpu.dma_semaphore, #tpu.memory_space<semaphore_mem>>) src(%arg12 : memref<40960xf32, #tpu.memory_space<vmem>>) dst(%dma_wait3A_16 : memref<40960xf32, #tpu.memory_space<hbm>>)
      tpu.yield
    }) : () -> ()
    return
  }
}

#map = affine_map<(d0, d1) -> (0, 0)>
#map1 = affine_map<(d0, d1) -> (0)>
#map2 = affine_map<(d0, d1) -> (0, 0, 0)>
module attributes {stable_mosaic.version = 14 : i64} {
  func.func @k(%arg0: i32, %arg1: i32, %arg2: memref<10000x128xf32, #tpu.memory_space<hbm>>, %arg3: memref<320000xi32, #tpu.memory_space<hbm>>, %arg4: memref<320000xi32, #tpu.memory_space<hbm>>, %arg5: memref<640x128xf32, #tpu.memory_space<hbm>>, %arg6: memref<2x10240x128xf32, #tpu.memory_space<hbm>>, %arg7: memref<2x128xi32, #tpu.memory_space<vmem>>, %arg8: memref<2x128xi32, #tpu.memory_space<vmem>>, %arg9: memref<2x128x128xf32, #tpu.memory_space<vmem>>, %arg10: memref<16xi32, #tpu.memory_space<vmem>>, %arg11: memref<16xi32, #tpu.memory_space<vmem>>, %arg12: memref<10240x128xf32, #tpu.memory_space<vmem_shared>>, %arg13: memref<!tpu.dma_semaphore, #tpu.memory_space<semaphore_mem>>, %arg14: memref<!tpu.dma_semaphore, #tpu.memory_space<semaphore_mem>>, %arg15: memref<!tpu.dma_semaphore, #tpu.memory_space<semaphore_mem>>, %arg16: memref<!tpu.dma_semaphore, #tpu.memory_space<semaphore_mem>>, %arg17: memref<!tpu.dma_semaphore, #tpu.memory_space<semaphore_mem>>, %arg18: memref<!tpu.dma_semaphore, #tpu.memory_space<semaphore_mem>>) attributes {dimension_semantics = [#tpu.dimension_semantics<core_parallel>, #tpu.dimension_semantics<subcore_parallel>], iteration_bounds = array<i64: 2, 16>, scalar_prefetch = 0 : i64, scratch_operands = 12 : i64, tpu.core_type = #tpu.core_type<sc_vector_subcore>, window_params = [{transform_indices = #map}, {transform_indices = #map1}, {transform_indices = #map1}, {transform_indices = #map}, {transform_indices = #map2}]} {
    %mul3A = arith.constant 2 : i32
    %mul3A_0 = arith.muli %arg1, %mul3A : i32
    %add3A = arith.addi %mul3A_0, %arg0 : i32
    %mul3A_1 = arith.constant 10000 : i32
    %mul3A_2 = arith.muli %add3A, %mul3A_1 : i32
    %mul3A_3 = arith.constant 640 : i32
    %mul3A_4 = arith.muli %arg1, %mul3A_3 : i32
    "tpu.region"() ({
      %run_scoped3A_95 = tpu.sem_alloc : memref<!tpu.dma_semaphore, #tpu.memory_space<semaphore_mem>>
      %dma_start3A_96 = arith.constant 0 : i32
      %dma_start3A_97 = tpu.memref_slice %arg12[%mul3A_4, %dma_start3A_96] : memref<10240x128xf32, #tpu.memory_space<vmem_shared>> -> memref<640x128xf32, #tpu.memory_space<vmem_shared>>
      tpu.enqueue_dma source(%arg5 : memref<640x128xf32, #tpu.memory_space<hbm>>) target(%dma_start3A_97 : memref<640x128xf32, #tpu.memory_space<vmem_shared>>) target_semaphore(%run_scoped3A_95 : memref<!tpu.dma_semaphore, #tpu.memory_space<semaphore_mem>>)
      %dma_wait3A_98 = arith.constant 0 : i32
      %dma_wait3A_99 = tpu.memref_slice %arg12[%mul3A_4, %dma_wait3A_98] : memref<10240x128xf32, #tpu.memory_space<vmem_shared>> -> memref<640x128xf32, #tpu.memory_space<vmem_shared>>
      tpu.wait_dma2 semaphore(%run_scoped3A_95 : memref<!tpu.dma_semaphore, #tpu.memory_space<semaphore_mem>>) src(%arg5 : memref<640x128xf32, #tpu.memory_space<hbm>>) dst(%dma_wait3A_99 : memref<640x128xf32, #tpu.memory_space<vmem_shared>>)
      tpu.yield
    }) : () -> ()
    %barrier3A = arith.constant 0 : index
    tpu.barrier barrier_id(%barrier3A)
    %add3A_5 = arith.constant 0 : i32
    %add3A_6 = arith.addi %mul3A_2, %add3A_5 : i32
    %dma_start3A = arith.constant 0 : i32
    %dma_start3A_7 = arith.constant 0 : i32
    %dma_start3A_8 = tpu.memref_slice %arg7[%dma_start3A, %dma_start3A_7] : memref<2x128xi32, #tpu.memory_space<vmem>> -> memref<1x128xi32, #tpu.memory_space<vmem>>
    %dma_start3A_9 = tpu.memref_squeeze %dma_start3A_8 : memref<1x128xi32, #tpu.memory_space<vmem>> -> memref<128xi32, #tpu.memory_space<vmem>>
    %dma_start3A_10 = tpu.memref_slice %arg3[%add3A_6] : memref<320000xi32, #tpu.memory_space<hbm>> -> memref<128xi32, #tpu.memory_space<hbm>>
    %dma_start3A_11 = arith.constant 0 : i32
    %dma_start3A_12 = tpu.memref_slice %arg7[%dma_start3A, %dma_start3A_11] : memref<2x128xi32, #tpu.memory_space<vmem>> -> memref<1x128xi32, #tpu.memory_space<vmem>>
    %dma_start3A_13 = tpu.memref_squeeze %dma_start3A_12 : memref<1x128xi32, #tpu.memory_space<vmem>> -> memref<128xi32, #tpu.memory_space<vmem>>
    %dma_start3A_14 = tpu.memref_slice %arg3[%add3A_6] : memref<320000xi32, #tpu.memory_space<hbm>> -> memref<128xi32, #tpu.memory_space<hbm>>
    tpu.enqueue_dma source(%dma_start3A_14 : memref<128xi32, #tpu.memory_space<hbm>>) target(%dma_start3A_13 : memref<128xi32, #tpu.memory_space<vmem>>) target_semaphore(%arg13 : memref<!tpu.dma_semaphore, #tpu.memory_space<semaphore_mem>>)
    %add3A_15 = arith.constant 0 : i32
    %add3A_16 = arith.addi %mul3A_2, %add3A_15 : i32
    %dma_start3A_17 = arith.constant 0 : i32
    %dma_start3A_18 = arith.constant 0 : i32
    %dma_start3A_19 = tpu.memref_slice %arg8[%dma_start3A_17, %dma_start3A_18] : memref<2x128xi32, #tpu.memory_space<vmem>> -> memref<1x128xi32, #tpu.memory_space<vmem>>
    %dma_start3A_20 = tpu.memref_squeeze %dma_start3A_19 : memref<1x128xi32, #tpu.memory_space<vmem>> -> memref<128xi32, #tpu.memory_space<vmem>>
    %dma_start3A_21 = tpu.memref_slice %arg4[%add3A_16] : memref<320000xi32, #tpu.memory_space<hbm>> -> memref<128xi32, #tpu.memory_space<hbm>>
    %dma_start3A_22 = arith.constant 0 : i32
    %dma_start3A_23 = tpu.memref_slice %arg8[%dma_start3A_17, %dma_start3A_22] : memref<2x128xi32, #tpu.memory_space<vmem>> -> memref<1x128xi32, #tpu.memory_space<vmem>>
    %dma_start3A_24 = tpu.memref_squeeze %dma_start3A_23 : memref<1x128xi32, #tpu.memory_space<vmem>> -> memref<128xi32, #tpu.memory_space<vmem>>
    %dma_start3A_25 = tpu.memref_slice %arg4[%add3A_16] : memref<320000xi32, #tpu.memory_space<hbm>> -> memref<128xi32, #tpu.memory_space<hbm>>
    tpu.enqueue_dma source(%dma_start3A_25 : memref<128xi32, #tpu.memory_space<hbm>>) target(%dma_start3A_24 : memref<128xi32, #tpu.memory_space<vmem>>) target_semaphore(%arg13 : memref<!tpu.dma_semaphore, #tpu.memory_space<semaphore_mem>>)
    %add3A_26 = arith.constant 0 : i32
    %add3A_27 = arith.addi %mul3A_2, %add3A_26 : i32
    %dma_wait3A = arith.constant 0 : i32
    %dma_wait3A_28 = arith.constant 0 : i32
    %dma_wait3A_29 = tpu.memref_slice %arg7[%dma_wait3A, %dma_wait3A_28] : memref<2x128xi32, #tpu.memory_space<vmem>> -> memref<1x128xi32, #tpu.memory_space<vmem>>
    %dma_wait3A_30 = tpu.memref_squeeze %dma_wait3A_29 : memref<1x128xi32, #tpu.memory_space<vmem>> -> memref<128xi32, #tpu.memory_space<vmem>>
    %dma_wait3A_31 = tpu.memref_slice %arg3[%add3A_27] : memref<320000xi32, #tpu.memory_space<hbm>> -> memref<128xi32, #tpu.memory_space<hbm>>
    %dma_wait3A_32 = arith.constant 0 : i32
    %dma_wait3A_33 = tpu.memref_slice %arg7[%dma_wait3A, %dma_wait3A_32] : memref<2x128xi32, #tpu.memory_space<vmem>> -> memref<1x128xi32, #tpu.memory_space<vmem>>
    %dma_wait3A_34 = tpu.memref_squeeze %dma_wait3A_33 : memref<1x128xi32, #tpu.memory_space<vmem>> -> memref<128xi32, #tpu.memory_space<vmem>>
    %dma_wait3A_35 = tpu.memref_slice %arg3[%add3A_27] : memref<320000xi32, #tpu.memory_space<hbm>> -> memref<128xi32, #tpu.memory_space<hbm>>
    tpu.wait_dma2 semaphore(%arg13 : memref<!tpu.dma_semaphore, #tpu.memory_space<semaphore_mem>>) src(%dma_wait3A_35 : memref<128xi32, #tpu.memory_space<hbm>>) dst(%dma_wait3A_34 : memref<128xi32, #tpu.memory_space<vmem>>)
    %add3A_36 = arith.constant 0 : i32
    %add3A_37 = arith.addi %mul3A_2, %add3A_36 : i32
    %dma_wait3A_38 = arith.constant 0 : i32
    %dma_wait3A_39 = arith.constant 0 : i32
    %dma_wait3A_40 = tpu.memref_slice %arg8[%dma_wait3A_38, %dma_wait3A_39] : memref<2x128xi32, #tpu.memory_space<vmem>> -> memref<1x128xi32, #tpu.memory_space<vmem>>
    %dma_wait3A_41 = tpu.memref_squeeze %dma_wait3A_40 : memref<1x128xi32, #tpu.memory_space<vmem>> -> memref<128xi32, #tpu.memory_space<vmem>>
    %dma_wait3A_42 = tpu.memref_slice %arg4[%add3A_37] : memref<320000xi32, #tpu.memory_space<hbm>> -> memref<128xi32, #tpu.memory_space<hbm>>
    %dma_wait3A_43 = arith.constant 0 : i32
    %dma_wait3A_44 = tpu.memref_slice %arg8[%dma_wait3A_38, %dma_wait3A_43] : memref<2x128xi32, #tpu.memory_space<vmem>> -> memref<1x128xi32, #tpu.memory_space<vmem>>
    %dma_wait3A_45 = tpu.memref_squeeze %dma_wait3A_44 : memref<1x128xi32, #tpu.memory_space<vmem>> -> memref<128xi32, #tpu.memory_space<vmem>>
    %dma_wait3A_46 = tpu.memref_slice %arg4[%add3A_37] : memref<320000xi32, #tpu.memory_space<hbm>> -> memref<128xi32, #tpu.memory_space<hbm>>
    tpu.wait_dma2 semaphore(%arg13 : memref<!tpu.dma_semaphore, #tpu.memory_space<semaphore_mem>>) src(%dma_wait3A_46 : memref<128xi32, #tpu.memory_space<hbm>>) dst(%dma_wait3A_45 : memref<128xi32, #tpu.memory_space<vmem>>)
    %dma_start3A_47 = arith.constant 0 : i32
    %dma_start3A_48 = arith.constant 0 : i32
    %dma_start3A_49 = arith.constant 0 : i32
    %dma_start3A_50 = arith.constant 0 : i32
    %dma_start3A_51 = tpu.memref_slice %arg9[%dma_start3A_48, %dma_start3A_49, %dma_start3A_50] : memref<2x128x128xf32, #tpu.memory_space<vmem>> -> memref<1x128x128xf32, #tpu.memory_space<vmem>>
    %dma_start3A_52 = tpu.memref_squeeze %dma_start3A_51 : memref<1x128x128xf32, #tpu.memory_space<vmem>> -> memref<128x128xf32, #tpu.memory_space<vmem>>
    %dma_start3A_53 = arith.constant 0 : i32
    %dma_start3A_54 = tpu.memref_slice %arg7[%dma_start3A_47, %dma_start3A_53] : memref<2x128xi32, #tpu.memory_space<vmem>> -> memref<1x128xi32, #tpu.memory_space<vmem>>
    %dma_start3A_55 = tpu.memref_squeeze %dma_start3A_54 : memref<1x128xi32, #tpu.memory_space<vmem>> -> memref<128xi32, #tpu.memory_space<vmem>>
    %dma_start3A_56 = arith.constant 0 : i32
    %dma_start3A_57 = arith.constant 0 : i32
    %dma_start3A_58 = tpu.memref_slice %arg2[%dma_start3A_56, %dma_start3A_57] : memref<10000x128xf32, #tpu.memory_space<hbm>> -> memref<10000x128xf32, #tpu.memory_space<hbm>>
    tpu.enqueue_indirect_dma source(%dma_start3A_58 : memref<10000x128xf32, #tpu.memory_space<hbm>>) target(%dma_start3A_52 : memref<128x128xf32, #tpu.memory_space<vmem>>) offsets(%dma_start3A_55 : memref<128xi32, #tpu.memory_space<vmem>>) semaphore(%arg15 : memref<!tpu.dma_semaphore, #tpu.memory_space<semaphore_mem>>)
    %scan3A = arith.constant 0 : i32
    %scan3A_59 = arith.constant 39 : i32
    %scan3A_60 = arith.addi %scan3A, %scan3A_59 : i32
    %scan3A_61 = arith.constant 1 : i32
    scf.for %scan3A_95 = %scan3A to %scan3A_60 step %scan3A_61  : i32 {
      %mul3A_96 = arith.constant 1 : i32
      %mul3A_97 = arith.muli %scan3A_95, %mul3A_96 : i32
      %add3A_98 = arith.constant 0 : i32
      %add3A_99 = arith.addi %add3A_98, %mul3A_97 : i32
      %mul3A_100 = arith.constant 2 : i32
      %mul3A_101 = arith.muli %add3A_99, %mul3A_100 : i32
      %add3A_102 = arith.constant 0 : i32
      %add3A_103 = arith.addi %mul3A_101, %add3A_102 : i32
      %add3A_104 = arith.constant 1 : i32
      %add3A_105 = arith.addi %add3A_103, %add3A_104 : i32
      %lt3A = arith.constant 78 : i32
      %lt3A_106 = arith.cmpi slt, %add3A_105, %lt3A : i32
      %convert_element_type3A = arith.extui %lt3A_106 : i1 to i32
      %cond3A = arith.constant 0 : i32
      %cond3A_107 = arith.cmpi ne, %convert_element_type3A, %cond3A : i32
      scf.if %cond3A_107 {
        %ge3A = arith.constant 1 : i32
        %ge3A_167 = arith.cmpi sge, %add3A_103, %ge3A : i32
        %convert_element_type3A_168 = arith.extui %ge3A_167 : i1 to i32
        %cond3A_169 = arith.constant 0 : i32
        %cond3A_170 = arith.cmpi ne, %convert_element_type3A_168, %cond3A_169 : i32
        scf.if %cond3A_170 {
          %dma_wait3A_235 = arith.constant 1 : i32
          %dma_wait3A_236 = arith.constant 1 : i32
          %dma_wait3A_237 = arith.constant 0 : i32
          %dma_wait3A_238 = arith.constant 0 : i32
          %dma_wait3A_239 = tpu.memref_slice %arg9[%dma_wait3A_235, %dma_wait3A_237, %dma_wait3A_238] : memref<2x128x128xf32, #tpu.memory_space<vmem>> -> memref<1x128x128xf32, #tpu.memory_space<vmem>>
          %dma_wait3A_240 = tpu.memref_squeeze %dma_wait3A_239 : memref<1x128x128xf32, #tpu.memory_space<vmem>> -> memref<128x128xf32, #tpu.memory_space<vmem>>
          %dma_wait3A_241 = arith.constant 0 : i32
          %dma_wait3A_242 = tpu.memref_slice %arg8[%dma_wait3A_236, %dma_wait3A_241] : memref<2x128xi32, #tpu.memory_space<vmem>> -> memref<1x128xi32, #tpu.memory_space<vmem>>
          %dma_wait3A_243 = tpu.memref_squeeze %dma_wait3A_242 : memref<1x128xi32, #tpu.memory_space<vmem>> -> memref<128xi32, #tpu.memory_space<vmem>>
          %dma_wait3A_244 = arith.constant 0 : i32
          %dma_wait3A_245 = arith.constant 0 : i32
          %dma_wait3A_246 = tpu.memref_slice %arg12[%dma_wait3A_244, %dma_wait3A_245] : memref<10240x128xf32, #tpu.memory_space<vmem_shared>> -> memref<10240x128xf32, #tpu.memory_space<vmem_shared>>
          tpu.wait_indirect_dma semaphore(%arg18 : memref<!tpu.dma_semaphore, #tpu.memory_space<semaphore_mem>>) src(%dma_wait3A_240 : memref<128x128xf32, #tpu.memory_space<vmem>>) dst(%dma_wait3A_246 : memref<10240x128xf32, #tpu.memory_space<vmem_shared>>)
        } else {
        }
        %add3A_171 = arith.constant 1 : i32
        %add3A_172 = arith.addi %add3A_103, %add3A_171 : i32
        %mul3A_173 = arith.constant 128 : i32
        %mul3A_174 = arith.muli %add3A_172, %mul3A_173 : i32
        %add3A_175 = arith.addi %mul3A_2, %mul3A_174 : i32
        %dma_start3A_176 = arith.constant 1 : i32
        %dma_start3A_177 = arith.constant 0 : i32
        %dma_start3A_178 = tpu.memref_slice %arg7[%dma_start3A_176, %dma_start3A_177] : memref<2x128xi32, #tpu.memory_space<vmem>> -> memref<1x128xi32, #tpu.memory_space<vmem>>
        %dma_start3A_179 = tpu.memref_squeeze %dma_start3A_178 : memref<1x128xi32, #tpu.memory_space<vmem>> -> memref<128xi32, #tpu.memory_space<vmem>>
        %dma_start3A_180 = tpu.memref_slice %arg3[%add3A_175] : memref<320000xi32, #tpu.memory_space<hbm>> -> memref<128xi32, #tpu.memory_space<hbm>>
        %dma_start3A_181 = arith.constant 0 : i32
        %dma_start3A_182 = tpu.memref_slice %arg7[%dma_start3A_176, %dma_start3A_181] : memref<2x128xi32, #tpu.memory_space<vmem>> -> memref<1x128xi32, #tpu.memory_space<vmem>>
        %dma_start3A_183 = tpu.memref_squeeze %dma_start3A_182 : memref<1x128xi32, #tpu.memory_space<vmem>> -> memref<128xi32, #tpu.memory_space<vmem>>
        %dma_start3A_184 = tpu.memref_slice %arg3[%add3A_175] : memref<320000xi32, #tpu.memory_space<hbm>> -> memref<128xi32, #tpu.memory_space<hbm>>
        tpu.enqueue_dma source(%dma_start3A_184 : memref<128xi32, #tpu.memory_space<hbm>>) target(%dma_start3A_183 : memref<128xi32, #tpu.memory_space<vmem>>) target_semaphore(%arg14 : memref<!tpu.dma_semaphore, #tpu.memory_space<semaphore_mem>>)
        %mul3A_185 = arith.constant 128 : i32
        %mul3A_186 = arith.muli %add3A_172, %mul3A_185 : i32
        %add3A_187 = arith.addi %mul3A_2, %mul3A_186 : i32
        %dma_start3A_188 = arith.constant 1 : i32
        %dma_start3A_189 = arith.constant 0 : i32
        %dma_start3A_190 = tpu.memref_slice %arg8[%dma_start3A_188, %dma_start3A_189] : memref<2x128xi32, #tpu.memory_space<vmem>> -> memref<1x128xi32, #tpu.memory_space<vmem>>
        %dma_start3A_191 = tpu.memref_squeeze %dma_start3A_190 : memref<1x128xi32, #tpu.memory_space<vmem>> -> memref<128xi32, #tpu.memory_space<vmem>>
        %dma_start3A_192 = tpu.memref_slice %arg4[%add3A_187] : memref<320000xi32, #tpu.memory_space<hbm>> -> memref<128xi32, #tpu.memory_space<hbm>>
        %dma_start3A_193 = arith.constant 0 : i32
        %dma_start3A_194 = tpu.memref_slice %arg8[%dma_start3A_188, %dma_start3A_193] : memref<2x128xi32, #tpu.memory_space<vmem>> -> memref<1x128xi32, #tpu.memory_space<vmem>>
        %dma_start3A_195 = tpu.memref_squeeze %dma_start3A_194 : memref<1x128xi32, #tpu.memory_space<vmem>> -> memref<128xi32, #tpu.memory_space<vmem>>
        %dma_start3A_196 = tpu.memref_slice %arg4[%add3A_187] : memref<320000xi32, #tpu.memory_space<hbm>> -> memref<128xi32, #tpu.memory_space<hbm>>
        tpu.enqueue_dma source(%dma_start3A_196 : memref<128xi32, #tpu.memory_space<hbm>>) target(%dma_start3A_195 : memref<128xi32, #tpu.memory_space<vmem>>) target_semaphore(%arg14 : memref<!tpu.dma_semaphore, #tpu.memory_space<semaphore_mem>>)
        %add3A_197 = arith.constant 1 : i32
        %add3A_198 = arith.addi %add3A_103, %add3A_197 : i32
        %mul3A_199 = arith.constant 128 : i32
        %mul3A_200 = arith.muli %add3A_198, %mul3A_199 : i32
        %add3A_201 = arith.addi %mul3A_2, %mul3A_200 : i32
        %dma_wait3A_202 = arith.constant 1 : i32
        %dma_wait3A_203 = arith.constant 0 : i32
        %dma_wait3A_204 = tpu.memref_slice %arg7[%dma_wait3A_202, %dma_wait3A_203] : memref<2x128xi32, #tpu.memory_space<vmem>> -> memref<1x128xi32, #tpu.memory_space<vmem>>
        %dma_wait3A_205 = tpu.memref_squeeze %dma_wait3A_204 : memref<1x128xi32, #tpu.memory_space<vmem>> -> memref<128xi32, #tpu.memory_space<vmem>>
        %dma_wait3A_206 = tpu.memref_slice %arg3[%add3A_201] : memref<320000xi32, #tpu.memory_space<hbm>> -> memref<128xi32, #tpu.memory_space<hbm>>
        %dma_wait3A_207 = arith.constant 0 : i32
        %dma_wait3A_208 = tpu.memref_slice %arg7[%dma_wait3A_202, %dma_wait3A_207] : memref<2x128xi32, #tpu.memory_space<vmem>> -> memref<1x128xi32, #tpu.memory_space<vmem>>
        %dma_wait3A_209 = tpu.memref_squeeze %dma_wait3A_208 : memref<1x128xi32, #tpu.memory_space<vmem>> -> memref<128xi32, #tpu.memory_space<vmem>>
        %dma_wait3A_210 = tpu.memref_slice %arg3[%add3A_201] : memref<320000xi32, #tpu.memory_space<hbm>> -> memref<128xi32, #tpu.memory_space<hbm>>
        tpu.wait_dma2 semaphore(%arg14 : memref<!tpu.dma_semaphore, #tpu.memory_space<semaphore_mem>>) src(%dma_wait3A_210 : memref<128xi32, #tpu.memory_space<hbm>>) dst(%dma_wait3A_209 : memref<128xi32, #tpu.memory_space<vmem>>)
        %mul3A_211 = arith.constant 128 : i32
        %mul3A_212 = arith.muli %add3A_198, %mul3A_211 : i32
        %add3A_213 = arith.addi %mul3A_2, %mul3A_212 : i32
        %dma_wait3A_214 = arith.constant 1 : i32
        %dma_wait3A_215 = arith.constant 0 : i32
        %dma_wait3A_216 = tpu.memref_slice %arg8[%dma_wait3A_214, %dma_wait3A_215] : memref<2x128xi32, #tpu.memory_space<vmem>> -> memref<1x128xi32, #tpu.memory_space<vmem>>
        %dma_wait3A_217 = tpu.memref_squeeze %dma_wait3A_216 : memref<1x128xi32, #tpu.memory_space<vmem>> -> memref<128xi32, #tpu.memory_space<vmem>>
        %dma_wait3A_218 = tpu.memref_slice %arg4[%add3A_213] : memref<320000xi32, #tpu.memory_space<hbm>> -> memref<128xi32, #tpu.memory_space<hbm>>
        %dma_wait3A_219 = arith.constant 0 : i32
        %dma_wait3A_220 = tpu.memref_slice %arg8[%dma_wait3A_214, %dma_wait3A_219] : memref<2x128xi32, #tpu.memory_space<vmem>> -> memref<1x128xi32, #tpu.memory_space<vmem>>
        %dma_wait3A_221 = tpu.memref_squeeze %dma_wait3A_220 : memref<1x128xi32, #tpu.memory_space<vmem>> -> memref<128xi32, #tpu.memory_space<vmem>>
        %dma_wait3A_222 = tpu.memref_slice %arg4[%add3A_213] : memref<320000xi32, #tpu.memory_space<hbm>> -> memref<128xi32, #tpu.memory_space<hbm>>
        tpu.wait_dma2 semaphore(%arg14 : memref<!tpu.dma_semaphore, #tpu.memory_space<semaphore_mem>>) src(%dma_wait3A_222 : memref<128xi32, #tpu.memory_space<hbm>>) dst(%dma_wait3A_221 : memref<128xi32, #tpu.memory_space<vmem>>)
        %dma_start3A_223 = arith.constant 1 : i32
        %dma_start3A_224 = arith.constant 1 : i32
        %dma_start3A_225 = arith.constant 0 : i32
        %dma_start3A_226 = arith.constant 0 : i32
        %dma_start3A_227 = tpu.memref_slice %arg9[%dma_start3A_224, %dma_start3A_225, %dma_start3A_226] : memref<2x128x128xf32, #tpu.memory_space<vmem>> -> memref<1x128x128xf32, #tpu.memory_space<vmem>>
        %dma_start3A_228 = tpu.memref_squeeze %dma_start3A_227 : memref<1x128x128xf32, #tpu.memory_space<vmem>> -> memref<128x128xf32, #tpu.memory_space<vmem>>
        %dma_start3A_229 = arith.constant 0 : i32
        %dma_start3A_230 = tpu.memref_slice %arg7[%dma_start3A_223, %dma_start3A_229] : memref<2x128xi32, #tpu.memory_space<vmem>> -> memref<1x128xi32, #tpu.memory_space<vmem>>
        %dma_start3A_231 = tpu.memref_squeeze %dma_start3A_230 : memref<1x128xi32, #tpu.memory_space<vmem>> -> memref<128xi32, #tpu.memory_space<vmem>>
        %dma_start3A_232 = arith.constant 0 : i32
        %dma_start3A_233 = arith.constant 0 : i32
        %dma_start3A_234 = tpu.memref_slice %arg2[%dma_start3A_232, %dma_start3A_233] : memref<10000x128xf32, #tpu.memory_space<hbm>> -> memref<10000x128xf32, #tpu.memory_space<hbm>>
        tpu.enqueue_indirect_dma source(%dma_start3A_234 : memref<10000x128xf32, #tpu.memory_space<hbm>>) target(%dma_start3A_228 : memref<128x128xf32, #tpu.memory_space<vmem>>) offsets(%dma_start3A_231 : memref<128xi32, #tpu.memory_space<vmem>>) semaphore(%arg16 : memref<!tpu.dma_semaphore, #tpu.memory_space<semaphore_mem>>)
      } else {
      }
      %dma_wait3A_108 = arith.constant 0 : i32
      %dma_wait3A_109 = arith.constant 0 : i32
      %dma_wait3A_110 = arith.constant 0 : i32
      %dma_wait3A_111 = arith.constant 0 : i32
      %dma_wait3A_112 = tpu.memref_slice %arg9[%dma_wait3A_109, %dma_wait3A_110, %dma_wait3A_111] : memref<2x128x128xf32, #tpu.memory_space<vmem>> -> memref<1x128x128xf32, #tpu.memory_space<vmem>>
      %dma_wait3A_113 = tpu.memref_squeeze %dma_wait3A_112 : memref<1x128x128xf32, #tpu.memory_space<vmem>> -> memref<128x128xf32, #tpu.memory_space<vmem>>
      %dma_wait3A_114 = arith.constant 0 : i32
      %dma_wait3A_115 = tpu.memref_slice %arg7[%dma_wait3A_108, %dma_wait3A_114] : memref<2x128xi32, #tpu.memory_space<vmem>> -> memref<1x128xi32, #tpu.memory_space<vmem>>
      %dma_wait3A_116 = tpu.memref_squeeze %dma_wait3A_115 : memref<1x128xi32, #tpu.memory_space<vmem>> -> memref<128xi32, #tpu.memory_space<vmem>>
      %dma_wait3A_117 = arith.constant 0 : i32
      %dma_wait3A_118 = arith.constant 0 : i32
      %dma_wait3A_119 = tpu.memref_slice %arg2[%dma_wait3A_117, %dma_wait3A_118] : memref<10000x128xf32, #tpu.memory_space<hbm>> -> memref<10000x128xf32, #tpu.memory_space<hbm>>
      tpu.wait_indirect_dma semaphore(%arg15 : memref<!tpu.dma_semaphore, #tpu.memory_space<semaphore_mem>>) src(%dma_wait3A_119 : memref<10000x128xf32, #tpu.memory_space<hbm>>) dst(%dma_wait3A_113 : memref<128x128xf32, #tpu.memory_space<vmem>>)
      %dma_start3A_120 = arith.constant 0 : i32
      %dma_start3A_121 = arith.constant 0 : i32
      %dma_start3A_122 = arith.constant 0 : i32
      %dma_start3A_123 = arith.constant 0 : i32
      %dma_start3A_124 = tpu.memref_slice %arg9[%dma_start3A_120, %dma_start3A_122, %dma_start3A_123] : memref<2x128x128xf32, #tpu.memory_space<vmem>> -> memref<1x128x128xf32, #tpu.memory_space<vmem>>
      %dma_start3A_125 = tpu.memref_squeeze %dma_start3A_124 : memref<1x128x128xf32, #tpu.memory_space<vmem>> -> memref<128x128xf32, #tpu.memory_space<vmem>>
      %dma_start3A_126 = arith.constant 0 : i32
      %dma_start3A_127 = tpu.memref_slice %arg8[%dma_start3A_121, %dma_start3A_126] : memref<2x128xi32, #tpu.memory_space<vmem>> -> memref<1x128xi32, #tpu.memory_space<vmem>>
      %dma_start3A_128 = tpu.memref_squeeze %dma_start3A_127 : memref<1x128xi32, #tpu.memory_space<vmem>> -> memref<128xi32, #tpu.memory_space<vmem>>
      %dma_start3A_129 = arith.constant 0 : i32
      %dma_start3A_130 = arith.constant 0 : i32
      %dma_start3A_131 = tpu.memref_slice %arg12[%dma_start3A_129, %dma_start3A_130] : memref<10240x128xf32, #tpu.memory_space<vmem_shared>> -> memref<10240x128xf32, #tpu.memory_space<vmem_shared>>
      tpu.enqueue_indirect_dma source(%dma_start3A_125 : memref<128x128xf32, #tpu.memory_space<vmem>>) target(%dma_start3A_131 : memref<10240x128xf32, #tpu.memory_space<vmem_shared>>) offsets(%dma_start3A_128 : memref<128xi32, #tpu.memory_space<vmem>>) semaphore(%arg17 : memref<!tpu.dma_semaphore, #tpu.memory_space<semaphore_mem>>) {add = true}
      %mul3A_132 = arith.constant 2 : i32
      %mul3A_133 = arith.muli %add3A_99, %mul3A_132 : i32
      %add3A_134 = arith.constant 1 : i32
      %add3A_135 = arith.addi %mul3A_133, %add3A_134 : i32
      %add3A_136 = arith.constant 1 : i32
      %add3A_137 = arith.addi %add3A_135, %add3A_136 : i32
      %lt3A_138 = arith.constant 78 : i32
      %lt3A_139 = arith.cmpi slt, %add3A_137, %lt3A_138 : i32
      %convert_element_type3A_140 = arith.extui %lt3A_139 : i1 to i32
      %cond3A_141 = arith.constant 0 : i32
      %cond3A_142 = arith.cmpi ne, %convert_element_type3A_140, %cond3A_141 : i32
      scf.if %cond3A_142 {
        %ge3A = arith.constant 1 : i32
        %ge3A_167 = arith.cmpi sge, %add3A_135, %ge3A : i32
        %convert_element_type3A_168 = arith.extui %ge3A_167 : i1 to i32
        %cond3A_169 = arith.constant 0 : i32
        %cond3A_170 = arith.cmpi ne, %convert_element_type3A_168, %cond3A_169 : i32
        scf.if %cond3A_170 {
          %dma_wait3A_235 = arith.constant 0 : i32
          %dma_wait3A_236 = arith.constant 0 : i32
          %dma_wait3A_237 = arith.constant 0 : i32
          %dma_wait3A_238 = arith.constant 0 : i32
          %dma_wait3A_239 = tpu.memref_slice %arg9[%dma_wait3A_235, %dma_wait3A_237, %dma_wait3A_238] : memref<2x128x128xf32, #tpu.memory_space<vmem>> -> memref<1x128x128xf32, #tpu.memory_space<vmem>>
          %dma_wait3A_240 = tpu.memref_squeeze %dma_wait3A_239 : memref<1x128x128xf32, #tpu.memory_space<vmem>> -> memref<128x128xf32, #tpu.memory_space<vmem>>
          %dma_wait3A_241 = arith.constant 0 : i32
          %dma_wait3A_242 = tpu.memref_slice %arg8[%dma_wait3A_236, %dma_wait3A_241] : memref<2x128xi32, #tpu.memory_space<vmem>> -> memref<1x128xi32, #tpu.memory_space<vmem>>
          %dma_wait3A_243 = tpu.memref_squeeze %dma_wait3A_242 : memref<1x128xi32, #tpu.memory_space<vmem>> -> memref<128xi32, #tpu.memory_space<vmem>>
          %dma_wait3A_244 = arith.constant 0 : i32
          %dma_wait3A_245 = arith.constant 0 : i32
          %dma_wait3A_246 = tpu.memref_slice %arg12[%dma_wait3A_244, %dma_wait3A_245] : memref<10240x128xf32, #tpu.memory_space<vmem_shared>> -> memref<10240x128xf32, #tpu.memory_space<vmem_shared>>
          tpu.wait_indirect_dma semaphore(%arg17 : memref<!tpu.dma_semaphore, #tpu.memory_space<semaphore_mem>>) src(%dma_wait3A_240 : memref<128x128xf32, #tpu.memory_space<vmem>>) dst(%dma_wait3A_246 : memref<10240x128xf32, #tpu.memory_space<vmem_shared>>)
        } else {
        }
        %add3A_171 = arith.constant 1 : i32
        %add3A_172 = arith.addi %add3A_135, %add3A_171 : i32
        %mul3A_173 = arith.constant 128 : i32
        %mul3A_174 = arith.muli %add3A_172, %mul3A_173 : i32
        %add3A_175 = arith.addi %mul3A_2, %mul3A_174 : i32
        %dma_start3A_176 = arith.constant 0 : i32
        %dma_start3A_177 = arith.constant 0 : i32
        %dma_start3A_178 = tpu.memref_slice %arg7[%dma_start3A_176, %dma_start3A_177] : memref<2x128xi32, #tpu.memory_space<vmem>> -> memref<1x128xi32, #tpu.memory_space<vmem>>
        %dma_start3A_179 = tpu.memref_squeeze %dma_start3A_178 : memref<1x128xi32, #tpu.memory_space<vmem>> -> memref<128xi32, #tpu.memory_space<vmem>>
        %dma_start3A_180 = tpu.memref_slice %arg3[%add3A_175] : memref<320000xi32, #tpu.memory_space<hbm>> -> memref<128xi32, #tpu.memory_space<hbm>>
        %dma_start3A_181 = arith.constant 0 : i32
        %dma_start3A_182 = tpu.memref_slice %arg7[%dma_start3A_176, %dma_start3A_181] : memref<2x128xi32, #tpu.memory_space<vmem>> -> memref<1x128xi32, #tpu.memory_space<vmem>>
        %dma_start3A_183 = tpu.memref_squeeze %dma_start3A_182 : memref<1x128xi32, #tpu.memory_space<vmem>> -> memref<128xi32, #tpu.memory_space<vmem>>
        %dma_start3A_184 = tpu.memref_slice %arg3[%add3A_175] : memref<320000xi32, #tpu.memory_space<hbm>> -> memref<128xi32, #tpu.memory_space<hbm>>
        tpu.enqueue_dma source(%dma_start3A_184 : memref<128xi32, #tpu.memory_space<hbm>>) target(%dma_start3A_183 : memref<128xi32, #tpu.memory_space<vmem>>) target_semaphore(%arg13 : memref<!tpu.dma_semaphore, #tpu.memory_space<semaphore_mem>>)
        %mul3A_185 = arith.constant 128 : i32
        %mul3A_186 = arith.muli %add3A_172, %mul3A_185 : i32
        %add3A_187 = arith.addi %mul3A_2, %mul3A_186 : i32
        %dma_start3A_188 = arith.constant 0 : i32
        %dma_start3A_189 = arith.constant 0 : i32
        %dma_start3A_190 = tpu.memref_slice %arg8[%dma_start3A_188, %dma_start3A_189] : memref<2x128xi32, #tpu.memory_space<vmem>> -> memref<1x128xi32, #tpu.memory_space<vmem>>
        %dma_start3A_191 = tpu.memref_squeeze %dma_start3A_190 : memref<1x128xi32, #tpu.memory_space<vmem>> -> memref<128xi32, #tpu.memory_space<vmem>>
        %dma_start3A_192 = tpu.memref_slice %arg4[%add3A_187] : memref<320000xi32, #tpu.memory_space<hbm>> -> memref<128xi32, #tpu.memory_space<hbm>>
        %dma_start3A_193 = arith.constant 0 : i32
        %dma_start3A_194 = tpu.memref_slice %arg8[%dma_start3A_188, %dma_start3A_193] : memref<2x128xi32, #tpu.memory_space<vmem>> -> memref<1x128xi32, #tpu.memory_space<vmem>>
        %dma_start3A_195 = tpu.memref_squeeze %dma_start3A_194 : memref<1x128xi32, #tpu.memory_space<vmem>> -> memref<128xi32, #tpu.memory_space<vmem>>
        %dma_start3A_196 = tpu.memref_slice %arg4[%add3A_187] : memref<320000xi32, #tpu.memory_space<hbm>> -> memref<128xi32, #tpu.memory_space<hbm>>
        tpu.enqueue_dma source(%dma_start3A_196 : memref<128xi32, #tpu.memory_space<hbm>>) target(%dma_start3A_195 : memref<128xi32, #tpu.memory_space<vmem>>) target_semaphore(%arg13 : memref<!tpu.dma_semaphore, #tpu.memory_space<semaphore_mem>>)
        %add3A_197 = arith.constant 1 : i32
        %add3A_198 = arith.addi %add3A_135, %add3A_197 : i32
        %mul3A_199 = arith.constant 128 : i32
        %mul3A_200 = arith.muli %add3A_198, %mul3A_199 : i32
        %add3A_201 = arith.addi %mul3A_2, %mul3A_200 : i32
        %dma_wait3A_202 = arith.constant 0 : i32
        %dma_wait3A_203 = arith.constant 0 : i32
        %dma_wait3A_204 = tpu.memref_slice %arg7[%dma_wait3A_202, %dma_wait3A_203] : memref<2x128xi32, #tpu.memory_space<vmem>> -> memref<1x128xi32, #tpu.memory_space<vmem>>
        %dma_wait3A_205 = tpu.memref_squeeze %dma_wait3A_204 : memref<1x128xi32, #tpu.memory_space<vmem>> -> memref<128xi32, #tpu.memory_space<vmem>>
        %dma_wait3A_206 = tpu.memref_slice %arg3[%add3A_201] : memref<320000xi32, #tpu.memory_space<hbm>> -> memref<128xi32, #tpu.memory_space<hbm>>
        %dma_wait3A_207 = arith.constant 0 : i32
        %dma_wait3A_208 = tpu.memref_slice %arg7[%dma_wait3A_202, %dma_wait3A_207] : memref<2x128xi32, #tpu.memory_space<vmem>> -> memref<1x128xi32, #tpu.memory_space<vmem>>
        %dma_wait3A_209 = tpu.memref_squeeze %dma_wait3A_208 : memref<1x128xi32, #tpu.memory_space<vmem>> -> memref<128xi32, #tpu.memory_space<vmem>>
        %dma_wait3A_210 = tpu.memref_slice %arg3[%add3A_201] : memref<320000xi32, #tpu.memory_space<hbm>> -> memref<128xi32, #tpu.memory_space<hbm>>
        tpu.wait_dma2 semaphore(%arg13 : memref<!tpu.dma_semaphore, #tpu.memory_space<semaphore_mem>>) src(%dma_wait3A_210 : memref<128xi32, #tpu.memory_space<hbm>>) dst(%dma_wait3A_209 : memref<128xi32, #tpu.memory_space<vmem>>)
        %mul3A_211 = arith.constant 128 : i32
        %mul3A_212 = arith.muli %add3A_198, %mul3A_211 : i32
        %add3A_213 = arith.addi %mul3A_2, %mul3A_212 : i32
        %dma_wait3A_214 = arith.constant 0 : i32
        %dma_wait3A_215 = arith.constant 0 : i32
        %dma_wait3A_216 = tpu.memref_slice %arg8[%dma_wait3A_214, %dma_wait3A_215] : memref<2x128xi32, #tpu.memory_space<vmem>> -> memref<1x128xi32, #tpu.memory_space<vmem>>
        %dma_wait3A_217 = tpu.memref_squeeze %dma_wait3A_216 : memref<1x128xi32, #tpu.memory_space<vmem>> -> memref<128xi32, #tpu.memory_space<vmem>>
        %dma_wait3A_218 = tpu.memref_slice %arg4[%add3A_213] : memref<320000xi32, #tpu.memory_space<hbm>> -> memref<128xi32, #tpu.memory_space<hbm>>
        %dma_wait3A_219 = arith.constant 0 : i32
        %dma_wait3A_220 = tpu.memref_slice %arg8[%dma_wait3A_214, %dma_wait3A_219] : memref<2x128xi32, #tpu.memory_space<vmem>> -> memref<1x128xi32, #tpu.memory_space<vmem>>
        %dma_wait3A_221 = tpu.memref_squeeze %dma_wait3A_220 : memref<1x128xi32, #tpu.memory_space<vmem>> -> memref<128xi32, #tpu.memory_space<vmem>>
        %dma_wait3A_222 = tpu.memref_slice %arg4[%add3A_213] : memref<320000xi32, #tpu.memory_space<hbm>> -> memref<128xi32, #tpu.memory_space<hbm>>
        tpu.wait_dma2 semaphore(%arg13 : memref<!tpu.dma_semaphore, #tpu.memory_space<semaphore_mem>>) src(%dma_wait3A_222 : memref<128xi32, #tpu.memory_space<hbm>>) dst(%dma_wait3A_221 : memref<128xi32, #tpu.memory_space<vmem>>)
        %dma_start3A_223 = arith.constant 0 : i32
        %dma_start3A_224 = arith.constant 0 : i32
        %dma_start3A_225 = arith.constant 0 : i32
        %dma_start3A_226 = arith.constant 0 : i32
        %dma_start3A_227 = tpu.memref_slice %arg9[%dma_start3A_224, %dma_start3A_225, %dma_start3A_226] : memref<2x128x128xf32, #tpu.memory_space<vmem>> -> memref<1x128x128xf32, #tpu.memory_space<vmem>>
        %dma_start3A_228 = tpu.memref_squeeze %dma_start3A_227 : memref<1x128x128xf32, #tpu.memory_space<vmem>> -> memref<128x128xf32, #tpu.memory_space<vmem>>
        %dma_start3A_229 = arith.constant 0 : i32
        %dma_start3A_230 = tpu.memref_slice %arg7[%dma_start3A_223, %dma_start3A_229] : memref<2x128xi32, #tpu.memory_space<vmem>> -> memref<1x128xi32, #tpu.memory_space<vmem>>
        %dma_start3A_231 = tpu.memref_squeeze %dma_start3A_230 : memref<1x128xi32, #tpu.memory_space<vmem>> -> memref<128xi32, #tpu.memory_space<vmem>>
        %dma_start3A_232 = arith.constant 0 : i32
        %dma_start3A_233 = arith.constant 0 : i32
        %dma_start3A_234 = tpu.memref_slice %arg2[%dma_start3A_232, %dma_start3A_233] : memref<10000x128xf32, #tpu.memory_space<hbm>> -> memref<10000x128xf32, #tpu.memory_space<hbm>>
        tpu.enqueue_indirect_dma source(%dma_start3A_234 : memref<10000x128xf32, #tpu.memory_space<hbm>>) target(%dma_start3A_228 : memref<128x128xf32, #tpu.memory_space<vmem>>) offsets(%dma_start3A_231 : memref<128xi32, #tpu.memory_space<vmem>>) semaphore(%arg15 : memref<!tpu.dma_semaphore, #tpu.memory_space<semaphore_mem>>)
      } else {
      }
      %dma_wait3A_143 = arith.constant 1 : i32
      %dma_wait3A_144 = arith.constant 1 : i32
      %dma_wait3A_145 = arith.constant 0 : i32
      %dma_wait3A_146 = arith.constant 0 : i32
      %dma_wait3A_147 = tpu.memref_slice %arg9[%dma_wait3A_144, %dma_wait3A_145, %dma_wait3A_146] : memref<2x128x128xf32, #tpu.memory_space<vmem>> -> memref<1x128x128xf32, #tpu.memory_space<vmem>>
      %dma_wait3A_148 = tpu.memref_squeeze %dma_wait3A_147 : memref<1x128x128xf32, #tpu.memory_space<vmem>> -> memref<128x128xf32, #tpu.memory_space<vmem>>
      %dma_wait3A_149 = arith.constant 0 : i32
      %dma_wait3A_150 = tpu.memref_slice %arg7[%dma_wait3A_143, %dma_wait3A_149] : memref<2x128xi32, #tpu.memory_space<vmem>> -> memref<1x128xi32, #tpu.memory_space<vmem>>
      %dma_wait3A_151 = tpu.memref_squeeze %dma_wait3A_150 : memref<1x128xi32, #tpu.memory_space<vmem>> -> memref<128xi32, #tpu.memory_space<vmem>>
      %dma_wait3A_152 = arith.constant 0 : i32
      %dma_wait3A_153 = arith.constant 0 : i32
      %dma_wait3A_154 = tpu.memref_slice %arg2[%dma_wait3A_152, %dma_wait3A_153] : memref<10000x128xf32, #tpu.memory_space<hbm>> -> memref<10000x128xf32, #tpu.memory_space<hbm>>
      tpu.wait_indirect_dma semaphore(%arg16 : memref<!tpu.dma_semaphore, #tpu.memory_space<semaphore_mem>>) src(%dma_wait3A_154 : memref<10000x128xf32, #tpu.memory_space<hbm>>) dst(%dma_wait3A_148 : memref<128x128xf32, #tpu.memory_space<vmem>>)
      %dma_start3A_155 = arith.constant 1 : i32
      %dma_start3A_156 = arith.constant 1 : i32
      %dma_start3A_157 = arith.constant 0 : i32
      %dma_start3A_158 = arith.constant 0 : i32
      %dma_start3A_159 = tpu.memref_slice %arg9[%dma_start3A_155, %dma_start3A_157, %dma_start3A_158] : memref<2x128x128xf32, #tpu.memory_space<vmem>> -> memref<1x128x128xf32, #tpu.memory_space<vmem>>
      %dma_start3A_160 = tpu.memref_squeeze %dma_start3A_159 : memref<1x128x128xf32, #tpu.memory_space<vmem>> -> memref<128x128xf32, #tpu.memory_space<vmem>>
      %dma_start3A_161 = arith.constant 0 : i32
      %dma_start3A_162 = tpu.memref_slice %arg8[%dma_start3A_156, %dma_start3A_161] : memref<2x128xi32, #tpu.memory_space<vmem>> -> memref<1x128xi32, #tpu.memory_space<vmem>>
      %dma_start3A_163 = tpu.memref_squeeze %dma_start3A_162 : memref<1x128xi32, #tpu.memory_space<vmem>> -> memref<128xi32, #tpu.memory_space<vmem>>
      %dma_start3A_164 = arith.constant 0 : i32
      %dma_start3A_165 = arith.constant 0 : i32
      %dma_start3A_166 = tpu.memref_slice %arg12[%dma_start3A_164, %dma_start3A_165] : memref<10240x128xf32, #tpu.memory_space<vmem_shared>> -> memref<10240x128xf32, #tpu.memory_space<vmem_shared>>
      tpu.enqueue_indirect_dma source(%dma_start3A_160 : memref<128x128xf32, #tpu.memory_space<vmem>>) target(%dma_start3A_166 : memref<10240x128xf32, #tpu.memory_space<vmem_shared>>) offsets(%dma_start3A_163 : memref<128xi32, #tpu.memory_space<vmem>>) semaphore(%arg18 : memref<!tpu.dma_semaphore, #tpu.memory_space<semaphore_mem>>) {add = true}
    }
    %scan3A_62 = arith.constant 39 : i32
    %dma_wait3A_63 = arith.constant 0 : i32
    %dma_wait3A_64 = arith.constant 0 : i32
    %dma_wait3A_65 = arith.constant 0 : i32
    %dma_wait3A_66 = arith.constant 0 : i32
    %dma_wait3A_67 = tpu.memref_slice %arg9[%dma_wait3A_63, %dma_wait3A_65, %dma_wait3A_66] : memref<2x128x128xf32, #tpu.memory_space<vmem>> -> memref<1x128x128xf32, #tpu.memory_space<vmem>>
    %dma_wait3A_68 = tpu.memref_squeeze %dma_wait3A_67 : memref<1x128x128xf32, #tpu.memory_space<vmem>> -> memref<128x128xf32, #tpu.memory_space<vmem>>
    %dma_wait3A_69 = arith.constant 0 : i32
    %dma_wait3A_70 = tpu.memref_slice %arg8[%dma_wait3A_64, %dma_wait3A_69] : memref<2x128xi32, #tpu.memory_space<vmem>> -> memref<1x128xi32, #tpu.memory_space<vmem>>
    %dma_wait3A_71 = tpu.memref_squeeze %dma_wait3A_70 : memref<1x128xi32, #tpu.memory_space<vmem>> -> memref<128xi32, #tpu.memory_space<vmem>>
    %dma_wait3A_72 = arith.constant 0 : i32
    %dma_wait3A_73 = arith.constant 0 : i32
    %dma_wait3A_74 = tpu.memref_slice %arg12[%dma_wait3A_72, %dma_wait3A_73] : memref<10240x128xf32, #tpu.memory_space<vmem_shared>> -> memref<10240x128xf32, #tpu.memory_space<vmem_shared>>
    tpu.wait_indirect_dma semaphore(%arg17 : memref<!tpu.dma_semaphore, #tpu.memory_space<semaphore_mem>>) src(%dma_wait3A_68 : memref<128x128xf32, #tpu.memory_space<vmem>>) dst(%dma_wait3A_74 : memref<10240x128xf32, #tpu.memory_space<vmem_shared>>)
    %dma_wait3A_75 = arith.constant 1 : i32
    %dma_wait3A_76 = arith.constant 1 : i32
    %dma_wait3A_77 = arith.constant 0 : i32
    %dma_wait3A_78 = arith.constant 0 : i32
    %dma_wait3A_79 = tpu.memref_slice %arg9[%dma_wait3A_75, %dma_wait3A_77, %dma_wait3A_78] : memref<2x128x128xf32, #tpu.memory_space<vmem>> -> memref<1x128x128xf32, #tpu.memory_space<vmem>>
    %dma_wait3A_80 = tpu.memref_squeeze %dma_wait3A_79 : memref<1x128x128xf32, #tpu.memory_space<vmem>> -> memref<128x128xf32, #tpu.memory_space<vmem>>
    %dma_wait3A_81 = arith.constant 0 : i32
    %dma_wait3A_82 = tpu.memref_slice %arg8[%dma_wait3A_76, %dma_wait3A_81] : memref<2x128xi32, #tpu.memory_space<vmem>> -> memref<1x128xi32, #tpu.memory_space<vmem>>
    %dma_wait3A_83 = tpu.memref_squeeze %dma_wait3A_82 : memref<1x128xi32, #tpu.memory_space<vmem>> -> memref<128xi32, #tpu.memory_space<vmem>>
    %dma_wait3A_84 = arith.constant 0 : i32
    %dma_wait3A_85 = arith.constant 0 : i32
    %dma_wait3A_86 = tpu.memref_slice %arg12[%dma_wait3A_84, %dma_wait3A_85] : memref<10240x128xf32, #tpu.memory_space<vmem_shared>> -> memref<10240x128xf32, #tpu.memory_space<vmem_shared>>
    tpu.wait_indirect_dma semaphore(%arg18 : memref<!tpu.dma_semaphore, #tpu.memory_space<semaphore_mem>>) src(%dma_wait3A_80 : memref<128x128xf32, #tpu.memory_space<vmem>>) dst(%dma_wait3A_86 : memref<10240x128xf32, #tpu.memory_space<vmem_shared>>)
    %add3A_87 = arith.constant 9984 : i32
    %add3A_88 = arith.addi %mul3A_2, %add3A_87 : i32
    "tpu.region"() ({
      %run_scoped3A_95 = tpu.sem_alloc : memref<!tpu.dma_semaphore, #tpu.memory_space<semaphore_mem>>
      %dma_start3A_96 = tpu.memref_slice %arg3[%add3A_88] : memref<320000xi32, #tpu.memory_space<hbm>> -> memref<16xi32, #tpu.memory_space<hbm>>
      %dma_start3A_97 = tpu.memref_slice %arg3[%add3A_88] : memref<320000xi32, #tpu.memory_space<hbm>> -> memref<16xi32, #tpu.memory_space<hbm>>
      tpu.enqueue_dma source(%dma_start3A_97 : memref<16xi32, #tpu.memory_space<hbm>>) target(%arg10 : memref<16xi32, #tpu.memory_space<vmem>>) target_semaphore(%run_scoped3A_95 : memref<!tpu.dma_semaphore, #tpu.memory_space<semaphore_mem>>)
      %dma_wait3A_98 = tpu.memref_slice %arg3[%add3A_88] : memref<320000xi32, #tpu.memory_space<hbm>> -> memref<16xi32, #tpu.memory_space<hbm>>
      %dma_wait3A_99 = tpu.memref_slice %arg3[%add3A_88] : memref<320000xi32, #tpu.memory_space<hbm>> -> memref<16xi32, #tpu.memory_space<hbm>>
      tpu.wait_dma2 semaphore(%run_scoped3A_95 : memref<!tpu.dma_semaphore, #tpu.memory_space<semaphore_mem>>) src(%dma_wait3A_99 : memref<16xi32, #tpu.memory_space<hbm>>) dst(%arg10 : memref<16xi32, #tpu.memory_space<vmem>>)
      tpu.yield
    }) : () -> ()
    "tpu.region"() ({
      %run_scoped3A_95 = tpu.sem_alloc : memref<!tpu.dma_semaphore, #tpu.memory_space<semaphore_mem>>
      %dma_start3A_96 = tpu.memref_slice %arg4[%add3A_88] : memref<320000xi32, #tpu.memory_space<hbm>> -> memref<16xi32, #tpu.memory_space<hbm>>
      %dma_start3A_97 = tpu.memref_slice %arg4[%add3A_88] : memref<320000xi32, #tpu.memory_space<hbm>> -> memref<16xi32, #tpu.memory_space<hbm>>
      tpu.enqueue_dma source(%dma_start3A_97 : memref<16xi32, #tpu.memory_space<hbm>>) target(%arg11 : memref<16xi32, #tpu.memory_space<vmem>>) target_semaphore(%run_scoped3A_95 : memref<!tpu.dma_semaphore, #tpu.memory_space<semaphore_mem>>)
      %dma_wait3A_98 = tpu.memref_slice %arg4[%add3A_88] : memref<320000xi32, #tpu.memory_space<hbm>> -> memref<16xi32, #tpu.memory_space<hbm>>
      %dma_wait3A_99 = tpu.memref_slice %arg4[%add3A_88] : memref<320000xi32, #tpu.memory_space<hbm>> -> memref<16xi32, #tpu.memory_space<hbm>>
      tpu.wait_dma2 semaphore(%run_scoped3A_95 : memref<!tpu.dma_semaphore, #tpu.memory_space<semaphore_mem>>) src(%dma_wait3A_99 : memref<16xi32, #tpu.memory_space<hbm>>) dst(%arg11 : memref<16xi32, #tpu.memory_space<vmem>>)
      tpu.yield
    }) : () -> ()
    %run_scoped3A = arith.constant 0 : i32
    "tpu.region"() ({
      %run_scoped3A_95 = tpu.sem_alloc : memref<!tpu.dma_semaphore, #tpu.memory_space<semaphore_mem>>
      %dma_start3A_96 = arith.constant 0 : i32
      %dma_start3A_97 = arith.constant 0 : i32
      %dma_start3A_98 = tpu.memref_slice %arg9[%run_scoped3A, %dma_start3A_96, %dma_start3A_97] : memref<2x128x128xf32, #tpu.memory_space<vmem>> -> memref<1x16x128xf32, #tpu.memory_space<vmem>>
      %dma_start3A_99 = tpu.memref_squeeze %dma_start3A_98 : memref<1x16x128xf32, #tpu.memory_space<vmem>> -> memref<16x128xf32, #tpu.memory_space<vmem>>
      %dma_start3A_100 = arith.constant 0 : i32
      %dma_start3A_101 = arith.constant 0 : i32
      %dma_start3A_102 = tpu.memref_slice %arg2[%dma_start3A_100, %dma_start3A_101] : memref<10000x128xf32, #tpu.memory_space<hbm>> -> memref<10000x128xf32, #tpu.memory_space<hbm>>
      tpu.enqueue_indirect_dma source(%dma_start3A_102 : memref<10000x128xf32, #tpu.memory_space<hbm>>) target(%dma_start3A_99 : memref<16x128xf32, #tpu.memory_space<vmem>>) offsets(%arg10 : memref<16xi32, #tpu.memory_space<vmem>>) semaphore(%run_scoped3A_95 : memref<!tpu.dma_semaphore, #tpu.memory_space<semaphore_mem>>)
      %dma_wait3A_103 = arith.constant 0 : i32
      %dma_wait3A_104 = arith.constant 0 : i32
      %dma_wait3A_105 = tpu.memref_slice %arg9[%run_scoped3A, %dma_wait3A_103, %dma_wait3A_104] : memref<2x128x128xf32, #tpu.memory_space<vmem>> -> memref<1x16x128xf32, #tpu.memory_space<vmem>>
      %dma_wait3A_106 = tpu.memref_squeeze %dma_wait3A_105 : memref<1x16x128xf32, #tpu.memory_space<vmem>> -> memref<16x128xf32, #tpu.memory_space<vmem>>
      %dma_wait3A_107 = arith.constant 0 : i32
      %dma_wait3A_108 = arith.constant 0 : i32
      %dma_wait3A_109 = tpu.memref_slice %arg2[%dma_wait3A_107, %dma_wait3A_108] : memref<10000x128xf32, #tpu.memory_space<hbm>> -> memref<10000x128xf32, #tpu.memory_space<hbm>>
      tpu.wait_indirect_dma semaphore(%run_scoped3A_95 : memref<!tpu.dma_semaphore, #tpu.memory_space<semaphore_mem>>) src(%dma_wait3A_109 : memref<10000x128xf32, #tpu.memory_space<hbm>>) dst(%dma_wait3A_106 : memref<16x128xf32, #tpu.memory_space<vmem>>)
      tpu.yield
    }) : () -> ()
    %run_scoped3A_89 = arith.constant 0 : i32
    "tpu.region"() ({
      %run_scoped3A_95 = tpu.sem_alloc : memref<!tpu.dma_semaphore, #tpu.memory_space<semaphore_mem>>
      %dma_start3A_96 = arith.constant 0 : i32
      %dma_start3A_97 = arith.constant 0 : i32
      %dma_start3A_98 = tpu.memref_slice %arg9[%run_scoped3A_89, %dma_start3A_96, %dma_start3A_97] : memref<2x128x128xf32, #tpu.memory_space<vmem>> -> memref<1x16x128xf32, #tpu.memory_space<vmem>>
      %dma_start3A_99 = tpu.memref_squeeze %dma_start3A_98 : memref<1x16x128xf32, #tpu.memory_space<vmem>> -> memref<16x128xf32, #tpu.memory_space<vmem>>
      %dma_start3A_100 = arith.constant 0 : i32
      %dma_start3A_101 = arith.constant 0 : i32
      %dma_start3A_102 = tpu.memref_slice %arg12[%dma_start3A_100, %dma_start3A_101] : memref<10240x128xf32, #tpu.memory_space<vmem_shared>> -> memref<10240x128xf32, #tpu.memory_space<vmem_shared>>
      tpu.enqueue_indirect_dma source(%dma_start3A_99 : memref<16x128xf32, #tpu.memory_space<vmem>>) target(%dma_start3A_102 : memref<10240x128xf32, #tpu.memory_space<vmem_shared>>) offsets(%arg11 : memref<16xi32, #tpu.memory_space<vmem>>) semaphore(%run_scoped3A_95 : memref<!tpu.dma_semaphore, #tpu.memory_space<semaphore_mem>>) {add = true}
      %dma_wait3A_103 = arith.constant 0 : i32
      %dma_wait3A_104 = arith.constant 0 : i32
      %dma_wait3A_105 = tpu.memref_slice %arg9[%run_scoped3A_89, %dma_wait3A_103, %dma_wait3A_104] : memref<2x128x128xf32, #tpu.memory_space<vmem>> -> memref<1x16x128xf32, #tpu.memory_space<vmem>>
      %dma_wait3A_106 = tpu.memref_squeeze %dma_wait3A_105 : memref<1x16x128xf32, #tpu.memory_space<vmem>> -> memref<16x128xf32, #tpu.memory_space<vmem>>
      %dma_wait3A_107 = arith.constant 0 : i32
      %dma_wait3A_108 = arith.constant 0 : i32
      %dma_wait3A_109 = tpu.memref_slice %arg12[%dma_wait3A_107, %dma_wait3A_108] : memref<10240x128xf32, #tpu.memory_space<vmem_shared>> -> memref<10240x128xf32, #tpu.memory_space<vmem_shared>>
      tpu.wait_indirect_dma semaphore(%run_scoped3A_95 : memref<!tpu.dma_semaphore, #tpu.memory_space<semaphore_mem>>) src(%dma_wait3A_106 : memref<16x128xf32, #tpu.memory_space<vmem>>) dst(%dma_wait3A_109 : memref<10240x128xf32, #tpu.memory_space<vmem_shared>>)
      tpu.yield
    }) : () -> ()
    %barrier3A_90 = arith.constant 0 : index
    tpu.barrier barrier_id(%barrier3A_90)
    %mul3A_91 = arith.constant 640 : i32
    %mul3A_92 = arith.muli %arg1, %mul3A_91 : i32
    %mul3A_93 = arith.constant 640 : i32
    %mul3A_94 = arith.muli %arg1, %mul3A_93 : i32
    "tpu.region"() ({
      %run_scoped3A_95 = tpu.sem_alloc : memref<!tpu.dma_semaphore, #tpu.memory_space<semaphore_mem>>
      %dma_start3A_96 = arith.constant 0 : i32
      %dma_start3A_97 = tpu.memref_slice %arg6[%arg0, %mul3A_94, %dma_start3A_96] : memref<2x10240x128xf32, #tpu.memory_space<hbm>> -> memref<1x640x128xf32, #tpu.memory_space<hbm>>
      %dma_start3A_98 = tpu.memref_squeeze %dma_start3A_97 : memref<1x640x128xf32, #tpu.memory_space<hbm>> -> memref<640x128xf32, #tpu.memory_space<hbm>>
      %dma_start3A_99 = arith.constant 0 : i32
      %dma_start3A_100 = tpu.memref_slice %arg12[%mul3A_92, %dma_start3A_99] : memref<10240x128xf32, #tpu.memory_space<vmem_shared>> -> memref<640x128xf32, #tpu.memory_space<vmem_shared>>
      tpu.enqueue_dma source(%dma_start3A_100 : memref<640x128xf32, #tpu.memory_space<vmem_shared>>) target(%dma_start3A_98 : memref<640x128xf32, #tpu.memory_space<hbm>>) target_semaphore(%run_scoped3A_95 : memref<!tpu.dma_semaphore, #tpu.memory_space<semaphore_mem>>)
      %dma_wait3A_101 = arith.constant 0 : i32
      %dma_wait3A_102 = tpu.memref_slice %arg6[%arg0, %mul3A_94, %dma_wait3A_101] : memref<2x10240x128xf32, #tpu.memory_space<hbm>> -> memref<1x640x128xf32, #tpu.memory_space<hbm>>
      %dma_wait3A_103 = tpu.memref_squeeze %dma_wait3A_102 : memref<1x640x128xf32, #tpu.memory_space<hbm>> -> memref<640x128xf32, #tpu.memory_space<hbm>>
      %dma_wait3A_104 = arith.constant 0 : i32
      %dma_wait3A_105 = tpu.memref_slice %arg12[%mul3A_92, %dma_wait3A_104] : memref<10240x128xf32, #tpu.memory_space<vmem_shared>> -> memref<640x128xf32, #tpu.memory_space<vmem_shared>>
      tpu.wait_dma2 semaphore(%run_scoped3A_95 : memref<!tpu.dma_semaphore, #tpu.memory_space<semaphore_mem>>) src(%dma_wait3A_105 : memref<640x128xf32, #tpu.memory_space<vmem_shared>>) dst(%dma_wait3A_103 : memref<640x128xf32, #tpu.memory_space<hbm>>)
      tpu.yield
    }) : () -> ()
    return
  }
}

#map = affine_map<(d0, d1) -> (0, 0)>
#map1 = affine_map<(d0, d1) -> (0)>
#map2 = affine_map<(d0, d1) -> (0, 0, 0)>
module attributes {stable_mosaic.version = 14 : i64} {
  func.func @k(%arg0: i32, %arg1: i32, %arg2: memref<10000x128xf32, #tpu.memory_space<hbm>>, %arg3: memref<320000xi32, #tpu.memory_space<hbm>>, %arg4: memref<320000xi32, #tpu.memory_space<hbm>>, %arg5: memref<640x128xf32, #tpu.memory_space<hbm>>, %arg6: memref<2x10240x128xf32, #tpu.memory_space<hbm>>, %arg7: memref<2x128xi32, #tpu.memory_space<vmem>>, %arg8: memref<2x128xi32, #tpu.memory_space<vmem>>, %arg9: memref<2x128x128xf32, #tpu.memory_space<vmem>>, %arg10: memref<16xi32, #tpu.memory_space<vmem>>, %arg11: memref<16xi32, #tpu.memory_space<vmem>>, %arg12: memref<10240x128xf32, #tpu.memory_space<vmem_shared>>, %arg13: memref<!tpu.dma_semaphore, #tpu.memory_space<semaphore_mem>>, %arg14: memref<!tpu.dma_semaphore, #tpu.memory_space<semaphore_mem>>, %arg15: memref<!tpu.dma_semaphore, #tpu.memory_space<semaphore_mem>>, %arg16: memref<!tpu.dma_semaphore, #tpu.memory_space<semaphore_mem>>, %arg17: memref<!tpu.dma_semaphore, #tpu.memory_space<semaphore_mem>>, %arg18: memref<!tpu.dma_semaphore, #tpu.memory_space<semaphore_mem>>) attributes {dimension_semantics = [#tpu.dimension_semantics<core_parallel>, #tpu.dimension_semantics<subcore_parallel>], iteration_bounds = array<i64: 2, 16>, scalar_prefetch = 0 : i64, scratch_operands = 12 : i64, tpu.core_type = #tpu.core_type<sc_vector_subcore>, window_params = [{transform_indices = #map}, {transform_indices = #map1}, {transform_indices = #map1}, {transform_indices = #map}, {transform_indices = #map2}]} {
    %mul3A = arith.constant 2 : i32
    %mul3A_0 = arith.muli %arg1, %mul3A : i32
    %add3A = arith.addi %mul3A_0, %arg0 : i32
    %mul3A_1 = arith.constant 10000 : i32
    %mul3A_2 = arith.muli %add3A, %mul3A_1 : i32
    %mul3A_3 = arith.constant 640 : i32
    %mul3A_4 = arith.muli %arg1, %mul3A_3 : i32
    "tpu.region"() ({
      %run_scoped3A_95 = tpu.sem_alloc : memref<!tpu.dma_semaphore, #tpu.memory_space<semaphore_mem>>
      %dma_start3A_96 = arith.constant 0 : i32
      %dma_start3A_97 = tpu.memref_slice %arg12[%mul3A_4, %dma_start3A_96] : memref<10240x128xf32, #tpu.memory_space<vmem_shared>> -> memref<640x128xf32, #tpu.memory_space<vmem_shared>>
      tpu.enqueue_dma source(%arg5 : memref<640x128xf32, #tpu.memory_space<hbm>>) target(%dma_start3A_97 : memref<640x128xf32, #tpu.memory_space<vmem_shared>>) target_semaphore(%run_scoped3A_95 : memref<!tpu.dma_semaphore, #tpu.memory_space<semaphore_mem>>)
      %dma_wait3A_98 = arith.constant 0 : i32
      %dma_wait3A_99 = tpu.memref_slice %arg12[%mul3A_4, %dma_wait3A_98] : memref<10240x128xf32, #tpu.memory_space<vmem_shared>> -> memref<640x128xf32, #tpu.memory_space<vmem_shared>>
      tpu.wait_dma2 semaphore(%run_scoped3A_95 : memref<!tpu.dma_semaphore, #tpu.memory_space<semaphore_mem>>) src(%arg5 : memref<640x128xf32, #tpu.memory_space<hbm>>) dst(%dma_wait3A_99 : memref<640x128xf32, #tpu.memory_space<vmem_shared>>)
      tpu.yield
    }) : () -> ()
    %barrier3A = arith.constant 0 : index
    tpu.barrier barrier_id(%barrier3A)
    %add3A_5 = arith.constant 0 : i32
    %add3A_6 = arith.addi %mul3A_2, %add3A_5 : i32
    %dma_start3A = arith.constant 0 : i32
    %dma_start3A_7 = arith.constant 0 : i32
    %dma_start3A_8 = tpu.memref_slice %arg7[%dma_start3A, %dma_start3A_7] : memref<2x128xi32, #tpu.memory_space<vmem>> -> memref<1x128xi32, #tpu.memory_space<vmem>>
    %dma_start3A_9 = tpu.memref_squeeze %dma_start3A_8 : memref<1x128xi32, #tpu.memory_space<vmem>> -> memref<128xi32, #tpu.memory_space<vmem>>
    %dma_start3A_10 = tpu.memref_slice %arg3[%add3A_6] : memref<320000xi32, #tpu.memory_space<hbm>> -> memref<128xi32, #tpu.memory_space<hbm>>
    %dma_start3A_11 = arith.constant 0 : i32
    %dma_start3A_12 = tpu.memref_slice %arg7[%dma_start3A, %dma_start3A_11] : memref<2x128xi32, #tpu.memory_space<vmem>> -> memref<1x128xi32, #tpu.memory_space<vmem>>
    %dma_start3A_13 = tpu.memref_squeeze %dma_start3A_12 : memref<1x128xi32, #tpu.memory_space<vmem>> -> memref<128xi32, #tpu.memory_space<vmem>>
    %dma_start3A_14 = tpu.memref_slice %arg3[%add3A_6] : memref<320000xi32, #tpu.memory_space<hbm>> -> memref<128xi32, #tpu.memory_space<hbm>>
    tpu.enqueue_dma source(%dma_start3A_14 : memref<128xi32, #tpu.memory_space<hbm>>) target(%dma_start3A_13 : memref<128xi32, #tpu.memory_space<vmem>>) target_semaphore(%arg13 : memref<!tpu.dma_semaphore, #tpu.memory_space<semaphore_mem>>)
    %add3A_15 = arith.constant 0 : i32
    %add3A_16 = arith.addi %mul3A_2, %add3A_15 : i32
    %dma_start3A_17 = arith.constant 0 : i32
    %dma_start3A_18 = arith.constant 0 : i32
    %dma_start3A_19 = tpu.memref_slice %arg8[%dma_start3A_17, %dma_start3A_18] : memref<2x128xi32, #tpu.memory_space<vmem>> -> memref<1x128xi32, #tpu.memory_space<vmem>>
    %dma_start3A_20 = tpu.memref_squeeze %dma_start3A_19 : memref<1x128xi32, #tpu.memory_space<vmem>> -> memref<128xi32, #tpu.memory_space<vmem>>
    %dma_start3A_21 = tpu.memref_slice %arg4[%add3A_16] : memref<320000xi32, #tpu.memory_space<hbm>> -> memref<128xi32, #tpu.memory_space<hbm>>
    %dma_start3A_22 = arith.constant 0 : i32
    %dma_start3A_23 = tpu.memref_slice %arg8[%dma_start3A_17, %dma_start3A_22] : memref<2x128xi32, #tpu.memory_space<vmem>> -> memref<1x128xi32, #tpu.memory_space<vmem>>
    %dma_start3A_24 = tpu.memref_squeeze %dma_start3A_23 : memref<1x128xi32, #tpu.memory_space<vmem>> -> memref<128xi32, #tpu.memory_space<vmem>>
    %dma_start3A_25 = tpu.memref_slice %arg4[%add3A_16] : memref<320000xi32, #tpu.memory_space<hbm>> -> memref<128xi32, #tpu.memory_space<hbm>>
    tpu.enqueue_dma source(%dma_start3A_25 : memref<128xi32, #tpu.memory_space<hbm>>) target(%dma_start3A_24 : memref<128xi32, #tpu.memory_space<vmem>>) target_semaphore(%arg13 : memref<!tpu.dma_semaphore, #tpu.memory_space<semaphore_mem>>)
    %add3A_26 = arith.constant 0 : i32
    %add3A_27 = arith.addi %mul3A_2, %add3A_26 : i32
    %dma_wait3A = arith.constant 0 : i32
    %dma_wait3A_28 = arith.constant 0 : i32
    %dma_wait3A_29 = tpu.memref_slice %arg7[%dma_wait3A, %dma_wait3A_28] : memref<2x128xi32, #tpu.memory_space<vmem>> -> memref<1x128xi32, #tpu.memory_space<vmem>>
    %dma_wait3A_30 = tpu.memref_squeeze %dma_wait3A_29 : memref<1x128xi32, #tpu.memory_space<vmem>> -> memref<128xi32, #tpu.memory_space<vmem>>
    %dma_wait3A_31 = tpu.memref_slice %arg3[%add3A_27] : memref<320000xi32, #tpu.memory_space<hbm>> -> memref<128xi32, #tpu.memory_space<hbm>>
    %dma_wait3A_32 = arith.constant 0 : i32
    %dma_wait3A_33 = tpu.memref_slice %arg7[%dma_wait3A, %dma_wait3A_32] : memref<2x128xi32, #tpu.memory_space<vmem>> -> memref<1x128xi32, #tpu.memory_space<vmem>>
    %dma_wait3A_34 = tpu.memref_squeeze %dma_wait3A_33 : memref<1x128xi32, #tpu.memory_space<vmem>> -> memref<128xi32, #tpu.memory_space<vmem>>
    %dma_wait3A_35 = tpu.memref_slice %arg3[%add3A_27] : memref<320000xi32, #tpu.memory_space<hbm>> -> memref<128xi32, #tpu.memory_space<hbm>>
    tpu.wait_dma2 semaphore(%arg13 : memref<!tpu.dma_semaphore, #tpu.memory_space<semaphore_mem>>) src(%dma_wait3A_35 : memref<128xi32, #tpu.memory_space<hbm>>) dst(%dma_wait3A_34 : memref<128xi32, #tpu.memory_space<vmem>>)
    %add3A_36 = arith.constant 0 : i32
    %add3A_37 = arith.addi %mul3A_2, %add3A_36 : i32
    %dma_wait3A_38 = arith.constant 0 : i32
    %dma_wait3A_39 = arith.constant 0 : i32
    %dma_wait3A_40 = tpu.memref_slice %arg8[%dma_wait3A_38, %dma_wait3A_39] : memref<2x128xi32, #tpu.memory_space<vmem>> -> memref<1x128xi32, #tpu.memory_space<vmem>>
    %dma_wait3A_41 = tpu.memref_squeeze %dma_wait3A_40 : memref<1x128xi32, #tpu.memory_space<vmem>> -> memref<128xi32, #tpu.memory_space<vmem>>
    %dma_wait3A_42 = tpu.memref_slice %arg4[%add3A_37] : memref<320000xi32, #tpu.memory_space<hbm>> -> memref<128xi32, #tpu.memory_space<hbm>>
    %dma_wait3A_43 = arith.constant 0 : i32
    %dma_wait3A_44 = tpu.memref_slice %arg8[%dma_wait3A_38, %dma_wait3A_43] : memref<2x128xi32, #tpu.memory_space<vmem>> -> memref<1x128xi32, #tpu.memory_space<vmem>>
    %dma_wait3A_45 = tpu.memref_squeeze %dma_wait3A_44 : memref<1x128xi32, #tpu.memory_space<vmem>> -> memref<128xi32, #tpu.memory_space<vmem>>
    %dma_wait3A_46 = tpu.memref_slice %arg4[%add3A_37] : memref<320000xi32, #tpu.memory_space<hbm>> -> memref<128xi32, #tpu.memory_space<hbm>>
    tpu.wait_dma2 semaphore(%arg13 : memref<!tpu.dma_semaphore, #tpu.memory_space<semaphore_mem>>) src(%dma_wait3A_46 : memref<128xi32, #tpu.memory_space<hbm>>) dst(%dma_wait3A_45 : memref<128xi32, #tpu.memory_space<vmem>>)
    %dma_start3A_47 = arith.constant 0 : i32
    %dma_start3A_48 = arith.constant 0 : i32
    %dma_start3A_49 = arith.constant 0 : i32
    %dma_start3A_50 = arith.constant 0 : i32
    %dma_start3A_51 = tpu.memref_slice %arg9[%dma_start3A_48, %dma_start3A_49, %dma_start3A_50] : memref<2x128x128xf32, #tpu.memory_space<vmem>> -> memref<1x128x128xf32, #tpu.memory_space<vmem>>
    %dma_start3A_52 = tpu.memref_squeeze %dma_start3A_51 : memref<1x128x128xf32, #tpu.memory_space<vmem>> -> memref<128x128xf32, #tpu.memory_space<vmem>>
    %dma_start3A_53 = arith.constant 0 : i32
    %dma_start3A_54 = tpu.memref_slice %arg7[%dma_start3A_47, %dma_start3A_53] : memref<2x128xi32, #tpu.memory_space<vmem>> -> memref<1x128xi32, #tpu.memory_space<vmem>>
    %dma_start3A_55 = tpu.memref_squeeze %dma_start3A_54 : memref<1x128xi32, #tpu.memory_space<vmem>> -> memref<128xi32, #tpu.memory_space<vmem>>
    %dma_start3A_56 = arith.constant 0 : i32
    %dma_start3A_57 = arith.constant 0 : i32
    %dma_start3A_58 = tpu.memref_slice %arg2[%dma_start3A_56, %dma_start3A_57] : memref<10000x128xf32, #tpu.memory_space<hbm>> -> memref<10000x128xf32, #tpu.memory_space<hbm>>
    tpu.enqueue_indirect_dma source(%dma_start3A_58 : memref<10000x128xf32, #tpu.memory_space<hbm>>) target(%dma_start3A_52 : memref<128x128xf32, #tpu.memory_space<vmem>>) offsets(%dma_start3A_55 : memref<128xi32, #tpu.memory_space<vmem>>) semaphore(%arg15 : memref<!tpu.dma_semaphore, #tpu.memory_space<semaphore_mem>>)
    %scan3A = arith.constant 0 : i32
    %scan3A_59 = arith.constant 39 : i32
    %scan3A_60 = arith.addi %scan3A, %scan3A_59 : i32
    %scan3A_61 = arith.constant 1 : i32
    scf.for %scan3A_95 = %scan3A to %scan3A_60 step %scan3A_61  : i32 {
      %mul3A_96 = arith.constant 1 : i32
      %mul3A_97 = arith.muli %scan3A_95, %mul3A_96 : i32
      %add3A_98 = arith.constant 0 : i32
      %add3A_99 = arith.addi %add3A_98, %mul3A_97 : i32
      %mul3A_100 = arith.constant 2 : i32
      %mul3A_101 = arith.muli %add3A_99, %mul3A_100 : i32
      %add3A_102 = arith.constant 0 : i32
      %add3A_103 = arith.addi %mul3A_101, %add3A_102 : i32
      %add3A_104 = arith.constant 1 : i32
      %add3A_105 = arith.addi %add3A_103, %add3A_104 : i32
      %lt3A = arith.constant 78 : i32
      %lt3A_106 = arith.cmpi slt, %add3A_105, %lt3A : i32
      %convert_element_type3A = arith.extui %lt3A_106 : i1 to i32
      %cond3A = arith.constant 0 : i32
      %cond3A_107 = arith.cmpi ne, %convert_element_type3A, %cond3A : i32
      scf.if %cond3A_107 {
        %ge3A = arith.constant 1 : i32
        %ge3A_167 = arith.cmpi sge, %add3A_103, %ge3A : i32
        %convert_element_type3A_168 = arith.extui %ge3A_167 : i1 to i32
        %cond3A_169 = arith.constant 0 : i32
        %cond3A_170 = arith.cmpi ne, %convert_element_type3A_168, %cond3A_169 : i32
        scf.if %cond3A_170 {
          %dma_wait3A_235 = arith.constant 1 : i32
          %dma_wait3A_236 = arith.constant 1 : i32
          %dma_wait3A_237 = arith.constant 0 : i32
          %dma_wait3A_238 = arith.constant 0 : i32
          %dma_wait3A_239 = tpu.memref_slice %arg9[%dma_wait3A_235, %dma_wait3A_237, %dma_wait3A_238] : memref<2x128x128xf32, #tpu.memory_space<vmem>> -> memref<1x128x128xf32, #tpu.memory_space<vmem>>
          %dma_wait3A_240 = tpu.memref_squeeze %dma_wait3A_239 : memref<1x128x128xf32, #tpu.memory_space<vmem>> -> memref<128x128xf32, #tpu.memory_space<vmem>>
          %dma_wait3A_241 = arith.constant 0 : i32
          %dma_wait3A_242 = tpu.memref_slice %arg8[%dma_wait3A_236, %dma_wait3A_241] : memref<2x128xi32, #tpu.memory_space<vmem>> -> memref<1x128xi32, #tpu.memory_space<vmem>>
          %dma_wait3A_243 = tpu.memref_squeeze %dma_wait3A_242 : memref<1x128xi32, #tpu.memory_space<vmem>> -> memref<128xi32, #tpu.memory_space<vmem>>
          %dma_wait3A_244 = arith.constant 0 : i32
          %dma_wait3A_245 = arith.constant 0 : i32
          %dma_wait3A_246 = tpu.memref_slice %arg12[%dma_wait3A_244, %dma_wait3A_245] : memref<10240x128xf32, #tpu.memory_space<vmem_shared>> -> memref<10240x128xf32, #tpu.memory_space<vmem_shared>>
          tpu.wait_indirect_dma semaphore(%arg18 : memref<!tpu.dma_semaphore, #tpu.memory_space<semaphore_mem>>) src(%dma_wait3A_240 : memref<128x128xf32, #tpu.memory_space<vmem>>) dst(%dma_wait3A_246 : memref<10240x128xf32, #tpu.memory_space<vmem_shared>>)
        } else {
        }
        %add3A_171 = arith.constant 1 : i32
        %add3A_172 = arith.addi %add3A_103, %add3A_171 : i32
        %mul3A_173 = arith.constant 128 : i32
        %mul3A_174 = arith.muli %add3A_172, %mul3A_173 : i32
        %add3A_175 = arith.addi %mul3A_2, %mul3A_174 : i32
        %dma_start3A_176 = arith.constant 1 : i32
        %dma_start3A_177 = arith.constant 0 : i32
        %dma_start3A_178 = tpu.memref_slice %arg7[%dma_start3A_176, %dma_start3A_177] : memref<2x128xi32, #tpu.memory_space<vmem>> -> memref<1x128xi32, #tpu.memory_space<vmem>>
        %dma_start3A_179 = tpu.memref_squeeze %dma_start3A_178 : memref<1x128xi32, #tpu.memory_space<vmem>> -> memref<128xi32, #tpu.memory_space<vmem>>
        %dma_start3A_180 = tpu.memref_slice %arg3[%add3A_175] : memref<320000xi32, #tpu.memory_space<hbm>> -> memref<128xi32, #tpu.memory_space<hbm>>
        %dma_start3A_181 = arith.constant 0 : i32
        %dma_start3A_182 = tpu.memref_slice %arg7[%dma_start3A_176, %dma_start3A_181] : memref<2x128xi32, #tpu.memory_space<vmem>> -> memref<1x128xi32, #tpu.memory_space<vmem>>
        %dma_start3A_183 = tpu.memref_squeeze %dma_start3A_182 : memref<1x128xi32, #tpu.memory_space<vmem>> -> memref<128xi32, #tpu.memory_space<vmem>>
        %dma_start3A_184 = tpu.memref_slice %arg3[%add3A_175] : memref<320000xi32, #tpu.memory_space<hbm>> -> memref<128xi32, #tpu.memory_space<hbm>>
        tpu.enqueue_dma source(%dma_start3A_184 : memref<128xi32, #tpu.memory_space<hbm>>) target(%dma_start3A_183 : memref<128xi32, #tpu.memory_space<vmem>>) target_semaphore(%arg14 : memref<!tpu.dma_semaphore, #tpu.memory_space<semaphore_mem>>)
        %mul3A_185 = arith.constant 128 : i32
        %mul3A_186 = arith.muli %add3A_172, %mul3A_185 : i32
        %add3A_187 = arith.addi %mul3A_2, %mul3A_186 : i32
        %dma_start3A_188 = arith.constant 1 : i32
        %dma_start3A_189 = arith.constant 0 : i32
        %dma_start3A_190 = tpu.memref_slice %arg8[%dma_start3A_188, %dma_start3A_189] : memref<2x128xi32, #tpu.memory_space<vmem>> -> memref<1x128xi32, #tpu.memory_space<vmem>>
        %dma_start3A_191 = tpu.memref_squeeze %dma_start3A_190 : memref<1x128xi32, #tpu.memory_space<vmem>> -> memref<128xi32, #tpu.memory_space<vmem>>
        %dma_start3A_192 = tpu.memref_slice %arg4[%add3A_187] : memref<320000xi32, #tpu.memory_space<hbm>> -> memref<128xi32, #tpu.memory_space<hbm>>
        %dma_start3A_193 = arith.constant 0 : i32
        %dma_start3A_194 = tpu.memref_slice %arg8[%dma_start3A_188, %dma_start3A_193] : memref<2x128xi32, #tpu.memory_space<vmem>> -> memref<1x128xi32, #tpu.memory_space<vmem>>
        %dma_start3A_195 = tpu.memref_squeeze %dma_start3A_194 : memref<1x128xi32, #tpu.memory_space<vmem>> -> memref<128xi32, #tpu.memory_space<vmem>>
        %dma_start3A_196 = tpu.memref_slice %arg4[%add3A_187] : memref<320000xi32, #tpu.memory_space<hbm>> -> memref<128xi32, #tpu.memory_space<hbm>>
        tpu.enqueue_dma source(%dma_start3A_196 : memref<128xi32, #tpu.memory_space<hbm>>) target(%dma_start3A_195 : memref<128xi32, #tpu.memory_space<vmem>>) target_semaphore(%arg14 : memref<!tpu.dma_semaphore, #tpu.memory_space<semaphore_mem>>)
        %add3A_197 = arith.constant 1 : i32
        %add3A_198 = arith.addi %add3A_103, %add3A_197 : i32
        %mul3A_199 = arith.constant 128 : i32
        %mul3A_200 = arith.muli %add3A_198, %mul3A_199 : i32
        %add3A_201 = arith.addi %mul3A_2, %mul3A_200 : i32
        %dma_wait3A_202 = arith.constant 1 : i32
        %dma_wait3A_203 = arith.constant 0 : i32
        %dma_wait3A_204 = tpu.memref_slice %arg7[%dma_wait3A_202, %dma_wait3A_203] : memref<2x128xi32, #tpu.memory_space<vmem>> -> memref<1x128xi32, #tpu.memory_space<vmem>>
        %dma_wait3A_205 = tpu.memref_squeeze %dma_wait3A_204 : memref<1x128xi32, #tpu.memory_space<vmem>> -> memref<128xi32, #tpu.memory_space<vmem>>
        %dma_wait3A_206 = tpu.memref_slice %arg3[%add3A_201] : memref<320000xi32, #tpu.memory_space<hbm>> -> memref<128xi32, #tpu.memory_space<hbm>>
        %dma_wait3A_207 = arith.constant 0 : i32
        %dma_wait3A_208 = tpu.memref_slice %arg7[%dma_wait3A_202, %dma_wait3A_207] : memref<2x128xi32, #tpu.memory_space<vmem>> -> memref<1x128xi32, #tpu.memory_space<vmem>>
        %dma_wait3A_209 = tpu.memref_squeeze %dma_wait3A_208 : memref<1x128xi32, #tpu.memory_space<vmem>> -> memref<128xi32, #tpu.memory_space<vmem>>
        %dma_wait3A_210 = tpu.memref_slice %arg3[%add3A_201] : memref<320000xi32, #tpu.memory_space<hbm>> -> memref<128xi32, #tpu.memory_space<hbm>>
        tpu.wait_dma2 semaphore(%arg14 : memref<!tpu.dma_semaphore, #tpu.memory_space<semaphore_mem>>) src(%dma_wait3A_210 : memref<128xi32, #tpu.memory_space<hbm>>) dst(%dma_wait3A_209 : memref<128xi32, #tpu.memory_space<vmem>>)
        %mul3A_211 = arith.constant 128 : i32
        %mul3A_212 = arith.muli %add3A_198, %mul3A_211 : i32
        %add3A_213 = arith.addi %mul3A_2, %mul3A_212 : i32
        %dma_wait3A_214 = arith.constant 1 : i32
        %dma_wait3A_215 = arith.constant 0 : i32
        %dma_wait3A_216 = tpu.memref_slice %arg8[%dma_wait3A_214, %dma_wait3A_215] : memref<2x128xi32, #tpu.memory_space<vmem>> -> memref<1x128xi32, #tpu.memory_space<vmem>>
        %dma_wait3A_217 = tpu.memref_squeeze %dma_wait3A_216 : memref<1x128xi32, #tpu.memory_space<vmem>> -> memref<128xi32, #tpu.memory_space<vmem>>
        %dma_wait3A_218 = tpu.memref_slice %arg4[%add3A_213] : memref<320000xi32, #tpu.memory_space<hbm>> -> memref<128xi32, #tpu.memory_space<hbm>>
        %dma_wait3A_219 = arith.constant 0 : i32
        %dma_wait3A_220 = tpu.memref_slice %arg8[%dma_wait3A_214, %dma_wait3A_219] : memref<2x128xi32, #tpu.memory_space<vmem>> -> memref<1x128xi32, #tpu.memory_space<vmem>>
        %dma_wait3A_221 = tpu.memref_squeeze %dma_wait3A_220 : memref<1x128xi32, #tpu.memory_space<vmem>> -> memref<128xi32, #tpu.memory_space<vmem>>
        %dma_wait3A_222 = tpu.memref_slice %arg4[%add3A_213] : memref<320000xi32, #tpu.memory_space<hbm>> -> memref<128xi32, #tpu.memory_space<hbm>>
        tpu.wait_dma2 semaphore(%arg14 : memref<!tpu.dma_semaphore, #tpu.memory_space<semaphore_mem>>) src(%dma_wait3A_222 : memref<128xi32, #tpu.memory_space<hbm>>) dst(%dma_wait3A_221 : memref<128xi32, #tpu.memory_space<vmem>>)
        %dma_start3A_223 = arith.constant 1 : i32
        %dma_start3A_224 = arith.constant 1 : i32
        %dma_start3A_225 = arith.constant 0 : i32
        %dma_start3A_226 = arith.constant 0 : i32
        %dma_start3A_227 = tpu.memref_slice %arg9[%dma_start3A_224, %dma_start3A_225, %dma_start3A_226] : memref<2x128x128xf32, #tpu.memory_space<vmem>> -> memref<1x128x128xf32, #tpu.memory_space<vmem>>
        %dma_start3A_228 = tpu.memref_squeeze %dma_start3A_227 : memref<1x128x128xf32, #tpu.memory_space<vmem>> -> memref<128x128xf32, #tpu.memory_space<vmem>>
        %dma_start3A_229 = arith.constant 0 : i32
        %dma_start3A_230 = tpu.memref_slice %arg7[%dma_start3A_223, %dma_start3A_229] : memref<2x128xi32, #tpu.memory_space<vmem>> -> memref<1x128xi32, #tpu.memory_space<vmem>>
        %dma_start3A_231 = tpu.memref_squeeze %dma_start3A_230 : memref<1x128xi32, #tpu.memory_space<vmem>> -> memref<128xi32, #tpu.memory_space<vmem>>
        %dma_start3A_232 = arith.constant 0 : i32
        %dma_start3A_233 = arith.constant 0 : i32
        %dma_start3A_234 = tpu.memref_slice %arg2[%dma_start3A_232, %dma_start3A_233] : memref<10000x128xf32, #tpu.memory_space<hbm>> -> memref<10000x128xf32, #tpu.memory_space<hbm>>
        tpu.enqueue_indirect_dma source(%dma_start3A_234 : memref<10000x128xf32, #tpu.memory_space<hbm>>) target(%dma_start3A_228 : memref<128x128xf32, #tpu.memory_space<vmem>>) offsets(%dma_start3A_231 : memref<128xi32, #tpu.memory_space<vmem>>) semaphore(%arg16 : memref<!tpu.dma_semaphore, #tpu.memory_space<semaphore_mem>>)
      } else {
      }
      %dma_wait3A_108 = arith.constant 0 : i32
      %dma_wait3A_109 = arith.constant 0 : i32
      %dma_wait3A_110 = arith.constant 0 : i32
      %dma_wait3A_111 = arith.constant 0 : i32
      %dma_wait3A_112 = tpu.memref_slice %arg9[%dma_wait3A_109, %dma_wait3A_110, %dma_wait3A_111] : memref<2x128x128xf32, #tpu.memory_space<vmem>> -> memref<1x128x128xf32, #tpu.memory_space<vmem>>
      %dma_wait3A_113 = tpu.memref_squeeze %dma_wait3A_112 : memref<1x128x128xf32, #tpu.memory_space<vmem>> -> memref<128x128xf32, #tpu.memory_space<vmem>>
      %dma_wait3A_114 = arith.constant 0 : i32
      %dma_wait3A_115 = tpu.memref_slice %arg7[%dma_wait3A_108, %dma_wait3A_114] : memref<2x128xi32, #tpu.memory_space<vmem>> -> memref<1x128xi32, #tpu.memory_space<vmem>>
      %dma_wait3A_116 = tpu.memref_squeeze %dma_wait3A_115 : memref<1x128xi32, #tpu.memory_space<vmem>> -> memref<128xi32, #tpu.memory_space<vmem>>
      %dma_wait3A_117 = arith.constant 0 : i32
      %dma_wait3A_118 = arith.constant 0 : i32
      %dma_wait3A_119 = tpu.memref_slice %arg2[%dma_wait3A_117, %dma_wait3A_118] : memref<10000x128xf32, #tpu.memory_space<hbm>> -> memref<10000x128xf32, #tpu.memory_space<hbm>>
      tpu.wait_indirect_dma semaphore(%arg15 : memref<!tpu.dma_semaphore, #tpu.memory_space<semaphore_mem>>) src(%dma_wait3A_119 : memref<10000x128xf32, #tpu.memory_space<hbm>>) dst(%dma_wait3A_113 : memref<128x128xf32, #tpu.memory_space<vmem>>)
      %dma_start3A_120 = arith.constant 0 : i32
      %dma_start3A_121 = arith.constant 0 : i32
      %dma_start3A_122 = arith.constant 0 : i32
      %dma_start3A_123 = arith.constant 0 : i32
      %dma_start3A_124 = tpu.memref_slice %arg9[%dma_start3A_120, %dma_start3A_122, %dma_start3A_123] : memref<2x128x128xf32, #tpu.memory_space<vmem>> -> memref<1x128x128xf32, #tpu.memory_space<vmem>>
      %dma_start3A_125 = tpu.memref_squeeze %dma_start3A_124 : memref<1x128x128xf32, #tpu.memory_space<vmem>> -> memref<128x128xf32, #tpu.memory_space<vmem>>
      %dma_start3A_126 = arith.constant 0 : i32
      %dma_start3A_127 = tpu.memref_slice %arg8[%dma_start3A_121, %dma_start3A_126] : memref<2x128xi32, #tpu.memory_space<vmem>> -> memref<1x128xi32, #tpu.memory_space<vmem>>
      %dma_start3A_128 = tpu.memref_squeeze %dma_start3A_127 : memref<1x128xi32, #tpu.memory_space<vmem>> -> memref<128xi32, #tpu.memory_space<vmem>>
      %dma_start3A_129 = arith.constant 0 : i32
      %dma_start3A_130 = arith.constant 0 : i32
      %dma_start3A_131 = tpu.memref_slice %arg12[%dma_start3A_129, %dma_start3A_130] : memref<10240x128xf32, #tpu.memory_space<vmem_shared>> -> memref<10240x128xf32, #tpu.memory_space<vmem_shared>>
      tpu.enqueue_indirect_dma source(%dma_start3A_125 : memref<128x128xf32, #tpu.memory_space<vmem>>) target(%dma_start3A_131 : memref<10240x128xf32, #tpu.memory_space<vmem_shared>>) offsets(%dma_start3A_128 : memref<128xi32, #tpu.memory_space<vmem>>) semaphore(%arg17 : memref<!tpu.dma_semaphore, #tpu.memory_space<semaphore_mem>>) {add = true}
      %mul3A_132 = arith.constant 2 : i32
      %mul3A_133 = arith.muli %add3A_99, %mul3A_132 : i32
      %add3A_134 = arith.constant 1 : i32
      %add3A_135 = arith.addi %mul3A_133, %add3A_134 : i32
      %add3A_136 = arith.constant 1 : i32
      %add3A_137 = arith.addi %add3A_135, %add3A_136 : i32
      %lt3A_138 = arith.constant 78 : i32
      %lt3A_139 = arith.cmpi slt, %add3A_137, %lt3A_138 : i32
      %convert_element_type3A_140 = arith.extui %lt3A_139 : i1 to i32
      %cond3A_141 = arith.constant 0 : i32
      %cond3A_142 = arith.cmpi ne, %convert_element_type3A_140, %cond3A_141 : i32
      scf.if %cond3A_142 {
        %ge3A = arith.constant 1 : i32
        %ge3A_167 = arith.cmpi sge, %add3A_135, %ge3A : i32
        %convert_element_type3A_168 = arith.extui %ge3A_167 : i1 to i32
        %cond3A_169 = arith.constant 0 : i32
        %cond3A_170 = arith.cmpi ne, %convert_element_type3A_168, %cond3A_169 : i32
        scf.if %cond3A_170 {
          %dma_wait3A_235 = arith.constant 0 : i32
          %dma_wait3A_236 = arith.constant 0 : i32
          %dma_wait3A_237 = arith.constant 0 : i32
          %dma_wait3A_238 = arith.constant 0 : i32
          %dma_wait3A_239 = tpu.memref_slice %arg9[%dma_wait3A_235, %dma_wait3A_237, %dma_wait3A_238] : memref<2x128x128xf32, #tpu.memory_space<vmem>> -> memref<1x128x128xf32, #tpu.memory_space<vmem>>
          %dma_wait3A_240 = tpu.memref_squeeze %dma_wait3A_239 : memref<1x128x128xf32, #tpu.memory_space<vmem>> -> memref<128x128xf32, #tpu.memory_space<vmem>>
          %dma_wait3A_241 = arith.constant 0 : i32
          %dma_wait3A_242 = tpu.memref_slice %arg8[%dma_wait3A_236, %dma_wait3A_241] : memref<2x128xi32, #tpu.memory_space<vmem>> -> memref<1x128xi32, #tpu.memory_space<vmem>>
          %dma_wait3A_243 = tpu.memref_squeeze %dma_wait3A_242 : memref<1x128xi32, #tpu.memory_space<vmem>> -> memref<128xi32, #tpu.memory_space<vmem>>
          %dma_wait3A_244 = arith.constant 0 : i32
          %dma_wait3A_245 = arith.constant 0 : i32
          %dma_wait3A_246 = tpu.memref_slice %arg12[%dma_wait3A_244, %dma_wait3A_245] : memref<10240x128xf32, #tpu.memory_space<vmem_shared>> -> memref<10240x128xf32, #tpu.memory_space<vmem_shared>>
          tpu.wait_indirect_dma semaphore(%arg17 : memref<!tpu.dma_semaphore, #tpu.memory_space<semaphore_mem>>) src(%dma_wait3A_240 : memref<128x128xf32, #tpu.memory_space<vmem>>) dst(%dma_wait3A_246 : memref<10240x128xf32, #tpu.memory_space<vmem_shared>>)
        } else {
        }
        %add3A_171 = arith.constant 1 : i32
        %add3A_172 = arith.addi %add3A_135, %add3A_171 : i32
        %mul3A_173 = arith.constant 128 : i32
        %mul3A_174 = arith.muli %add3A_172, %mul3A_173 : i32
        %add3A_175 = arith.addi %mul3A_2, %mul3A_174 : i32
        %dma_start3A_176 = arith.constant 0 : i32
        %dma_start3A_177 = arith.constant 0 : i32
        %dma_start3A_178 = tpu.memref_slice %arg7[%dma_start3A_176, %dma_start3A_177] : memref<2x128xi32, #tpu.memory_space<vmem>> -> memref<1x128xi32, #tpu.memory_space<vmem>>
        %dma_start3A_179 = tpu.memref_squeeze %dma_start3A_178 : memref<1x128xi32, #tpu.memory_space<vmem>> -> memref<128xi32, #tpu.memory_space<vmem>>
        %dma_start3A_180 = tpu.memref_slice %arg3[%add3A_175] : memref<320000xi32, #tpu.memory_space<hbm>> -> memref<128xi32, #tpu.memory_space<hbm>>
        %dma_start3A_181 = arith.constant 0 : i32
        %dma_start3A_182 = tpu.memref_slice %arg7[%dma_start3A_176, %dma_start3A_181] : memref<2x128xi32, #tpu.memory_space<vmem>> -> memref<1x128xi32, #tpu.memory_space<vmem>>
        %dma_start3A_183 = tpu.memref_squeeze %dma_start3A_182 : memref<1x128xi32, #tpu.memory_space<vmem>> -> memref<128xi32, #tpu.memory_space<vmem>>
        %dma_start3A_184 = tpu.memref_slice %arg3[%add3A_175] : memref<320000xi32, #tpu.memory_space<hbm>> -> memref<128xi32, #tpu.memory_space<hbm>>
        tpu.enqueue_dma source(%dma_start3A_184 : memref<128xi32, #tpu.memory_space<hbm>>) target(%dma_start3A_183 : memref<128xi32, #tpu.memory_space<vmem>>) target_semaphore(%arg13 : memref<!tpu.dma_semaphore, #tpu.memory_space<semaphore_mem>>)
        %mul3A_185 = arith.constant 128 : i32
        %mul3A_186 = arith.muli %add3A_172, %mul3A_185 : i32
        %add3A_187 = arith.addi %mul3A_2, %mul3A_186 : i32
        %dma_start3A_188 = arith.constant 0 : i32
        %dma_start3A_189 = arith.constant 0 : i32
        %dma_start3A_190 = tpu.memref_slice %arg8[%dma_start3A_188, %dma_start3A_189] : memref<2x128xi32, #tpu.memory_space<vmem>> -> memref<1x128xi32, #tpu.memory_space<vmem>>
        %dma_start3A_191 = tpu.memref_squeeze %dma_start3A_190 : memref<1x128xi32, #tpu.memory_space<vmem>> -> memref<128xi32, #tpu.memory_space<vmem>>
        %dma_start3A_192 = tpu.memref_slice %arg4[%add3A_187] : memref<320000xi32, #tpu.memory_space<hbm>> -> memref<128xi32, #tpu.memory_space<hbm>>
        %dma_start3A_193 = arith.constant 0 : i32
        %dma_start3A_194 = tpu.memref_slice %arg8[%dma_start3A_188, %dma_start3A_193] : memref<2x128xi32, #tpu.memory_space<vmem>> -> memref<1x128xi32, #tpu.memory_space<vmem>>
        %dma_start3A_195 = tpu.memref_squeeze %dma_start3A_194 : memref<1x128xi32, #tpu.memory_space<vmem>> -> memref<128xi32, #tpu.memory_space<vmem>>
        %dma_start3A_196 = tpu.memref_slice %arg4[%add3A_187] : memref<320000xi32, #tpu.memory_space<hbm>> -> memref<128xi32, #tpu.memory_space<hbm>>
        tpu.enqueue_dma source(%dma_start3A_196 : memref<128xi32, #tpu.memory_space<hbm>>) target(%dma_start3A_195 : memref<128xi32, #tpu.memory_space<vmem>>) target_semaphore(%arg13 : memref<!tpu.dma_semaphore, #tpu.memory_space<semaphore_mem>>)
        %add3A_197 = arith.constant 1 : i32
        %add3A_198 = arith.addi %add3A_135, %add3A_197 : i32
        %mul3A_199 = arith.constant 128 : i32
        %mul3A_200 = arith.muli %add3A_198, %mul3A_199 : i32
        %add3A_201 = arith.addi %mul3A_2, %mul3A_200 : i32
        %dma_wait3A_202 = arith.constant 0 : i32
        %dma_wait3A_203 = arith.constant 0 : i32
        %dma_wait3A_204 = tpu.memref_slice %arg7[%dma_wait3A_202, %dma_wait3A_203] : memref<2x128xi32, #tpu.memory_space<vmem>> -> memref<1x128xi32, #tpu.memory_space<vmem>>
        %dma_wait3A_205 = tpu.memref_squeeze %dma_wait3A_204 : memref<1x128xi32, #tpu.memory_space<vmem>> -> memref<128xi32, #tpu.memory_space<vmem>>
        %dma_wait3A_206 = tpu.memref_slice %arg3[%add3A_201] : memref<320000xi32, #tpu.memory_space<hbm>> -> memref<128xi32, #tpu.memory_space<hbm>>
        %dma_wait3A_207 = arith.constant 0 : i32
        %dma_wait3A_208 = tpu.memref_slice %arg7[%dma_wait3A_202, %dma_wait3A_207] : memref<2x128xi32, #tpu.memory_space<vmem>> -> memref<1x128xi32, #tpu.memory_space<vmem>>
        %dma_wait3A_209 = tpu.memref_squeeze %dma_wait3A_208 : memref<1x128xi32, #tpu.memory_space<vmem>> -> memref<128xi32, #tpu.memory_space<vmem>>
        %dma_wait3A_210 = tpu.memref_slice %arg3[%add3A_201] : memref<320000xi32, #tpu.memory_space<hbm>> -> memref<128xi32, #tpu.memory_space<hbm>>
        tpu.wait_dma2 semaphore(%arg13 : memref<!tpu.dma_semaphore, #tpu.memory_space<semaphore_mem>>) src(%dma_wait3A_210 : memref<128xi32, #tpu.memory_space<hbm>>) dst(%dma_wait3A_209 : memref<128xi32, #tpu.memory_space<vmem>>)
        %mul3A_211 = arith.constant 128 : i32
        %mul3A_212 = arith.muli %add3A_198, %mul3A_211 : i32
        %add3A_213 = arith.addi %mul3A_2, %mul3A_212 : i32
        %dma_wait3A_214 = arith.constant 0 : i32
        %dma_wait3A_215 = arith.constant 0 : i32
        %dma_wait3A_216 = tpu.memref_slice %arg8[%dma_wait3A_214, %dma_wait3A_215] : memref<2x128xi32, #tpu.memory_space<vmem>> -> memref<1x128xi32, #tpu.memory_space<vmem>>
        %dma_wait3A_217 = tpu.memref_squeeze %dma_wait3A_216 : memref<1x128xi32, #tpu.memory_space<vmem>> -> memref<128xi32, #tpu.memory_space<vmem>>
        %dma_wait3A_218 = tpu.memref_slice %arg4[%add3A_213] : memref<320000xi32, #tpu.memory_space<hbm>> -> memref<128xi32, #tpu.memory_space<hbm>>
        %dma_wait3A_219 = arith.constant 0 : i32
        %dma_wait3A_220 = tpu.memref_slice %arg8[%dma_wait3A_214, %dma_wait3A_219] : memref<2x128xi32, #tpu.memory_space<vmem>> -> memref<1x128xi32, #tpu.memory_space<vmem>>
        %dma_wait3A_221 = tpu.memref_squeeze %dma_wait3A_220 : memref<1x128xi32, #tpu.memory_space<vmem>> -> memref<128xi32, #tpu.memory_space<vmem>>
        %dma_wait3A_222 = tpu.memref_slice %arg4[%add3A_213] : memref<320000xi32, #tpu.memory_space<hbm>> -> memref<128xi32, #tpu.memory_space<hbm>>
        tpu.wait_dma2 semaphore(%arg13 : memref<!tpu.dma_semaphore, #tpu.memory_space<semaphore_mem>>) src(%dma_wait3A_222 : memref<128xi32, #tpu.memory_space<hbm>>) dst(%dma_wait3A_221 : memref<128xi32, #tpu.memory_space<vmem>>)
        %dma_start3A_223 = arith.constant 0 : i32
        %dma_start3A_224 = arith.constant 0 : i32
        %dma_start3A_225 = arith.constant 0 : i32
        %dma_start3A_226 = arith.constant 0 : i32
        %dma_start3A_227 = tpu.memref_slice %arg9[%dma_start3A_224, %dma_start3A_225, %dma_start3A_226] : memref<2x128x128xf32, #tpu.memory_space<vmem>> -> memref<1x128x128xf32, #tpu.memory_space<vmem>>
        %dma_start3A_228 = tpu.memref_squeeze %dma_start3A_227 : memref<1x128x128xf32, #tpu.memory_space<vmem>> -> memref<128x128xf32, #tpu.memory_space<vmem>>
        %dma_start3A_229 = arith.constant 0 : i32
        %dma_start3A_230 = tpu.memref_slice %arg7[%dma_start3A_223, %dma_start3A_229] : memref<2x128xi32, #tpu.memory_space<vmem>> -> memref<1x128xi32, #tpu.memory_space<vmem>>
        %dma_start3A_231 = tpu.memref_squeeze %dma_start3A_230 : memref<1x128xi32, #tpu.memory_space<vmem>> -> memref<128xi32, #tpu.memory_space<vmem>>
        %dma_start3A_232 = arith.constant 0 : i32
        %dma_start3A_233 = arith.constant 0 : i32
        %dma_start3A_234 = tpu.memref_slice %arg2[%dma_start3A_232, %dma_start3A_233] : memref<10000x128xf32, #tpu.memory_space<hbm>> -> memref<10000x128xf32, #tpu.memory_space<hbm>>
        tpu.enqueue_indirect_dma source(%dma_start3A_234 : memref<10000x128xf32, #tpu.memory_space<hbm>>) target(%dma_start3A_228 : memref<128x128xf32, #tpu.memory_space<vmem>>) offsets(%dma_start3A_231 : memref<128xi32, #tpu.memory_space<vmem>>) semaphore(%arg15 : memref<!tpu.dma_semaphore, #tpu.memory_space<semaphore_mem>>)
      } else {
      }
      %dma_wait3A_143 = arith.constant 1 : i32
      %dma_wait3A_144 = arith.constant 1 : i32
      %dma_wait3A_145 = arith.constant 0 : i32
      %dma_wait3A_146 = arith.constant 0 : i32
      %dma_wait3A_147 = tpu.memref_slice %arg9[%dma_wait3A_144, %dma_wait3A_145, %dma_wait3A_146] : memref<2x128x128xf32, #tpu.memory_space<vmem>> -> memref<1x128x128xf32, #tpu.memory_space<vmem>>
      %dma_wait3A_148 = tpu.memref_squeeze %dma_wait3A_147 : memref<1x128x128xf32, #tpu.memory_space<vmem>> -> memref<128x128xf32, #tpu.memory_space<vmem>>
      %dma_wait3A_149 = arith.constant 0 : i32
      %dma_wait3A_150 = tpu.memref_slice %arg7[%dma_wait3A_143, %dma_wait3A_149] : memref<2x128xi32, #tpu.memory_space<vmem>> -> memref<1x128xi32, #tpu.memory_space<vmem>>
      %dma_wait3A_151 = tpu.memref_squeeze %dma_wait3A_150 : memref<1x128xi32, #tpu.memory_space<vmem>> -> memref<128xi32, #tpu.memory_space<vmem>>
      %dma_wait3A_152 = arith.constant 0 : i32
      %dma_wait3A_153 = arith.constant 0 : i32
      %dma_wait3A_154 = tpu.memref_slice %arg2[%dma_wait3A_152, %dma_wait3A_153] : memref<10000x128xf32, #tpu.memory_space<hbm>> -> memref<10000x128xf32, #tpu.memory_space<hbm>>
      tpu.wait_indirect_dma semaphore(%arg16 : memref<!tpu.dma_semaphore, #tpu.memory_space<semaphore_mem>>) src(%dma_wait3A_154 : memref<10000x128xf32, #tpu.memory_space<hbm>>) dst(%dma_wait3A_148 : memref<128x128xf32, #tpu.memory_space<vmem>>)
      %dma_start3A_155 = arith.constant 1 : i32
      %dma_start3A_156 = arith.constant 1 : i32
      %dma_start3A_157 = arith.constant 0 : i32
      %dma_start3A_158 = arith.constant 0 : i32
      %dma_start3A_159 = tpu.memref_slice %arg9[%dma_start3A_155, %dma_start3A_157, %dma_start3A_158] : memref<2x128x128xf32, #tpu.memory_space<vmem>> -> memref<1x128x128xf32, #tpu.memory_space<vmem>>
      %dma_start3A_160 = tpu.memref_squeeze %dma_start3A_159 : memref<1x128x128xf32, #tpu.memory_space<vmem>> -> memref<128x128xf32, #tpu.memory_space<vmem>>
      %dma_start3A_161 = arith.constant 0 : i32
      %dma_start3A_162 = tpu.memref_slice %arg8[%dma_start3A_156, %dma_start3A_161] : memref<2x128xi32, #tpu.memory_space<vmem>> -> memref<1x128xi32, #tpu.memory_space<vmem>>
      %dma_start3A_163 = tpu.memref_squeeze %dma_start3A_162 : memref<1x128xi32, #tpu.memory_space<vmem>> -> memref<128xi32, #tpu.memory_space<vmem>>
      %dma_start3A_164 = arith.constant 0 : i32
      %dma_start3A_165 = arith.constant 0 : i32
      %dma_start3A_166 = tpu.memref_slice %arg12[%dma_start3A_164, %dma_start3A_165] : memref<10240x128xf32, #tpu.memory_space<vmem_shared>> -> memref<10240x128xf32, #tpu.memory_space<vmem_shared>>
      tpu.enqueue_indirect_dma source(%dma_start3A_160 : memref<128x128xf32, #tpu.memory_space<vmem>>) target(%dma_start3A_166 : memref<10240x128xf32, #tpu.memory_space<vmem_shared>>) offsets(%dma_start3A_163 : memref<128xi32, #tpu.memory_space<vmem>>) semaphore(%arg18 : memref<!tpu.dma_semaphore, #tpu.memory_space<semaphore_mem>>) {add = true}
    }
    %scan3A_62 = arith.constant 39 : i32
    %dma_wait3A_63 = arith.constant 0 : i32
    %dma_wait3A_64 = arith.constant 0 : i32
    %dma_wait3A_65 = arith.constant 0 : i32
    %dma_wait3A_66 = arith.constant 0 : i32
    %dma_wait3A_67 = tpu.memref_slice %arg9[%dma_wait3A_63, %dma_wait3A_65, %dma_wait3A_66] : memref<2x128x128xf32, #tpu.memory_space<vmem>> -> memref<1x128x128xf32, #tpu.memory_space<vmem>>
    %dma_wait3A_68 = tpu.memref_squeeze %dma_wait3A_67 : memref<1x128x128xf32, #tpu.memory_space<vmem>> -> memref<128x128xf32, #tpu.memory_space<vmem>>
    %dma_wait3A_69 = arith.constant 0 : i32
    %dma_wait3A_70 = tpu.memref_slice %arg8[%dma_wait3A_64, %dma_wait3A_69] : memref<2x128xi32, #tpu.memory_space<vmem>> -> memref<1x128xi32, #tpu.memory_space<vmem>>
    %dma_wait3A_71 = tpu.memref_squeeze %dma_wait3A_70 : memref<1x128xi32, #tpu.memory_space<vmem>> -> memref<128xi32, #tpu.memory_space<vmem>>
    %dma_wait3A_72 = arith.constant 0 : i32
    %dma_wait3A_73 = arith.constant 0 : i32
    %dma_wait3A_74 = tpu.memref_slice %arg12[%dma_wait3A_72, %dma_wait3A_73] : memref<10240x128xf32, #tpu.memory_space<vmem_shared>> -> memref<10240x128xf32, #tpu.memory_space<vmem_shared>>
    tpu.wait_indirect_dma semaphore(%arg17 : memref<!tpu.dma_semaphore, #tpu.memory_space<semaphore_mem>>) src(%dma_wait3A_68 : memref<128x128xf32, #tpu.memory_space<vmem>>) dst(%dma_wait3A_74 : memref<10240x128xf32, #tpu.memory_space<vmem_shared>>)
    %dma_wait3A_75 = arith.constant 1 : i32
    %dma_wait3A_76 = arith.constant 1 : i32
    %dma_wait3A_77 = arith.constant 0 : i32
    %dma_wait3A_78 = arith.constant 0 : i32
    %dma_wait3A_79 = tpu.memref_slice %arg9[%dma_wait3A_75, %dma_wait3A_77, %dma_wait3A_78] : memref<2x128x128xf32, #tpu.memory_space<vmem>> -> memref<1x128x128xf32, #tpu.memory_space<vmem>>
    %dma_wait3A_80 = tpu.memref_squeeze %dma_wait3A_79 : memref<1x128x128xf32, #tpu.memory_space<vmem>> -> memref<128x128xf32, #tpu.memory_space<vmem>>
    %dma_wait3A_81 = arith.constant 0 : i32
    %dma_wait3A_82 = tpu.memref_slice %arg8[%dma_wait3A_76, %dma_wait3A_81] : memref<2x128xi32, #tpu.memory_space<vmem>> -> memref<1x128xi32, #tpu.memory_space<vmem>>
    %dma_wait3A_83 = tpu.memref_squeeze %dma_wait3A_82 : memref<1x128xi32, #tpu.memory_space<vmem>> -> memref<128xi32, #tpu.memory_space<vmem>>
    %dma_wait3A_84 = arith.constant 0 : i32
    %dma_wait3A_85 = arith.constant 0 : i32
    %dma_wait3A_86 = tpu.memref_slice %arg12[%dma_wait3A_84, %dma_wait3A_85] : memref<10240x128xf32, #tpu.memory_space<vmem_shared>> -> memref<10240x128xf32, #tpu.memory_space<vmem_shared>>
    tpu.wait_indirect_dma semaphore(%arg18 : memref<!tpu.dma_semaphore, #tpu.memory_space<semaphore_mem>>) src(%dma_wait3A_80 : memref<128x128xf32, #tpu.memory_space<vmem>>) dst(%dma_wait3A_86 : memref<10240x128xf32, #tpu.memory_space<vmem_shared>>)
    %add3A_87 = arith.constant 9984 : i32
    %add3A_88 = arith.addi %mul3A_2, %add3A_87 : i32
    "tpu.region"() ({
      %run_scoped3A_95 = tpu.sem_alloc : memref<!tpu.dma_semaphore, #tpu.memory_space<semaphore_mem>>
      %dma_start3A_96 = tpu.memref_slice %arg3[%add3A_88] : memref<320000xi32, #tpu.memory_space<hbm>> -> memref<16xi32, #tpu.memory_space<hbm>>
      %dma_start3A_97 = tpu.memref_slice %arg3[%add3A_88] : memref<320000xi32, #tpu.memory_space<hbm>> -> memref<16xi32, #tpu.memory_space<hbm>>
      tpu.enqueue_dma source(%dma_start3A_97 : memref<16xi32, #tpu.memory_space<hbm>>) target(%arg10 : memref<16xi32, #tpu.memory_space<vmem>>) target_semaphore(%run_scoped3A_95 : memref<!tpu.dma_semaphore, #tpu.memory_space<semaphore_mem>>)
      %dma_wait3A_98 = tpu.memref_slice %arg3[%add3A_88] : memref<320000xi32, #tpu.memory_space<hbm>> -> memref<16xi32, #tpu.memory_space<hbm>>
      %dma_wait3A_99 = tpu.memref_slice %arg3[%add3A_88] : memref<320000xi32, #tpu.memory_space<hbm>> -> memref<16xi32, #tpu.memory_space<hbm>>
      tpu.wait_dma2 semaphore(%run_scoped3A_95 : memref<!tpu.dma_semaphore, #tpu.memory_space<semaphore_mem>>) src(%dma_wait3A_99 : memref<16xi32, #tpu.memory_space<hbm>>) dst(%arg10 : memref<16xi32, #tpu.memory_space<vmem>>)
      tpu.yield
    }) : () -> ()
    "tpu.region"() ({
      %run_scoped3A_95 = tpu.sem_alloc : memref<!tpu.dma_semaphore, #tpu.memory_space<semaphore_mem>>
      %dma_start3A_96 = tpu.memref_slice %arg4[%add3A_88] : memref<320000xi32, #tpu.memory_space<hbm>> -> memref<16xi32, #tpu.memory_space<hbm>>
      %dma_start3A_97 = tpu.memref_slice %arg4[%add3A_88] : memref<320000xi32, #tpu.memory_space<hbm>> -> memref<16xi32, #tpu.memory_space<hbm>>
      tpu.enqueue_dma source(%dma_start3A_97 : memref<16xi32, #tpu.memory_space<hbm>>) target(%arg11 : memref<16xi32, #tpu.memory_space<vmem>>) target_semaphore(%run_scoped3A_95 : memref<!tpu.dma_semaphore, #tpu.memory_space<semaphore_mem>>)
      %dma_wait3A_98 = tpu.memref_slice %arg4[%add3A_88] : memref<320000xi32, #tpu.memory_space<hbm>> -> memref<16xi32, #tpu.memory_space<hbm>>
      %dma_wait3A_99 = tpu.memref_slice %arg4[%add3A_88] : memref<320000xi32, #tpu.memory_space<hbm>> -> memref<16xi32, #tpu.memory_space<hbm>>
      tpu.wait_dma2 semaphore(%run_scoped3A_95 : memref<!tpu.dma_semaphore, #tpu.memory_space<semaphore_mem>>) src(%dma_wait3A_99 : memref<16xi32, #tpu.memory_space<hbm>>) dst(%arg11 : memref<16xi32, #tpu.memory_space<vmem>>)
      tpu.yield
    }) : () -> ()
    %run_scoped3A = arith.constant 0 : i32
    "tpu.region"() ({
      %run_scoped3A_95 = tpu.sem_alloc : memref<!tpu.dma_semaphore, #tpu.memory_space<semaphore_mem>>
      %dma_start3A_96 = arith.constant 0 : i32
      %dma_start3A_97 = arith.constant 0 : i32
      %dma_start3A_98 = tpu.memref_slice %arg9[%run_scoped3A, %dma_start3A_96, %dma_start3A_97] : memref<2x128x128xf32, #tpu.memory_space<vmem>> -> memref<1x16x128xf32, #tpu.memory_space<vmem>>
      %dma_start3A_99 = tpu.memref_squeeze %dma_start3A_98 : memref<1x16x128xf32, #tpu.memory_space<vmem>> -> memref<16x128xf32, #tpu.memory_space<vmem>>
      %dma_start3A_100 = arith.constant 0 : i32
      %dma_start3A_101 = arith.constant 0 : i32
      %dma_start3A_102 = tpu.memref_slice %arg2[%dma_start3A_100, %dma_start3A_101] : memref<10000x128xf32, #tpu.memory_space<hbm>> -> memref<10000x128xf32, #tpu.memory_space<hbm>>
      tpu.enqueue_indirect_dma source(%dma_start3A_102 : memref<10000x128xf32, #tpu.memory_space<hbm>>) target(%dma_start3A_99 : memref<16x128xf32, #tpu.memory_space<vmem>>) offsets(%arg10 : memref<16xi32, #tpu.memory_space<vmem>>) semaphore(%run_scoped3A_95 : memref<!tpu.dma_semaphore, #tpu.memory_space<semaphore_mem>>)
      %dma_wait3A_103 = arith.constant 0 : i32
      %dma_wait3A_104 = arith.constant 0 : i32
      %dma_wait3A_105 = tpu.memref_slice %arg9[%run_scoped3A, %dma_wait3A_103, %dma_wait3A_104] : memref<2x128x128xf32, #tpu.memory_space<vmem>> -> memref<1x16x128xf32, #tpu.memory_space<vmem>>
      %dma_wait3A_106 = tpu.memref_squeeze %dma_wait3A_105 : memref<1x16x128xf32, #tpu.memory_space<vmem>> -> memref<16x128xf32, #tpu.memory_space<vmem>>
      %dma_wait3A_107 = arith.constant 0 : i32
      %dma_wait3A_108 = arith.constant 0 : i32
      %dma_wait3A_109 = tpu.memref_slice %arg2[%dma_wait3A_107, %dma_wait3A_108] : memref<10000x128xf32, #tpu.memory_space<hbm>> -> memref<10000x128xf32, #tpu.memory_space<hbm>>
      tpu.wait_indirect_dma semaphore(%run_scoped3A_95 : memref<!tpu.dma_semaphore, #tpu.memory_space<semaphore_mem>>) src(%dma_wait3A_109 : memref<10000x128xf32, #tpu.memory_space<hbm>>) dst(%dma_wait3A_106 : memref<16x128xf32, #tpu.memory_space<vmem>>)
      tpu.yield
    }) : () -> ()
    %run_scoped3A_89 = arith.constant 0 : i32
    "tpu.region"() ({
      %run_scoped3A_95 = tpu.sem_alloc : memref<!tpu.dma_semaphore, #tpu.memory_space<semaphore_mem>>
      %dma_start3A_96 = arith.constant 0 : i32
      %dma_start3A_97 = arith.constant 0 : i32
      %dma_start3A_98 = tpu.memref_slice %arg9[%run_scoped3A_89, %dma_start3A_96, %dma_start3A_97] : memref<2x128x128xf32, #tpu.memory_space<vmem>> -> memref<1x16x128xf32, #tpu.memory_space<vmem>>
      %dma_start3A_99 = tpu.memref_squeeze %dma_start3A_98 : memref<1x16x128xf32, #tpu.memory_space<vmem>> -> memref<16x128xf32, #tpu.memory_space<vmem>>
      %dma_start3A_100 = arith.constant 0 : i32
      %dma_start3A_101 = arith.constant 0 : i32
      %dma_start3A_102 = tpu.memref_slice %arg12[%dma_start3A_100, %dma_start3A_101] : memref<10240x128xf32, #tpu.memory_space<vmem_shared>> -> memref<10240x128xf32, #tpu.memory_space<vmem_shared>>
      tpu.enqueue_indirect_dma source(%dma_start3A_99 : memref<16x128xf32, #tpu.memory_space<vmem>>) target(%dma_start3A_102 : memref<10240x128xf32, #tpu.memory_space<vmem_shared>>) offsets(%arg11 : memref<16xi32, #tpu.memory_space<vmem>>) semaphore(%run_scoped3A_95 : memref<!tpu.dma_semaphore, #tpu.memory_space<semaphore_mem>>) {add = true}
      %dma_wait3A_103 = arith.constant 0 : i32
      %dma_wait3A_104 = arith.constant 0 : i32
      %dma_wait3A_105 = tpu.memref_slice %arg9[%run_scoped3A_89, %dma_wait3A_103, %dma_wait3A_104] : memref<2x128x128xf32, #tpu.memory_space<vmem>> -> memref<1x16x128xf32, #tpu.memory_space<vmem>>
      %dma_wait3A_106 = tpu.memref_squeeze %dma_wait3A_105 : memref<1x16x128xf32, #tpu.memory_space<vmem>> -> memref<16x128xf32, #tpu.memory_space<vmem>>
      %dma_wait3A_107 = arith.constant 0 : i32
      %dma_wait3A_108 = arith.constant 0 : i32
      %dma_wait3A_109 = tpu.memref_slice %arg12[%dma_wait3A_107, %dma_wait3A_108] : memref<10240x128xf32, #tpu.memory_space<vmem_shared>> -> memref<10240x128xf32, #tpu.memory_space<vmem_shared>>
      tpu.wait_indirect_dma semaphore(%run_scoped3A_95 : memref<!tpu.dma_semaphore, #tpu.memory_space<semaphore_mem>>) src(%dma_wait3A_106 : memref<16x128xf32, #tpu.memory_space<vmem>>) dst(%dma_wait3A_109 : memref<10240x128xf32, #tpu.memory_space<vmem_shared>>)
      tpu.yield
    }) : () -> ()
    %barrier3A_90 = arith.constant 0 : index
    tpu.barrier barrier_id(%barrier3A_90)
    %mul3A_91 = arith.constant 640 : i32
    %mul3A_92 = arith.muli %arg1, %mul3A_91 : i32
    %mul3A_93 = arith.constant 640 : i32
    %mul3A_94 = arith.muli %arg1, %mul3A_93 : i32
    "tpu.region"() ({
      %run_scoped3A_95 = tpu.sem_alloc : memref<!tpu.dma_semaphore, #tpu.memory_space<semaphore_mem>>
      %dma_start3A_96 = arith.constant 0 : i32
      %dma_start3A_97 = tpu.memref_slice %arg6[%arg0, %mul3A_94, %dma_start3A_96] : memref<2x10240x128xf32, #tpu.memory_space<hbm>> -> memref<1x640x128xf32, #tpu.memory_space<hbm>>
      %dma_start3A_98 = tpu.memref_squeeze %dma_start3A_97 : memref<1x640x128xf32, #tpu.memory_space<hbm>> -> memref<640x128xf32, #tpu.memory_space<hbm>>
      %dma_start3A_99 = arith.constant 0 : i32
      %dma_start3A_100 = tpu.memref_slice %arg12[%mul3A_92, %dma_start3A_99] : memref<10240x128xf32, #tpu.memory_space<vmem_shared>> -> memref<640x128xf32, #tpu.memory_space<vmem_shared>>
      tpu.enqueue_dma source(%dma_start3A_100 : memref<640x128xf32, #tpu.memory_space<vmem_shared>>) target(%dma_start3A_98 : memref<640x128xf32, #tpu.memory_space<hbm>>) target_semaphore(%run_scoped3A_95 : memref<!tpu.dma_semaphore, #tpu.memory_space<semaphore_mem>>)
      %dma_wait3A_101 = arith.constant 0 : i32
      %dma_wait3A_102 = tpu.memref_slice %arg6[%arg0, %mul3A_94, %dma_wait3A_101] : memref<2x10240x128xf32, #tpu.memory_space<hbm>> -> memref<1x640x128xf32, #tpu.memory_space<hbm>>
      %dma_wait3A_103 = tpu.memref_squeeze %dma_wait3A_102 : memref<1x640x128xf32, #tpu.memory_space<hbm>> -> memref<640x128xf32, #tpu.memory_space<hbm>>
      %dma_wait3A_104 = arith.constant 0 : i32
      %dma_wait3A_105 = tpu.memref_slice %arg12[%mul3A_92, %dma_wait3A_104] : memref<10240x128xf32, #tpu.memory_space<vmem_shared>> -> memref<640x128xf32, #tpu.memory_space<vmem_shared>>
      tpu.wait_dma2 semaphore(%run_scoped3A_95 : memref<!tpu.dma_semaphore, #tpu.memory_space<semaphore_mem>>) src(%dma_wait3A_105 : memref<640x128xf32, #tpu.memory_space<vmem_shared>>) dst(%dma_wait3A_103 : memref<640x128xf32, #tpu.memory_space<hbm>>)
      tpu.yield
    }) : () -> ()
    return
  }
}

#map = affine_map<(d0, d1) -> (0, 0)>
#map1 = affine_map<(d0, d1) -> (0)>
#map2 = affine_map<(d0, d1) -> (0, 0, 0)>
module attributes {stable_mosaic.version = 14 : i64} {
  func.func @k(%arg0: i32, %arg1: i32, %arg2: memref<10000x128xf32, #tpu.memory_space<hbm>>, %arg3: memref<320000xi32, #tpu.memory_space<hbm>>, %arg4: memref<320000xi32, #tpu.memory_space<hbm>>, %arg5: memref<640x128xf32, #tpu.memory_space<hbm>>, %arg6: memref<2x10240x128xf32, #tpu.memory_space<hbm>>, %arg7: memref<2x128xi32, #tpu.memory_space<vmem>>, %arg8: memref<2x128xi32, #tpu.memory_space<vmem>>, %arg9: memref<2x128x128xf32, #tpu.memory_space<vmem>>, %arg10: memref<16xi32, #tpu.memory_space<vmem>>, %arg11: memref<16xi32, #tpu.memory_space<vmem>>, %arg12: memref<10240x128xf32, #tpu.memory_space<vmem_shared>>, %arg13: memref<!tpu.dma_semaphore, #tpu.memory_space<semaphore_mem>>, %arg14: memref<!tpu.dma_semaphore, #tpu.memory_space<semaphore_mem>>, %arg15: memref<!tpu.dma_semaphore, #tpu.memory_space<semaphore_mem>>, %arg16: memref<!tpu.dma_semaphore, #tpu.memory_space<semaphore_mem>>, %arg17: memref<!tpu.dma_semaphore, #tpu.memory_space<semaphore_mem>>, %arg18: memref<!tpu.dma_semaphore, #tpu.memory_space<semaphore_mem>>) attributes {dimension_semantics = [#tpu.dimension_semantics<core_parallel>, #tpu.dimension_semantics<subcore_parallel>], iteration_bounds = array<i64: 2, 16>, scalar_prefetch = 0 : i64, scratch_operands = 12 : i64, tpu.core_type = #tpu.core_type<sc_vector_subcore>, window_params = [{transform_indices = #map}, {transform_indices = #map1}, {transform_indices = #map1}, {transform_indices = #map}, {transform_indices = #map2}]} {
    %mul3A = arith.constant 2 : i32
    %mul3A_0 = arith.muli %arg1, %mul3A : i32
    %add3A = arith.addi %mul3A_0, %arg0 : i32
    %mul3A_1 = arith.constant 10000 : i32
    %mul3A_2 = arith.muli %add3A, %mul3A_1 : i32
    %mul3A_3 = arith.constant 640 : i32
    %mul3A_4 = arith.muli %arg1, %mul3A_3 : i32
    "tpu.region"() ({
      %run_scoped3A_95 = tpu.sem_alloc : memref<!tpu.dma_semaphore, #tpu.memory_space<semaphore_mem>>
      %dma_start3A_96 = arith.constant 0 : i32
      %dma_start3A_97 = tpu.memref_slice %arg12[%mul3A_4, %dma_start3A_96] : memref<10240x128xf32, #tpu.memory_space<vmem_shared>> -> memref<640x128xf32, #tpu.memory_space<vmem_shared>>
      tpu.enqueue_dma source(%arg5 : memref<640x128xf32, #tpu.memory_space<hbm>>) target(%dma_start3A_97 : memref<640x128xf32, #tpu.memory_space<vmem_shared>>) target_semaphore(%run_scoped3A_95 : memref<!tpu.dma_semaphore, #tpu.memory_space<semaphore_mem>>)
      %dma_wait3A_98 = arith.constant 0 : i32
      %dma_wait3A_99 = tpu.memref_slice %arg12[%mul3A_4, %dma_wait3A_98] : memref<10240x128xf32, #tpu.memory_space<vmem_shared>> -> memref<640x128xf32, #tpu.memory_space<vmem_shared>>
      tpu.wait_dma2 semaphore(%run_scoped3A_95 : memref<!tpu.dma_semaphore, #tpu.memory_space<semaphore_mem>>) src(%arg5 : memref<640x128xf32, #tpu.memory_space<hbm>>) dst(%dma_wait3A_99 : memref<640x128xf32, #tpu.memory_space<vmem_shared>>)
      tpu.yield
    }) : () -> ()
    %barrier3A = arith.constant 0 : index
    tpu.barrier barrier_id(%barrier3A)
    %add3A_5 = arith.constant 0 : i32
    %add3A_6 = arith.addi %mul3A_2, %add3A_5 : i32
    %dma_start3A = arith.constant 0 : i32
    %dma_start3A_7 = arith.constant 0 : i32
    %dma_start3A_8 = tpu.memref_slice %arg7[%dma_start3A, %dma_start3A_7] : memref<2x128xi32, #tpu.memory_space<vmem>> -> memref<1x128xi32, #tpu.memory_space<vmem>>
    %dma_start3A_9 = tpu.memref_squeeze %dma_start3A_8 : memref<1x128xi32, #tpu.memory_space<vmem>> -> memref<128xi32, #tpu.memory_space<vmem>>
    %dma_start3A_10 = tpu.memref_slice %arg3[%add3A_6] : memref<320000xi32, #tpu.memory_space<hbm>> -> memref<128xi32, #tpu.memory_space<hbm>>
    %dma_start3A_11 = arith.constant 0 : i32
    %dma_start3A_12 = tpu.memref_slice %arg7[%dma_start3A, %dma_start3A_11] : memref<2x128xi32, #tpu.memory_space<vmem>> -> memref<1x128xi32, #tpu.memory_space<vmem>>
    %dma_start3A_13 = tpu.memref_squeeze %dma_start3A_12 : memref<1x128xi32, #tpu.memory_space<vmem>> -> memref<128xi32, #tpu.memory_space<vmem>>
    %dma_start3A_14 = tpu.memref_slice %arg3[%add3A_6] : memref<320000xi32, #tpu.memory_space<hbm>> -> memref<128xi32, #tpu.memory_space<hbm>>
    tpu.enqueue_dma source(%dma_start3A_14 : memref<128xi32, #tpu.memory_space<hbm>>) target(%dma_start3A_13 : memref<128xi32, #tpu.memory_space<vmem>>) target_semaphore(%arg13 : memref<!tpu.dma_semaphore, #tpu.memory_space<semaphore_mem>>)
    %add3A_15 = arith.constant 0 : i32
    %add3A_16 = arith.addi %mul3A_2, %add3A_15 : i32
    %dma_start3A_17 = arith.constant 0 : i32
    %dma_start3A_18 = arith.constant 0 : i32
    %dma_start3A_19 = tpu.memref_slice %arg8[%dma_start3A_17, %dma_start3A_18] : memref<2x128xi32, #tpu.memory_space<vmem>> -> memref<1x128xi32, #tpu.memory_space<vmem>>
    %dma_start3A_20 = tpu.memref_squeeze %dma_start3A_19 : memref<1x128xi32, #tpu.memory_space<vmem>> -> memref<128xi32, #tpu.memory_space<vmem>>
    %dma_start3A_21 = tpu.memref_slice %arg4[%add3A_16] : memref<320000xi32, #tpu.memory_space<hbm>> -> memref<128xi32, #tpu.memory_space<hbm>>
    %dma_start3A_22 = arith.constant 0 : i32
    %dma_start3A_23 = tpu.memref_slice %arg8[%dma_start3A_17, %dma_start3A_22] : memref<2x128xi32, #tpu.memory_space<vmem>> -> memref<1x128xi32, #tpu.memory_space<vmem>>
    %dma_start3A_24 = tpu.memref_squeeze %dma_start3A_23 : memref<1x128xi32, #tpu.memory_space<vmem>> -> memref<128xi32, #tpu.memory_space<vmem>>
    %dma_start3A_25 = tpu.memref_slice %arg4[%add3A_16] : memref<320000xi32, #tpu.memory_space<hbm>> -> memref<128xi32, #tpu.memory_space<hbm>>
    tpu.enqueue_dma source(%dma_start3A_25 : memref<128xi32, #tpu.memory_space<hbm>>) target(%dma_start3A_24 : memref<128xi32, #tpu.memory_space<vmem>>) target_semaphore(%arg13 : memref<!tpu.dma_semaphore, #tpu.memory_space<semaphore_mem>>)
    %add3A_26 = arith.constant 0 : i32
    %add3A_27 = arith.addi %mul3A_2, %add3A_26 : i32
    %dma_wait3A = arith.constant 0 : i32
    %dma_wait3A_28 = arith.constant 0 : i32
    %dma_wait3A_29 = tpu.memref_slice %arg7[%dma_wait3A, %dma_wait3A_28] : memref<2x128xi32, #tpu.memory_space<vmem>> -> memref<1x128xi32, #tpu.memory_space<vmem>>
    %dma_wait3A_30 = tpu.memref_squeeze %dma_wait3A_29 : memref<1x128xi32, #tpu.memory_space<vmem>> -> memref<128xi32, #tpu.memory_space<vmem>>
    %dma_wait3A_31 = tpu.memref_slice %arg3[%add3A_27] : memref<320000xi32, #tpu.memory_space<hbm>> -> memref<128xi32, #tpu.memory_space<hbm>>
    %dma_wait3A_32 = arith.constant 0 : i32
    %dma_wait3A_33 = tpu.memref_slice %arg7[%dma_wait3A, %dma_wait3A_32] : memref<2x128xi32, #tpu.memory_space<vmem>> -> memref<1x128xi32, #tpu.memory_space<vmem>>
    %dma_wait3A_34 = tpu.memref_squeeze %dma_wait3A_33 : memref<1x128xi32, #tpu.memory_space<vmem>> -> memref<128xi32, #tpu.memory_space<vmem>>
    %dma_wait3A_35 = tpu.memref_slice %arg3[%add3A_27] : memref<320000xi32, #tpu.memory_space<hbm>> -> memref<128xi32, #tpu.memory_space<hbm>>
    tpu.wait_dma2 semaphore(%arg13 : memref<!tpu.dma_semaphore, #tpu.memory_space<semaphore_mem>>) src(%dma_wait3A_35 : memref<128xi32, #tpu.memory_space<hbm>>) dst(%dma_wait3A_34 : memref<128xi32, #tpu.memory_space<vmem>>)
    %add3A_36 = arith.constant 0 : i32
    %add3A_37 = arith.addi %mul3A_2, %add3A_36 : i32
    %dma_wait3A_38 = arith.constant 0 : i32
    %dma_wait3A_39 = arith.constant 0 : i32
    %dma_wait3A_40 = tpu.memref_slice %arg8[%dma_wait3A_38, %dma_wait3A_39] : memref<2x128xi32, #tpu.memory_space<vmem>> -> memref<1x128xi32, #tpu.memory_space<vmem>>
    %dma_wait3A_41 = tpu.memref_squeeze %dma_wait3A_40 : memref<1x128xi32, #tpu.memory_space<vmem>> -> memref<128xi32, #tpu.memory_space<vmem>>
    %dma_wait3A_42 = tpu.memref_slice %arg4[%add3A_37] : memref<320000xi32, #tpu.memory_space<hbm>> -> memref<128xi32, #tpu.memory_space<hbm>>
    %dma_wait3A_43 = arith.constant 0 : i32
    %dma_wait3A_44 = tpu.memref_slice %arg8[%dma_wait3A_38, %dma_wait3A_43] : memref<2x128xi32, #tpu.memory_space<vmem>> -> memref<1x128xi32, #tpu.memory_space<vmem>>
    %dma_wait3A_45 = tpu.memref_squeeze %dma_wait3A_44 : memref<1x128xi32, #tpu.memory_space<vmem>> -> memref<128xi32, #tpu.memory_space<vmem>>
    %dma_wait3A_46 = tpu.memref_slice %arg4[%add3A_37] : memref<320000xi32, #tpu.memory_space<hbm>> -> memref<128xi32, #tpu.memory_space<hbm>>
    tpu.wait_dma2 semaphore(%arg13 : memref<!tpu.dma_semaphore, #tpu.memory_space<semaphore_mem>>) src(%dma_wait3A_46 : memref<128xi32, #tpu.memory_space<hbm>>) dst(%dma_wait3A_45 : memref<128xi32, #tpu.memory_space<vmem>>)
    %dma_start3A_47 = arith.constant 0 : i32
    %dma_start3A_48 = arith.constant 0 : i32
    %dma_start3A_49 = arith.constant 0 : i32
    %dma_start3A_50 = arith.constant 0 : i32
    %dma_start3A_51 = tpu.memref_slice %arg9[%dma_start3A_48, %dma_start3A_49, %dma_start3A_50] : memref<2x128x128xf32, #tpu.memory_space<vmem>> -> memref<1x128x128xf32, #tpu.memory_space<vmem>>
    %dma_start3A_52 = tpu.memref_squeeze %dma_start3A_51 : memref<1x128x128xf32, #tpu.memory_space<vmem>> -> memref<128x128xf32, #tpu.memory_space<vmem>>
    %dma_start3A_53 = arith.constant 0 : i32
    %dma_start3A_54 = tpu.memref_slice %arg7[%dma_start3A_47, %dma_start3A_53] : memref<2x128xi32, #tpu.memory_space<vmem>> -> memref<1x128xi32, #tpu.memory_space<vmem>>
    %dma_start3A_55 = tpu.memref_squeeze %dma_start3A_54 : memref<1x128xi32, #tpu.memory_space<vmem>> -> memref<128xi32, #tpu.memory_space<vmem>>
    %dma_start3A_56 = arith.constant 0 : i32
    %dma_start3A_57 = arith.constant 0 : i32
    %dma_start3A_58 = tpu.memref_slice %arg2[%dma_start3A_56, %dma_start3A_57] : memref<10000x128xf32, #tpu.memory_space<hbm>> -> memref<10000x128xf32, #tpu.memory_space<hbm>>
    tpu.enqueue_indirect_dma source(%dma_start3A_58 : memref<10000x128xf32, #tpu.memory_space<hbm>>) target(%dma_start3A_52 : memref<128x128xf32, #tpu.memory_space<vmem>>) offsets(%dma_start3A_55 : memref<128xi32, #tpu.memory_space<vmem>>) semaphore(%arg15 : memref<!tpu.dma_semaphore, #tpu.memory_space<semaphore_mem>>)
    %scan3A = arith.constant 0 : i32
    %scan3A_59 = arith.constant 39 : i32
    %scan3A_60 = arith.addi %scan3A, %scan3A_59 : i32
    %scan3A_61 = arith.constant 1 : i32
    scf.for %scan3A_95 = %scan3A to %scan3A_60 step %scan3A_61  : i32 {
      %mul3A_96 = arith.constant 1 : i32
      %mul3A_97 = arith.muli %scan3A_95, %mul3A_96 : i32
      %add3A_98 = arith.constant 0 : i32
      %add3A_99 = arith.addi %add3A_98, %mul3A_97 : i32
      %mul3A_100 = arith.constant 2 : i32
      %mul3A_101 = arith.muli %add3A_99, %mul3A_100 : i32
      %add3A_102 = arith.constant 0 : i32
      %add3A_103 = arith.addi %mul3A_101, %add3A_102 : i32
      %add3A_104 = arith.constant 1 : i32
      %add3A_105 = arith.addi %add3A_103, %add3A_104 : i32
      %lt3A = arith.constant 78 : i32
      %lt3A_106 = arith.cmpi slt, %add3A_105, %lt3A : i32
      %convert_element_type3A = arith.extui %lt3A_106 : i1 to i32
      %cond3A = arith.constant 0 : i32
      %cond3A_107 = arith.cmpi ne, %convert_element_type3A, %cond3A : i32
      scf.if %cond3A_107 {
        %ge3A = arith.constant 1 : i32
        %ge3A_167 = arith.cmpi sge, %add3A_103, %ge3A : i32
        %convert_element_type3A_168 = arith.extui %ge3A_167 : i1 to i32
        %cond3A_169 = arith.constant 0 : i32
        %cond3A_170 = arith.cmpi ne, %convert_element_type3A_168, %cond3A_169 : i32
        scf.if %cond3A_170 {
          %dma_wait3A_235 = arith.constant 1 : i32
          %dma_wait3A_236 = arith.constant 1 : i32
          %dma_wait3A_237 = arith.constant 0 : i32
          %dma_wait3A_238 = arith.constant 0 : i32
          %dma_wait3A_239 = tpu.memref_slice %arg9[%dma_wait3A_235, %dma_wait3A_237, %dma_wait3A_238] : memref<2x128x128xf32, #tpu.memory_space<vmem>> -> memref<1x128x128xf32, #tpu.memory_space<vmem>>
          %dma_wait3A_240 = tpu.memref_squeeze %dma_wait3A_239 : memref<1x128x128xf32, #tpu.memory_space<vmem>> -> memref<128x128xf32, #tpu.memory_space<vmem>>
          %dma_wait3A_241 = arith.constant 0 : i32
          %dma_wait3A_242 = tpu.memref_slice %arg8[%dma_wait3A_236, %dma_wait3A_241] : memref<2x128xi32, #tpu.memory_space<vmem>> -> memref<1x128xi32, #tpu.memory_space<vmem>>
          %dma_wait3A_243 = tpu.memref_squeeze %dma_wait3A_242 : memref<1x128xi32, #tpu.memory_space<vmem>> -> memref<128xi32, #tpu.memory_space<vmem>>
          %dma_wait3A_244 = arith.constant 0 : i32
          %dma_wait3A_245 = arith.constant 0 : i32
          %dma_wait3A_246 = tpu.memref_slice %arg12[%dma_wait3A_244, %dma_wait3A_245] : memref<10240x128xf32, #tpu.memory_space<vmem_shared>> -> memref<10240x128xf32, #tpu.memory_space<vmem_shared>>
          tpu.wait_indirect_dma semaphore(%arg18 : memref<!tpu.dma_semaphore, #tpu.memory_space<semaphore_mem>>) src(%dma_wait3A_240 : memref<128x128xf32, #tpu.memory_space<vmem>>) dst(%dma_wait3A_246 : memref<10240x128xf32, #tpu.memory_space<vmem_shared>>)
        } else {
        }
        %add3A_171 = arith.constant 1 : i32
        %add3A_172 = arith.addi %add3A_103, %add3A_171 : i32
        %mul3A_173 = arith.constant 128 : i32
        %mul3A_174 = arith.muli %add3A_172, %mul3A_173 : i32
        %add3A_175 = arith.addi %mul3A_2, %mul3A_174 : i32
        %dma_start3A_176 = arith.constant 1 : i32
        %dma_start3A_177 = arith.constant 0 : i32
        %dma_start3A_178 = tpu.memref_slice %arg7[%dma_start3A_176, %dma_start3A_177] : memref<2x128xi32, #tpu.memory_space<vmem>> -> memref<1x128xi32, #tpu.memory_space<vmem>>
        %dma_start3A_179 = tpu.memref_squeeze %dma_start3A_178 : memref<1x128xi32, #tpu.memory_space<vmem>> -> memref<128xi32, #tpu.memory_space<vmem>>
        %dma_start3A_180 = tpu.memref_slice %arg3[%add3A_175] : memref<320000xi32, #tpu.memory_space<hbm>> -> memref<128xi32, #tpu.memory_space<hbm>>
        %dma_start3A_181 = arith.constant 0 : i32
        %dma_start3A_182 = tpu.memref_slice %arg7[%dma_start3A_176, %dma_start3A_181] : memref<2x128xi32, #tpu.memory_space<vmem>> -> memref<1x128xi32, #tpu.memory_space<vmem>>
        %dma_start3A_183 = tpu.memref_squeeze %dma_start3A_182 : memref<1x128xi32, #tpu.memory_space<vmem>> -> memref<128xi32, #tpu.memory_space<vmem>>
        %dma_start3A_184 = tpu.memref_slice %arg3[%add3A_175] : memref<320000xi32, #tpu.memory_space<hbm>> -> memref<128xi32, #tpu.memory_space<hbm>>
        tpu.enqueue_dma source(%dma_start3A_184 : memref<128xi32, #tpu.memory_space<hbm>>) target(%dma_start3A_183 : memref<128xi32, #tpu.memory_space<vmem>>) target_semaphore(%arg14 : memref<!tpu.dma_semaphore, #tpu.memory_space<semaphore_mem>>)
        %mul3A_185 = arith.constant 128 : i32
        %mul3A_186 = arith.muli %add3A_172, %mul3A_185 : i32
        %add3A_187 = arith.addi %mul3A_2, %mul3A_186 : i32
        %dma_start3A_188 = arith.constant 1 : i32
        %dma_start3A_189 = arith.constant 0 : i32
        %dma_start3A_190 = tpu.memref_slice %arg8[%dma_start3A_188, %dma_start3A_189] : memref<2x128xi32, #tpu.memory_space<vmem>> -> memref<1x128xi32, #tpu.memory_space<vmem>>
        %dma_start3A_191 = tpu.memref_squeeze %dma_start3A_190 : memref<1x128xi32, #tpu.memory_space<vmem>> -> memref<128xi32, #tpu.memory_space<vmem>>
        %dma_start3A_192 = tpu.memref_slice %arg4[%add3A_187] : memref<320000xi32, #tpu.memory_space<hbm>> -> memref<128xi32, #tpu.memory_space<hbm>>
        %dma_start3A_193 = arith.constant 0 : i32
        %dma_start3A_194 = tpu.memref_slice %arg8[%dma_start3A_188, %dma_start3A_193] : memref<2x128xi32, #tpu.memory_space<vmem>> -> memref<1x128xi32, #tpu.memory_space<vmem>>
        %dma_start3A_195 = tpu.memref_squeeze %dma_start3A_194 : memref<1x128xi32, #tpu.memory_space<vmem>> -> memref<128xi32, #tpu.memory_space<vmem>>
        %dma_start3A_196 = tpu.memref_slice %arg4[%add3A_187] : memref<320000xi32, #tpu.memory_space<hbm>> -> memref<128xi32, #tpu.memory_space<hbm>>
        tpu.enqueue_dma source(%dma_start3A_196 : memref<128xi32, #tpu.memory_space<hbm>>) target(%dma_start3A_195 : memref<128xi32, #tpu.memory_space<vmem>>) target_semaphore(%arg14 : memref<!tpu.dma_semaphore, #tpu.memory_space<semaphore_mem>>)
        %add3A_197 = arith.constant 1 : i32
        %add3A_198 = arith.addi %add3A_103, %add3A_197 : i32
        %mul3A_199 = arith.constant 128 : i32
        %mul3A_200 = arith.muli %add3A_198, %mul3A_199 : i32
        %add3A_201 = arith.addi %mul3A_2, %mul3A_200 : i32
        %dma_wait3A_202 = arith.constant 1 : i32
        %dma_wait3A_203 = arith.constant 0 : i32
        %dma_wait3A_204 = tpu.memref_slice %arg7[%dma_wait3A_202, %dma_wait3A_203] : memref<2x128xi32, #tpu.memory_space<vmem>> -> memref<1x128xi32, #tpu.memory_space<vmem>>
        %dma_wait3A_205 = tpu.memref_squeeze %dma_wait3A_204 : memref<1x128xi32, #tpu.memory_space<vmem>> -> memref<128xi32, #tpu.memory_space<vmem>>
        %dma_wait3A_206 = tpu.memref_slice %arg3[%add3A_201] : memref<320000xi32, #tpu.memory_space<hbm>> -> memref<128xi32, #tpu.memory_space<hbm>>
        %dma_wait3A_207 = arith.constant 0 : i32
        %dma_wait3A_208 = tpu.memref_slice %arg7[%dma_wait3A_202, %dma_wait3A_207] : memref<2x128xi32, #tpu.memory_space<vmem>> -> memref<1x128xi32, #tpu.memory_space<vmem>>
        %dma_wait3A_209 = tpu.memref_squeeze %dma_wait3A_208 : memref<1x128xi32, #tpu.memory_space<vmem>> -> memref<128xi32, #tpu.memory_space<vmem>>
        %dma_wait3A_210 = tpu.memref_slice %arg3[%add3A_201] : memref<320000xi32, #tpu.memory_space<hbm>> -> memref<128xi32, #tpu.memory_space<hbm>>
        tpu.wait_dma2 semaphore(%arg14 : memref<!tpu.dma_semaphore, #tpu.memory_space<semaphore_mem>>) src(%dma_wait3A_210 : memref<128xi32, #tpu.memory_space<hbm>>) dst(%dma_wait3A_209 : memref<128xi32, #tpu.memory_space<vmem>>)
        %mul3A_211 = arith.constant 128 : i32
        %mul3A_212 = arith.muli %add3A_198, %mul3A_211 : i32
        %add3A_213 = arith.addi %mul3A_2, %mul3A_212 : i32
        %dma_wait3A_214 = arith.constant 1 : i32
        %dma_wait3A_215 = arith.constant 0 : i32
        %dma_wait3A_216 = tpu.memref_slice %arg8[%dma_wait3A_214, %dma_wait3A_215] : memref<2x128xi32, #tpu.memory_space<vmem>> -> memref<1x128xi32, #tpu.memory_space<vmem>>
        %dma_wait3A_217 = tpu.memref_squeeze %dma_wait3A_216 : memref<1x128xi32, #tpu.memory_space<vmem>> -> memref<128xi32, #tpu.memory_space<vmem>>
        %dma_wait3A_218 = tpu.memref_slice %arg4[%add3A_213] : memref<320000xi32, #tpu.memory_space<hbm>> -> memref<128xi32, #tpu.memory_space<hbm>>
        %dma_wait3A_219 = arith.constant 0 : i32
        %dma_wait3A_220 = tpu.memref_slice %arg8[%dma_wait3A_214, %dma_wait3A_219] : memref<2x128xi32, #tpu.memory_space<vmem>> -> memref<1x128xi32, #tpu.memory_space<vmem>>
        %dma_wait3A_221 = tpu.memref_squeeze %dma_wait3A_220 : memref<1x128xi32, #tpu.memory_space<vmem>> -> memref<128xi32, #tpu.memory_space<vmem>>
        %dma_wait3A_222 = tpu.memref_slice %arg4[%add3A_213] : memref<320000xi32, #tpu.memory_space<hbm>> -> memref<128xi32, #tpu.memory_space<hbm>>
        tpu.wait_dma2 semaphore(%arg14 : memref<!tpu.dma_semaphore, #tpu.memory_space<semaphore_mem>>) src(%dma_wait3A_222 : memref<128xi32, #tpu.memory_space<hbm>>) dst(%dma_wait3A_221 : memref<128xi32, #tpu.memory_space<vmem>>)
        %dma_start3A_223 = arith.constant 1 : i32
        %dma_start3A_224 = arith.constant 1 : i32
        %dma_start3A_225 = arith.constant 0 : i32
        %dma_start3A_226 = arith.constant 0 : i32
        %dma_start3A_227 = tpu.memref_slice %arg9[%dma_start3A_224, %dma_start3A_225, %dma_start3A_226] : memref<2x128x128xf32, #tpu.memory_space<vmem>> -> memref<1x128x128xf32, #tpu.memory_space<vmem>>
        %dma_start3A_228 = tpu.memref_squeeze %dma_start3A_227 : memref<1x128x128xf32, #tpu.memory_space<vmem>> -> memref<128x128xf32, #tpu.memory_space<vmem>>
        %dma_start3A_229 = arith.constant 0 : i32
        %dma_start3A_230 = tpu.memref_slice %arg7[%dma_start3A_223, %dma_start3A_229] : memref<2x128xi32, #tpu.memory_space<vmem>> -> memref<1x128xi32, #tpu.memory_space<vmem>>
        %dma_start3A_231 = tpu.memref_squeeze %dma_start3A_230 : memref<1x128xi32, #tpu.memory_space<vmem>> -> memref<128xi32, #tpu.memory_space<vmem>>
        %dma_start3A_232 = arith.constant 0 : i32
        %dma_start3A_233 = arith.constant 0 : i32
        %dma_start3A_234 = tpu.memref_slice %arg2[%dma_start3A_232, %dma_start3A_233] : memref<10000x128xf32, #tpu.memory_space<hbm>> -> memref<10000x128xf32, #tpu.memory_space<hbm>>
        tpu.enqueue_indirect_dma source(%dma_start3A_234 : memref<10000x128xf32, #tpu.memory_space<hbm>>) target(%dma_start3A_228 : memref<128x128xf32, #tpu.memory_space<vmem>>) offsets(%dma_start3A_231 : memref<128xi32, #tpu.memory_space<vmem>>) semaphore(%arg16 : memref<!tpu.dma_semaphore, #tpu.memory_space<semaphore_mem>>)
      } else {
      }
      %dma_wait3A_108 = arith.constant 0 : i32
      %dma_wait3A_109 = arith.constant 0 : i32
      %dma_wait3A_110 = arith.constant 0 : i32
      %dma_wait3A_111 = arith.constant 0 : i32
      %dma_wait3A_112 = tpu.memref_slice %arg9[%dma_wait3A_109, %dma_wait3A_110, %dma_wait3A_111] : memref<2x128x128xf32, #tpu.memory_space<vmem>> -> memref<1x128x128xf32, #tpu.memory_space<vmem>>
      %dma_wait3A_113 = tpu.memref_squeeze %dma_wait3A_112 : memref<1x128x128xf32, #tpu.memory_space<vmem>> -> memref<128x128xf32, #tpu.memory_space<vmem>>
      %dma_wait3A_114 = arith.constant 0 : i32
      %dma_wait3A_115 = tpu.memref_slice %arg7[%dma_wait3A_108, %dma_wait3A_114] : memref<2x128xi32, #tpu.memory_space<vmem>> -> memref<1x128xi32, #tpu.memory_space<vmem>>
      %dma_wait3A_116 = tpu.memref_squeeze %dma_wait3A_115 : memref<1x128xi32, #tpu.memory_space<vmem>> -> memref<128xi32, #tpu.memory_space<vmem>>
      %dma_wait3A_117 = arith.constant 0 : i32
      %dma_wait3A_118 = arith.constant 0 : i32
      %dma_wait3A_119 = tpu.memref_slice %arg2[%dma_wait3A_117, %dma_wait3A_118] : memref<10000x128xf32, #tpu.memory_space<hbm>> -> memref<10000x128xf32, #tpu.memory_space<hbm>>
      tpu.wait_indirect_dma semaphore(%arg15 : memref<!tpu.dma_semaphore, #tpu.memory_space<semaphore_mem>>) src(%dma_wait3A_119 : memref<10000x128xf32, #tpu.memory_space<hbm>>) dst(%dma_wait3A_113 : memref<128x128xf32, #tpu.memory_space<vmem>>)
      %dma_start3A_120 = arith.constant 0 : i32
      %dma_start3A_121 = arith.constant 0 : i32
      %dma_start3A_122 = arith.constant 0 : i32
      %dma_start3A_123 = arith.constant 0 : i32
      %dma_start3A_124 = tpu.memref_slice %arg9[%dma_start3A_120, %dma_start3A_122, %dma_start3A_123] : memref<2x128x128xf32, #tpu.memory_space<vmem>> -> memref<1x128x128xf32, #tpu.memory_space<vmem>>
      %dma_start3A_125 = tpu.memref_squeeze %dma_start3A_124 : memref<1x128x128xf32, #tpu.memory_space<vmem>> -> memref<128x128xf32, #tpu.memory_space<vmem>>
      %dma_start3A_126 = arith.constant 0 : i32
      %dma_start3A_127 = tpu.memref_slice %arg8[%dma_start3A_121, %dma_start3A_126] : memref<2x128xi32, #tpu.memory_space<vmem>> -> memref<1x128xi32, #tpu.memory_space<vmem>>
      %dma_start3A_128 = tpu.memref_squeeze %dma_start3A_127 : memref<1x128xi32, #tpu.memory_space<vmem>> -> memref<128xi32, #tpu.memory_space<vmem>>
      %dma_start3A_129 = arith.constant 0 : i32
      %dma_start3A_130 = arith.constant 0 : i32
      %dma_start3A_131 = tpu.memref_slice %arg12[%dma_start3A_129, %dma_start3A_130] : memref<10240x128xf32, #tpu.memory_space<vmem_shared>> -> memref<10240x128xf32, #tpu.memory_space<vmem_shared>>
      tpu.enqueue_indirect_dma source(%dma_start3A_125 : memref<128x128xf32, #tpu.memory_space<vmem>>) target(%dma_start3A_131 : memref<10240x128xf32, #tpu.memory_space<vmem_shared>>) offsets(%dma_start3A_128 : memref<128xi32, #tpu.memory_space<vmem>>) semaphore(%arg17 : memref<!tpu.dma_semaphore, #tpu.memory_space<semaphore_mem>>) {add = true}
      %mul3A_132 = arith.constant 2 : i32
      %mul3A_133 = arith.muli %add3A_99, %mul3A_132 : i32
      %add3A_134 = arith.constant 1 : i32
      %add3A_135 = arith.addi %mul3A_133, %add3A_134 : i32
      %add3A_136 = arith.constant 1 : i32
      %add3A_137 = arith.addi %add3A_135, %add3A_136 : i32
      %lt3A_138 = arith.constant 78 : i32
      %lt3A_139 = arith.cmpi slt, %add3A_137, %lt3A_138 : i32
      %convert_element_type3A_140 = arith.extui %lt3A_139 : i1 to i32
      %cond3A_141 = arith.constant 0 : i32
      %cond3A_142 = arith.cmpi ne, %convert_element_type3A_140, %cond3A_141 : i32
      scf.if %cond3A_142 {
        %ge3A = arith.constant 1 : i32
        %ge3A_167 = arith.cmpi sge, %add3A_135, %ge3A : i32
        %convert_element_type3A_168 = arith.extui %ge3A_167 : i1 to i32
        %cond3A_169 = arith.constant 0 : i32
        %cond3A_170 = arith.cmpi ne, %convert_element_type3A_168, %cond3A_169 : i32
        scf.if %cond3A_170 {
          %dma_wait3A_235 = arith.constant 0 : i32
          %dma_wait3A_236 = arith.constant 0 : i32
          %dma_wait3A_237 = arith.constant 0 : i32
          %dma_wait3A_238 = arith.constant 0 : i32
          %dma_wait3A_239 = tpu.memref_slice %arg9[%dma_wait3A_235, %dma_wait3A_237, %dma_wait3A_238] : memref<2x128x128xf32, #tpu.memory_space<vmem>> -> memref<1x128x128xf32, #tpu.memory_space<vmem>>
          %dma_wait3A_240 = tpu.memref_squeeze %dma_wait3A_239 : memref<1x128x128xf32, #tpu.memory_space<vmem>> -> memref<128x128xf32, #tpu.memory_space<vmem>>
          %dma_wait3A_241 = arith.constant 0 : i32
          %dma_wait3A_242 = tpu.memref_slice %arg8[%dma_wait3A_236, %dma_wait3A_241] : memref<2x128xi32, #tpu.memory_space<vmem>> -> memref<1x128xi32, #tpu.memory_space<vmem>>
          %dma_wait3A_243 = tpu.memref_squeeze %dma_wait3A_242 : memref<1x128xi32, #tpu.memory_space<vmem>> -> memref<128xi32, #tpu.memory_space<vmem>>
          %dma_wait3A_244 = arith.constant 0 : i32
          %dma_wait3A_245 = arith.constant 0 : i32
          %dma_wait3A_246 = tpu.memref_slice %arg12[%dma_wait3A_244, %dma_wait3A_245] : memref<10240x128xf32, #tpu.memory_space<vmem_shared>> -> memref<10240x128xf32, #tpu.memory_space<vmem_shared>>
          tpu.wait_indirect_dma semaphore(%arg17 : memref<!tpu.dma_semaphore, #tpu.memory_space<semaphore_mem>>) src(%dma_wait3A_240 : memref<128x128xf32, #tpu.memory_space<vmem>>) dst(%dma_wait3A_246 : memref<10240x128xf32, #tpu.memory_space<vmem_shared>>)
        } else {
        }
        %add3A_171 = arith.constant 1 : i32
        %add3A_172 = arith.addi %add3A_135, %add3A_171 : i32
        %mul3A_173 = arith.constant 128 : i32
        %mul3A_174 = arith.muli %add3A_172, %mul3A_173 : i32
        %add3A_175 = arith.addi %mul3A_2, %mul3A_174 : i32
        %dma_start3A_176 = arith.constant 0 : i32
        %dma_start3A_177 = arith.constant 0 : i32
        %dma_start3A_178 = tpu.memref_slice %arg7[%dma_start3A_176, %dma_start3A_177] : memref<2x128xi32, #tpu.memory_space<vmem>> -> memref<1x128xi32, #tpu.memory_space<vmem>>
        %dma_start3A_179 = tpu.memref_squeeze %dma_start3A_178 : memref<1x128xi32, #tpu.memory_space<vmem>> -> memref<128xi32, #tpu.memory_space<vmem>>
        %dma_start3A_180 = tpu.memref_slice %arg3[%add3A_175] : memref<320000xi32, #tpu.memory_space<hbm>> -> memref<128xi32, #tpu.memory_space<hbm>>
        %dma_start3A_181 = arith.constant 0 : i32
        %dma_start3A_182 = tpu.memref_slice %arg7[%dma_start3A_176, %dma_start3A_181] : memref<2x128xi32, #tpu.memory_space<vmem>> -> memref<1x128xi32, #tpu.memory_space<vmem>>
        %dma_start3A_183 = tpu.memref_squeeze %dma_start3A_182 : memref<1x128xi32, #tpu.memory_space<vmem>> -> memref<128xi32, #tpu.memory_space<vmem>>
        %dma_start3A_184 = tpu.memref_slice %arg3[%add3A_175] : memref<320000xi32, #tpu.memory_space<hbm>> -> memref<128xi32, #tpu.memory_space<hbm>>
        tpu.enqueue_dma source(%dma_start3A_184 : memref<128xi32, #tpu.memory_space<hbm>>) target(%dma_start3A_183 : memref<128xi32, #tpu.memory_space<vmem>>) target_semaphore(%arg13 : memref<!tpu.dma_semaphore, #tpu.memory_space<semaphore_mem>>)
        %mul3A_185 = arith.constant 128 : i32
        %mul3A_186 = arith.muli %add3A_172, %mul3A_185 : i32
        %add3A_187 = arith.addi %mul3A_2, %mul3A_186 : i32
        %dma_start3A_188 = arith.constant 0 : i32
        %dma_start3A_189 = arith.constant 0 : i32
        %dma_start3A_190 = tpu.memref_slice %arg8[%dma_start3A_188, %dma_start3A_189] : memref<2x128xi32, #tpu.memory_space<vmem>> -> memref<1x128xi32, #tpu.memory_space<vmem>>
        %dma_start3A_191 = tpu.memref_squeeze %dma_start3A_190 : memref<1x128xi32, #tpu.memory_space<vmem>> -> memref<128xi32, #tpu.memory_space<vmem>>
        %dma_start3A_192 = tpu.memref_slice %arg4[%add3A_187] : memref<320000xi32, #tpu.memory_space<hbm>> -> memref<128xi32, #tpu.memory_space<hbm>>
        %dma_start3A_193 = arith.constant 0 : i32
        %dma_start3A_194 = tpu.memref_slice %arg8[%dma_start3A_188, %dma_start3A_193] : memref<2x128xi32, #tpu.memory_space<vmem>> -> memref<1x128xi32, #tpu.memory_space<vmem>>
        %dma_start3A_195 = tpu.memref_squeeze %dma_start3A_194 : memref<1x128xi32, #tpu.memory_space<vmem>> -> memref<128xi32, #tpu.memory_space<vmem>>
        %dma_start3A_196 = tpu.memref_slice %arg4[%add3A_187] : memref<320000xi32, #tpu.memory_space<hbm>> -> memref<128xi32, #tpu.memory_space<hbm>>
        tpu.enqueue_dma source(%dma_start3A_196 : memref<128xi32, #tpu.memory_space<hbm>>) target(%dma_start3A_195 : memref<128xi32, #tpu.memory_space<vmem>>) target_semaphore(%arg13 : memref<!tpu.dma_semaphore, #tpu.memory_space<semaphore_mem>>)
        %add3A_197 = arith.constant 1 : i32
        %add3A_198 = arith.addi %add3A_135, %add3A_197 : i32
        %mul3A_199 = arith.constant 128 : i32
        %mul3A_200 = arith.muli %add3A_198, %mul3A_199 : i32
        %add3A_201 = arith.addi %mul3A_2, %mul3A_200 : i32
        %dma_wait3A_202 = arith.constant 0 : i32
        %dma_wait3A_203 = arith.constant 0 : i32
        %dma_wait3A_204 = tpu.memref_slice %arg7[%dma_wait3A_202, %dma_wait3A_203] : memref<2x128xi32, #tpu.memory_space<vmem>> -> memref<1x128xi32, #tpu.memory_space<vmem>>
        %dma_wait3A_205 = tpu.memref_squeeze %dma_wait3A_204 : memref<1x128xi32, #tpu.memory_space<vmem>> -> memref<128xi32, #tpu.memory_space<vmem>>
        %dma_wait3A_206 = tpu.memref_slice %arg3[%add3A_201] : memref<320000xi32, #tpu.memory_space<hbm>> -> memref<128xi32, #tpu.memory_space<hbm>>
        %dma_wait3A_207 = arith.constant 0 : i32
        %dma_wait3A_208 = tpu.memref_slice %arg7[%dma_wait3A_202, %dma_wait3A_207] : memref<2x128xi32, #tpu.memory_space<vmem>> -> memref<1x128xi32, #tpu.memory_space<vmem>>
        %dma_wait3A_209 = tpu.memref_squeeze %dma_wait3A_208 : memref<1x128xi32, #tpu.memory_space<vmem>> -> memref<128xi32, #tpu.memory_space<vmem>>
        %dma_wait3A_210 = tpu.memref_slice %arg3[%add3A_201] : memref<320000xi32, #tpu.memory_space<hbm>> -> memref<128xi32, #tpu.memory_space<hbm>>
        tpu.wait_dma2 semaphore(%arg13 : memref<!tpu.dma_semaphore, #tpu.memory_space<semaphore_mem>>) src(%dma_wait3A_210 : memref<128xi32, #tpu.memory_space<hbm>>) dst(%dma_wait3A_209 : memref<128xi32, #tpu.memory_space<vmem>>)
        %mul3A_211 = arith.constant 128 : i32
        %mul3A_212 = arith.muli %add3A_198, %mul3A_211 : i32
        %add3A_213 = arith.addi %mul3A_2, %mul3A_212 : i32
        %dma_wait3A_214 = arith.constant 0 : i32
        %dma_wait3A_215 = arith.constant 0 : i32
        %dma_wait3A_216 = tpu.memref_slice %arg8[%dma_wait3A_214, %dma_wait3A_215] : memref<2x128xi32, #tpu.memory_space<vmem>> -> memref<1x128xi32, #tpu.memory_space<vmem>>
        %dma_wait3A_217 = tpu.memref_squeeze %dma_wait3A_216 : memref<1x128xi32, #tpu.memory_space<vmem>> -> memref<128xi32, #tpu.memory_space<vmem>>
        %dma_wait3A_218 = tpu.memref_slice %arg4[%add3A_213] : memref<320000xi32, #tpu.memory_space<hbm>> -> memref<128xi32, #tpu.memory_space<hbm>>
        %dma_wait3A_219 = arith.constant 0 : i32
        %dma_wait3A_220 = tpu.memref_slice %arg8[%dma_wait3A_214, %dma_wait3A_219] : memref<2x128xi32, #tpu.memory_space<vmem>> -> memref<1x128xi32, #tpu.memory_space<vmem>>
        %dma_wait3A_221 = tpu.memref_squeeze %dma_wait3A_220 : memref<1x128xi32, #tpu.memory_space<vmem>> -> memref<128xi32, #tpu.memory_space<vmem>>
        %dma_wait3A_222 = tpu.memref_slice %arg4[%add3A_213] : memref<320000xi32, #tpu.memory_space<hbm>> -> memref<128xi32, #tpu.memory_space<hbm>>
        tpu.wait_dma2 semaphore(%arg13 : memref<!tpu.dma_semaphore, #tpu.memory_space<semaphore_mem>>) src(%dma_wait3A_222 : memref<128xi32, #tpu.memory_space<hbm>>) dst(%dma_wait3A_221 : memref<128xi32, #tpu.memory_space<vmem>>)
        %dma_start3A_223 = arith.constant 0 : i32
        %dma_start3A_224 = arith.constant 0 : i32
        %dma_start3A_225 = arith.constant 0 : i32
        %dma_start3A_226 = arith.constant 0 : i32
        %dma_start3A_227 = tpu.memref_slice %arg9[%dma_start3A_224, %dma_start3A_225, %dma_start3A_226] : memref<2x128x128xf32, #tpu.memory_space<vmem>> -> memref<1x128x128xf32, #tpu.memory_space<vmem>>
        %dma_start3A_228 = tpu.memref_squeeze %dma_start3A_227 : memref<1x128x128xf32, #tpu.memory_space<vmem>> -> memref<128x128xf32, #tpu.memory_space<vmem>>
        %dma_start3A_229 = arith.constant 0 : i32
        %dma_start3A_230 = tpu.memref_slice %arg7[%dma_start3A_223, %dma_start3A_229] : memref<2x128xi32, #tpu.memory_space<vmem>> -> memref<1x128xi32, #tpu.memory_space<vmem>>
        %dma_start3A_231 = tpu.memref_squeeze %dma_start3A_230 : memref<1x128xi32, #tpu.memory_space<vmem>> -> memref<128xi32, #tpu.memory_space<vmem>>
        %dma_start3A_232 = arith.constant 0 : i32
        %dma_start3A_233 = arith.constant 0 : i32
        %dma_start3A_234 = tpu.memref_slice %arg2[%dma_start3A_232, %dma_start3A_233] : memref<10000x128xf32, #tpu.memory_space<hbm>> -> memref<10000x128xf32, #tpu.memory_space<hbm>>
        tpu.enqueue_indirect_dma source(%dma_start3A_234 : memref<10000x128xf32, #tpu.memory_space<hbm>>) target(%dma_start3A_228 : memref<128x128xf32, #tpu.memory_space<vmem>>) offsets(%dma_start3A_231 : memref<128xi32, #tpu.memory_space<vmem>>) semaphore(%arg15 : memref<!tpu.dma_semaphore, #tpu.memory_space<semaphore_mem>>)
      } else {
      }
      %dma_wait3A_143 = arith.constant 1 : i32
      %dma_wait3A_144 = arith.constant 1 : i32
      %dma_wait3A_145 = arith.constant 0 : i32
      %dma_wait3A_146 = arith.constant 0 : i32
      %dma_wait3A_147 = tpu.memref_slice %arg9[%dma_wait3A_144, %dma_wait3A_145, %dma_wait3A_146] : memref<2x128x128xf32, #tpu.memory_space<vmem>> -> memref<1x128x128xf32, #tpu.memory_space<vmem>>
      %dma_wait3A_148 = tpu.memref_squeeze %dma_wait3A_147 : memref<1x128x128xf32, #tpu.memory_space<vmem>> -> memref<128x128xf32, #tpu.memory_space<vmem>>
      %dma_wait3A_149 = arith.constant 0 : i32
      %dma_wait3A_150 = tpu.memref_slice %arg7[%dma_wait3A_143, %dma_wait3A_149] : memref<2x128xi32, #tpu.memory_space<vmem>> -> memref<1x128xi32, #tpu.memory_space<vmem>>
      %dma_wait3A_151 = tpu.memref_squeeze %dma_wait3A_150 : memref<1x128xi32, #tpu.memory_space<vmem>> -> memref<128xi32, #tpu.memory_space<vmem>>
      %dma_wait3A_152 = arith.constant 0 : i32
      %dma_wait3A_153 = arith.constant 0 : i32
      %dma_wait3A_154 = tpu.memref_slice %arg2[%dma_wait3A_152, %dma_wait3A_153] : memref<10000x128xf32, #tpu.memory_space<hbm>> -> memref<10000x128xf32, #tpu.memory_space<hbm>>
      tpu.wait_indirect_dma semaphore(%arg16 : memref<!tpu.dma_semaphore, #tpu.memory_space<semaphore_mem>>) src(%dma_wait3A_154 : memref<10000x128xf32, #tpu.memory_space<hbm>>) dst(%dma_wait3A_148 : memref<128x128xf32, #tpu.memory_space<vmem>>)
      %dma_start3A_155 = arith.constant 1 : i32
      %dma_start3A_156 = arith.constant 1 : i32
      %dma_start3A_157 = arith.constant 0 : i32
      %dma_start3A_158 = arith.constant 0 : i32
      %dma_start3A_159 = tpu.memref_slice %arg9[%dma_start3A_155, %dma_start3A_157, %dma_start3A_158] : memref<2x128x128xf32, #tpu.memory_space<vmem>> -> memref<1x128x128xf32, #tpu.memory_space<vmem>>
      %dma_start3A_160 = tpu.memref_squeeze %dma_start3A_159 : memref<1x128x128xf32, #tpu.memory_space<vmem>> -> memref<128x128xf32, #tpu.memory_space<vmem>>
      %dma_start3A_161 = arith.constant 0 : i32
      %dma_start3A_162 = tpu.memref_slice %arg8[%dma_start3A_156, %dma_start3A_161] : memref<2x128xi32, #tpu.memory_space<vmem>> -> memref<1x128xi32, #tpu.memory_space<vmem>>
      %dma_start3A_163 = tpu.memref_squeeze %dma_start3A_162 : memref<1x128xi32, #tpu.memory_space<vmem>> -> memref<128xi32, #tpu.memory_space<vmem>>
      %dma_start3A_164 = arith.constant 0 : i32
      %dma_start3A_165 = arith.constant 0 : i32
      %dma_start3A_166 = tpu.memref_slice %arg12[%dma_start3A_164, %dma_start3A_165] : memref<10240x128xf32, #tpu.memory_space<vmem_shared>> -> memref<10240x128xf32, #tpu.memory_space<vmem_shared>>
      tpu.enqueue_indirect_dma source(%dma_start3A_160 : memref<128x128xf32, #tpu.memory_space<vmem>>) target(%dma_start3A_166 : memref<10240x128xf32, #tpu.memory_space<vmem_shared>>) offsets(%dma_start3A_163 : memref<128xi32, #tpu.memory_space<vmem>>) semaphore(%arg18 : memref<!tpu.dma_semaphore, #tpu.memory_space<semaphore_mem>>) {add = true}
    }
    %scan3A_62 = arith.constant 39 : i32
    %dma_wait3A_63 = arith.constant 0 : i32
    %dma_wait3A_64 = arith.constant 0 : i32
    %dma_wait3A_65 = arith.constant 0 : i32
    %dma_wait3A_66 = arith.constant 0 : i32
    %dma_wait3A_67 = tpu.memref_slice %arg9[%dma_wait3A_63, %dma_wait3A_65, %dma_wait3A_66] : memref<2x128x128xf32, #tpu.memory_space<vmem>> -> memref<1x128x128xf32, #tpu.memory_space<vmem>>
    %dma_wait3A_68 = tpu.memref_squeeze %dma_wait3A_67 : memref<1x128x128xf32, #tpu.memory_space<vmem>> -> memref<128x128xf32, #tpu.memory_space<vmem>>
    %dma_wait3A_69 = arith.constant 0 : i32
    %dma_wait3A_70 = tpu.memref_slice %arg8[%dma_wait3A_64, %dma_wait3A_69] : memref<2x128xi32, #tpu.memory_space<vmem>> -> memref<1x128xi32, #tpu.memory_space<vmem>>
    %dma_wait3A_71 = tpu.memref_squeeze %dma_wait3A_70 : memref<1x128xi32, #tpu.memory_space<vmem>> -> memref<128xi32, #tpu.memory_space<vmem>>
    %dma_wait3A_72 = arith.constant 0 : i32
    %dma_wait3A_73 = arith.constant 0 : i32
    %dma_wait3A_74 = tpu.memref_slice %arg12[%dma_wait3A_72, %dma_wait3A_73] : memref<10240x128xf32, #tpu.memory_space<vmem_shared>> -> memref<10240x128xf32, #tpu.memory_space<vmem_shared>>
    tpu.wait_indirect_dma semaphore(%arg17 : memref<!tpu.dma_semaphore, #tpu.memory_space<semaphore_mem>>) src(%dma_wait3A_68 : memref<128x128xf32, #tpu.memory_space<vmem>>) dst(%dma_wait3A_74 : memref<10240x128xf32, #tpu.memory_space<vmem_shared>>)
    %dma_wait3A_75 = arith.constant 1 : i32
    %dma_wait3A_76 = arith.constant 1 : i32
    %dma_wait3A_77 = arith.constant 0 : i32
    %dma_wait3A_78 = arith.constant 0 : i32
    %dma_wait3A_79 = tpu.memref_slice %arg9[%dma_wait3A_75, %dma_wait3A_77, %dma_wait3A_78] : memref<2x128x128xf32, #tpu.memory_space<vmem>> -> memref<1x128x128xf32, #tpu.memory_space<vmem>>
    %dma_wait3A_80 = tpu.memref_squeeze %dma_wait3A_79 : memref<1x128x128xf32, #tpu.memory_space<vmem>> -> memref<128x128xf32, #tpu.memory_space<vmem>>
    %dma_wait3A_81 = arith.constant 0 : i32
    %dma_wait3A_82 = tpu.memref_slice %arg8[%dma_wait3A_76, %dma_wait3A_81] : memref<2x128xi32, #tpu.memory_space<vmem>> -> memref<1x128xi32, #tpu.memory_space<vmem>>
    %dma_wait3A_83 = tpu.memref_squeeze %dma_wait3A_82 : memref<1x128xi32, #tpu.memory_space<vmem>> -> memref<128xi32, #tpu.memory_space<vmem>>
    %dma_wait3A_84 = arith.constant 0 : i32
    %dma_wait3A_85 = arith.constant 0 : i32
    %dma_wait3A_86 = tpu.memref_slice %arg12[%dma_wait3A_84, %dma_wait3A_85] : memref<10240x128xf32, #tpu.memory_space<vmem_shared>> -> memref<10240x128xf32, #tpu.memory_space<vmem_shared>>
    tpu.wait_indirect_dma semaphore(%arg18 : memref<!tpu.dma_semaphore, #tpu.memory_space<semaphore_mem>>) src(%dma_wait3A_80 : memref<128x128xf32, #tpu.memory_space<vmem>>) dst(%dma_wait3A_86 : memref<10240x128xf32, #tpu.memory_space<vmem_shared>>)
    %add3A_87 = arith.constant 9984 : i32
    %add3A_88 = arith.addi %mul3A_2, %add3A_87 : i32
    "tpu.region"() ({
      %run_scoped3A_95 = tpu.sem_alloc : memref<!tpu.dma_semaphore, #tpu.memory_space<semaphore_mem>>
      %dma_start3A_96 = tpu.memref_slice %arg3[%add3A_88] : memref<320000xi32, #tpu.memory_space<hbm>> -> memref<16xi32, #tpu.memory_space<hbm>>
      %dma_start3A_97 = tpu.memref_slice %arg3[%add3A_88] : memref<320000xi32, #tpu.memory_space<hbm>> -> memref<16xi32, #tpu.memory_space<hbm>>
      tpu.enqueue_dma source(%dma_start3A_97 : memref<16xi32, #tpu.memory_space<hbm>>) target(%arg10 : memref<16xi32, #tpu.memory_space<vmem>>) target_semaphore(%run_scoped3A_95 : memref<!tpu.dma_semaphore, #tpu.memory_space<semaphore_mem>>)
      %dma_wait3A_98 = tpu.memref_slice %arg3[%add3A_88] : memref<320000xi32, #tpu.memory_space<hbm>> -> memref<16xi32, #tpu.memory_space<hbm>>
      %dma_wait3A_99 = tpu.memref_slice %arg3[%add3A_88] : memref<320000xi32, #tpu.memory_space<hbm>> -> memref<16xi32, #tpu.memory_space<hbm>>
      tpu.wait_dma2 semaphore(%run_scoped3A_95 : memref<!tpu.dma_semaphore, #tpu.memory_space<semaphore_mem>>) src(%dma_wait3A_99 : memref<16xi32, #tpu.memory_space<hbm>>) dst(%arg10 : memref<16xi32, #tpu.memory_space<vmem>>)
      tpu.yield
    }) : () -> ()
    "tpu.region"() ({
      %run_scoped3A_95 = tpu.sem_alloc : memref<!tpu.dma_semaphore, #tpu.memory_space<semaphore_mem>>
      %dma_start3A_96 = tpu.memref_slice %arg4[%add3A_88] : memref<320000xi32, #tpu.memory_space<hbm>> -> memref<16xi32, #tpu.memory_space<hbm>>
      %dma_start3A_97 = tpu.memref_slice %arg4[%add3A_88] : memref<320000xi32, #tpu.memory_space<hbm>> -> memref<16xi32, #tpu.memory_space<hbm>>
      tpu.enqueue_dma source(%dma_start3A_97 : memref<16xi32, #tpu.memory_space<hbm>>) target(%arg11 : memref<16xi32, #tpu.memory_space<vmem>>) target_semaphore(%run_scoped3A_95 : memref<!tpu.dma_semaphore, #tpu.memory_space<semaphore_mem>>)
      %dma_wait3A_98 = tpu.memref_slice %arg4[%add3A_88] : memref<320000xi32, #tpu.memory_space<hbm>> -> memref<16xi32, #tpu.memory_space<hbm>>
      %dma_wait3A_99 = tpu.memref_slice %arg4[%add3A_88] : memref<320000xi32, #tpu.memory_space<hbm>> -> memref<16xi32, #tpu.memory_space<hbm>>
      tpu.wait_dma2 semaphore(%run_scoped3A_95 : memref<!tpu.dma_semaphore, #tpu.memory_space<semaphore_mem>>) src(%dma_wait3A_99 : memref<16xi32, #tpu.memory_space<hbm>>) dst(%arg11 : memref<16xi32, #tpu.memory_space<vmem>>)
      tpu.yield
    }) : () -> ()
    %run_scoped3A = arith.constant 0 : i32
    "tpu.region"() ({
      %run_scoped3A_95 = tpu.sem_alloc : memref<!tpu.dma_semaphore, #tpu.memory_space<semaphore_mem>>
      %dma_start3A_96 = arith.constant 0 : i32
      %dma_start3A_97 = arith.constant 0 : i32
      %dma_start3A_98 = tpu.memref_slice %arg9[%run_scoped3A, %dma_start3A_96, %dma_start3A_97] : memref<2x128x128xf32, #tpu.memory_space<vmem>> -> memref<1x16x128xf32, #tpu.memory_space<vmem>>
      %dma_start3A_99 = tpu.memref_squeeze %dma_start3A_98 : memref<1x16x128xf32, #tpu.memory_space<vmem>> -> memref<16x128xf32, #tpu.memory_space<vmem>>
      %dma_start3A_100 = arith.constant 0 : i32
      %dma_start3A_101 = arith.constant 0 : i32
      %dma_start3A_102 = tpu.memref_slice %arg2[%dma_start3A_100, %dma_start3A_101] : memref<10000x128xf32, #tpu.memory_space<hbm>> -> memref<10000x128xf32, #tpu.memory_space<hbm>>
      tpu.enqueue_indirect_dma source(%dma_start3A_102 : memref<10000x128xf32, #tpu.memory_space<hbm>>) target(%dma_start3A_99 : memref<16x128xf32, #tpu.memory_space<vmem>>) offsets(%arg10 : memref<16xi32, #tpu.memory_space<vmem>>) semaphore(%run_scoped3A_95 : memref<!tpu.dma_semaphore, #tpu.memory_space<semaphore_mem>>)
      %dma_wait3A_103 = arith.constant 0 : i32
      %dma_wait3A_104 = arith.constant 0 : i32
      %dma_wait3A_105 = tpu.memref_slice %arg9[%run_scoped3A, %dma_wait3A_103, %dma_wait3A_104] : memref<2x128x128xf32, #tpu.memory_space<vmem>> -> memref<1x16x128xf32, #tpu.memory_space<vmem>>
      %dma_wait3A_106 = tpu.memref_squeeze %dma_wait3A_105 : memref<1x16x128xf32, #tpu.memory_space<vmem>> -> memref<16x128xf32, #tpu.memory_space<vmem>>
      %dma_wait3A_107 = arith.constant 0 : i32
      %dma_wait3A_108 = arith.constant 0 : i32
      %dma_wait3A_109 = tpu.memref_slice %arg2[%dma_wait3A_107, %dma_wait3A_108] : memref<10000x128xf32, #tpu.memory_space<hbm>> -> memref<10000x128xf32, #tpu.memory_space<hbm>>
      tpu.wait_indirect_dma semaphore(%run_scoped3A_95 : memref<!tpu.dma_semaphore, #tpu.memory_space<semaphore_mem>>) src(%dma_wait3A_109 : memref<10000x128xf32, #tpu.memory_space<hbm>>) dst(%dma_wait3A_106 : memref<16x128xf32, #tpu.memory_space<vmem>>)
      tpu.yield
    }) : () -> ()
    %run_scoped3A_89 = arith.constant 0 : i32
    "tpu.region"() ({
      %run_scoped3A_95 = tpu.sem_alloc : memref<!tpu.dma_semaphore, #tpu.memory_space<semaphore_mem>>
      %dma_start3A_96 = arith.constant 0 : i32
      %dma_start3A_97 = arith.constant 0 : i32
      %dma_start3A_98 = tpu.memref_slice %arg9[%run_scoped3A_89, %dma_start3A_96, %dma_start3A_97] : memref<2x128x128xf32, #tpu.memory_space<vmem>> -> memref<1x16x128xf32, #tpu.memory_space<vmem>>
      %dma_start3A_99 = tpu.memref_squeeze %dma_start3A_98 : memref<1x16x128xf32, #tpu.memory_space<vmem>> -> memref<16x128xf32, #tpu.memory_space<vmem>>
      %dma_start3A_100 = arith.constant 0 : i32
      %dma_start3A_101 = arith.constant 0 : i32
      %dma_start3A_102 = tpu.memref_slice %arg12[%dma_start3A_100, %dma_start3A_101] : memref<10240x128xf32, #tpu.memory_space<vmem_shared>> -> memref<10240x128xf32, #tpu.memory_space<vmem_shared>>
      tpu.enqueue_indirect_dma source(%dma_start3A_99 : memref<16x128xf32, #tpu.memory_space<vmem>>) target(%dma_start3A_102 : memref<10240x128xf32, #tpu.memory_space<vmem_shared>>) offsets(%arg11 : memref<16xi32, #tpu.memory_space<vmem>>) semaphore(%run_scoped3A_95 : memref<!tpu.dma_semaphore, #tpu.memory_space<semaphore_mem>>) {add = true}
      %dma_wait3A_103 = arith.constant 0 : i32
      %dma_wait3A_104 = arith.constant 0 : i32
      %dma_wait3A_105 = tpu.memref_slice %arg9[%run_scoped3A_89, %dma_wait3A_103, %dma_wait3A_104] : memref<2x128x128xf32, #tpu.memory_space<vmem>> -> memref<1x16x128xf32, #tpu.memory_space<vmem>>
      %dma_wait3A_106 = tpu.memref_squeeze %dma_wait3A_105 : memref<1x16x128xf32, #tpu.memory_space<vmem>> -> memref<16x128xf32, #tpu.memory_space<vmem>>
      %dma_wait3A_107 = arith.constant 0 : i32
      %dma_wait3A_108 = arith.constant 0 : i32
      %dma_wait3A_109 = tpu.memref_slice %arg12[%dma_wait3A_107, %dma_wait3A_108] : memref<10240x128xf32, #tpu.memory_space<vmem_shared>> -> memref<10240x128xf32, #tpu.memory_space<vmem_shared>>
      tpu.wait_indirect_dma semaphore(%run_scoped3A_95 : memref<!tpu.dma_semaphore, #tpu.memory_space<semaphore_mem>>) src(%dma_wait3A_106 : memref<16x128xf32, #tpu.memory_space<vmem>>) dst(%dma_wait3A_109 : memref<10240x128xf32, #tpu.memory_space<vmem_shared>>)
      tpu.yield
    }) : () -> ()
    %barrier3A_90 = arith.constant 0 : index
    tpu.barrier barrier_id(%barrier3A_90)
    %mul3A_91 = arith.constant 640 : i32
    %mul3A_92 = arith.muli %arg1, %mul3A_91 : i32
    %mul3A_93 = arith.constant 640 : i32
    %mul3A_94 = arith.muli %arg1, %mul3A_93 : i32
    "tpu.region"() ({
      %run_scoped3A_95 = tpu.sem_alloc : memref<!tpu.dma_semaphore, #tpu.memory_space<semaphore_mem>>
      %dma_start3A_96 = arith.constant 0 : i32
      %dma_start3A_97 = tpu.memref_slice %arg6[%arg0, %mul3A_94, %dma_start3A_96] : memref<2x10240x128xf32, #tpu.memory_space<hbm>> -> memref<1x640x128xf32, #tpu.memory_space<hbm>>
      %dma_start3A_98 = tpu.memref_squeeze %dma_start3A_97 : memref<1x640x128xf32, #tpu.memory_space<hbm>> -> memref<640x128xf32, #tpu.memory_space<hbm>>
      %dma_start3A_99 = arith.constant 0 : i32
      %dma_start3A_100 = tpu.memref_slice %arg12[%mul3A_92, %dma_start3A_99] : memref<10240x128xf32, #tpu.memory_space<vmem_shared>> -> memref<640x128xf32, #tpu.memory_space<vmem_shared>>
      tpu.enqueue_dma source(%dma_start3A_100 : memref<640x128xf32, #tpu.memory_space<vmem_shared>>) target(%dma_start3A_98 : memref<640x128xf32, #tpu.memory_space<hbm>>) target_semaphore(%run_scoped3A_95 : memref<!tpu.dma_semaphore, #tpu.memory_space<semaphore_mem>>)
      %dma_wait3A_101 = arith.constant 0 : i32
      %dma_wait3A_102 = tpu.memref_slice %arg6[%arg0, %mul3A_94, %dma_wait3A_101] : memref<2x10240x128xf32, #tpu.memory_space<hbm>> -> memref<1x640x128xf32, #tpu.memory_space<hbm>>
      %dma_wait3A_103 = tpu.memref_squeeze %dma_wait3A_102 : memref<1x640x128xf32, #tpu.memory_space<hbm>> -> memref<640x128xf32, #tpu.memory_space<hbm>>
      %dma_wait3A_104 = arith.constant 0 : i32
      %dma_wait3A_105 = tpu.memref_slice %arg12[%mul3A_92, %dma_wait3A_104] : memref<10240x128xf32, #tpu.memory_space<vmem_shared>> -> memref<640x128xf32, #tpu.memory_space<vmem_shared>>
      tpu.wait_dma2 semaphore(%run_scoped3A_95 : memref<!tpu.dma_semaphore, #tpu.memory_space<semaphore_mem>>) src(%dma_wait3A_105 : memref<640x128xf32, #tpu.memory_space<vmem_shared>>) dst(%dma_wait3A_103 : memref<640x128xf32, #tpu.memory_space<hbm>>)
      tpu.yield
    }) : () -> ()
    return
  }
}

module attributes {stable_mosaic.version = 14 : i64} {
  func.func @body(%arg0: memref<32x10240xf32, #tpu.memory_space<vmem>>, %arg1: memref<10000x128xf32, #tpu.memory_space<vmem>>, %arg2: memref<10240xf32, #tpu.memory_space<vmem>>, %arg3: memref<10000x128xf32, #tpu.memory_space<vmem>>, %arg4: memref<10000x128xf32, #tpu.memory_space<vmem>>) attributes {dimension_semantics = [], scalar_prefetch = 0 : i64, scratch_operands = 0 : i64, tpu.core_type = #tpu.core_type<tc>} {
    %get3A = arith.constant 0 : index
    %get3A_0 = arith.constant 0 : index
    %get3A_1 = vector.load %arg0[%get3A, %get3A_0] : memref<32x10240xf32, #tpu.memory_space<vmem>>, vector<32x10240xf32>
    %reduce_sum3A = arith.constant dense<0.000000e+00> : vector<10240xf32>
    %reduce_sum3A_2 = vector.multi_reduction <add>, %get3A_1, %reduce_sum3A [0] : vector<32x10240xf32> to vector<10240xf32>
    %broadcast_in_dim3A = vector.shape_cast %reduce_sum3A_2 : vector<10240xf32> to vector<1x10240xf32>
    %gt3A = arith.constant 0.000000e+00 : f32
    %gt3A_3 = vector.broadcast %gt3A : f32 to vector<1x10240xf32>
    %gt3A_4 = arith.cmpf ogt, %broadcast_in_dim3A, %gt3A_3 : vector<1x10240xf32>
    %rsqrt3A = math.rsqrt %broadcast_in_dim3A : vector<1x10240xf32>
    %jit3A = arith.constant 0.000000e+00 : f32
    %broadcast_in_dim3A_5 = vector.broadcast %jit3A : f32 to vector<1x10240xf32>
    %select_n3A = arith.select %gt3A_4, %rsqrt3A, %broadcast_in_dim3A_5 : vector<1x10240xi1>, vector<1x10240xf32>
    %reshape3A = vector.shape_cast %select_n3A : vector<1x10240xf32> to vector<10240xf32>
    %swap3A = arith.constant 0 : index
    %swap3A_6 = vector.load %arg2[%swap3A] : memref<10240xf32, #tpu.memory_space<vmem>>, vector<10240xf32>
    tpu.vector_store %arg2[%swap3A], %reshape3A {strides = array<i32>} : memref<10240xf32, #tpu.memory_space<vmem>>, vector<10240xf32>,
    %reshape3A_7 = vector.shape_cast %select_n3A : vector<1x10240xf32> to vector<10240x1xf32>
    %slice3A = vector.extract_strided_slice %reshape3A_7 {offsets = [0, 0], sizes = [10000, 1], strides = [1, 1]} : vector<10240x1xf32> to vector<10000x1xf32>
    %broadcast_in_dim3A_8 = vector.shape_cast %slice3A : vector<10000x1xf32> to vector<10000x1xf32>
    %broadcast_in_dim3A_9 = vector.broadcast %broadcast_in_dim3A_8 : vector<10000x1xf32> to vector<10000x128xf32>
    %swap3A_10 = arith.constant 0 : index
    %swap3A_11 = arith.constant 0 : index
    %swap3A_12 = vector.load %arg3[%swap3A_10, %swap3A_11] : memref<10000x128xf32, #tpu.memory_space<vmem>>, vector<10000x128xf32>
    tpu.vector_store %arg3[%swap3A_10, %swap3A_11], %broadcast_in_dim3A_9 {strides = array<i32>} : memref<10000x128xf32, #tpu.memory_space<vmem>>, vector<10000x128xf32>,
    %get3A_13 = arith.constant 0 : index
    %get3A_14 = arith.constant 0 : index
    %get3A_15 = vector.load %arg1[%get3A_13, %get3A_14] : memref<10000x128xf32, #tpu.memory_space<vmem>>, vector<10000x128xf32>
    %mul3A = arith.mulf %get3A_15, %broadcast_in_dim3A_9 : vector<10000x128xf32>
    %swap3A_16 = arith.constant 0 : index
    %swap3A_17 = arith.constant 0 : index
    %swap3A_18 = vector.load %arg4[%swap3A_16, %swap3A_17] : memref<10000x128xf32, #tpu.memory_space<vmem>>, vector<10000x128xf32>
    tpu.vector_store %arg4[%swap3A_16, %swap3A_17], %mul3A {strides = array<i32>} : memref<10000x128xf32, #tpu.memory_space<vmem>>, vector<10000x128xf32>,
    return
  }
}

module attributes {stable_mosaic.version = 14 : i64} {
  func.func @body(%arg0: i32, %arg1: memref<32x4x10240xf32, #tpu.memory_space<vmem>>, %arg2: memref<10000x128xf32, #tpu.memory_space<vmem>>, %arg3: memref<1x4x128xf32, #tpu.memory_space<vmem>>, %arg4: memref<1x10000x128xf32, #tpu.memory_space<vmem>>) attributes {dimension_semantics = [#tpu.dimension_semantics<arbitrary>], iteration_bounds = array<i64: 5>, scalar_prefetch = 0 : i64, scratch_operands = 0 : i64, tpu.core_type = #tpu.core_type<tc>, window_params = [{pipeline_mode = #tpu.pipeline_mode<synchronous>, transform_indices = @transform_0, window_bounds = array<i64: 32, 4, 10240>}, {pipeline_mode = #tpu.pipeline_mode<synchronous>, transform_indices = @transform_1, window_bounds = array<i64: 10000, 128>}, {transform_indices = @transform_2, window_bounds = array<i64: 1, 4, 128>}, {transform_indices = @transform_3, window_bounds = array<i64: 1, 10000, 128>}]} {
    %get3A = arith.constant 0 : index
    %get3A_0 = arith.constant 0 : index
    %get3A_1 = arith.constant 0 : index
    %get3A_2 = vector.load %arg1[%get3A, %get3A_0, %get3A_1] : memref<32x4x10240xf32, #tpu.memory_space<vmem>>, vector<32x4x10240xf32>
    %reduce_sum3A = arith.constant dense<0.000000e+00> : vector<4x10240xf32>
    %reduce_sum3A_3 = vector.multi_reduction <add>, %get3A_2, %reduce_sum3A [0] : vector<32x4x10240xf32> to vector<4x10240xf32>
    %get3A_4 = arith.constant 0 : index
    %get3A_5 = arith.constant 0 : index
    %get3A_6 = arith.constant 0 : index
    %get3A_7 = vector.load %arg3[%get3A_4, %get3A_5, %get3A_6] : memref<1x4x128xf32, #tpu.memory_space<vmem>>, vector<1x4x128xf32>
    %get3A_8 = vector.shape_cast %get3A_7 : vector<1x4x128xf32> to vector<4x128xf32>
    %dot_general3A = arith.constant dense<0.000000e+00> : vector<10240x128xf32>
    %dot_general3A_9 = tpu.matmul %reduce_sum3A_3, %get3A_8, %dot_general3A {dimension_numbers = #tpu.dot_dimension_numbers<[0], [0], [1], [1], [0, 1, 1, 1], [], []>, precision = #tpu.contract_precision<fp32>, transpose_lhs_hint = false} : vector<4x10240xf32>, vector<4x128xf32>, vector<10240x128xf32> -> vector<10240x128xf32>
    %get3A_10 = arith.constant 0 : index
    %get3A_11 = arith.constant 0 : index
    %get3A_12 = vector.load %arg2[%get3A_10, %get3A_11] : memref<10000x128xf32, #tpu.memory_space<vmem>>, vector<10000x128xf32>
    %slice3A = vector.extract_strided_slice %dot_general3A_9 {offsets = [0, 0], sizes = [10000, 128], strides = [1, 1]} : vector<10240x128xf32> to vector<10000x128xf32>
    %mul3A = arith.mulf %get3A_12, %slice3A : vector<10000x128xf32>
    %swap3A = arith.constant 0 : index
    %swap3A_13 = arith.constant 0 : index
    %swap3A_14 = arith.constant 0 : index
    %swap3A_15 = vector.load %arg4[%swap3A, %swap3A_13, %swap3A_14] : memref<1x10000x128xf32, #tpu.memory_space<vmem>>, vector<1x10000x128xf32>
    %swap3A_16 = vector.shape_cast %swap3A_15 : vector<1x10000x128xf32> to vector<10000x128xf32>
    %swap3A_17 = vector.shape_cast %mul3A : vector<10000x128xf32> to vector<1x10000x128xf32>
    tpu.vector_store %arg4[%swap3A, %swap3A_13, %swap3A_14], %swap3A_17 {strides = array<i32>} : memref<1x10000x128xf32, #tpu.memory_space<vmem>>, vector<1x10000x128xf32>,
    return
  }
  func.func @transform_0(%arg0: i32) -> (i32, i32, i32) {
    %c0_i32 = arith.constant 0 : i32
    %c0_i32_0 = arith.constant 0 : i32
    %c0_i32_1 = arith.constant 0 : i32
    %c0_i32_2 = arith.constant 0 : i32
    return %c0_i32, %c0_i32_0, %c0_i32_1 : i32, i32, i32
  }
  func.func @transform_1(%arg0: i32) -> (i32, i32) {
    %c0_i32 = arith.constant 0 : i32
    %c0_i32_0 = arith.constant 0 : i32
    %c0_i32_1 = arith.constant 0 : i32
    return %c0_i32, %c0_i32_0 : i32, i32
  }
  func.func @transform_2(%arg0: i32) -> (i32, i32, i32) {
    %c0_i32 = arith.constant 0 : i32
    %c0_i32_0 = arith.constant 0 : i32
    %c0_i32_1 = arith.constant 0 : i32
    return %arg0, %c0_i32, %c0_i32_0 : i32, i32, i32
  }
  func.func @transform_3(%arg0: i32) -> (i32, i32, i32) {
    %c0_i32 = arith.constant 0 : i32
    %c0_i32_0 = arith.constant 0 : i32
    %c0_i32_1 = arith.constant 0 : i32
    return %arg0, %c0_i32, %c0_i32_0 : i32, i32, i32
  }
}

module attributes {stable_mosaic.version = 14 : i64} {
  func.func @body(%arg0: i32, %arg1: memref<1000x128xf32, #tpu.memory_space<vmem>>, %arg2: memref<2x1000x128xf32, #tpu.memory_space<vmem>>, %arg3: memref<1000x128xf32, #tpu.memory_space<vmem>>, %arg4: memref<1000x128xf32, #tpu.memory_space<vmem>>, %arg5: memref<128x256xf32, #tpu.memory_space<vmem>>, %arg6: memref<1x128xf32, #tpu.memory_space<vmem>>, %arg7: memref<1000x128xf32, #tpu.memory_space<vmem>>, %arg8: memref<2x128xf32, #tpu.memory_space<vmem>>) attributes {dimension_semantics = [#tpu.dimension_semantics<arbitrary>], iteration_bounds = array<i64: 10>, scalar_prefetch = 0 : i64, scratch_operands = 0 : i64, tpu.core_type = #tpu.core_type<tc>, window_params = [{transform_indices = @transform_0, window_bounds = array<i64: 1000, 128>}, {transform_indices = @transform_1, window_bounds = array<i64: 2, 1000, 128>}, {transform_indices = @transform_2, window_bounds = array<i64: 1000, 128>}, {transform_indices = @transform_3, window_bounds = array<i64: 1000, 128>}, {pipeline_mode = #tpu.pipeline_mode<synchronous>, transform_indices = @transform_4, window_bounds = array<i64: 128, 256>}, {pipeline_mode = #tpu.pipeline_mode<synchronous>, transform_indices = @transform_5, window_bounds = array<i64: 1, 128>}, {transform_indices = @transform_6, window_bounds = array<i64: 1000, 128>}, {pipeline_mode = #tpu.pipeline_mode<synchronous>, transform_indices = @transform_7, window_bounds = array<i64: 2, 128>}]} {
    %get3A = arith.constant 0 : index
    %get3A_0 = arith.constant 0 : index
    %get3A_1 = vector.load %arg4[%get3A, %get3A_0] : memref<1000x128xf32, #tpu.memory_space<vmem>>, vector<1000x128xf32>
    %get3A_2 = arith.constant 0 : index
    %get3A_3 = arith.constant 0 : index
    %get3A_4 = arith.constant 0 : index
    %get3A_5 = vector.load %arg2[%get3A_2, %get3A_3, %get3A_4] : memref<2x1000x128xf32, #tpu.memory_space<vmem>>, vector<1x1000x128xf32>
    %get3A_6 = vector.shape_cast %get3A_5 : vector<1x1000x128xf32> to vector<1000x128xf32>
    %get3A_7 = arith.constant 1 : index
    %get3A_8 = arith.constant 0 : index
    %get3A_9 = arith.constant 0 : index
    %get3A_10 = vector.load %arg2[%get3A_7, %get3A_8, %get3A_9] : memref<2x1000x128xf32, #tpu.memory_space<vmem>>, vector<1x1000x128xf32>
    %get3A_11 = vector.shape_cast %get3A_10 : vector<1x1000x128xf32> to vector<1000x128xf32>
    %add3A = arith.addf %get3A_6, %get3A_11 : vector<1000x128xf32>
    %mul3A = arith.mulf %get3A_1, %add3A : vector<1000x128xf32>
    %get3A_12 = arith.constant 0 : index
    %get3A_13 = arith.constant 0 : index
    %get3A_14 = vector.load %arg3[%get3A_12, %get3A_13] : memref<1000x128xf32, #tpu.memory_space<vmem>>, vector<1000x128xf32>
    %add3A_15 = arith.addf %mul3A, %get3A_14 : vector<1000x128xf32>
    %get3A_16 = arith.constant 0 : index
    %get3A_17 = arith.constant 0 : index
    %get3A_18 = vector.load %arg1[%get3A_16, %get3A_17] : memref<1000x128xf32, #tpu.memory_space<vmem>>, vector<1000x128xf32>
    %concatenate3A = tpu.concatenate %get3A_18, %add3A_15 in 1 : vector<1000x128xf32>, vector<1000x128xf32> -> vector<1000x256xf32>
    %get3A_19 = arith.constant 0 : index
    %get3A_20 = arith.constant 0 : index
    %get3A_21 = vector.load %arg5[%get3A_19, %get3A_20] : memref<128x256xf32, #tpu.memory_space<vmem>>, vector<128x256xf32>
    %dot_general3A = arith.constant dense<0.000000e+00> : vector<1000x128xf32>
    %dot_general3A_22 = tpu.matmul %concatenate3A, %get3A_21, %dot_general3A {dimension_numbers = #tpu.dot_dimension_numbers<[1], [1], [0], [0], [0, 0, 1, 0], [], []>, transpose_lhs_hint = false} : vector<1000x256xf32>, vector<128x256xf32>, vector<1000x128xf32> -> vector<1000x128xf32>
    %get3A_23 = arith.constant 0 : index
    %get3A_24 = arith.constant 0 : index
    %get3A_25 = vector.load %arg6[%get3A_23, %get3A_24] : memref<1x128xf32, #tpu.memory_space<vmem>>, vector<1x128xf32>
    %add3A_26 = vector.broadcast %get3A_25 : vector<1x128xf32> to vector<1000x128xf32>
    %add3A_27 = arith.addf %dot_general3A_22, %add3A_26 : vector<1000x128xf32>
    %max3A = arith.constant 0.000000e+00 : f32
    %max3A_28 = vector.broadcast %max3A : f32 to vector<1000x128xf32>
    %max3A_29 = arith.maximumf %add3A_27, %max3A_28 : vector<1000x128xf32>
    %swap3A = arith.constant 0 : index
    %swap3A_30 = arith.constant 0 : index
    %swap3A_31 = vector.load %arg7[%swap3A, %swap3A_30] : memref<1000x128xf32, #tpu.memory_space<vmem>>, vector<1000x128xf32>
    tpu.vector_store %arg7[%swap3A, %swap3A_30], %max3A_29 {strides = array<i32>} : memref<1000x128xf32, #tpu.memory_space<vmem>>, vector<1000x128xf32>,
    %eq3A = arith.constant 0 : i32
    %eq3A_32 = arith.cmpi eq, %arg0, %eq3A : i32
    %convert_element_type3A = arith.extui %eq3A_32 : i1 to i32
    %cond3A = arith.constant 0 : i32
    %cond3A_33 = arith.cmpi ne, %convert_element_type3A, %cond3A : i32
    scf.if %cond3A_33 {
      %broadcast_in_dim3A_47 = arith.constant 0.000000e+00 : f32
      %broadcast_in_dim3A_48 = vector.broadcast %broadcast_in_dim3A_47 : f32 to vector<2x128xf32>
      %swap3A_49 = arith.constant 0 : index
      %swap3A_50 = arith.constant 0 : index
      %swap3A_51 = vector.load %arg8[%swap3A_49, %swap3A_50] : memref<2x128xf32, #tpu.memory_space<vmem>>, vector<2x128xf32>
      tpu.vector_store %arg8[%swap3A_49, %swap3A_50], %broadcast_in_dim3A_48 {strides = array<i32>} : memref<2x128xf32, #tpu.memory_space<vmem>>, vector<2x128xf32>,
    } else {
    }
    %get3A_34 = arith.constant 0 : index
    %get3A_35 = arith.constant 0 : index
    %get3A_36 = vector.load %arg8[%get3A_34, %get3A_35] : memref<2x128xf32, #tpu.memory_space<vmem>>, vector<2x128xf32>
    %reduce_sum3A = arith.constant dense<0.000000e+00> : vector<128xf32>
    %reduce_sum3A_37 = vector.multi_reduction <add>, %max3A_29, %reduce_sum3A [0] : vector<1000x128xf32> to vector<128xf32>
    %broadcast_in_dim3A = vector.shape_cast %reduce_sum3A_37 : vector<128xf32> to vector<1x128xf32>
    %mul3A_38 = arith.mulf %max3A_29, %max3A_29 : vector<1000x128xf32>
    %reduce_sum3A_39 = arith.constant dense<0.000000e+00> : vector<128xf32>
    %reduce_sum3A_40 = vector.multi_reduction <add>, %mul3A_38, %reduce_sum3A_39 [0] : vector<1000x128xf32> to vector<128xf32>
    %broadcast_in_dim3A_41 = vector.shape_cast %reduce_sum3A_40 : vector<128xf32> to vector<1x128xf32>
    %concatenate3A_42 = tpu.concatenate %broadcast_in_dim3A, %broadcast_in_dim3A_41 in 0 : vector<1x128xf32>, vector<1x128xf32> -> vector<2x128xf32>
    %add3A_43 = arith.addf %get3A_36, %concatenate3A_42 : vector<2x128xf32>
    %swap3A_44 = arith.constant 0 : index
    %swap3A_45 = arith.constant 0 : index
    %swap3A_46 = vector.load %arg8[%swap3A_44, %swap3A_45] : memref<2x128xf32, #tpu.memory_space<vmem>>, vector<2x128xf32>
    tpu.vector_store %arg8[%swap3A_44, %swap3A_45], %add3A_43 {strides = array<i32>} : memref<2x128xf32, #tpu.memory_space<vmem>>, vector<2x128xf32>,
    return
  }
  func.func @transform_0(%arg0: i32) -> (i32, i32) {
    %c0_i32 = arith.constant 0 : i32
    %c0_i32_0 = arith.constant 0 : i32
    return %arg0, %c0_i32 : i32, i32
  }
  func.func @transform_1(%arg0: i32) -> (i32, i32, i32) {
    %c0_i32 = arith.constant 0 : i32
    %c0_i32_0 = arith.constant 0 : i32
    %c0_i32_1 = arith.constant 0 : i32
    return %c0_i32, %arg0, %c0_i32_0 : i32, i32, i32
  }
  func.func @transform_2(%arg0: i32) -> (i32, i32) {
    %c0_i32 = arith.constant 0 : i32
    %c0_i32_0 = arith.constant 0 : i32
    return %arg0, %c0_i32 : i32, i32
  }
  func.func @transform_3(%arg0: i32) -> (i32, i32) {
    %c0_i32 = arith.constant 0 : i32
    %c0_i32_0 = arith.constant 0 : i32
    return %arg0, %c0_i32 : i32, i32
  }
  func.func @transform_4(%arg0: i32) -> (i32, i32) {
    %c0_i32 = arith.constant 0 : i32
    %c0_i32_0 = arith.constant 0 : i32
    %c0_i32_1 = arith.constant 0 : i32
    return %c0_i32, %c0_i32_0 : i32, i32
  }
  func.func @transform_5(%arg0: i32) -> (i32, i32) {
    %c0_i32 = arith.constant 0 : i32
    %c0_i32_0 = arith.constant 0 : i32
    %c0_i32_1 = arith.constant 0 : i32
    return %c0_i32, %c0_i32_0 : i32, i32
  }
  func.func @transform_6(%arg0: i32) -> (i32, i32) {
    %c0_i32 = arith.constant 0 : i32
    %c0_i32_0 = arith.constant 0 : i32
    return %arg0, %c0_i32 : i32, i32
  }
  func.func @transform_7(%arg0: i32) -> (i32, i32) {
    %c0_i32 = arith.constant 0 : i32
    %c0_i32_0 = arith.constant 0 : i32
    %c0_i32_1 = arith.constant 0 : i32
    return %c0_i32, %c0_i32_0 : i32, i32
  }
}

module attributes {stable_mosaic.version = 14 : i64} {
  func.func @body(%arg0: i32, %arg1: memref<1000x128xf32, #tpu.memory_space<vmem>>, %arg2: memref<2x128xf32, #tpu.memory_space<vmem>>, %arg3: memref<1000x128xf32, #tpu.memory_space<vmem>>, %arg4: memref<1x128xf32, #tpu.memory_space<vmem>>, %arg5: memref<1x128xf32, #tpu.memory_space<vmem>>, %arg6: memref<1000x128xf32, #tpu.memory_space<vmem>>, %arg7: memref<1000x128xf32, #tpu.memory_space<vmem>>) attributes {dimension_semantics = [#tpu.dimension_semantics<arbitrary>], iteration_bounds = array<i64: 10>, scalar_prefetch = 0 : i64, scratch_operands = 0 : i64, tpu.core_type = #tpu.core_type<tc>, window_params = [{transform_indices = @transform_0, window_bounds = array<i64: 1000, 128>}, {pipeline_mode = #tpu.pipeline_mode<synchronous>, transform_indices = @transform_1, window_bounds = array<i64: 2, 128>}, {transform_indices = @transform_2, window_bounds = array<i64: 1000, 128>}, {pipeline_mode = #tpu.pipeline_mode<synchronous>, transform_indices = @transform_3, window_bounds = array<i64: 1, 128>}, {pipeline_mode = #tpu.pipeline_mode<synchronous>, transform_indices = @transform_4, window_bounds = array<i64: 1, 128>}, {transform_indices = @transform_5, window_bounds = array<i64: 1000, 128>}, {transform_indices = @transform_6, window_bounds = array<i64: 1000, 128>}]} {
    %get3A = arith.constant 0 : index
    %get3A_0 = arith.constant 0 : index
    %get3A_1 = vector.load %arg2[%get3A, %get3A_0] : memref<2x128xf32, #tpu.memory_space<vmem>>, vector<2x128xf32>
    %slice3A = vector.extract_strided_slice %get3A_1 {offsets = [0, 0], sizes = [1, 128], strides = [1, 1]} : vector<2x128xf32> to vector<1x128xf32>
    %div3A = arith.constant 1.000000e+04 : f32
    %div3A_2 = vector.broadcast %div3A : f32 to vector<1x128xf32>
    %div3A_3 = arith.divf %slice3A, %div3A_2 : vector<1x128xf32>
    %slice3A_4 = vector.extract_strided_slice %get3A_1 {offsets = [1, 0], sizes = [1, 128], strides = [1, 1]} : vector<2x128xf32> to vector<1x128xf32>
    %div3A_5 = arith.constant 1.000000e+04 : f32
    %div3A_6 = vector.broadcast %div3A_5 : f32 to vector<1x128xf32>
    %div3A_7 = arith.divf %slice3A_4, %div3A_6 : vector<1x128xf32>
    %mul3A = arith.mulf %div3A_3, %div3A_3 : vector<1x128xf32>
    %sub3A = arith.subf %div3A_7, %mul3A : vector<1x128xf32>
    %get3A_8 = arith.constant 0 : index
    %get3A_9 = arith.constant 0 : index
    %get3A_10 = vector.load %arg1[%get3A_8, %get3A_9] : memref<1000x128xf32, #tpu.memory_space<vmem>>, vector<1000x128xf32>
    %sub3A_11 = vector.broadcast %div3A_3 : vector<1x128xf32> to vector<1000x128xf32>
    %sub3A_12 = arith.subf %get3A_10, %sub3A_11 : vector<1000x128xf32>
    %add3A = arith.constant 9.99999974E-6 : f32
    %add3A_13 = vector.broadcast %add3A : f32 to vector<1x128xf32>
    %add3A_14 = arith.addf %sub3A, %add3A_13 : vector<1x128xf32>
    %sqrt3A = math.sqrt %add3A_14 : vector<1x128xf32>
    %div3A_15 = vector.broadcast %sqrt3A : vector<1x128xf32> to vector<1000x128xf32>
    %div3A_16 = arith.divf %sub3A_12, %div3A_15 : vector<1000x128xf32>
    %get3A_17 = arith.constant 0 : index
    %get3A_18 = arith.constant 0 : index
    %get3A_19 = vector.load %arg4[%get3A_17, %get3A_18] : memref<1x128xf32, #tpu.memory_space<vmem>>, vector<1x128xf32>
    %mul3A_20 = vector.broadcast %get3A_19 : vector<1x128xf32> to vector<1000x128xf32>
    %mul3A_21 = arith.mulf %div3A_16, %mul3A_20 : vector<1000x128xf32>
    %get3A_22 = arith.constant 0 : index
    %get3A_23 = arith.constant 0 : index
    %get3A_24 = vector.load %arg5[%get3A_22, %get3A_23] : memref<1x128xf32, #tpu.memory_space<vmem>>, vector<1x128xf32>
    %add3A_25 = vector.broadcast %get3A_24 : vector<1x128xf32> to vector<1000x128xf32>
    %add3A_26 = arith.addf %mul3A_21, %add3A_25 : vector<1000x128xf32>
    %max3A = arith.constant 0.000000e+00 : f32
    %max3A_27 = vector.broadcast %max3A : f32 to vector<1000x128xf32>
    %max3A_28 = arith.maximumf %add3A_26, %max3A_27 : vector<1000x128xf32>
    %swap3A = arith.constant 0 : index
    %swap3A_29 = arith.constant 0 : index
    %swap3A_30 = vector.load %arg6[%swap3A, %swap3A_29] : memref<1000x128xf32, #tpu.memory_space<vmem>>, vector<1000x128xf32>
    tpu.vector_store %arg6[%swap3A, %swap3A_29], %max3A_28 {strides = array<i32>} : memref<1000x128xf32, #tpu.memory_space<vmem>>, vector<1000x128xf32>,
    %get3A_31 = arith.constant 0 : index
    %get3A_32 = arith.constant 0 : index
    %get3A_33 = vector.load %arg3[%get3A_31, %get3A_32] : memref<1000x128xf32, #tpu.memory_space<vmem>>, vector<1000x128xf32>
    %mul3A_34 = arith.mulf %max3A_28, %get3A_33 : vector<1000x128xf32>
    %swap3A_35 = arith.constant 0 : index
    %swap3A_36 = arith.constant 0 : index
    %swap3A_37 = vector.load %arg7[%swap3A_35, %swap3A_36] : memref<1000x128xf32, #tpu.memory_space<vmem>>, vector<1000x128xf32>
    tpu.vector_store %arg7[%swap3A_35, %swap3A_36], %mul3A_34 {strides = array<i32>} : memref<1000x128xf32, #tpu.memory_space<vmem>>, vector<1000x128xf32>,
    return
  }
  func.func @transform_0(%arg0: i32) -> (i32, i32) {
    %c0_i32 = arith.constant 0 : i32
    %c0_i32_0 = arith.constant 0 : i32
    return %arg0, %c0_i32 : i32, i32
  }
  func.func @transform_1(%arg0: i32) -> (i32, i32) {
    %c0_i32 = arith.constant 0 : i32
    %c0_i32_0 = arith.constant 0 : i32
    %c0_i32_1 = arith.constant 0 : i32
    return %c0_i32, %c0_i32_0 : i32, i32
  }
  func.func @transform_2(%arg0: i32) -> (i32, i32) {
    %c0_i32 = arith.constant 0 : i32
    %c0_i32_0 = arith.constant 0 : i32
    return %arg0, %c0_i32 : i32, i32
  }
  func.func @transform_3(%arg0: i32) -> (i32, i32) {
    %c0_i32 = arith.constant 0 : i32
    %c0_i32_0 = arith.constant 0 : i32
    %c0_i32_1 = arith.constant 0 : i32
    return %c0_i32, %c0_i32_0 : i32, i32
  }
  func.func @transform_4(%arg0: i32) -> (i32, i32) {
    %c0_i32 = arith.constant 0 : i32
    %c0_i32_0 = arith.constant 0 : i32
    %c0_i32_1 = arith.constant 0 : i32
    return %c0_i32, %c0_i32_0 : i32, i32
  }
  func.func @transform_5(%arg0: i32) -> (i32, i32) {
    %c0_i32 = arith.constant 0 : i32
    %c0_i32_0 = arith.constant 0 : i32
    return %arg0, %c0_i32 : i32, i32
  }
  func.func @transform_6(%arg0: i32) -> (i32, i32) {
    %c0_i32 = arith.constant 0 : i32
    %c0_i32_0 = arith.constant 0 : i32
    return %arg0, %c0_i32 : i32, i32
  }
}

module attributes {stable_mosaic.version = 14 : i64} {
  func.func @body(%arg0: i32, %arg1: memref<1000x128xf32, #tpu.memory_space<vmem>>, %arg2: memref<2x128xf32, #tpu.memory_space<vmem>>, %arg3: memref<1000x128xf32, #tpu.memory_space<vmem>>, %arg4: memref<1x128xf32, #tpu.memory_space<vmem>>, %arg5: memref<1x128xf32, #tpu.memory_space<vmem>>, %arg6: memref<1000x128xf32, #tpu.memory_space<vmem>>, %arg7: memref<1000x128xf32, #tpu.memory_space<vmem>>) attributes {dimension_semantics = [#tpu.dimension_semantics<arbitrary>], iteration_bounds = array<i64: 10>, scalar_prefetch = 0 : i64, scratch_operands = 0 : i64, tpu.core_type = #tpu.core_type<tc>, window_params = [{transform_indices = @transform_0, window_bounds = array<i64: 1000, 128>}, {pipeline_mode = #tpu.pipeline_mode<synchronous>, transform_indices = @transform_1, window_bounds = array<i64: 2, 128>}, {transform_indices = @transform_2, window_bounds = array<i64: 1000, 128>}, {pipeline_mode = #tpu.pipeline_mode<synchronous>, transform_indices = @transform_3, window_bounds = array<i64: 1, 128>}, {pipeline_mode = #tpu.pipeline_mode<synchronous>, transform_indices = @transform_4, window_bounds = array<i64: 1, 128>}, {transform_indices = @transform_5, window_bounds = array<i64: 1000, 128>}, {transform_indices = @transform_6, window_bounds = array<i64: 1000, 128>}]} {
    %get3A = arith.constant 0 : index
    %get3A_0 = arith.constant 0 : index
    %get3A_1 = vector.load %arg2[%get3A, %get3A_0] : memref<2x128xf32, #tpu.memory_space<vmem>>, vector<2x128xf32>
    %slice3A = vector.extract_strided_slice %get3A_1 {offsets = [0, 0], sizes = [1, 128], strides = [1, 1]} : vector<2x128xf32> to vector<1x128xf32>
    %div3A = arith.constant 1.000000e+04 : f32
    %div3A_2 = vector.broadcast %div3A : f32 to vector<1x128xf32>
    %div3A_3 = arith.divf %slice3A, %div3A_2 : vector<1x128xf32>
    %slice3A_4 = vector.extract_strided_slice %get3A_1 {offsets = [1, 0], sizes = [1, 128], strides = [1, 1]} : vector<2x128xf32> to vector<1x128xf32>
    %div3A_5 = arith.constant 1.000000e+04 : f32
    %div3A_6 = vector.broadcast %div3A_5 : f32 to vector<1x128xf32>
    %div3A_7 = arith.divf %slice3A_4, %div3A_6 : vector<1x128xf32>
    %mul3A = arith.mulf %div3A_3, %div3A_3 : vector<1x128xf32>
    %sub3A = arith.subf %div3A_7, %mul3A : vector<1x128xf32>
    %get3A_8 = arith.constant 0 : index
    %get3A_9 = arith.constant 0 : index
    %get3A_10 = vector.load %arg1[%get3A_8, %get3A_9] : memref<1000x128xf32, #tpu.memory_space<vmem>>, vector<1000x128xf32>
    %sub3A_11 = vector.broadcast %div3A_3 : vector<1x128xf32> to vector<1000x128xf32>
    %sub3A_12 = arith.subf %get3A_10, %sub3A_11 : vector<1000x128xf32>
    %add3A = arith.constant 9.99999974E-6 : f32
    %add3A_13 = vector.broadcast %add3A : f32 to vector<1x128xf32>
    %add3A_14 = arith.addf %sub3A, %add3A_13 : vector<1x128xf32>
    %sqrt3A = math.sqrt %add3A_14 : vector<1x128xf32>
    %div3A_15 = vector.broadcast %sqrt3A : vector<1x128xf32> to vector<1000x128xf32>
    %div3A_16 = arith.divf %sub3A_12, %div3A_15 : vector<1000x128xf32>
    %get3A_17 = arith.constant 0 : index
    %get3A_18 = arith.constant 0 : index
    %get3A_19 = vector.load %arg4[%get3A_17, %get3A_18] : memref<1x128xf32, #tpu.memory_space<vmem>>, vector<1x128xf32>
    %mul3A_20 = vector.broadcast %get3A_19 : vector<1x128xf32> to vector<1000x128xf32>
    %mul3A_21 = arith.mulf %div3A_16, %mul3A_20 : vector<1000x128xf32>
    %get3A_22 = arith.constant 0 : index
    %get3A_23 = arith.constant 0 : index
    %get3A_24 = vector.load %arg5[%get3A_22, %get3A_23] : memref<1x128xf32, #tpu.memory_space<vmem>>, vector<1x128xf32>
    %add3A_25 = vector.broadcast %get3A_24 : vector<1x128xf32> to vector<1000x128xf32>
    %add3A_26 = arith.addf %mul3A_21, %add3A_25 : vector<1000x128xf32>
    %swap3A = arith.constant 0 : index
    %swap3A_27 = arith.constant 0 : index
    %swap3A_28 = vector.load %arg6[%swap3A, %swap3A_27] : memref<1000x128xf32, #tpu.memory_space<vmem>>, vector<1000x128xf32>
    tpu.vector_store %arg6[%swap3A, %swap3A_27], %add3A_26 {strides = array<i32>} : memref<1000x128xf32, #tpu.memory_space<vmem>>, vector<1000x128xf32>,
    %get3A_29 = arith.constant 0 : index
    %get3A_30 = arith.constant 0 : index
    %get3A_31 = vector.load %arg3[%get3A_29, %get3A_30] : memref<1000x128xf32, #tpu.memory_space<vmem>>, vector<1000x128xf32>
    %mul3A_32 = arith.mulf %add3A_26, %get3A_31 : vector<1000x128xf32>
    %swap3A_33 = arith.constant 0 : index
    %swap3A_34 = arith.constant 0 : index
    %swap3A_35 = vector.load %arg7[%swap3A_33, %swap3A_34] : memref<1000x128xf32, #tpu.memory_space<vmem>>, vector<1000x128xf32>
    tpu.vector_store %arg7[%swap3A_33, %swap3A_34], %mul3A_32 {strides = array<i32>} : memref<1000x128xf32, #tpu.memory_space<vmem>>, vector<1000x128xf32>,
    return
  }
  func.func @transform_0(%arg0: i32) -> (i32, i32) {
    %c0_i32 = arith.constant 0 : i32
    %c0_i32_0 = arith.constant 0 : i32
    return %arg0, %c0_i32 : i32, i32
  }
  func.func @transform_1(%arg0: i32) -> (i32, i32) {
    %c0_i32 = arith.constant 0 : i32
    %c0_i32_0 = arith.constant 0 : i32
    %c0_i32_1 = arith.constant 0 : i32
    return %c0_i32, %c0_i32_0 : i32, i32
  }
  func.func @transform_2(%arg0: i32) -> (i32, i32) {
    %c0_i32 = arith.constant 0 : i32
    %c0_i32_0 = arith.constant 0 : i32
    return %arg0, %c0_i32 : i32, i32
  }
  func.func @transform_3(%arg0: i32) -> (i32, i32) {
    %c0_i32 = arith.constant 0 : i32
    %c0_i32_0 = arith.constant 0 : i32
    %c0_i32_1 = arith.constant 0 : i32
    return %c0_i32, %c0_i32_0 : i32, i32
  }
  func.func @transform_4(%arg0: i32) -> (i32, i32) {
    %c0_i32 = arith.constant 0 : i32
    %c0_i32_0 = arith.constant 0 : i32
    %c0_i32_1 = arith.constant 0 : i32
    return %c0_i32, %c0_i32_0 : i32, i32
  }
  func.func @transform_5(%arg0: i32) -> (i32, i32) {
    %c0_i32 = arith.constant 0 : i32
    %c0_i32_0 = arith.constant 0 : i32
    return %arg0, %c0_i32 : i32, i32
  }
  func.func @transform_6(%arg0: i32) -> (i32, i32) {
    %c0_i32 = arith.constant 0 : i32
    %c0_i32_0 = arith.constant 0 : i32
    return %arg0, %c0_i32 : i32, i32
  }
}

</mosaic_0001>

<sc_bundles>
// kernel: kernel.21.cloned.1.call-start
scs
__scs_entry_jumppad:
0x0: {  	(pc) =	sbr.rel $0x88, $3  }
0x1: {  	(tag) =	ssettag $0x0;
	lr =	simm.s32 $0x1  }
0x2: {  	[smem:$0x3F98] =	sst lr;
	_ =	strace $0xD0000000  }
0x3: {  	_ = 	snop  }
0x4: {  	_ = 	snop  }
0x5: {  	_ = 	snop  }
0x6: {  	_ = 	snop  }
0x7: {  	_ = 	snop  }
__scs_overlays_trampoline_lowered:
0x8: {  	[smem:$0x3FA7] =	sst s0  }
0x9: {  	[smem:$0x3FA8] =	sst s1  }
0xa: {  	[smem:$0x3FA9] =	sst s2  }
0xb: {  	[smem:$0x3FAA] =	sst s3  }
0xc: {  	[smem:$0x3FAB] =	sst s4  }
0xd: {  	[smem:$0x3FAC] =	sst s5  }
0xe: {  	[smem:$0x3FAD] =	sst s6  }
0xf: {  	[smem:$0x3FAE] =	sst s7  }
0x10: {  	[smem:$0x3FAF] =	sst s8  }
0x11: {  	[smem:$0x3FB0] =	sst s9;
	s0 =	simm.s32 @!p0 $0x0  }
0x12: {  	s1 =	sld [smem:$0x3F96];
	s0 =	simm.s32 @p0 $0x1  }
0x13: {  	[smem:$0x3FB1] =	sst s0;
	s0 =	simm.s32 @!p1 $0x0  }
0x14: {  	s2 =	sld [smem:$0x3F95];
	s0 =	simm.s32 @p1 $0x1  }
0x15: {  	[smem:$0x3FB2] =	sst s0;
	s0 =	simm.s32 @!p2 $0x0  }
0x16: {  	s3 =	sld [smem:$0x3FDB];
	s0 =	simm.s32 @p2 $0x1  }
0x17: {  	s4 =	simm.s32 $0x1BF5;
	[smem:$0x3FB4] =	sst s0  }
0x18: {  	s0 =	sld [smem:$0x3F97];
	_ =	swait.ge [sflag:s4], $0x0  }
0x19: {  	s7 =	sld [smem:$0x3F98]  }
0x1a: {  	s8 =	sadd.s32 $0xFFFFE003, lr  }
0x1b: {  	s9 =	sadd.s32 $0xFFFFFEF7, lr;
	s5 =	simm.s32 $0xFFFFFFFF;
	p2 =	slt.u32 s8, $0xFFFFF086  }
0x1c: {  	p1 =	slt.u32 s9, $0xF7A;
	s5 =	simm.s32 @!p2 $0x0  }
0x1d: {  	s5 =	simm.s32 @p1 $0x1;
	p0 =	seq.s32 s7, s2  }
0x1e: {  	s7 =	smul.u32 @!p0 $0xF7A, s2;
	p2 =	seq.s32 @!p0 s5, $0x0  }
0x1f: {  	s9 =	smul.u32 $0xF7A, s1;
	s8 =	simm.s32 @!p0 $0x1BF5;
	p2 =	por !p2, p0  }
0x20: {  	[sflag:s8] =	ssyncset.s32 @!p0 $0xFFFFF086;
	s6 =	sadd.s32 @!p0 s3, s7;
	s7 =	simm.s32 @!p0 $0x108  }
0x21: {  	s3 =	sadd.s32 s3, s9;
	s6 =	sadd.s32 @!p0 $0x88, s6;
	s7 =	simm.s32 @p2 $0x1082  }
0x22: {  	[simem:s7], [sflag:s8] =	dma.local @!p0 [hbm:s6], $0xF7A  }
0x23: {  	s9 =	sor.u32 $0xD0000000, s2;
	s6 =	simm.s32 $0x108;
	_ =	swait.ge @!p0 [sflag:s8], $0x0  }
0x24: {  	s3 =	sadd.s32 $0x88, s3;
	s6 =	simm.s32 @!p1 $0x1082;
	[sflag:s4] =	ssyncset.s32 $0xFFFFF086  }
0x25: {  	[simem:s6], [sflag:s4] =	dma.local [hbm:s3], $0xF7A  }
0x26: {  	[smem:$0x3F98] =	sst s1;
	(tag) =	ssettag s2;
	_ =	strace s9  }
0x27: {  	s1 =	sld [smem:$0x3FA8]  }
0x28: {  	s2 =	sld [smem:$0x3FA9]  }
0x29: {  	s4 =	sld [smem:$0x3FAB]  }
0x2a: {  	p0 =	seq.s32 s5, $0x0;
	s5 =	sld [smem:$0x3FAC]  }
0x2b: {  	s6 =	sld [smem:$0x3FAD]  }
0x2c: {  	s7 =	sld [smem:$0x3FAE]  }
0x2d: {  	s3 =	simm.s32 $0x108;
	s8 =	sld [smem:$0x3FAF]  }
0x2e: {  	s3 =	simm.s32 @!p0 $0x1082;
	s9 =	sld [smem:$0x3FB0]  }
0x2f: {  	lr =	sadd.s32 s0, s3;
	s0 =	sld [smem:$0x3FA7]  }
0x30: {  	s3 =	sld [smem:$0x3FAA]  }
0x31: {  	[smem:$0x3FB3] =	sst s10  }
0x32: {  	s10 =	sld [smem:$0x3FB1];
	_ =	sdelay $0x3  }
0x33: {  	p0 =	seq.s32 s10, $0x1;
	s10 =	sld [smem:$0x3FB3];
	_ =	sdelay $0x3  }
0x34: {  	[smem:$0x3FB3] =	sst s10  }
0x35: {  	s10 =	sld [smem:$0x3FB2];
	_ =	sdelay $0x3  }
0x36: {  	p1 =	seq.s32 s10, $0x1;
	s10 =	sld [smem:$0x3FB3];
	_ =	sdelay $0x3  }
0x37: {  	[smem:$0x3FB3] =	sst s10  }
0x38: {  	s10 =	sld [smem:$0x3FB4]  }
0x39: {  	_ = 	snop;
	(pc) =	sbr.ind lr, $3  }
0x3a: {  	_ = 	snop  }
0x3b: {  	_ = 	snop  }
0x3c: {  	p2 =	seq.s32 s10, $0x1;
	s10 =	sld [smem:$0x3FB3]  }
0x3d: {  	_ =	shalt  }
0x3e: {  	_ =	shalt  }
0x3f: {  	_ =	shalt  }
0x40: {  	_ =	shalt  }
0x41: {  	_ =	shalt  }
0x42: {  	_ =	shalt  }
0x43: {  	_ =	shalt  }
0x44: {  	_ =	shalt  }
0x45: {  	_ =	shalt  }
0x46: {  	_ =	shalt  }
0x47: {  	_ =	shalt  }
0x48: {  	_ =	shalt  }
0x49: {  	_ =	shalt  }
0x4a: {  	_ =	shalt  }
0x4b: {  	_ =	shalt  }
0x4c: {  	_ =	shalt  }
0x4d: {  	_ =	shalt  }
0x4e: {  	_ =	shalt  }
0x4f: {  	_ =	shalt  }
0x50: {  	_ =	shalt  }
0x51: {  	_ =	shalt  }
0x52: {  	_ =	shalt  }
0x53: {  	_ =	shalt  }
0x54: {  	_ =	shalt  }
0x55: {  	_ =	shalt  }
0x56: {  	_ =	shalt  }
0x57: {  	_ =	shalt  }
0x58: {  	_ =	shalt  }
0x59: {  	_ =	shalt  }
0x5a: {  	_ =	shalt  }
0x5b: {  	_ =	shalt  }
0x5c: {  	_ =	shalt  }
0x5d: {  	_ =	shalt  }
0x5e: {  	_ =	shalt  }
0x5f: {  	_ =	shalt  }
0x60: {  	_ =	shalt  }
0x61: {  	_ =	shalt  }
0x62: {  	_ =	shalt  }
0x63: {  	_ =	shalt  }
0x64: {  	_ =	shalt  }
0x65: {  	_ =	shalt  }
0x66: {  	_ =	shalt  }
0x67: {  	_ =	shalt  }
0x68: {  	_ =	shalt  }
0x69: {  	_ =	shalt  }
0x6a: {  	_ =	shalt  }
0x6b: {  	_ =	shalt  }
0x6c: {  	_ =	shalt  }
0x6d: {  	_ =	shalt  }
0x6e: {  	_ =	shalt  }
0x6f: {  	_ =	shalt  }
0x70: {  	_ =	shalt  }
0x71: {  	_ =	shalt  }
0x72: {  	_ =	shalt  }
0x73: {  	_ =	shalt  }
0x74: {  	_ =	shalt  }
0x75: {  	_ =	shalt  }
0x76: {  	_ =	shalt  }
0x77: {  	_ =	shalt  }
0x78: {  	_ =	shalt  }
0x79: {  	_ =	shalt  }
0x7a: {  	_ =	shalt  }
0x7b: {  	_ =	shalt  }
0x7c: {  	_ =	shalt  }
0x7d: {  	_ =	shalt  }
0x7e: {  	_ =	shalt  }
0x7f: {  	_ =	shalt  }
0x80: {  	_ =	shalt  }
0x81: {  	_ =	shalt  }
0x82: {  	_ =	shalt  }
0x83: {  	_ =	shalt  }
0x84: {  	_ =	shalt  }
0x85: {  	_ =	shalt  }
0x86: {  	_ =	shalt  }
0x87: {  	_ =	shalt  }
.Lfunc_end0:
.L_simem_size_0:
called_computation_lowered:
.L_overlay_start_0:
0x88: {  	s2 =	sld [smem:$0x3FD9]  }
0x89: {  	s3 =	sld [smem:$0x3FFE];
	_ =	sdelay $0x1  }
0x8a: {  	s1 =	srdreg.scid  }
0x8b: {  	s0 =	sand.u32 $0x1, s1  }
0x8c: {  	s17 =	sshll.u32 s0, $0xA;
	s2 =	sadd.s32 s3, s2  }
0x8d: {  	s2 =	sadd.s32 s2, s17  }
0x8e: {  	[smem:$0x3FBF] =	sst s2  }
0x8f: {  	_ = 	snop  }
0x90: {  	s2 =	sld [smem:$0x3FD0];
	(tm) =	ssettm $0x1  }
0x91: {  	s18 =	sld [smem:$0x3FFB];
	_ =	sdelay $0x3  }
0x92: {  	_ =	strace s18  }
0x93: {  	s3 =	sld [smem:$0x3FFC];
	_ =	sdelay $0x3  }
0x94: {  	_ =	strace s3  }
0x95: {  	s3 =	sld [smem:$0x3FFD];
	_ =	sdelay $0x3  }
0x96: {  	_ =	strace s3  }
0x97: {  	_ =	strace $0x8FFFFFFF  }
0x98: {  	s19 =	sld [smem:$0x3FDB];
	_ =	sdelay $0x1  }
0x99: {  	s4 =	simm.s32 $_scs_section_size  }
0x9a: {  	s5 =	simm.s32 $_size__tile_overlayer_lowered;
	s6 =	simm.s32 $_tile_overlayer_lowered  }
0x9b: {  	s22 =	simm.s32 $0x1BFF;
	s21 =	sshll.u32 s6, $0x1;
	s3 =	sadd.s32 s4, s19  }
0x9c: {  	s7 =	simm.s32 $0x0;
	s20 =	sshll.u32 s5, $0x1;
	s5 =	sadd.s32 s21, s3  }
0x9d: {  	[timem:s7], [sflag:s22] =	dma.local [hbm:s5], s20  }
0x9e: {  	_ =	swait.ge [sflag:s22], s20  }
0x9f: {  	s4 =	ssub.s32 $0x0, s20;
	[sflag:s22] =	ssyncset.done $0x0  }
0xa0: {  	[sflag:s22] =	ssyncadd.s32 s4;
	_ =	sdelay $0x1  }
0xa1: {  	s23 =	simm.s32 $0x1B8B  }
0xa2: {  	_ =	swait.ge [sflag:s23], $0x1  }
0xa3: {  	[sflag:s23] =	ssyncset.done $0x0  }
0xa4: {  	s25 =	simm.s32 $0x1B8E;
	s24 =	sld [smem:$0x3FFE];
	[sflag:s23] =	ssyncadd.s32 $0xFFFFFFFF  }
0xa5: {  	s26 =	simm.s32 $execute0_lowered;
	[smem:$0x3FD2] =	sst s25  }
0xa6: {  	s5 =	sshll.u32 s26, $0x1;
	_ =	strace $0x80000046;
	[dreg:$0x1] =	wrdreg $0xFFFFFFFF  }
0xa7: {  	s28 =	simm.s32 $_size_execute0_lowered;
	s3 =	sadd.s32 s3, s5;
	[dreg:$0x0] =	wrdreg $0x0  }
0xa8: {  	s5 =	sshll.u32 s28, $0x1;
	[dreg:$0x2] =	wrdreg s3  }
0xa9: {  	[dreg:$0x3] =	wrdreg s5  }
0xaa: {  	[dreg:$0x4] =	wrdreg $0xC0  }
0xab: {  	_ =	task [dreg:s7], $0x5FFFF  }
0xac: {  	[dreg:$0x1] =	wrdreg $0xFFFFFFFF  }
0xad: {  	[dreg:$0x0] =	wrdreg $0x60  }
0xae: {  	[dreg:$0x2] =	wrdreg s24  }
0xaf: {  	[dreg:$0x3] =	wrdreg s2  }
0xb0: {  	[dreg:$0x4] =	wrdreg $0x9  }
0xb1: {  	_ =	task.clear_ibuf [dreg:s7], $0x5FFFF;
	_ =	strace $0x90000046  }
0xb2: {  	s29 =	simm.s32 $0x9;
	_ =	strace $0x80000048  }
0xb3: {  	_ =	swait.ge [sflag:s29], $0x1  }
0xb4: {  	[sflag:s29] =	ssyncadd.s32 $0xFFFFFFFF  }
0xb5: {  	_ =	strace $0x90000048  }
0xb6: {  	_ =	sfence  }
0xb7: {  	s30 =	sld [smem:$0x0];
	_ =	sdelay $0x2  }
0xb8: {  	s31 =	sshll.u32 s1, $0xD;
	s1 =	sshrl.u32 s1, $0x2  }
0xb9: {  	s3 =	sand.u32 $0x4000, s31;
	s1 =	sadd.s32 s1, s30  }
0xba: {  	s0 =	sor.u32 s3, s0;
	s1 =	sshll.u32 s1, $0x11  }
0xbb: {  	s0 =	sor.u32 s1, s0  }
0xbc: {  	s0 =	sadd.s32 $0x8F2B, s0  }
0xbd: {  	[sflag:s0] =	ssyncadd.remote.s32 $0x1  }
0xbe: {  	_ =	sfence.sel $0xFFFF  }
0xbf: {  	[dreg:$0x0] =	wrdreg $0xFFFFFFFF;
	(pc) =	sbr.abs _section_cstart, $3  }
0xc0: {  	[dreg:$0x1] =	wrdreg $0xFFFFFFFF  }
0xc1: {  	_ =	task.clear_ibuf [dreg:s7], $0x2FFFF;
	_ =	strace $0x9FFFFFFF  }
0xc2: {  	(tm) =	ssettm $0x7FFFFFFF  }
0xc3: {  	_ =	shalt  }
tec
execute0_lowered:
.L_overlay_start_1:
0x0: {  	(tag) =	ssettag $0x1  }
0x1: {  	s3 =	rddreg [dreg:$0x0];
	s1 =	srdreg.scid  }
0x2: {  	s0 =	stileid.u32;
	s5 =	rddreg [dreg:$0x1]  }
0x3: {  	s9 =	simm.s32 $0x80;
	s10 =	simm.s32 $0x400;
	s11 =	simm.s32 $0x0  }
0x4: {  	s4 =	sand.u32 $0x1, s1;
	s2 =	sshll.u32 s0, $0x1;
	s8 =	sshrl.u32 s0, $0x2  }
0x5: {  	s1 =	rddreg [dreg:$0x2];
	s6 =	sor.u32 s4, s2;
	s8 =	smul.u32 $0x14000, s8  }
0x6: {  	s2 =	simm.s32 $0x0;
	s4 =	ssub.s32 $0x2, s4;
	s7 =	smul.u32 $0x4E2, s6  }
0x7: {  	[smem:$0x7FF] =	sst s2;
	s6 =	sshll.u32 s6, $0x7;
	s31 =	sshrl.u32 s4, $0x1  }
0x8: {  	_ =	strace $0x80000047;
	s6 =	sand.u32 $0x380, s6;
	s7 =	sadd.s32 s7, s3  }
0x9: {  	s6 =	sor.u32 s8, s6;
	s3 =	sadd.s32 $0x1B800, s3;
	s8 =	ssub.s32 s4, s31  }
0xa: {  	s6 =	sshrl.u32 s6, $0x3;
	s4 =	sadd.s32 $0x11A00, s7;
	s7 =	simm.s32 $0x2780  }
0xb: {  	v0 =	vimm.f32 $1.000000000e+00;
	s5 =	sadd.s32 s5, s6;
	s6 =	smax.u32 s8, $0x1;
	s8 =	simm.s32 $0x1  }
.LBB2_1:
0xc: {  	[tilespmem:s7], [sflag:$0x1] =	stream.linear.gather [hbm4b:s3+s2], $0x2800, $0x38;
	[tilespmem:$0x4F80] =	vst v63  }
0xd: {  	_ =	swait.ge [sflag:s8], $0x2800  }
0xe: {  	[sflag:s8] =	ssyncset.done $0x0  }
0xf: {  	[sflag:s8] =	ssyncadd.s32 $0xFFFFD800  }
0x10: {  	[tilespmem:s2], [sflag:$0x1] =	stream.linear.gather [hbm4b:s4+s2], $0x2710, $0x38;
	[tilespmem:$0x4F80] =	vst v63  }
0x11: {  	_ =	swait.ge [sflag:s8], $0x2710  }
0x12: {  	[sflag:s8] =	ssyncset.done $0x0  }
0x13: {  	s13 =	simm.s32 $0x0;
	s12 =	simm.s32 $0x40;
	[sflag:s8] =	ssyncadd.s32 $0xFFFFD8F0  }
.LBB2_2:
0x14: {  	p0 =	sne.s32 s12, $0x9C00;
	v1 =	vld [tilespmem:s13+$0x0];
	_ =	sdelay $0x3  }
.Ltmp0:
0x15: {  	(pc) =	sbr.rel @p0 .LBB2_2-.Ltmp0, $2  }
0x16: {  	_ =	sdelay $0x2  }
0x17: {  	s13 =	sshra.s32 s12, $0x2;
	s12 =	sadd.s32 $0x40, s12;
	[tilespmem:v1+s7+$0x0] =	vst.idx.add.f32.msk $0xffff, v0  }
0x18: {  	v1 =	vld [tilespmem:s13+$0x0];
	_ =	sdelay $0x5  }
0x19: {  	s11 =	sadd.s32 $0x1, s11  }
0x1a: {  	p0 =	sne.s32 s11, s6  }
.Ltmp1:
0x1b: {  	[tilespmem:v1+s7+$0x0] =	vst.idx.add.f32.msk $0xffff, v0;
	(pc) =	sbr.rel @p0 .LBB2_1-.Ltmp1, $4  }
0x1c: {  	[hbm4b:s5+s9] =	stream.strided.scatter [tilespmem:s7], [sflag:$0x1], $0x2800, s10, s9, $0x38;
	[tilespmem:$0x4F80] =	vst v63  }
0x1d: {  	_ =	swait.ge [sflag:s8], $0x2800  }
0x1e: {  	[sflag:s8] =	ssyncset.done $0x0  }
0x1f: {  	[sflag:s8] =	ssyncadd.s32 $0xFFFFD800  }
0x20: {  	_ =	sfence.sel $0x180000  }
0x21: {  	[bflag:$0x0] =	sbarrier.arrive $0xFFFF  }
0x22: {  	p0 =	sne.s32 s0, $0x0;
	_ =	strace $0x90000047  }
0x23: {  	s0 =	sadd.s32 @!p0 $0x100000, s1;
	[bflag:$0x2] =	sbarrier.arrive $0xFFFF  }
0x24: {  	[sflag:s0] =	ssyncadd.tile.s32 @!p0 $0x1;
	_ =	shalt  }
.Lfunc_end2:
_tile_overlayer_lowered:
.L_overlay_start_2:
0x25: {  	(tag) =	ssettag $0x2  }
0x26: {  	s0 =	rddreg [dreg:$0x0];
	s2 =	stileid.u32  }
0x27: {  	s1 =	rddreg [dreg:$0x1];
	p0 =	sne.s32 s2, $0x0  }
0x28: {  	s3 =	rddreg [dreg:$0x2];
	[bflag:$0x3] =	sbarrier.arrive $0xFFFF;
	s2 =	simm.s32 @!p0 $0x1C01  }
0x29: {  	[timem:s3], [sflag:s2] =	dma.local @!p0 [hbm:s0], s1  }
0x2a: {  	s0 =	simm.s32 @!p0 $0x1  }
0x2b: {  	_ =	swait.ge @!p0 [sflag:s0], s1  }
0x2c: {  	s1 =	ssub.s32 @!p0 $0x0, s1;
	[sflag:s0] =	ssyncset.done @!p0 $0x0  }
0x2d: {  	[sflag:s0] =	ssyncadd.s32 @!p0 s1  }
0x2e: {  	[bflag:$0x3] =	sbarrier.arrive $0xFFFF  }
0x2f: {  	_ =	shalt  }

// kernel: kernel.24.cloned.1.call-start
scs
__scs_entry_jumppad:
0x0: {  	(pc) =	sbr.rel $0x88, $3  }
0x1: {  	(tag) =	ssettag $0x0;
	lr =	simm.s32 $0x1  }
0x2: {  	[smem:$0x3F98] =	sst lr;
	_ =	strace $0xD0000000  }
0x3: {  	_ = 	snop  }
0x4: {  	_ = 	snop  }
0x5: {  	_ = 	snop  }
0x6: {  	_ = 	snop  }
0x7: {  	_ = 	snop  }
__scs_overlays_trampoline_lowered:
0x8: {  	[smem:$0x3FA7] =	sst s0  }
0x9: {  	[smem:$0x3FA8] =	sst s1  }
0xa: {  	[smem:$0x3FA9] =	sst s2  }
0xb: {  	[smem:$0x3FAA] =	sst s3  }
0xc: {  	[smem:$0x3FAB] =	sst s4  }
0xd: {  	[smem:$0x3FAC] =	sst s5  }
0xe: {  	[smem:$0x3FAD] =	sst s6  }
0xf: {  	[smem:$0x3FAE] =	sst s7  }
0x10: {  	[smem:$0x3FAF] =	sst s8  }
0x11: {  	[smem:$0x3FB0] =	sst s9;
	s0 =	simm.s32 @!p0 $0x0  }
0x12: {  	s1 =	sld [smem:$0x3F96];
	s0 =	simm.s32 @p0 $0x1  }
0x13: {  	[smem:$0x3FB1] =	sst s0;
	s0 =	simm.s32 @!p1 $0x0  }
0x14: {  	s2 =	sld [smem:$0x3F95];
	s0 =	simm.s32 @p1 $0x1  }
0x15: {  	[smem:$0x3FB2] =	sst s0;
	s0 =	simm.s32 @!p2 $0x0  }
0x16: {  	s3 =	sld [smem:$0x3FDB];
	s0 =	simm.s32 @p2 $0x1  }
0x17: {  	s4 =	simm.s32 $0x1BF5;
	[smem:$0x3FB4] =	sst s0  }
0x18: {  	s0 =	sld [smem:$0x3F97];
	_ =	swait.ge [sflag:s4], $0x0  }
0x19: {  	s7 =	sld [smem:$0x3F98]  }
0x1a: {  	s8 =	sadd.s32 $0xFFFFE003, lr  }
0x1b: {  	s9 =	sadd.s32 $0xFFFFFEF7, lr;
	s5 =	simm.s32 $0xFFFFFFFF;
	p2 =	slt.u32 s8, $0xFFFFF086  }
0x1c: {  	p1 =	slt.u32 s9, $0xF7A;
	s5 =	simm.s32 @!p2 $0x0  }
0x1d: {  	s5 =	simm.s32 @p1 $0x1;
	p0 =	seq.s32 s7, s2  }
0x1e: {  	s7 =	smul.u32 @!p0 $0xF7A, s2;
	p2 =	seq.s32 @!p0 s5, $0x0  }
0x1f: {  	s9 =	smul.u32 $0xF7A, s1;
	s8 =	simm.s32 @!p0 $0x1BF5;
	p2 =	por !p2, p0  }
0x20: {  	[sflag:s8] =	ssyncset.s32 @!p0 $0xFFFFF086;
	s6 =	sadd.s32 @!p0 s3, s7;
	s7 =	simm.s32 @!p0 $0x108  }
0x21: {  	s3 =	sadd.s32 s3, s9;
	s6 =	sadd.s32 @!p0 $0x88, s6;
	s7 =	simm.s32 @p2 $0x1082  }
0x22: {  	[simem:s7], [sflag:s8] =	dma.local @!p0 [hbm:s6], $0xF7A  }
0x23: {  	s9 =	sor.u32 $0xD0000000, s2;
	s6 =	simm.s32 $0x108;
	_ =	swait.ge @!p0 [sflag:s8], $0x0  }
0x24: {  	s3 =	sadd.s32 $0x88, s3;
	s6 =	simm.s32 @!p1 $0x1082;
	[sflag:s4] =	ssyncset.s32 $0xFFFFF086  }
0x25: {  	[simem:s6], [sflag:s4] =	dma.local [hbm:s3], $0xF7A  }
0x26: {  	[smem:$0x3F98] =	sst s1;
	(tag) =	ssettag s2;
	_ =	strace s9  }
0x27: {  	s1 =	sld [smem:$0x3FA8]  }
0x28: {  	s2 =	sld [smem:$0x3FA9]  }
0x29: {  	s4 =	sld [smem:$0x3FAB]  }
0x2a: {  	p0 =	seq.s32 s5, $0x0;
	s5 =	sld [smem:$0x3FAC]  }
0x2b: {  	s6 =	sld [smem:$0x3FAD]  }
0x2c: {  	s7 =	sld [smem:$0x3FAE]  }
0x2d: {  	s3 =	simm.s32 $0x108;
	s8 =	sld [smem:$0x3FAF]  }
0x2e: {  	s3 =	simm.s32 @!p0 $0x1082;
	s9 =	sld [smem:$0x3FB0]  }
0x2f: {  	lr =	sadd.s32 s0, s3;
	s0 =	sld [smem:$0x3FA7]  }
0x30: {  	s3 =	sld [smem:$0x3FAA]  }
0x31: {  	[smem:$0x3FB3] =	sst s10  }
0x32: {  	s10 =	sld [smem:$0x3FB1];
	_ =	sdelay $0x3  }
0x33: {  	p0 =	seq.s32 s10, $0x1;
	s10 =	sld [smem:$0x3FB3];
	_ =	sdelay $0x3  }
0x34: {  	[smem:$0x3FB3] =	sst s10  }
0x35: {  	s10 =	sld [smem:$0x3FB2];
	_ =	sdelay $0x3  }
0x36: {  	p1 =	seq.s32 s10, $0x1;
	s10 =	sld [smem:$0x3FB3];
	_ =	sdelay $0x3  }
0x37: {  	[smem:$0x3FB3] =	sst s10  }
0x38: {  	s10 =	sld [smem:$0x3FB4]  }
0x39: {  	_ = 	snop;
	(pc) =	sbr.ind lr, $3  }
0x3a: {  	_ = 	snop  }
0x3b: {  	_ = 	snop  }
0x3c: {  	p2 =	seq.s32 s10, $0x1;
	s10 =	sld [smem:$0x3FB3]  }
0x3d: {  	_ =	shalt  }
0x3e: {  	_ =	shalt  }
0x3f: {  	_ =	shalt  }
0x40: {  	_ =	shalt  }
0x41: {  	_ =	shalt  }
0x42: {  	_ =	shalt  }
0x43: {  	_ =	shalt  }
0x44: {  	_ =	shalt  }
0x45: {  	_ =	shalt  }
0x46: {  	_ =	shalt  }
0x47: {  	_ =	shalt  }
0x48: {  	_ =	shalt  }
0x49: {  	_ =	shalt  }
0x4a: {  	_ =	shalt  }
0x4b: {  	_ =	shalt  }
0x4c: {  	_ =	shalt  }
0x4d: {  	_ =	shalt  }
0x4e: {  	_ =	shalt  }
0x4f: {  	_ =	shalt  }
0x50: {  	_ =	shalt  }
0x51: {  	_ =	shalt  }
0x52: {  	_ =	shalt  }
0x53: {  	_ =	shalt  }
0x54: {  	_ =	shalt  }
0x55: {  	_ =	shalt  }
0x56: {  	_ =	shalt  }
0x57: {  	_ =	shalt  }
0x58: {  	_ =	shalt  }
0x59: {  	_ =	shalt  }
0x5a: {  	_ =	shalt  }
0x5b: {  	_ =	shalt  }
0x5c: {  	_ =	shalt  }
0x5d: {  	_ =	shalt  }
0x5e: {  	_ =	shalt  }
0x5f: {  	_ =	shalt  }
0x60: {  	_ =	shalt  }
0x61: {  	_ =	shalt  }
0x62: {  	_ =	shalt  }
0x63: {  	_ =	shalt  }
0x64: {  	_ =	shalt  }
0x65: {  	_ =	shalt  }
0x66: {  	_ =	shalt  }
0x67: {  	_ =	shalt  }
0x68: {  	_ =	shalt  }
0x69: {  	_ =	shalt  }
0x6a: {  	_ =	shalt  }
0x6b: {  	_ =	shalt  }
0x6c: {  	_ =	shalt  }
0x6d: {  	_ =	shalt  }
0x6e: {  	_ =	shalt  }
0x6f: {  	_ =	shalt  }
0x70: {  	_ =	shalt  }
0x71: {  	_ =	shalt  }
0x72: {  	_ =	shalt  }
0x73: {  	_ =	shalt  }
0x74: {  	_ =	shalt  }
0x75: {  	_ =	shalt  }
0x76: {  	_ =	shalt  }
0x77: {  	_ =	shalt  }
0x78: {  	_ =	shalt  }
0x79: {  	_ =	shalt  }
0x7a: {  	_ =	shalt  }
0x7b: {  	_ =	shalt  }
0x7c: {  	_ =	shalt  }
0x7d: {  	_ =	shalt  }
0x7e: {  	_ =	shalt  }
0x7f: {  	_ =	shalt  }
0x80: {  	_ =	shalt  }
0x81: {  	_ =	shalt  }
0x82: {  	_ =	shalt  }
0x83: {  	_ =	shalt  }
0x84: {  	_ =	shalt  }
0x85: {  	_ =	shalt  }
0x86: {  	_ =	shalt  }
0x87: {  	_ =	shalt  }
.Lfunc_end0:
.L_simem_size_0:
called_computation.1_lowered:
.L_overlay_start_0:
0x88: {  	s2 =	sld [smem:$0x3FD9]  }
0x89: {  	s3 =	sld [smem:$0x3FFE];
	_ =	sdelay $0x1  }
0x8a: {  	s1 =	srdreg.scid  }
0x8b: {  	s0 =	sand.u32 $0x1, s1  }
0x8c: {  	s16 =	sshll.u32 s0, $0xA;
	s2 =	sadd.s32 s3, s2  }
0x8d: {  	s2 =	sadd.s32 s2, s16  }
0x8e: {  	[smem:$0x3FBF] =	sst s2  }
0x8f: {  	_ = 	snop  }
0x90: {  	(tm) =	ssettm $0x1  }
0x91: {  	s17 =	sld [smem:$0x3FFB];
	_ =	sdelay $0x3  }
0x92: {  	_ =	strace s17  }
0x93: {  	s2 =	sld [smem:$0x3FFC];
	_ =	sdelay $0x3  }
0x94: {  	_ =	strace s2  }
0x95: {  	s2 =	sld [smem:$0x3FFD];
	_ =	sdelay $0x3  }
0x96: {  	_ =	strace s2  }
0x97: {  	_ =	strace $0x8FFFFFFF  }
0x98: {  	s18 =	sld [smem:$0x3FDB];
	_ =	sdelay $0x1  }
0x99: {  	s19 =	simm.s32 $_scs_section_size  }
0x9a: {  	s4 =	simm.s32 $_size__tile_overlayer_lowered;
	s5 =	simm.s32 $_tile_overlayer_lowered  }
0x9b: {  	s22 =	simm.s32 $0x1BFF;
	s21 =	sshll.u32 s5, $0x1;
	s2 =	sadd.s32 s19, s18  }
0x9c: {  	s6 =	simm.s32 $0x0;
	s20 =	sshll.u32 s4, $0x1;
	s4 =	sadd.s32 s21, s2  }
0x9d: {  	[timem:s6], [sflag:s22] =	dma.local [hbm:s4], s20  }
0x9e: {  	_ =	swait.ge [sflag:s22], s20  }
0x9f: {  	s3 =	ssub.s32 $0x0, s20;
	[sflag:s22] =	ssyncset.done $0x0  }
0xa0: {  	[sflag:s22] =	ssyncadd.s32 s3;
	_ =	sdelay $0x1  }
0xa1: {  	s23 =	simm.s32 $0x1B8B  }
0xa2: {  	_ =	swait.ge [sflag:s23], $0x1  }
0xa3: {  	[sflag:s23] =	ssyncset.done $0x0  }
0xa4: {  	s25 =	simm.s32 $0x1B8E;
	s24 =	sld [smem:$0x3FFE];
	[sflag:s23] =	ssyncadd.s32 $0xFFFFFFFF  }
0xa5: {  	s26 =	simm.s32 $execute0_lowered;
	[smem:$0x3FD2] =	sst s25  }
0xa6: {  	s4 =	sshll.u32 s26, $0x1;
	_ =	strace $0x80000049;
	[dreg:$0x1] =	wrdreg $0xFFFFFFFF  }
0xa7: {  	s28 =	simm.s32 $_size_execute0_lowered;
	s2 =	sadd.s32 s2, s4;
	[dreg:$0x0] =	wrdreg $0x0  }
0xa8: {  	s4 =	sshll.u32 s28, $0x1;
	[dreg:$0x2] =	wrdreg s2  }
0xa9: {  	[dreg:$0x3] =	wrdreg s4  }
0xaa: {  	[dreg:$0x4] =	wrdreg $0xC0  }
0xab: {  	_ =	task [dreg:s6], $0x5FFFF  }
0xac: {  	[dreg:$0x1] =	wrdreg $0xFFFFFFFF  }
0xad: {  	[dreg:$0x0] =	wrdreg $0x60  }
0xae: {  	[dreg:$0x2] =	wrdreg s24  }
0xaf: {  	[dreg:$0x3] =	wrdreg $0x9  }
0xb0: {  	_ =	task.clear_ibuf [dreg:s6], $0x4FFFF;
	_ =	strace $0x90000049  }
0xb1: {  	s29 =	simm.s32 $0x9;
	_ =	strace $0x8000004B  }
0xb2: {  	_ =	swait.ge [sflag:s29], $0x1  }
0xb3: {  	[sflag:s29] =	ssyncadd.s32 $0xFFFFFFFF  }
0xb4: {  	_ =	strace $0x9000004B  }
0xb5: {  	_ =	sfence  }
0xb6: {  	s30 =	sld [smem:$0x0];
	_ =	sdelay $0x2  }
0xb7: {  	s31 =	sshll.u32 s1, $0xD;
	s1 =	sshrl.u32 s1, $0x2  }
0xb8: {  	s3 =	sand.u32 $0x4000, s31;
	s1 =	sadd.s32 s1, s30  }
0xb9: {  	s0 =	sor.u32 s3, s0;
	s1 =	sshll.u32 s1, $0x11  }
0xba: {  	s0 =	sor.u32 s1, s0  }
0xbb: {  	s0 =	sadd.s32 $0x8F2B, s0  }
0xbc: {  	[sflag:s0] =	ssyncadd.remote.s32 $0x1  }
0xbd: {  	_ =	sfence.sel $0xFFFF  }
0xbe: {  	[dreg:$0x0] =	wrdreg $0xFFFFFFFF;
	(pc) =	sbr.abs _section_cstart, $3  }
0xbf: {  	[dreg:$0x1] =	wrdreg $0xFFFFFFFF  }
0xc0: {  	_ =	task.clear_ibuf [dreg:s6], $0x2FFFF;
	_ =	strace $0x9FFFFFFF  }
0xc1: {  	(tm) =	ssettm $0x7FFFFFFF  }
tec
execute0_lowered:
.L_overlay_start_1:
0x0: {  	(tag) =	ssettag $0x1  }
0x1: {  	s1 =	srdreg.scid;
	s0 =	stileid.u32  }
0x2: {  	s7 =	rddreg [dreg:$0x0];
	s2 =	simm.s32 $0x0;
	s12 =	simm.s32 $0x1  }
0x3: {  	s13 =	simm.s32 $0x9680;
	s14 =	simm.s32 $0x2780;
	s15 =	simm.s32 $0x4F00  }
0x4: {  	s16 =	simm.s32 $0x80;
	s17 =	simm.s32 $0x400;
	s18 =	simm.s32 $0x0  }
0x5: {  	s5 =	sand.u32 $0x1, s1;
	s3 =	sshll.u32 s0, $0x1;
	s1 =	rddreg [dreg:$0x1]  }
0x6: {  	[smem:$0x7FF] =	sst s2;
	s6 =	sshrl.u32 s0, $0x2;
	s4 =	sor.u32 s5, s3  }
0x7: {  	_ =	strace $0x8000004A;
	s6 =	smul.u32 $0x50000, s6;
	s31 =	ssub.s32 $0x2, s5  }
0x8: {  	s5 =	sadd.s32 $0x1B800, s7;
	s3 =	smul.u32 $0x2710, s4;
	s8 =	sshll.u32 s4, $0x7  }
0x9: {  	v0 =	vlaneseq.u32;
	s4 =	sadd.s32 $0x4FDE00, s7;
	s11 =	sshrl.u32 s31, $0x1;
	s8 =	sand.u32 $0x380, s8  }
0xa: {  	v0 =	vmul.u32 $0x4, v0;
	s11 =	ssub.s32 s31, s11;
	s9 =	sshrl.u32 s3, $0x3;
	s6 =	sor.u32 s6, s8  }
0xb: {  	s9 =	sadd.s32 s9, s7;
	s10 =	sshrl.u32 s6, $0x3;
	s6 =	sadd.s32 $0x1BE00, s7  }
0xc: {  	v1 =	vor.u32 $0x1F00, v0;
	s10 =	sadd.s32 s10, s7;
	s7 =	sadd.s32 $0x7C00, s9;
	s8 =	sadd.s32 $0x11A00, s9  }
0xd: {  	v2 =	vor.u32 $0x1F01, v0;
	v3 =	vor.u32 $0x1F02, v0;
	v4 =	vor.u32 $0x1F03, v0;
	s9 =	sadd.s32 $0x1D200, s10;
	s10 =	smax.u32 s11, $0x1;
	s11 =	simm.s32 $0x6E80  }
.LBB2_1:
0xe: {  	[tilespmem:s11], [sflag:$0x1] =	stream.linear.gather [hbm4b:s5+s2], $0x2800, $0x38;
	[tilespmem:$0x13680] =	vst v63  }
0xf: {  	_ =	swait.ge [sflag:s12], $0x2800  }
0x10: {  	[sflag:s12] =	ssyncset.done $0x0  }
0x11: {  	[sflag:s12] =	ssyncadd.s32 $0xFFFFD800  }
0x12: {  	[tilespmem:s13], [sflag:$0x1] =	stream.linear.gather [hbm4b:s6+s2], $0xA000, $0x38;
	[tilespmem:$0x13680] =	vst v63  }
0x13: {  	_ =	swait.ge [sflag:s12], $0xA000  }
0x14: {  	[sflag:s12] =	ssyncset.done $0x0  }
0x15: {  	[sflag:s12] =	ssyncadd.s32 $0xFFFF6000  }
0x16: {  	[tilespmem:s2], [sflag:$0x1] =	stream.linear.gather [hbm4b:s7+s2], $0x2710, $0x38;
	[tilespmem:$0x13680] =	vst v63  }
0x17: {  	_ =	swait.ge [sflag:s12], $0x2710  }
0x18: {  	[sflag:s12] =	ssyncset.done $0x0  }
0x19: {  	[sflag:s12] =	ssyncadd.s32 $0xFFFFD8F0  }
0x1a: {  	[tilespmem:s14], [sflag:$0x1] =	stream.linear.gather [hbm4b:s8+s2], $0x2710, $0x38;
	[tilespmem:$0x13680] =	vst v63  }
0x1b: {  	_ =	swait.ge [sflag:s12], $0x2710  }
0x1c: {  	s19 =	simm.s32 $0x20;
	[sflag:s12] =	ssyncset.done $0x0  }
0x1d: {  	s20 =	simm.s32 $0x27A0;
	s21 =	simm.s32 $0x0;
	[sflag:s12] =	ssyncadd.s32 $0xFFFFD8F0  }
.LBB2_2:
0x1e: {  	s22 =	smul.u32 $0x7D0, s21;
	_ =	sdelay $0x1  }
0x1f: {  	s23 =	sadd.s32 s3, s22  }
0x20: {  	s23 =	sshrl.u32 s23, $0x1  }
0x21: {  	s23 =	sadd.s32 s4, s23  }
0x22: {  	[tilespmem:s15], [sflag:$0x1] =	stream.linear.gather [hbm4b:s23+s2], $0x1F40, $0x38;
	[tilespmem:$0x13680] =	vst v63  }
0x23: {  	s24 =	simm.s32 $0x30;
	s25 =	simm.s32 $0x0;
	_ =	swait.ge [sflag:s12], $0x1F40  }
0x24: {  	s26 =	simm.s32 $0x10;
	v6 =	vmov s24;
	v8 =	vmov s25;
	[sflag:s12] =	ssyncset.done $0x0  }
0x25: {  	v10 =	vmov s26;
	v6 =	vshll.u32 v6, $0x2;
	v8 =	vshll.u32 v8, $0x2;
	[sflag:s12] =	ssyncadd.s32 $0xFFFFE0C0  }
0x26: {  	v6 =	vor.u32 v0, v6;
	v12 =	vor.u32 v0, v8;
	v8 =	vshll.u32 v10, $0x2;
	v5 =	vld [tilespmem:s19+$0x10]  }
0x27: {  	s28 =	simm.s32 $0x20;
	v15 =	vor.u32 v0, v8;
	v7 =	vld [tilespmem:s19+$0xFFFFFFE0]  }
0x28: {  	v16 =	vmov s28;
	v9 =	vld [tilespmem:s19+$0xFFFFFFF0]  }
0x29: {  	v16 =	vshll.u32 v16, $0x2;
	v11 =	vld [tilespmem:s19+$0x0]  }
0x2a: {  	v19 =	vor.u32 v0, v16;
	v14 =	vld [tilespmem:s20+$0x10]  }
0x2b: {  	v10 =	vld.idx.msk [tilespmem:v6+s15+$0x0], $0xffff  }
0x2c: {  	v17 =	vld.idx.msk [tilespmem:v15+s15+$0x0], $0xffff  }
0x2d: {  	v18 =	vld [tilespmem:s20+$0xFFFFFFE0]  }
0x2e: {  	v5 =	vld.idx.msk [tilespmem:v5+s11+$0x0], $0xffff  }
0x2f: {  	s23 =	sadd.s32 $0x40, s20;
	v22 =	vld.idx.msk [tilespmem:v19+s15+$0x0], $0xffff  }
0x30: {  	v59 =	vld [tilespmem:s23+$0x10]  }
0x31: {  	v13 =	vld.idx.msk [tilespmem:v9+s11+$0x0], $0xffff;
	v9 =	vor.u32 $0x1, v6  }
0x32: {  	v8 =	vld.idx.msk [tilespmem:v7+s11+$0x0], $0xffff  }
0x33: {  	v7 =	vld.idx.msk [tilespmem:v12+s15+$0x0], $0xffff;
	v10 =	vmul.f32 v10, v5  }
0x34: {  	v16 =	vld.idx.msk [tilespmem:v11+s11+$0x0], $0xffff  }
0x35: {  	[tilespmem:v14+s13+$0x0] =	vst.idx.add.f32.msk $0xffff, v10  }
0x36: {  	v11 =	vld.idx.msk [tilespmem:v9+s15+$0x0], $0xffff  }
0x37: {  	v20 =	vor.u32 $0x1, v12;
	v9 =	vld [tilespmem:s20+$0xFFFFFFF0]  }
0x38: {  	v21 =	vadd.s32 $0x2800, v14;
	v10 =	vld [tilespmem:s20+$0x0]  }
0x39: {  	v23 =	vor.u32 $0x2, v6;
	v31 =	vld [tilespmem:s23+$0xFFFFFFE0];
	v7 =	vmul.f32 v7, v8  }
0x3a: {  	v60 =	vld [tilespmem:s23+$0xFFFFFFF0]  }
0x3b: {  	[tilespmem:v18+s13+$0x0] =	vst.idx.add.f32.msk $0xffff, v7;
	v7 =	vmul.f32 v11, v5  }
0x3c: {  	v20 =	vld.idx.msk [tilespmem:v20+s15+$0x0], $0xffff;
	v11 =	vor.u32 $0x1, v15  }
0x3d: {  	v24 =	vor.u32 $0x1, v19;
	v17 =	vmul.f32 v17, v13;
	[tilespmem:v21+s13+$0x0] =	vst.idx.add.f32.msk $0xffff, v7  }
0x3e: {  	v7 =	vmul.f32 v22, v16;
	v21 =	vld.idx.msk [tilespmem:v23+s15+$0x0], $0xffff  }
0x3f: {  	v22 =	vadd.s32 $0x2800, v18;
	[tilespmem:v9+s13+$0x0] =	vst.idx.add.f32.msk $0xffff, v17  }
0x40: {  	v17 =	vor.u32 $0x2, v12;
	[tilespmem:v10+s13+$0x0] =	vst.idx.add.f32.msk $0xffff, v7  }
0x41: {  	v7 =	vld.idx.msk [tilespmem:v11+s15+$0x0], $0xffff;
	v11 =	vadd.s32 $0x5000, v14  }
0x42: {  	v20 =	vmul.f32 v20, v8;
	v23 =	vld.idx.msk [tilespmem:v24+s15+$0x0], $0xffff  }
0x43: {  	v34 =	vld [tilespmem:s23+$0x0];
	v6 =	vor.u32 $0x3, v6  }
0x44: {  	v57 =	vadd.s32 $0x2800, v9;
	[tilespmem:v22+s13+$0x0] =	vst.idx.add.f32.msk $0xffff, v20;
	v20 =	vmul.f32 v21, v5  }
0x45: {  	v25 =	vadd.s32 $0x2800, v10;
	v17 =	vld.idx.msk [tilespmem:v17+s15+$0x0], $0xffff  }
0x46: {  	s26 =	sadd.s32 $0x40, s19;
	v21 =	vor.u32 $0x2, v15;
	[tilespmem:v11+s13+$0x0] =	vst.idx.add.f32.msk $0xffff, v20  }
0x47: {  	v7 =	vmul.f32 v7, v13;
	v11 =	vadd.s32 $0x5000, v18;
	v20 =	vmul.f32 v23, v16;
	v23 =	vld [tilespmem:s26+$0xFFFFFFF0]  }
0x48: {  	v6 =	vld.idx.msk [tilespmem:v6+s15+$0x0], $0xffff  }
0x49: {  	v22 =	vor.u32 $0x2, v19;
	[tilespmem:v57+s13+$0x0] =	vst.idx.add.f32.msk $0xffff, v7  }
0x4a: {  	[tilespmem:v25+s13+$0x0] =	vst.idx.add.f32.msk $0xffff, v20;
	v7 =	vor.u32 $0x3, v12;
	v12 =	vmul.f32 v17, v8  }
0x4b: {  	v17 =	vld.idx.msk [tilespmem:v21+s15+$0x0], $0xffff  }
0x4c: {  	s29 =	simm.s32 $0x70;
	v14 =	vadd.s32 $0x7800, v14;
	[tilespmem:v11+s13+$0x0] =	vst.idx.add.f32.msk $0xffff, v12  }
0x4d: {  	v11 =	vld [tilespmem:s26+$0x10];
	v12 =	vmov s29  }
0x4e: {  	v30 =	vadd.s32 $0x5000, v9;
	v20 =	vld.idx.msk [tilespmem:v22+s15+$0x0], $0xffff;
	v12 =	vshll.u32 v12, $0x2  }
0x4f: {  	v21 =	vld [tilespmem:s26+$0xFFFFFFE0];
	v5 =	vmul.f32 v6, v5;
	v12 =	vor.u32 v0, v12  }
0x50: {  	v22 =	vld.idx.msk [tilespmem:v7+s15+$0x0], $0xffff  }
0x51: {  	v32 =	vadd.s32 $0x5000, v10;
	[tilespmem:v14+s13+$0x0] =	vst.idx.add.f32.msk $0xffff, v5;
	v17 =	vmul.f32 v17, v13  }
0x52: {  	s30 =	simm.s32 $0x40;
	v14 =	vld [tilespmem:s26+$0x0]  }
0x53: {  	s31 =	simm.s32 $0x50;
	v15 =	vor.u32 $0x3, v15;
	v6 =	vmov s30;
	[tilespmem:v30+s13+$0x0] =	vst.idx.add.f32.msk $0xffff, v17  }
0x54: {  	v5 =	vshll.u32 v6, $0x2;
	v6 =	vmov s31;
	v20 =	vmul.f32 v20, v16;
	v27 =	vld.idx.msk [tilespmem:v12+s15+$0x0], $0xffff  }
0x55: {  	v58 =	vor.u32 v0, v5;
	v5 =	vshll.u32 v6, $0x2;
	v28 =	vld.idx.msk [tilespmem:v11+s11+$0x0], $0xffff  }
0x56: {  	s24 =	simm.s32 $0x60;
	v26 =	vor.u32 v0, v5;
	[tilespmem:v32+s13+$0x0] =	vst.idx.add.f32.msk $0xffff, v20  }
0x57: {  	v6 =	vmov s24;
	v7 =	vld.idx.msk [tilespmem:v21+s11+$0x0], $0xffff  }
0x58: {  	v29 =	vor.u32 $0x1, v12;
	v5 =	vshll.u32 v6, $0x2;
	v30 =	vld.idx.msk [tilespmem:v15+s15+$0x0], $0xffff  }
0x59: {  	v11 =	vor.u32 v0, v5;
	v5 =	vld.idx.msk [tilespmem:v23+s11+$0x0], $0xffff  }
0x5a: {  	v21 =	vld.idx.msk [tilespmem:v58+s15+$0x0], $0xffff;
	v27 =	vmul.f32 v27, v28  }
0x5b: {  	v18 =	vadd.s32 $0x7800, v18;
	v23 =	vld.idx.msk [tilespmem:v26+s15+$0x0], $0xffff  }
0x5c: {  	[tilespmem:v59+s13+$0x0] =	vst.idx.add.f32.msk $0xffff, v27  }
0x5d: {  	v33 =	vor.u32 $0x1, v58;
	v27 =	vld.idx.msk [tilespmem:v29+s15+$0x0], $0xffff  }
0x5e: {  	v8 =	vmul.f32 v22, v8;
	v6 =	vld.idx.msk [tilespmem:v14+s11+$0x0], $0xffff  }
0x5f: {  	v35 =	vadd.s32 $0x2800, v59;
	v14 =	vld.idx.msk [tilespmem:v11+s15+$0x0], $0xffff;
	v17 =	vmul.f32 v21, v7  }
0x60: {  	[tilespmem:v18+s13+$0x0] =	vst.idx.add.f32.msk $0xffff, v8;
	v21 =	vor.u32 $0x2, v12  }
0x61: {  	v23 =	vmul.f32 v23, v5;
	[tilespmem:v31+s13+$0x0] =	vst.idx.add.f32.msk $0xffff, v17  }
0x62: {  	v17 =	vor.u32 $0x1, v26;
	v20 =	vld.idx.msk [tilespmem:v33+s15+$0x0], $0xffff;
	v15 =	vmul.f32 v27, v28  }
0x63: {  	v61 =	vor.u32 $0x1, v11;
	[tilespmem:v60+s13+$0x0] =	vst.idx.add.f32.msk $0xffff, v23  }
0x64: {  	v14 =	vmul.f32 v14, v6;
	[tilespmem:v35+s13+$0x0] =	vst.idx.add.f32.msk $0xffff, v15;
	v15 =	vor.u32 $0x3, v19  }
0x65: {  	v19 =	vld.idx.msk [tilespmem:v21+s15+$0x0], $0xffff;
	v21 =	vadd.s32 $0x2800, v31  }
0x66: {  	v23 =	vor.u32 $0x2, v58;
	[tilespmem:v34+s13+$0x0] =	vst.idx.add.f32.msk $0xffff, v14  }
0x67: {  	v14 =	vld.idx.msk [tilespmem:v17+s15+$0x0], $0xffff;
	v17 =	vadd.s32 $0x5000, v59  }
0x68: {  	v12 =	vor.u32 $0x3, v12;
	v27 =	vld.idx.msk [tilespmem:v61+s15+$0x0], $0xffff;
	v20 =	vmul.f32 v20, v7  }
0x69: {  	v32 =	vld.idx.msk [tilespmem:v15+s15+$0x0], $0xffff;
	v15 =	vadd.s32 $0x2800, v60  }
0x6a: {  	[tilespmem:v21+s13+$0x0] =	vst.idx.add.f32.msk $0xffff, v20;
	v19 =	vmul.f32 v19, v28;
	v20 =	vadd.s32 $0x2800, v34  }
0x6b: {  	v21 =	vld.idx.msk [tilespmem:v23+s15+$0x0], $0xffff;
	v23 =	vor.u32 $0x2, v26  }
0x6c: {  	v14 =	vmul.f32 v14, v5;
	[tilespmem:v17+s13+$0x0] =	vst.idx.add.f32.msk $0xffff, v19;
	v17 =	vor.u32 $0x2, v11  }
0x6d: {  	v62 =	vadd.s32 $0x5000, v31;
	v22 =	vld.idx.msk [tilespmem:v12+s15+$0x0], $0xffff;
	v12 =	vmul.f32 v27, v6  }
0x6e: {  	v18 =	vor.u32 $0x3, v58;
	[tilespmem:v15+s13+$0x0] =	vst.idx.add.f32.msk $0xffff, v14  }
0x6f: {  	v63 =	vadd.s32 $0x7800, v59;
	[tilespmem:v20+s13+$0x0] =	vst.idx.add.f32.msk $0xffff, v12  }
0x70: {  	v14 =	vmul.f32 v21, v7;
	v19 =	vld.idx.msk [tilespmem:v23+s15+$0x0], $0xffff  }
0x71: {  	v8 =	vadd.s32 $0x7800, v10;
	v10 =	vor.u32 $0x3, v26;
	v13 =	vmul.f32 v30, v13;
	v20 =	vld.idx.msk [tilespmem:v17+s15+$0x0], $0xffff  }
0x72: {  	v11 =	vor.u32 $0x3, v11;
	v15 =	vadd.s32 $0x5000, v34;
	[tilespmem:v62+s13+$0x0] =	vst.idx.add.f32.msk $0xffff, v14;
	v22 =	vmul.f32 v22, v28  }
0x73: {  	v16 =	vmul.f32 v32, v16;
	v12 =	vadd.s32 $0x7800, v9;
	v9 =	vadd.s32 $0x7800, v31;
	v21 =	vld.idx.msk [tilespmem:v18+s15+$0x0], $0xffff  }
0x74: {  	s25 =	simm.s32 $0xB0;
	s26 =	sadd.s32 $0x40, s26;
	s24 =	simm.s32 $0x4;
	v17 =	vadd.s32 $0x7800, v60;
	v14 =	vadd.s32 $0x5000, v60;
	v18 =	vadd.s32 $0x7800, v34;
	[tilespmem:v63+s13+$0x0] =	vst.idx.add.f32.msk $0xffff, v22  }
.LBB2_3:
0x75: {  	s28 =	sadd.s32 $0xFFFFFFE0, s25;
	s29 =	sadd.s32 $0xFFFFFFF0, s25;
	v22 =	vld [tilespmem:s26+$0x10];
	v23 =	vmov s25;
	s24 =	sadd.s32 $0x4, s24  }
0x76: {  	s30 =	sadd.s32 $0xFFFFFFD0, s25;
	v24 =	vld [tilespmem:s26+$0xFFFFFFE0];
	v25 =	vmov s28;
	v26 =	vmov s29;
	v23 =	vshll.u32 v23, $0x2;
	p0 =	slt.u32 s24, $0x78  }
0x77: {  	v27 =	vmov s30;
	v28 =	vld [tilespmem:s26+$0xFFFFFFF0];
	v25 =	vshll.u32 v25, $0x2;
	v23 =	vor.u32 v0, v23  }
0x78: {  	v27 =	vshll.u32 v27, $0x2;
	v26 =	vshll.u32 v26, $0x2;
	v25 =	vor.u32 v0, v25;
	v29 =	vld [tilespmem:s26+$0x0]  }
0x79: {  	v27 =	vor.u32 v0, v27;
	v26 =	vor.u32 v0, v26;
	v30 =	vor.u32 $0x1, v25;
	[tilespmem:v12+s13+$0x0] =	vst.idx.add.f32.msk $0xffff, v13  }
0x7a: {  	s23 =	sadd.s32 $0x40, s23;
	v13 =	vor.u32 $0x1, v27;
	v31 =	vor.u32 $0x2, v27;
	v32 =	vor.u32 $0x1, v26;
	v12 =	vmovc v17;
	[tilespmem:v8+s13+$0x0] =	vst.idx.add.f32.msk $0xffff, v16;
	v8 =	vmovc v18  }
0x7b: {  	v33 =	vor.u32 $0x2, v25;
	v34 =	vor.u32 $0x2, v26;
	v16 =	vmul.f32 v19, v5;
	v35 =	vld [tilespmem:s23+$0x10]  }
0x7c: {  	v36 =	vor.u32 $0x3, v27;
	v17 =	vor.u32 $0x3, v25;
	v19 =	vmul.f32 v20, v6;
	v18 =	vld.idx.msk [tilespmem:v23+s15+$0x0], $0xffff  }
0x7d: {  	v21 =	vmul.f32 v21, v7;
	v20 =	vor.u32 $0x3, v26;
	v22 =	vld.idx.msk [tilespmem:v22+s11+$0x0], $0xffff  }
0x7e: {  	v7 =	vld.idx.msk [tilespmem:v24+s11+$0x0], $0xffff  }
0x7f: {  	v24 =	vld.idx.msk [tilespmem:v27+s15+$0x0], $0xffff  }
0x80: {  	v27 =	vld.idx.msk [tilespmem:v28+s11+$0x0], $0xffff  }
0x81: {  	v28 =	vor.u32 $0x1, v23;
	v25 =	vld.idx.msk [tilespmem:v25+s15+$0x0], $0xffff  }
0x82: {  	v29 =	vld.idx.msk [tilespmem:v29+s11+$0x0], $0xffff  }
0x83: {  	v18 =	vmul.f32 v18, v22;
	v26 =	vld.idx.msk [tilespmem:v26+s15+$0x0], $0xffff  }
0x84: {  	v37 =	vld [tilespmem:s23+$0xFFFFFFE0]  }
0x85: {  	v24 =	vmul.f32 v24, v7;
	[tilespmem:v35+s13+$0x0] =	vst.idx.add.f32.msk $0xffff, v18  }
0x86: {  	v18 =	vld.idx.msk [tilespmem:v28+s15+$0x0], $0xffff  }
0x87: {  	v25 =	vmul.f32 v25, v27;
	v28 =	vld [tilespmem:s23+$0xFFFFFFF0]  }
0x88: {  	v38 =	vld [tilespmem:s23+$0x0]  }
0x89: {  	v40 =	vadd.s32 $0x2800, v35;
	v26 =	vmul.f32 v26, v29;
	v39 =	vadd.s32 $0x2800, v37;
	[tilespmem:v14+s13+$0x0] =	vst.idx.add.f32.msk $0xffff, v16  }
0x8a: {  	v42 =	vor.u32 $0x2, v23;
	v41 =	vadd.s32 $0x5000, v37;
	v16 =	vadd.s32 $0x7800, v37;
	[tilespmem:v15+s13+$0x0] =	vst.idx.add.f32.msk $0xffff, v19  }
0x8b: {  	v19 =	vld.idx.msk [tilespmem:v10+s15+$0x0], $0xffff;
	v10 =	vmov v17  }
0x8c: {  	[tilespmem:v37+s13+$0x0] =	vst.idx.add.f32.msk $0xffff, v24;
	v24 =	vadd.s32 $0x2800, v28;
	v14 =	vadd.s32 $0x5000, v28;
	v37 =	vmul.f32 v18, v22  }
0x8d: {  	v17 =	vadd.s32 $0x7800, v28;
	v43 =	vld.idx.msk [tilespmem:v13+s15+$0x0], $0xffff;
	v44 =	vadd.s32 $0x2800, v38;
	v15 =	vadd.s32 $0x5000, v38  }
0x8e: {  	v18 =	vadd.s32 $0x7800, v38;
	[tilespmem:v40+s13+$0x0] =	vst.idx.add.f32.msk $0xffff, v37  }
0x8f: {  	v37 =	vld.idx.msk [tilespmem:v42+s15+$0x0], $0xffff  }
0x90: {  	[tilespmem:v28+s13+$0x0] =	vst.idx.add.f32.msk $0xffff, v25  }
0x91: {  	v13 =	vmul.f32 v19, v5;
	v5 =	vmov v27;
	[tilespmem:v38+s13+$0x0] =	vst.idx.add.f32.msk $0xffff, v26  }
0x92: {  	v25 =	vadd.s32 $0x5000, v35;
	v19 =	vld.idx.msk [tilespmem:v30+s15+$0x0], $0xffff  }
0x93: {  	v23 =	vor.u32 $0x3, v23;
	v26 =	vmul.f32 v43, v7;
	v27 =	vld.idx.msk [tilespmem:v32+s15+$0x0], $0xffff  }
0x94: {  	v28 =	vld.idx.msk [tilespmem:v11+s15+$0x0], $0xffff;
	v11 =	vmov v20  }
0x95: {  	v20 =	vmul.f32 v37, v22;
	[tilespmem:v39+s13+$0x0] =	vst.idx.add.f32.msk $0xffff, v26  }
0x96: {  	v26 =	vld.idx.msk [tilespmem:v31+s15+$0x0], $0xffff  }
0x97: {  	[tilespmem:v25+s13+$0x0] =	vst.idx.add.f32.msk $0xffff, v20  }
0x98: {  	v19 =	vmul.f32 v19, v5;
	v23 =	vld.idx.msk [tilespmem:v23+s15+$0x0], $0xffff  }
0x99: {  	v20 =	vmul.f32 v27, v29;
	[tilespmem:v9+s13+$0x0] =	vst.idx.add.f32.msk $0xffff, v21;
	v9 =	vmov v16  }
0x9a: {  	v16 =	vmul.f32 v28, v6;
	v6 =	vmov v29;
	[tilespmem:v24+s13+$0x0] =	vst.idx.add.f32.msk $0xffff, v19  }
0x9b: {  	v24 =	vadd.s32 $0x7800, v35;
	[tilespmem:v44+s13+$0x0] =	vst.idx.add.f32.msk $0xffff, v20  }
.Ltmp0:
0x9c: {  	v21 =	vmul.f32 v26, v7;
	v19 =	vld.idx.msk [tilespmem:v33+s15+$0x0], $0xffff;
	(pc) =	sbr.rel @p0 .LBB2_3-.Ltmp0, $4  }
0x9d: {  	v20 =	vld.idx.msk [tilespmem:v34+s15+$0x0], $0xffff  }
0x9e: {  	v22 =	vmul.f32 v23, v22;
	[tilespmem:v41+s13+$0x0] =	vst.idx.add.f32.msk $0xffff, v21  }
0x9f: {  	v21 =	vld.idx.msk [tilespmem:v36+s15+$0x0], $0xffff  }
0xa0: {  	s25 =	sadd.s32 $0x40, s25;
	s26 =	sadd.s32 $0x40, s26;
	[tilespmem:v24+s13+$0x0] =	vst.idx.add.f32.msk $0xffff, v22  }
0xa1: {  	_ =	sdelay $0x1  }
0xa2: {  	v19 =	vmul.f32 v19, v5  }
0xa3: {  	v20 =	vmul.f32 v20, v6  }
0xa4: {  	[tilespmem:v14+s13+$0x0] =	vst.idx.add.f32.msk $0xffff, v19  }
0xa5: {  	[tilespmem:v15+s13+$0x0] =	vst.idx.add.f32.msk $0xffff, v20  }
0xa6: {  	v10 =	vld.idx.msk [tilespmem:v10+s15+$0x0], $0xffff  }
0xa7: {  	v11 =	vld.idx.msk [tilespmem:v11+s15+$0x0], $0xffff;
	_ =	sdelay $0x2  }
0xa8: {  	[tilespmem:v12+s13+$0x0] =	vst.idx.add.f32.msk $0xffff, v13;
	v7 =	vmul.f32 v21, v7  }
0xa9: {  	[tilespmem:v8+s13+$0x0] =	vst.idx.add.f32.msk $0xffff, v16;
	v5 =	vmul.f32 v10, v5  }
0xaa: {  	[tilespmem:v9+s13+$0x0] =	vst.idx.add.f32.msk $0xffff, v7;
	v6 =	vmul.f32 v11, v6  }
0xab: {  	[tilespmem:v17+s13+$0x0] =	vst.idx.add.f32.msk $0xffff, v5  }
0xac: {  	[tilespmem:v18+s13+$0x0] =	vst.idx.add.f32.msk $0xffff, v6  }
0xad: {  	v5 =	vld [tilespmem:s22+$0x7C0];
	_ =	sdelay $0x5  }
0xae: {  	v6 =	vld [tilespmem:s22+$0x2F40]  }
0xaf: {  	v7 =	vld.idx.msk [tilespmem:v1+s15+$0x0], $0xffff  }
0xb0: {  	v5 =	vld.idx.msk [tilespmem:v5+s11+$0x0], $0xffff;
	_ =	sdelay $0x4  }
0xb1: {  	v7 =	vmul.f32 v7, v5;
	_ =	sdelay $0x1  }
0xb2: {  	[tilespmem:v6+s13+$0x0] =	vst.idx.add.f32.msk $0xffff, v7  }
0xb3: {  	v7 =	vld.idx.msk [tilespmem:v2+s15+$0x0], $0xffff;
	_ =	sdelay $0x1  }
0xb4: {  	v62 =	vadd.s32 $0x2800, v6;
	_ =	sdelay $0x2  }
0xb5: {  	v7 =	vmul.f32 v7, v5;
	_ =	sdelay $0x1  }
0xb6: {  	[tilespmem:v62+s13+$0x0] =	vst.idx.add.f32.msk $0xffff, v7  }
0xb7: {  	v7 =	vld.idx.msk [tilespmem:v3+s15+$0x0], $0xffff;
	_ =	sdelay $0x1  }
0xb8: {  	v63 =	vadd.s32 $0x5000, v6;
	_ =	sdelay $0x2  }
0xb9: {  	v7 =	vmul.f32 v7, v5;
	_ =	sdelay $0x1  }
0xba: {  	[tilespmem:v63+s13+$0x0] =	vst.idx.add.f32.msk $0xffff, v7  }
0xbb: {  	v7 =	vld.idx.msk [tilespmem:v4+s15+$0x0], $0xffff  }
0xbc: {  	s21 =	sadd.s32 $0x1, s21  }
0xbd: {  	p0 =	sne.s32 s21, $0x5;
	v6 =	vadd.s32 $0x7800, v6  }
.Ltmp1:
0xbe: {  	_ = 	snop;
	(pc) =	sbr.rel @p0 .LBB2_2-.Ltmp1, $3  }
0xbf: {  	_ = 	snop  }
0xc0: {  	v5 =	vmul.f32 v7, v5;
	_ =	sdelay $0x1  }
0xc1: {  	s19 =	sadd.s32 $0x7D0, s19;
	s20 =	sadd.s32 $0x7D0, s20;
	[tilespmem:v6+s13+$0x0] =	vst.idx.add.f32.msk $0xffff, v5  }
0xc2: {  	s18 =	sadd.s32 $0x1, s18  }
0xc3: {  	p0 =	sne.s32 s18, s10  }
.Ltmp2:
0xc4: {  	_ = 	snop;
	(pc) =	sbr.rel @p0 .LBB2_1-.Ltmp2, $4  }
0xc5: {  	[hbm4b:s9+s16] =	stream.strided.scatter [tilespmem:s13], [sflag:$0x1], $0xA000, s17, s16, $0x38;
	[tilespmem:$0x13680] =	vst v63  }
0xc6: {  	_ =	swait.ge [sflag:s12], $0xA000  }
0xc7: {  	[sflag:s12] =	ssyncset.done $0x0  }
0xc8: {  	[sflag:s12] =	ssyncadd.s32 $0xFFFF6000  }
0xc9: {  	_ =	sfence.sel $0x180000  }
0xca: {  	[bflag:$0x0] =	sbarrier.arrive $0xFFFF  }
0xcb: {  	p0 =	sne.s32 s0, $0x0;
	_ =	strace $0x9000004A  }
0xcc: {  	s0 =	sadd.s32 @!p0 $0x100000, s1;
	[bflag:$0x2] =	sbarrier.arrive $0xFFFF  }
0xcd: {  	[sflag:s0] =	ssyncadd.tile.s32 @!p0 $0x1;
	_ =	shalt  }
.Lfunc_end2:
_tile_overlayer_lowered:
.L_overlay_start_2:
0xce: {  	(tag) =	ssettag $0x2  }
0xcf: {  	s0 =	rddreg [dreg:$0x0];
	s2 =	stileid.u32  }
0xd0: {  	s1 =	rddreg [dreg:$0x1];
	p0 =	sne.s32 s2, $0x0  }
0xd1: {  	s3 =	rddreg [dreg:$0x2];
	[bflag:$0x3] =	sbarrier.arrive $0xFFFF;
	s2 =	simm.s32 @!p0 $0x1C01  }
0xd2: {  	[timem:s3], [sflag:s2] =	dma.local @!p0 [hbm:s0], s1  }
0xd3: {  	s0 =	simm.s32 @!p0 $0x1  }
0xd4: {  	_ =	swait.ge @!p0 [sflag:s0], s1  }
0xd5: {  	s1 =	ssub.s32 @!p0 $0x0, s1;
	[sflag:s0] =	ssyncset.done @!p0 $0x0  }
0xd6: {  	[sflag:s0] =	ssyncadd.s32 @!p0 s1  }
0xd7: {  	[bflag:$0x3] =	sbarrier.arrive $0xFFFF  }
0xd8: {  	_ =	shalt  }

// kernel: kernel.27.cloned.1.call-start
scs
__scs_entry_jumppad:
0x0: {  	(pc) =	sbr.rel $0x88, $3  }
0x1: {  	(tag) =	ssettag $0x0;
	lr =	simm.s32 $0x1  }
0x2: {  	[smem:$0x3F98] =	sst lr;
	_ =	strace $0xD0000000  }
0x3: {  	_ = 	snop  }
0x4: {  	_ = 	snop  }
0x5: {  	_ = 	snop  }
0x6: {  	_ = 	snop  }
0x7: {  	_ = 	snop  }
__scs_overlays_trampoline_lowered:
0x8: {  	[smem:$0x3FA7] =	sst s0  }
0x9: {  	[smem:$0x3FA8] =	sst s1  }
0xa: {  	[smem:$0x3FA9] =	sst s2  }
0xb: {  	[smem:$0x3FAA] =	sst s3  }
0xc: {  	[smem:$0x3FAB] =	sst s4  }
0xd: {  	[smem:$0x3FAC] =	sst s5  }
0xe: {  	[smem:$0x3FAD] =	sst s6  }
0xf: {  	[smem:$0x3FAE] =	sst s7  }
0x10: {  	[smem:$0x3FAF] =	sst s8  }
0x11: {  	[smem:$0x3FB0] =	sst s9;
	s0 =	simm.s32 @!p0 $0x0  }
0x12: {  	s1 =	sld [smem:$0x3F96];
	s0 =	simm.s32 @p0 $0x1  }
0x13: {  	[smem:$0x3FB1] =	sst s0;
	s0 =	simm.s32 @!p1 $0x0  }
0x14: {  	s2 =	sld [smem:$0x3F95];
	s0 =	simm.s32 @p1 $0x1  }
0x15: {  	[smem:$0x3FB2] =	sst s0;
	s0 =	simm.s32 @!p2 $0x0  }
0x16: {  	s3 =	sld [smem:$0x3FDB];
	s0 =	simm.s32 @p2 $0x1  }
0x17: {  	s4 =	simm.s32 $0x1BF5;
	[smem:$0x3FB4] =	sst s0  }
0x18: {  	s0 =	sld [smem:$0x3F97];
	_ =	swait.ge [sflag:s4], $0x0  }
0x19: {  	s7 =	sld [smem:$0x3F98]  }
0x1a: {  	s8 =	sadd.s32 $0xFFFFE003, lr  }
0x1b: {  	s9 =	sadd.s32 $0xFFFFFEF7, lr;
	s5 =	simm.s32 $0xFFFFFFFF;
	p2 =	slt.u32 s8, $0xFFFFF086  }
0x1c: {  	p1 =	slt.u32 s9, $0xF7A;
	s5 =	simm.s32 @!p2 $0x0  }
0x1d: {  	s5 =	simm.s32 @p1 $0x1;
	p0 =	seq.s32 s7, s2  }
0x1e: {  	s7 =	smul.u32 @!p0 $0xF7A, s2;
	p2 =	seq.s32 @!p0 s5, $0x0  }
0x1f: {  	s9 =	smul.u32 $0xF7A, s1;
	s8 =	simm.s32 @!p0 $0x1BF5;
	p2 =	por !p2, p0  }
0x20: {  	[sflag:s8] =	ssyncset.s32 @!p0 $0xFFFFF086;
	s6 =	sadd.s32 @!p0 s3, s7;
	s7 =	simm.s32 @!p0 $0x108  }
0x21: {  	s3 =	sadd.s32 s3, s9;
	s6 =	sadd.s32 @!p0 $0x88, s6;
	s7 =	simm.s32 @p2 $0x1082  }
0x22: {  	[simem:s7], [sflag:s8] =	dma.local @!p0 [hbm:s6], $0xF7A  }
0x23: {  	s9 =	sor.u32 $0xD0000000, s2;
	s6 =	simm.s32 $0x108;
	_ =	swait.ge @!p0 [sflag:s8], $0x0  }
0x24: {  	s3 =	sadd.s32 $0x88, s3;
	s6 =	simm.s32 @!p1 $0x1082;
	[sflag:s4] =	ssyncset.s32 $0xFFFFF086  }
0x25: {  	[simem:s6], [sflag:s4] =	dma.local [hbm:s3], $0xF7A  }
0x26: {  	[smem:$0x3F98] =	sst s1;
	(tag) =	ssettag s2;
	_ =	strace s9  }
0x27: {  	s1 =	sld [smem:$0x3FA8]  }
0x28: {  	s2 =	sld [smem:$0x3FA9]  }
0x29: {  	s4 =	sld [smem:$0x3FAB]  }
0x2a: {  	p0 =	seq.s32 s5, $0x0;
	s5 =	sld [smem:$0x3FAC]  }
0x2b: {  	s6 =	sld [smem:$0x3FAD]  }
0x2c: {  	s7 =	sld [smem:$0x3FAE]  }
0x2d: {  	s3 =	simm.s32 $0x108;
	s8 =	sld [smem:$0x3FAF]  }
0x2e: {  	s3 =	simm.s32 @!p0 $0x1082;
	s9 =	sld [smem:$0x3FB0]  }
0x2f: {  	lr =	sadd.s32 s0, s3;
	s0 =	sld [smem:$0x3FA7]  }
0x30: {  	s3 =	sld [smem:$0x3FAA]  }
0x31: {  	[smem:$0x3FB3] =	sst s10  }
0x32: {  	s10 =	sld [smem:$0x3FB1];
	_ =	sdelay $0x3  }
0x33: {  	p0 =	seq.s32 s10, $0x1;
	s10 =	sld [smem:$0x3FB3];
	_ =	sdelay $0x3  }
0x34: {  	[smem:$0x3FB3] =	sst s10  }
0x35: {  	s10 =	sld [smem:$0x3FB2];
	_ =	sdelay $0x3  }
0x36: {  	p1 =	seq.s32 s10, $0x1;
	s10 =	sld [smem:$0x3FB3];
	_ =	sdelay $0x3  }
0x37: {  	[smem:$0x3FB3] =	sst s10  }
0x38: {  	s10 =	sld [smem:$0x3FB4]  }
0x39: {  	_ = 	snop;
	(pc) =	sbr.ind lr, $3  }
0x3a: {  	_ = 	snop  }
0x3b: {  	_ = 	snop  }
0x3c: {  	p2 =	seq.s32 s10, $0x1;
	s10 =	sld [smem:$0x3FB3]  }
0x3d: {  	_ =	shalt  }
0x3e: {  	_ =	shalt  }
0x3f: {  	_ =	shalt  }
0x40: {  	_ =	shalt  }
0x41: {  	_ =	shalt  }
0x42: {  	_ =	shalt  }
0x43: {  	_ =	shalt  }
0x44: {  	_ =	shalt  }
0x45: {  	_ =	shalt  }
0x46: {  	_ =	shalt  }
0x47: {  	_ =	shalt  }
0x48: {  	_ =	shalt  }
0x49: {  	_ =	shalt  }
0x4a: {  	_ =	shalt  }
0x4b: {  	_ =	shalt  }
0x4c: {  	_ =	shalt  }
0x4d: {  	_ =	shalt  }
0x4e: {  	_ =	shalt  }
0x4f: {  	_ =	shalt  }
0x50: {  	_ =	shalt  }
0x51: {  	_ =	shalt  }
0x52: {  	_ =	shalt  }
0x53: {  	_ =	shalt  }
0x54: {  	_ =	shalt  }
0x55: {  	_ =	shalt  }
0x56: {  	_ =	shalt  }
0x57: {  	_ =	shalt  }
0x58: {  	_ =	shalt  }
0x59: {  	_ =	shalt  }
0x5a: {  	_ =	shalt  }
0x5b: {  	_ =	shalt  }
0x5c: {  	_ =	shalt  }
0x5d: {  	_ =	shalt  }
0x5e: {  	_ =	shalt  }
0x5f: {  	_ =	shalt  }
0x60: {  	_ =	shalt  }
0x61: {  	_ =	shalt  }
0x62: {  	_ =	shalt  }
0x63: {  	_ =	shalt  }
0x64: {  	_ =	shalt  }
0x65: {  	_ =	shalt  }
0x66: {  	_ =	shalt  }
0x67: {  	_ =	shalt  }
0x68: {  	_ =	shalt  }
0x69: {  	_ =	shalt  }
0x6a: {  	_ =	shalt  }
0x6b: {  	_ =	shalt  }
0x6c: {  	_ =	shalt  }
0x6d: {  	_ =	shalt  }
0x6e: {  	_ =	shalt  }
0x6f: {  	_ =	shalt  }
0x70: {  	_ =	shalt  }
0x71: {  	_ =	shalt  }
0x72: {  	_ =	shalt  }
0x73: {  	_ =	shalt  }
0x74: {  	_ =	shalt  }
0x75: {  	_ =	shalt  }
0x76: {  	_ =	shalt  }
0x77: {  	_ =	shalt  }
0x78: {  	_ =	shalt  }
0x79: {  	_ =	shalt  }
0x7a: {  	_ =	shalt  }
0x7b: {  	_ =	shalt  }
0x7c: {  	_ =	shalt  }
0x7d: {  	_ =	shalt  }
0x7e: {  	_ =	shalt  }
0x7f: {  	_ =	shalt  }
0x80: {  	_ =	shalt  }
0x81: {  	_ =	shalt  }
0x82: {  	_ =	shalt  }
0x83: {  	_ =	shalt  }
0x84: {  	_ =	shalt  }
0x85: {  	_ =	shalt  }
0x86: {  	_ =	shalt  }
0x87: {  	_ =	shalt  }
.Lfunc_end0:
.L_simem_size_0:
called_computation.2_lowered:
.L_overlay_start_0:
0x88: {  	s2 =	sld [smem:$0x3FD9]  }
0x89: {  	s3 =	sld [smem:$0x3FFE];
	_ =	sdelay $0x1  }
0x8a: {  	s1 =	srdreg.scid  }
0x8b: {  	s0 =	sand.u32 $0x1, s1  }
0x8c: {  	s17 =	sshll.u32 s0, $0xA;
	s2 =	sadd.s32 s3, s2  }
0x8d: {  	s2 =	sadd.s32 s2, s17  }
0x8e: {  	[smem:$0x3FBF] =	sst s2  }
0x8f: {  	_ = 	snop  }
0x90: {  	s18 =	sld [smem:$0x3FD0];
	(tm) =	ssettm $0x1  }
0x91: {  	s19 =	sld [smem:$0x3FFB];
	_ =	sdelay $0x3  }
0x92: {  	_ =	strace s19  }
0x93: {  	s2 =	sld [smem:$0x3FFC];
	_ =	sdelay $0x3  }
0x94: {  	_ =	strace s2  }
0x95: {  	s2 =	sld [smem:$0x3FFD];
	_ =	sdelay $0x3  }
0x96: {  	_ =	strace s2  }
0x97: {  	_ =	strace $0x8FFFFFFF  }
0x98: {  	s20 =	sld [smem:$0x3FDB];
	_ =	sdelay $0x1  }
0x99: {  	s4 =	simm.s32 $_scs_section_size  }
0x9a: {  	s5 =	simm.s32 $_size__tile_overlayer_lowered;
	s6 =	simm.s32 $_tile_overlayer_lowered  }
0x9b: {  	s7 =	simm.s32 $0x1BFF;
	s21 =	sshll.u32 s6, $0x1;
	s4 =	sadd.s32 s4, s20  }
0x9c: {  	s22 =	simm.s32 $0x0;
	s5 =	sshll.u32 s5, $0x1;
	s6 =	sadd.s32 s21, s4  }
0x9d: {  	[timem:s22], [sflag:s7] =	dma.local [hbm:s6], s5  }
0x9e: {  	_ =	swait.ge [sflag:s7], s5  }
0x9f: {  	s5 =	ssub.s32 $0x0, s5;
	[sflag:s7] =	ssyncset.done $0x0  }
0xa0: {  	[sflag:s7] =	ssyncadd.s32 s5;
	_ =	sdelay $0x1  }
0xa1: {  	s23 =	simm.s32 $0x1B8B  }
0xa2: {  	_ =	swait.ge [sflag:s23], $0x1  }
0xa3: {  	[sflag:s23] =	ssyncset.done $0x0  }
0xa4: {  	[sflag:s23] =	ssyncadd.s32 $0xFFFFFFFF  }
0xa5: {  	s5 =	sld [smem:$0x0]  }
0xa6: {  	s6 =	sand.u32 $0xFFFFFFFE, s1  }
0xa7: {  	p0 =	sne.s32 s1, s6  }
0xa8: {  	s6 =	sshll.u32 @p0 s6, $0xE  }
0xa9: {  	s6 =	sadd.s32 @p0 $0x11B8D, s6;
	s7 =	sshll.u32 @p0 s5, $0x11  }
0xaa: {  	s6 =	sor.u32 @p0 s7, s6  }
0xab: {  	[sflag:s6] =	ssyncadd.remote.s32 @p0 $0x1;
	_ =	sdelay $0x1  }
0xac: {  	s6 =	simm.s32 @p0 $0x1B8D  }
0xad: {  	_ =	swait.eq @p0 [sflag:s6], $0x1  }
0xae: {  	[sflag:s6] =	ssyncadd.s32 @p0 $0xFFFFFFFF  }
0xaf: {  	s7 =	sshll.u32 @!p0 s1, $0xE  }
0xb0: {  	s7 =	sor.u32 @!p0 $0x4000, s7;
	s6 =	simm.s32 @!p0 $0x1B8D  }
0xb1: {  	s5 =	sshll.u32 @!p0 s5, $0x11;
	s7 =	sadd.s32 @!p0 $0x11B8D, s7;
	_ =	swait.eq @!p0 [sflag:s6], $0x1  }
0xb2: {  	s5 =	sor.u32 @!p0 s5, s7;
	[sflag:s6] =	ssyncadd.s32 @!p0 $0xFFFFFFFF  }
0xb3: {  	s25 =	simm.s32 $0x1B8E;
	s24 =	sld [smem:$0x3FFE];
	[sflag:s5] =	ssyncadd.remote.s32 @!p0 $0x1  }
0xb4: {  	s26 =	simm.s32 $execute0_lowered;
	[smem:$0x3FD2] =	sst s25  }
0xb5: {  	s6 =	sshll.u32 s26, $0x1;
	_ =	strace $0x8000004C;
	[dreg:$0x1] =	wrdreg $0xFFFFFFFF  }
0xb6: {  	s28 =	simm.s32 $_size_execute0_lowered;
	s4 =	sadd.s32 s4, s6;
	[dreg:$0x0] =	wrdreg $0x0  }
0xb7: {  	s6 =	sshll.u32 s28, $0x1;
	[dreg:$0x2] =	wrdreg s4  }
0xb8: {  	[dreg:$0x3] =	wrdreg s6  }
0xb9: {  	[dreg:$0x4] =	wrdreg $0xC0  }
0xba: {  	_ =	task [dreg:s22], $0x5FFFF  }
0xbb: {  	[dreg:$0x1] =	wrdreg $0xFFFFFFFF  }
0xbc: {  	[dreg:$0x0] =	wrdreg $0x60  }
0xbd: {  	[dreg:$0x2] =	wrdreg s18  }
0xbe: {  	[dreg:$0x3] =	wrdreg s24  }
0xbf: {  	[dreg:$0x4] =	wrdreg $0x83000  }
0xc0: {  	[dreg:$0x5] =	wrdreg $0xA  }
0xc1: {  	_ =	task.clear_ibuf [dreg:s22], $0x6FFFF;
	_ =	strace $0x9000004C  }
0xc2: {  	s29 =	simm.s32 $0xA;
	_ =	strace $0x8000004E  }
0xc3: {  	_ =	swait.ge [sflag:s29], $0x1  }
0xc4: {  	[sflag:s29] =	ssyncadd.s32 $0xFFFFFFFF  }
0xc5: {  	_ =	strace $0x9000004E  }
0xc6: {  	_ =	sfence  }
0xc7: {  	s30 =	sld [smem:$0x0];
	_ =	sdelay $0x2  }
0xc8: {  	s31 =	sshll.u32 s1, $0xD;
	s1 =	sshrl.u32 s1, $0x2  }
0xc9: {  	s4 =	sand.u32 $0x4000, s31;
	s1 =	sadd.s32 s1, s30  }
0xca: {  	s0 =	sor.u32 s4, s0;
	s1 =	sshll.u32 s1, $0x11  }
0xcb: {  	s0 =	sor.u32 s1, s0  }
0xcc: {  	s0 =	sadd.s32 $0x8F2B, s0  }
0xcd: {  	[sflag:s0] =	ssyncadd.remote.s32 $0x1  }
0xce: {  	_ =	sfence.sel $0xFFFF  }
0xcf: {  	[dreg:$0x0] =	wrdreg $0xFFFFFFFF;
	(pc) =	sbr.abs _section_cstart, $3  }
0xd0: {  	[dreg:$0x1] =	wrdreg $0xFFFFFFFF  }
0xd1: {  	_ =	task.clear_ibuf [dreg:s22], $0x2FFFF;
	_ =	strace $0x9FFFFFFF  }
0xd2: {  	(tm) =	ssettm $0x7FFFFFFF  }
0xd3: {  	_ =	shalt  }
tec
execute0_lowered:
.L_overlay_start_1:
0x0: {  	(tag) =	ssettag $0x1  }
0x1: {  	s1 =	rddreg [dreg:$0x0]  }
0x2: {  	s0 =	rddreg [dreg:$0x1]  }
0x3: {  	s2 =	rddreg [dreg:$0x2];
	s4 =	simm.s32 $0x0;
	s3 =	srdreg.scid  }
0x4: {  	s12 =	stileid.u32;
	s28 =	simm.s32 $0x80;
	s29 =	simm.s32 $0x200  }
0x5: {  	s30 =	simm.s32 $0x180;
	s31 =	simm.s32 $0x2;
	[smem:$0x7FF] =	sst s4  }
0x6: {  	s3 =	sand.u32 $0x1, s3;
	s6 =	smul.u32 $0x14000, s12;
	s7 =	sshll.u32 s12, $0x1  }
0x7: {  	s8 =	sadd.s32 $0x7C00, s0;
	s9 =	sadd.s32 $0x11A00, s0;
	s11 =	smul.u32 $0x50000, s12  }
0x8: {  	s13 =	sadd.s32 $0x45200, s0;
	s15 =	sshll.u32 s12, $0x6;
	s21 =	smul.u32 $0x4E20, s12  }
0x9: {  	s12 =	simm.s32 $0x0;
	s5 =	smul.u32 $0x140000, s3;
	_ =	strace $0x8000004D  }
0xa: {  	s7 =	sor.u32 s3, s7;
	s26 =	ssub.s32 $0x2, s3;
	s3 =	smul.u32 $0x2710, s3  }
0xb: {  	[dreg:$0x4] =	wrdreg s13;
	s7 =	smul.u32 $0x2710, s7;
	s10 =	sshrl.u32 s26, $0x1  }
0xc: {  	s14 =	sshrl.u32 s11, $0x2;
	s11 =	simm.s32 $0x10;
	s5 =	sadd.s32 s6, s5  }
0xd: {  	s13 =	ssub.s32 s26, s10;
	s6 =	sadd.s32 s14, s2;
	s10 =	simm.s32 $0x8280  }
0xe: {  	s5 =	sshrl.u32 s5, $0x3;
	s16 =	sshrl.u32 s7, $0x3;
	[dreg:$0x5] =	wrdreg s6  }
0xf: {  	s7 =	sor.u32 $0x1C07, s15;
	s0 =	sadd.s32 s5, s0;
	s18 =	sadd.s32 s8, s16  }
0x10: {  	s17 =	sadd.s32 $0x4E0, s16;
	s19 =	sadd.s32 s9, s16;
	[dreg:$0x6] =	wrdreg s18  }
0x11: {  	s5 =	smax.u32 s13, $0x1;
	s22 =	sadd.s32 $0x10, s16;
	[dreg:$0x7] =	wrdreg s19  }
0x12: {  	s24 =	sadd.s32 $0x20, s16;
	s20 =	sadd.s32 s8, s17;
	[dreg:$0xb] =	wrdreg s5  }
0x13: {  	s26 =	sadd.s32 $0x4D0, s16;
	s6 =	sadd.s32 s9, s17;
	[dreg:$0x8] =	wrdreg s20  }
0x14: {  	s0 =	sadd.s32 $0x47A00, s0;
	s23 =	sadd.s32 s8, s22;
	[dreg:$0x9] =	wrdreg s6  }
0x15: {  	s5 =	sadd.s32 s9, s22;
	s25 =	sadd.s32 s8, s24;
	[dreg:$0xa] =	wrdreg s0  }
0x16: {  	s17 =	sadd.s32 s9, s24;
	s18 =	sadd.s32 s8, s26;
	[dreg:$0xc] =	wrdreg s23  }
0x17: {  	s19 =	sadd.s32 s9, s26;
	s24 =	simm.s32 $0x7;
	[dreg:$0xd] =	wrdreg s5  }
0x18: {  	s26 =	simm.s32 $0x1;
	[dreg:$0xe] =	wrdreg s25;
	s0 =	sadd.s32 s3, s21  }
0x19: {  	s25 =	simm.s32 $0x100;
	s5 =	simm.s32 $0x5;
	s3 =	sadd.s32 $0x200, s0  }
0x1a: {  	s6 =	simm.s32 $0x4;
	s0 =	sadd.s32 $0x180, s0;
	s3 =	sshrl.u32 s3, $0x3  }
0x1b: {  	s0 =	sshrl.u32 s0, $0x3;
	s20 =	sadd.s32 s3, s9;
	s21 =	sadd.s32 s3, s8  }
0x1c: {  	s22 =	sadd.s32 s0, s9;
	s23 =	sadd.s32 s0, s8;
	s0 =	simm.s32 $0x4200  }
0x1d: {  	s3 =	simm.s32 $0x3;
	s8 =	simm.s32 $0x6;
	s9 =	simm.s32 $0x8200  }
.LBB2_1:
0x1e: {  	s13 =	rddreg [dreg:$0x5]  }
0x1f: {  	s14 =	rddreg [dreg:$0x4];
	s13 =	sshrl.u32 s13, $0x3  }
0x20: {  	[spmem:s13], [sflag:s7] =	dma.local [hbm:s14], $0x2800  }
0x21: {  	_ =	swait.ge [sflag:s24], $0x2800  }
0x22: {  	[sflag:s24] =	ssyncset.done $0x0  }
0x23: {  	[sflag:s24] =	ssyncadd.s32 $0xFFFFD800  }
0x24: {  	[bflag:$0x0] =	sbarrier.arrive $0xFFFF  }
0x25: {  	s16 =	rddreg [dreg:$0x6]  }
0x26: {  	[tilespmem:s4], [sflag:$0x1] =	stream.linear.gather [hbm4b:s16+s4], $0x80, $0x38;
	[tilespmem:$0x1C300] =	vst v63  }
0x27: {  	s15 =	rddreg [dreg:$0x7]  }
0x28: {  	[tilespmem:s25], [sflag:$0x1] =	stream.linear.gather [hbm4b:s15+s4], $0x80, $0x38;
	[tilespmem:$0x1C300] =	vst v63  }
0x29: {  	_ =	swait.ge [sflag:s26], $0x80  }
0x2a: {  	[sflag:s26] =	ssyncset.done $0x0  }
0x2b: {  	[sflag:s26] =	ssyncadd.s32 $0xFFFFFF80  }
0x2c: {  	_ =	swait.ge [sflag:s26], $0x80  }
0x2d: {  	[sflag:s26] =	ssyncset.done $0x0  }
0x2e: {  	[sflag:s26] =	ssyncadd.s32 $0xFFFFFF80  }
0x2f: {  	[tilespmem:s29], [sflag:$0x3] =	stream.indirect.gather [hbm4b:s1+s28], $0x80, s4, s28, $0xb8;
	[tilespmem:$0x1C300] =	vst v63  }
0x30: {  	s16 =	rddreg [dreg:$0xc]  }
0x31: {  	[tilespmem:s28], [sflag:$0x2] =	stream.linear.gather [hbm4b:s16+s4], $0x80, $0x38;
	[tilespmem:$0x1C300] =	vst v63  }
0x32: {  	s15 =	rddreg [dreg:$0xd]  }
0x33: {  	[tilespmem:s30], [sflag:$0x2] =	stream.linear.gather [hbm4b:s15+s4], $0x80, $0x38;
	[tilespmem:$0x1C300] =	vst v63  }
0x34: {  	_ =	swait.ge [sflag:s31], $0x80  }
0x35: {  	[sflag:s31] =	ssyncset.done $0x0  }
0x36: {  	[sflag:s31] =	ssyncadd.s32 $0xFFFFFF80  }
0x37: {  	_ =	swait.ge [sflag:s31], $0x80  }
0x38: {  	[sflag:s31] =	ssyncset.done $0x0  }
0x39: {  	[sflag:s31] =	ssyncadd.s32 $0xFFFFFF80  }
0x3a: {  	[tilespmem:s0], [sflag:$0x4] =	stream.indirect.gather [hbm4b:s1+s28], $0x80, s28, s28, $0xb8;
	[tilespmem:$0x1C300] =	vst v63  }
0x3b: {  	_ =	swait.ge [sflag:s3], $0x4000  }
0x3c: {  	[sflag:s3] =	ssyncset.done $0x0  }
0x3d: {  	[sflag:s3] =	ssyncadd.s32 $0xFFFFC000  }
0x3e: {  	[spmem:s2] =	stream.indirect.scatter.add.f32 [tilespmem:s29], [sflag:$0x5], $0x80, s25, s28, $0xb8;
	[tilespmem:$0x1C300] =	vst v63  }
0x3f: {  	_ =	swait.ge [sflag:s5], $0x4000  }
0x40: {  	[sflag:s5] =	ssyncset.done $0x0  }
0x41: {  	s16 =	rddreg [dreg:$0xe];
	[sflag:s5] =	ssyncadd.s32 $0xFFFFC000  }
0x42: {  	[tilespmem:s4], [sflag:$0x1] =	stream.linear.gather [hbm4b:s16+s4], $0x80, $0x38;
	[tilespmem:$0x1C300] =	vst v63  }
0x43: {  	_ = 	snop  }
0x44: {  	[tilespmem:s25], [sflag:$0x1] =	stream.linear.gather [hbm4b:s17+s4], $0x80, $0x38;
	[tilespmem:$0x1C300] =	vst v63  }
0x45: {  	_ =	swait.ge [sflag:s26], $0x80  }
0x46: {  	[sflag:s26] =	ssyncset.done $0x0  }
0x47: {  	[sflag:s26] =	ssyncadd.s32 $0xFFFFFF80  }
0x48: {  	_ =	swait.ge [sflag:s26], $0x80  }
0x49: {  	[sflag:s26] =	ssyncset.done $0x0  }
0x4a: {  	[sflag:s26] =	ssyncadd.s32 $0xFFFFFF80  }
0x4b: {  	[tilespmem:s29], [sflag:$0x3] =	stream.indirect.gather [hbm4b:s1+s28], $0x80, s4, s28, $0xb8;
	[tilespmem:$0x1C300] =	vst v63  }
0x4c: {  	_ =	swait.ge [sflag:s6], $0x4000  }
0x4d: {  	[sflag:s6] =	ssyncset.done $0x0  }
0x4e: {  	[sflag:s6] =	ssyncadd.s32 $0xFFFFC000  }
0x4f: {  	[spmem:s2] =	stream.indirect.scatter.add.f32 [tilespmem:s0], [sflag:$0x6], $0x80, s30, s28, $0xb8;
	[tilespmem:$0x1C300] =	vst v63  }
0x50: {  	_ =	swait.ge [sflag:s8], $0x4000  }
0x51: {  	[sflag:s8] =	ssyncset.done $0x0  }
0x52: {  	s15 =	sadd.s32 $0x0, s23;
	[sflag:s8] =	ssyncadd.s32 $0xFFFFC000  }
0x53: {  	[tilespmem:s28], [sflag:$0x2] =	stream.linear.gather [hbm4b:s15+s4], $0x80, $0x38;
	[tilespmem:$0x1C300] =	vst v63  }
0x54: {  	s16 =	sadd.s32 $0x0, s22  }
0x55: {  	[tilespmem:s30], [sflag:$0x2] =	stream.linear.gather [hbm4b:s16+s4], $0x80, $0x38;
	[tilespmem:$0x1C300] =	vst v63  }
0x56: {  	_ =	swait.ge [sflag:s31], $0x80  }
0x57: {  	[sflag:s31] =	ssyncset.done $0x0  }
0x58: {  	[sflag:s31] =	ssyncadd.s32 $0xFFFFFF80  }
0x59: {  	_ =	swait.ge [sflag:s31], $0x80  }
0x5a: {  	[sflag:s31] =	ssyncset.done $0x0  }
0x5b: {  	[sflag:s31] =	ssyncadd.s32 $0xFFFFFF80  }
0x5c: {  	[tilespmem:s0], [sflag:$0x4] =	stream.indirect.gather [hbm4b:s1+s28], $0x80, s28, s28, $0xb8;
	[tilespmem:$0x1C300] =	vst v63  }
0x5d: {  	_ =	swait.ge [sflag:s3], $0x4000  }
0x5e: {  	[sflag:s3] =	ssyncset.done $0x0  }
0x5f: {  	[sflag:s3] =	ssyncadd.s32 $0xFFFFC000  }
0x60: {  	[spmem:s2] =	stream.indirect.scatter.add.f32 [tilespmem:s29], [sflag:$0x5], $0x80, s25, s28, $0xb8;
	[tilespmem:$0x1C300] =	vst v63  }
0x61: {  	_ =	swait.ge [sflag:s5], $0x4000  }
0x62: {  	[sflag:s5] =	ssyncset.done $0x0  }
0x63: {  	s15 =	sadd.s32 $0x0, s21;
	[sflag:s5] =	ssyncadd.s32 $0xFFFFC000  }
0x64: {  	[tilespmem:s4], [sflag:$0x1] =	stream.linear.gather [hbm4b:s15+s4], $0x80, $0x38;
	[tilespmem:$0x1C300] =	vst v63  }
0x65: {  	s16 =	sadd.s32 $0x0, s20  }
0x66: {  	[tilespmem:s25], [sflag:$0x1] =	stream.linear.gather [hbm4b:s16+s4], $0x80, $0x38;
	[tilespmem:$0x1C300] =	vst v63  }
0x67: {  	_ =	swait.ge [sflag:s26], $0x80  }
0x68: {  	[sflag:s26] =	ssyncset.done $0x0  }
0x69: {  	[sflag:s26] =	ssyncadd.s32 $0xFFFFFF80  }
0x6a: {  	_ =	swait.ge [sflag:s26], $0x80  }
0x6b: {  	[sflag:s26] =	ssyncset.done $0x0  }
0x6c: {  	[sflag:s26] =	ssyncadd.s32 $0xFFFFFF80  }
0x6d: {  	[tilespmem:s29], [sflag:$0x3] =	stream.indirect.gather [hbm4b:s1+s28], $0x80, s4, s28, $0xb8;
	[tilespmem:$0x1C300] =	vst v63  }
0x6e: {  	_ =	swait.ge [sflag:s6], $0x4000  }
0x6f: {  	[sflag:s6] =	ssyncset.done $0x0  }
0x70: {  	s14 =	simm.s32 $0x20;
	[sflag:s6] =	ssyncadd.s32 $0xFFFFC000  }
.LBB2_2:
0x71: {  	[spmem:s2] =	stream.indirect.scatter.add.f32 [tilespmem:s0], [sflag:$0x6], $0x80, s30, s28, $0xb8;
	[tilespmem:$0x1C300] =	vst v63  }
0x72: {  	s15 =	smov.u32 s14  }
0x73: {  	p0 =	sne.s32 s14, $0x480;
	s14 =	sadd.s32 $0x20, s14;
	_ =	swait.ge [sflag:s8], $0x4000  }
0x74: {  	[sflag:s8] =	ssyncset.done $0x0  }
0x75: {  	s16 =	sadd.s32 s15, s23;
	[sflag:s8] =	ssyncadd.s32 $0xFFFFC000  }
0x76: {  	[tilespmem:s28], [sflag:$0x2] =	stream.linear.gather [hbm4b:s16+s4], $0x80, $0x38;
	[tilespmem:$0x1C300] =	vst v63  }
0x77: {  	s16 =	sadd.s32 s15, s22  }
0x78: {  	[tilespmem:s30], [sflag:$0x2] =	stream.linear.gather [hbm4b:s16+s4], $0x80, $0x38;
	[tilespmem:$0x1C300] =	vst v63  }
0x79: {  	_ =	swait.ge [sflag:s31], $0x80  }
0x7a: {  	[sflag:s31] =	ssyncset.done $0x0  }
0x7b: {  	[sflag:s31] =	ssyncadd.s32 $0xFFFFFF80  }
0x7c: {  	_ =	swait.ge [sflag:s31], $0x80  }
0x7d: {  	[sflag:s31] =	ssyncset.done $0x0  }
0x7e: {  	[sflag:s31] =	ssyncadd.s32 $0xFFFFFF80  }
0x7f: {  	[tilespmem:s0], [sflag:$0x4] =	stream.indirect.gather [hbm4b:s1+s28], $0x80, s28, s28, $0xb8;
	[tilespmem:$0x1C300] =	vst v63  }
0x80: {  	_ =	swait.ge [sflag:s3], $0x4000  }
0x81: {  	[sflag:s3] =	ssyncset.done $0x0  }
0x82: {  	[sflag:s3] =	ssyncadd.s32 $0xFFFFC000  }
0x83: {  	[spmem:s2] =	stream.indirect.scatter.add.f32 [tilespmem:s29], [sflag:$0x5], $0x80, s25, s28, $0xb8;
	[tilespmem:$0x1C300] =	vst v63  }
0x84: {  	_ =	swait.ge [sflag:s5], $0x4000  }
0x85: {  	[sflag:s5] =	ssyncset.done $0x0  }
0x86: {  	s16 =	sadd.s32 s15, s21;
	[sflag:s5] =	ssyncadd.s32 $0xFFFFC000  }
0x87: {  	[tilespmem:s4], [sflag:$0x1] =	stream.linear.gather [hbm4b:s16+s4], $0x80, $0x38;
	[tilespmem:$0x1C300] =	vst v63  }
0x88: {  	s15 =	sadd.s32 s15, s20  }
0x89: {  	[tilespmem:s25], [sflag:$0x1] =	stream.linear.gather [hbm4b:s15+s4], $0x80, $0x38;
	[tilespmem:$0x1C300] =	vst v63  }
0x8a: {  	_ =	swait.ge [sflag:s26], $0x80  }
0x8b: {  	[sflag:s26] =	ssyncset.done $0x0  }
0x8c: {  	[sflag:s26] =	ssyncadd.s32 $0xFFFFFF80  }
0x8d: {  	_ =	swait.ge [sflag:s26], $0x80  }
0x8e: {  	[sflag:s26] =	ssyncset.done $0x0  }
.Ltmp0:
0x8f: {  	[sflag:s26] =	ssyncadd.s32 $0xFFFFFF80;
	(pc) =	sbr.rel @p0 .LBB2_2-.Ltmp0, $4  }
0x90: {  	[tilespmem:s29], [sflag:$0x3] =	stream.indirect.gather [hbm4b:s1+s28], $0x80, s4, s28, $0xb8;
	[tilespmem:$0x1C300] =	vst v63  }
0x91: {  	_ =	swait.ge [sflag:s6], $0x4000  }
0x92: {  	[sflag:s6] =	ssyncset.done $0x0  }
0x93: {  	[sflag:s6] =	ssyncadd.s32 $0xFFFFC000  }
0x94: {  	[spmem:s2] =	stream.indirect.scatter.add.f32 [tilespmem:s0], [sflag:$0x6], $0x80, s30, s28, $0xb8;
	[tilespmem:$0x1C300] =	vst v63  }
0x95: {  	_ =	swait.ge [sflag:s8], $0x4000  }
0x96: {  	[sflag:s8] =	ssyncset.done $0x0  }
0x97: {  	[sflag:s8] =	ssyncadd.s32 $0xFFFFC000  }
0x98: {  	[tilespmem:s28], [sflag:$0x2] =	stream.linear.gather [hbm4b:s18+s4], $0x80, $0x38;
	[tilespmem:$0x1C300] =	vst v63  }
0x99: {  	_ = 	snop  }
0x9a: {  	[tilespmem:s30], [sflag:$0x2] =	stream.linear.gather [hbm4b:s19+s4], $0x80, $0x38;
	[tilespmem:$0x1C300] =	vst v63  }
0x9b: {  	_ =	swait.ge [sflag:s31], $0x80  }
0x9c: {  	[sflag:s31] =	ssyncset.done $0x0  }
0x9d: {  	[sflag:s31] =	ssyncadd.s32 $0xFFFFFF80  }
0x9e: {  	_ =	swait.ge [sflag:s31], $0x80  }
0x9f: {  	[sflag:s31] =	ssyncset.done $0x0  }
0xa0: {  	[sflag:s31] =	ssyncadd.s32 $0xFFFFFF80  }
0xa1: {  	[tilespmem:s0], [sflag:$0x4] =	stream.indirect.gather [hbm4b:s1+s28], $0x80, s28, s28, $0xb8;
	[tilespmem:$0x1C300] =	vst v63  }
0xa2: {  	_ =	swait.ge [sflag:s3], $0x4000  }
0xa3: {  	[sflag:s3] =	ssyncset.done $0x0  }
0xa4: {  	[sflag:s3] =	ssyncadd.s32 $0xFFFFC000  }
0xa5: {  	[spmem:s2] =	stream.indirect.scatter.add.f32 [tilespmem:s29], [sflag:$0x5], $0x80, s25, s28, $0xb8;
	[tilespmem:$0x1C300] =	vst v63  }
0xa6: {  	_ =	swait.ge [sflag:s6], $0x4000  }
0xa7: {  	[sflag:s6] =	ssyncset.done $0x0  }
0xa8: {  	[sflag:s6] =	ssyncadd.s32 $0xFFFFC000  }
0xa9: {  	[spmem:s2] =	stream.indirect.scatter.add.f32 [tilespmem:s0], [sflag:$0x6], $0x80, s30, s28, $0xb8;
	[tilespmem:$0x1C300] =	vst v63  }
0xaa: {  	_ =	swait.ge [sflag:s5], $0x4000  }
0xab: {  	[sflag:s5] =	ssyncset.done $0x0  }
0xac: {  	[sflag:s5] =	ssyncadd.s32 $0xFFFFC000  }
0xad: {  	_ =	swait.ge [sflag:s8], $0x4000  }
0xae: {  	[sflag:s8] =	ssyncset.done $0x0  }
0xaf: {  	s14 =	rddreg [dreg:$0x8];
	[sflag:s8] =	ssyncadd.s32 $0xFFFFC000  }
0xb0: {  	[tilespmem:s9], [sflag:$0x7] =	stream.linear.gather [hbm4b:s14+s4], $0x10, $0x38;
	[tilespmem:$0x1C300] =	vst v63  }
0xb1: {  	_ =	swait.ge [sflag:s24], $0x10  }
0xb2: {  	[sflag:s24] =	ssyncset.done $0x0  }
0xb3: {  	s16 =	rddreg [dreg:$0x9];
	[sflag:s24] =	ssyncadd.s32 $0xFFFFFFF0  }
0xb4: {  	[tilespmem:s10], [sflag:$0x7] =	stream.linear.gather [hbm4b:s16+s4], $0x10, $0x38;
	[tilespmem:$0x1C300] =	vst v63  }
0xb5: {  	_ =	swait.ge [sflag:s24], $0x10  }
0xb6: {  	[sflag:s24] =	ssyncset.done $0x0  }
0xb7: {  	[sflag:s24] =	ssyncadd.s32 $0xFFFFFFF0  }
0xb8: {  	[tilespmem:s29], [sflag:$0x7] =	stream.indirect.gather [hbm4b:s1+s11], $0x80, s9, s11, $0xb8;
	[tilespmem:$0x1C300] =	vst v63  }
0xb9: {  	_ =	swait.ge [sflag:s24], $0x800  }
0xba: {  	[sflag:s24] =	ssyncset.done $0x0  }
0xbb: {  	[sflag:s24] =	ssyncadd.s32 $0xFFFFF800  }
0xbc: {  	[spmem:s2] =	stream.indirect.scatter.add.f32 [tilespmem:s29], [sflag:$0x7], $0x80, s10, s11, $0xb8;
	[tilespmem:$0x1C300] =	vst v63  }
0xbd: {  	_ =	swait.ge [sflag:s24], $0x800  }
0xbe: {  	[sflag:s24] =	ssyncset.done $0x0  }
0xbf: {  	[sflag:s24] =	ssyncadd.s32 $0xFFFFF800  }
0xc0: {  	[bflag:$0x0] =	sbarrier.arrive $0xFFFF  }
0xc1: {  	s15 =	rddreg [dreg:$0xa]  }
0xc2: {  	[hbm:s15], [sflag:s7] =	dma.local [spmem:s13], $0x2800  }
0xc3: {  	_ =	swait.ge [sflag:s24], $0x2800  }
0xc4: {  	s12 =	sadd.s32 $0x1, s12;
	s16 =	rddreg [dreg:$0xb]  }
0xc5: {  	p0 =	sne.s32 s12, s16  }
.Ltmp1:
0xc6: {  	_ = 	snop;
	(pc) =	sbr.rel @p0 .LBB2_1-.Ltmp1, $3  }
0xc7: {  	_ =	sdelay $0x1  }
0xc8: {  	[sflag:s24] =	ssyncset.done $0x0  }
0xc9: {  	[sflag:s24] =	ssyncadd.s32 $0xFFFFD800  }
0xca: {  	_ =	sfence.sel $0x180000  }
0xcb: {  	[bflag:$0x0] =	sbarrier.arrive $0xFFFF  }
0xcc: {  	_ =	strace $0x9000004D  }
0xcd: {  	s0 =	stileid.u32;
	[bflag:$0x2] =	sbarrier.arrive $0xFFFF  }
0xce: {  	p0 =	sne.s32 s0, $0x0;
	s0 =	rddreg [dreg:$0x3]  }
0xcf: {  	s0 =	sadd.s32 @!p0 $0x100000, s0  }
0xd0: {  	[sflag:s0] =	ssyncadd.tile.s32 @!p0 $0x1;
	_ =	shalt  }
.Lfunc_end2:
_tile_overlayer_lowered:
.L_overlay_start_2:
0xd1: {  	(tag) =	ssettag $0x2  }
0xd2: {  	s0 =	rddreg [dreg:$0x0];
	s2 =	stileid.u32  }
0xd3: {  	s1 =	rddreg [dreg:$0x1];
	p0 =	sne.s32 s2, $0x0  }
0xd4: {  	s3 =	rddreg [dreg:$0x2];
	[bflag:$0x3] =	sbarrier.arrive $0xFFFF;
	s2 =	simm.s32 @!p0 $0x1C07  }
0xd5: {  	[timem:s3], [sflag:s2] =	dma.local @!p0 [hbm:s0], s1  }
0xd6: {  	s0 =	simm.s32 @!p0 $0x7  }
0xd7: {  	_ =	swait.ge @!p0 [sflag:s0], s1  }
0xd8: {  	s1 =	ssub.s32 @!p0 $0x0, s1;
	[sflag:s0] =	ssyncset.done @!p0 $0x0  }
0xd9: {  	[sflag:s0] =	ssyncadd.s32 @!p0 s1  }
0xda: {  	[bflag:$0x3] =	sbarrier.arrive $0xFFFF  }
0xdb: {  	_ =	shalt  }

// kernel: kernel.30.cloned.1.call-start
scs
__scs_entry_jumppad:
0x0: {  	(pc) =	sbr.rel $0x88, $3  }
0x1: {  	(tag) =	ssettag $0x0;
	lr =	simm.s32 $0x1  }
0x2: {  	[smem:$0x3F98] =	sst lr;
	_ =	strace $0xD0000000  }
0x3: {  	_ = 	snop  }
0x4: {  	_ = 	snop  }
0x5: {  	_ = 	snop  }
0x6: {  	_ = 	snop  }
0x7: {  	_ = 	snop  }
__scs_overlays_trampoline_lowered:
0x8: {  	[smem:$0x3FA7] =	sst s0  }
0x9: {  	[smem:$0x3FA8] =	sst s1  }
0xa: {  	[smem:$0x3FA9] =	sst s2  }
0xb: {  	[smem:$0x3FAA] =	sst s3  }
0xc: {  	[smem:$0x3FAB] =	sst s4  }
0xd: {  	[smem:$0x3FAC] =	sst s5  }
0xe: {  	[smem:$0x3FAD] =	sst s6  }
0xf: {  	[smem:$0x3FAE] =	sst s7  }
0x10: {  	[smem:$0x3FAF] =	sst s8  }
0x11: {  	[smem:$0x3FB0] =	sst s9;
	s0 =	simm.s32 @!p0 $0x0  }
0x12: {  	s1 =	sld [smem:$0x3F96];
	s0 =	simm.s32 @p0 $0x1  }
0x13: {  	[smem:$0x3FB1] =	sst s0;
	s0 =	simm.s32 @!p1 $0x0  }
0x14: {  	s2 =	sld [smem:$0x3F95];
	s0 =	simm.s32 @p1 $0x1  }
0x15: {  	[smem:$0x3FB2] =	sst s0;
	s0 =	simm.s32 @!p2 $0x0  }
0x16: {  	s3 =	sld [smem:$0x3FDB];
	s0 =	simm.s32 @p2 $0x1  }
0x17: {  	s4 =	simm.s32 $0x1BF5;
	[smem:$0x3FB4] =	sst s0  }
0x18: {  	s0 =	sld [smem:$0x3F97];
	_ =	swait.ge [sflag:s4], $0x0  }
0x19: {  	s7 =	sld [smem:$0x3F98]  }
0x1a: {  	s8 =	sadd.s32 $0xFFFFE003, lr  }
0x1b: {  	s9 =	sadd.s32 $0xFFFFFEF7, lr;
	s5 =	simm.s32 $0xFFFFFFFF;
	p2 =	slt.u32 s8, $0xFFFFF086  }
0x1c: {  	p1 =	slt.u32 s9, $0xF7A;
	s5 =	simm.s32 @!p2 $0x0  }
0x1d: {  	s5 =	simm.s32 @p1 $0x1;
	p0 =	seq.s32 s7, s2  }
0x1e: {  	s7 =	smul.u32 @!p0 $0xF7A, s2;
	p2 =	seq.s32 @!p0 s5, $0x0  }
0x1f: {  	s9 =	smul.u32 $0xF7A, s1;
	s8 =	simm.s32 @!p0 $0x1BF5;
	p2 =	por !p2, p0  }
0x20: {  	[sflag:s8] =	ssyncset.s32 @!p0 $0xFFFFF086;
	s6 =	sadd.s32 @!p0 s3, s7;
	s7 =	simm.s32 @!p0 $0x108  }
0x21: {  	s3 =	sadd.s32 s3, s9;
	s6 =	sadd.s32 @!p0 $0x88, s6;
	s7 =	simm.s32 @p2 $0x1082  }
0x22: {  	[simem:s7], [sflag:s8] =	dma.local @!p0 [hbm:s6], $0xF7A  }
0x23: {  	s9 =	sor.u32 $0xD0000000, s2;
	s6 =	simm.s32 $0x108;
	_ =	swait.ge @!p0 [sflag:s8], $0x0  }
0x24: {  	s3 =	sadd.s32 $0x88, s3;
	s6 =	simm.s32 @!p1 $0x1082;
	[sflag:s4] =	ssyncset.s32 $0xFFFFF086  }
0x25: {  	[simem:s6], [sflag:s4] =	dma.local [hbm:s3], $0xF7A  }
0x26: {  	[smem:$0x3F98] =	sst s1;
	(tag) =	ssettag s2;
	_ =	strace s9  }
0x27: {  	s1 =	sld [smem:$0x3FA8]  }
0x28: {  	s2 =	sld [smem:$0x3FA9]  }
0x29: {  	s4 =	sld [smem:$0x3FAB]  }
0x2a: {  	p0 =	seq.s32 s5, $0x0;
	s5 =	sld [smem:$0x3FAC]  }
0x2b: {  	s6 =	sld [smem:$0x3FAD]  }
0x2c: {  	s7 =	sld [smem:$0x3FAE]  }
0x2d: {  	s3 =	simm.s32 $0x108;
	s8 =	sld [smem:$0x3FAF]  }
0x2e: {  	s3 =	simm.s32 @!p0 $0x1082;
	s9 =	sld [smem:$0x3FB0]  }
0x2f: {  	lr =	sadd.s32 s0, s3;
	s0 =	sld [smem:$0x3FA7]  }
0x30: {  	s3 =	sld [smem:$0x3FAA]  }
0x31: {  	[smem:$0x3FB3] =	sst s10  }
0x32: {  	s10 =	sld [smem:$0x3FB1];
	_ =	sdelay $0x3  }
0x33: {  	p0 =	seq.s32 s10, $0x1;
	s10 =	sld [smem:$0x3FB3];
	_ =	sdelay $0x3  }
0x34: {  	[smem:$0x3FB3] =	sst s10  }
0x35: {  	s10 =	sld [smem:$0x3FB2];
	_ =	sdelay $0x3  }
0x36: {  	p1 =	seq.s32 s10, $0x1;
	s10 =	sld [smem:$0x3FB3];
	_ =	sdelay $0x3  }
0x37: {  	[smem:$0x3FB3] =	sst s10  }
0x38: {  	s10 =	sld [smem:$0x3FB4]  }
0x39: {  	_ = 	snop;
	(pc) =	sbr.ind lr, $3  }
0x3a: {  	_ = 	snop  }
0x3b: {  	_ = 	snop  }
0x3c: {  	p2 =	seq.s32 s10, $0x1;
	s10 =	sld [smem:$0x3FB3]  }
0x3d: {  	_ =	shalt  }
0x3e: {  	_ =	shalt  }
0x3f: {  	_ =	shalt  }
0x40: {  	_ =	shalt  }
0x41: {  	_ =	shalt  }
0x42: {  	_ =	shalt  }
0x43: {  	_ =	shalt  }
0x44: {  	_ =	shalt  }
0x45: {  	_ =	shalt  }
0x46: {  	_ =	shalt  }
0x47: {  	_ =	shalt  }
0x48: {  	_ =	shalt  }
0x49: {  	_ =	shalt  }
0x4a: {  	_ =	shalt  }
0x4b: {  	_ =	shalt  }
0x4c: {  	_ =	shalt  }
0x4d: {  	_ =	shalt  }
0x4e: {  	_ =	shalt  }
0x4f: {  	_ =	shalt  }
0x50: {  	_ =	shalt  }
0x51: {  	_ =	shalt  }
0x52: {  	_ =	shalt  }
0x53: {  	_ =	shalt  }
0x54: {  	_ =	shalt  }
0x55: {  	_ =	shalt  }
0x56: {  	_ =	shalt  }
0x57: {  	_ =	shalt  }
0x58: {  	_ =	shalt  }
0x59: {  	_ =	shalt  }
0x5a: {  	_ =	shalt  }
0x5b: {  	_ =	shalt  }
0x5c: {  	_ =	shalt  }
0x5d: {  	_ =	shalt  }
0x5e: {  	_ =	shalt  }
0x5f: {  	_ =	shalt  }
0x60: {  	_ =	shalt  }
0x61: {  	_ =	shalt  }
0x62: {  	_ =	shalt  }
0x63: {  	_ =	shalt  }
0x64: {  	_ =	shalt  }
0x65: {  	_ =	shalt  }
0x66: {  	_ =	shalt  }
0x67: {  	_ =	shalt  }
0x68: {  	_ =	shalt  }
0x69: {  	_ =	shalt  }
0x6a: {  	_ =	shalt  }
0x6b: {  	_ =	shalt  }
0x6c: {  	_ =	shalt  }
0x6d: {  	_ =	shalt  }
0x6e: {  	_ =	shalt  }
0x6f: {  	_ =	shalt  }
0x70: {  	_ =	shalt  }
0x71: {  	_ =	shalt  }
0x72: {  	_ =	shalt  }
0x73: {  	_ =	shalt  }
0x74: {  	_ =	shalt  }
0x75: {  	_ =	shalt  }
0x76: {  	_ =	shalt  }
0x77: {  	_ =	shalt  }
0x78: {  	_ =	shalt  }
0x79: {  	_ =	shalt  }
0x7a: {  	_ =	shalt  }
0x7b: {  	_ =	shalt  }
0x7c: {  	_ =	shalt  }
0x7d: {  	_ =	shalt  }
0x7e: {  	_ =	shalt  }
0x7f: {  	_ =	shalt  }
0x80: {  	_ =	shalt  }
0x81: {  	_ =	shalt  }
0x82: {  	_ =	shalt  }
0x83: {  	_ =	shalt  }
0x84: {  	_ =	shalt  }
0x85: {  	_ =	shalt  }
0x86: {  	_ =	shalt  }
0x87: {  	_ =	shalt  }
.Lfunc_end0:
.L_simem_size_0:
called_computation.3_lowered:
.L_overlay_start_0:
0x88: {  	s2 =	sld [smem:$0x3FD9]  }
0x89: {  	s3 =	sld [smem:$0x3FFE];
	_ =	sdelay $0x1  }
0x8a: {  	s1 =	srdreg.scid  }
0x8b: {  	s0 =	sand.u32 $0x1, s1  }
0x8c: {  	s17 =	sshll.u32 s0, $0xA;
	s2 =	sadd.s32 s3, s2  }
0x8d: {  	s2 =	sadd.s32 s2, s17  }
0x8e: {  	[smem:$0x3FBF] =	sst s2  }
0x8f: {  	_ = 	snop  }
0x90: {  	s2 =	sld [smem:$0x3FD0];
	(tm) =	ssettm $0x1  }
0x91: {  	s18 =	sld [smem:$0x3FFB];
	_ =	sdelay $0x3  }
0x92: {  	_ =	strace s18  }
0x93: {  	s3 =	sld [smem:$0x3FFC];
	_ =	sdelay $0x3  }
0x94: {  	_ =	strace s3  }
0x95: {  	s3 =	sld [smem:$0x3FFD];
	_ =	sdelay $0x3  }
0x96: {  	_ =	strace s3  }
0x97: {  	_ =	strace $0x8FFFFFFF  }
0x98: {  	s19 =	sld [smem:$0x3FDB];
	_ =	sdelay $0x1  }
0x99: {  	s4 =	simm.s32 $_scs_section_size  }
0x9a: {  	s5 =	simm.s32 $_size__tile_overlayer_lowered;
	s6 =	simm.s32 $_tile_overlayer_lowered  }
0x9b: {  	s22 =	simm.s32 $0x1BFF;
	s21 =	sshll.u32 s6, $0x1;
	s3 =	sadd.s32 s4, s19  }
0x9c: {  	s7 =	simm.s32 $0x0;
	s20 =	sshll.u32 s5, $0x1;
	s5 =	sadd.s32 s21, s3  }
0x9d: {  	[timem:s7], [sflag:s22] =	dma.local [hbm:s5], s20  }
0x9e: {  	_ =	swait.ge [sflag:s22], s20  }
0x9f: {  	s4 =	ssub.s32 $0x0, s20;
	[sflag:s22] =	ssyncset.done $0x0  }
0xa0: {  	[sflag:s22] =	ssyncadd.s32 s4;
	_ =	sdelay $0x1  }
0xa1: {  	s23 =	simm.s32 $0x1B8B  }
0xa2: {  	_ =	swait.ge [sflag:s23], $0x1  }
0xa3: {  	[sflag:s23] =	ssyncset.done $0x0  }
0xa4: {  	s25 =	simm.s32 $0x1B8E;
	s24 =	sld [smem:$0x3FFE];
	[sflag:s23] =	ssyncadd.s32 $0xFFFFFFFF  }
0xa5: {  	s26 =	simm.s32 $execute0_lowered;
	[smem:$0x3FD2] =	sst s25  }
0xa6: {  	s5 =	sshll.u32 s26, $0x1;
	_ =	strace $0x8000004F;
	[dreg:$0x1] =	wrdreg $0xFFFFFFFF  }
0xa7: {  	s28 =	simm.s32 $_size_execute0_lowered;
	s3 =	sadd.s32 s3, s5;
	[dreg:$0x0] =	wrdreg $0x0  }
0xa8: {  	s5 =	sshll.u32 s28, $0x1;
	[dreg:$0x2] =	wrdreg s3  }
0xa9: {  	[dreg:$0x3] =	wrdreg s5  }
0xaa: {  	[dreg:$0x4] =	wrdreg $0xC0  }
0xab: {  	_ =	task [dreg:s7], $0x5FFFF  }
0xac: {  	[dreg:$0x1] =	wrdreg $0xFFFFFFFF  }
0xad: {  	[dreg:$0x0] =	wrdreg $0x60  }
0xae: {  	[dreg:$0x2] =	wrdreg s2  }
0xaf: {  	[dreg:$0x3] =	wrdreg s24  }
0xb0: {  	[dreg:$0x4] =	wrdreg $0x83000  }
0xb1: {  	[dreg:$0x5] =	wrdreg $0x9  }
0xb2: {  	_ =	task.clear_ibuf [dreg:s7], $0x6FFFF;
	_ =	strace $0x9000004F  }
0xb3: {  	s29 =	simm.s32 $0x9;
	_ =	strace $0x80000051  }
0xb4: {  	_ =	swait.ge [sflag:s29], $0x1  }
0xb5: {  	[sflag:s29] =	ssyncadd.s32 $0xFFFFFFFF  }
0xb6: {  	_ =	strace $0x90000051  }
0xb7: {  	_ =	sfence  }
0xb8: {  	s30 =	sld [smem:$0x0];
	_ =	sdelay $0x2  }
0xb9: {  	s31 =	sshll.u32 s1, $0xD;
	s1 =	sshrl.u32 s1, $0x2  }
0xba: {  	s3 =	sand.u32 $0x4000, s31;
	s1 =	sadd.s32 s1, s30  }
0xbb: {  	s0 =	sor.u32 s3, s0;
	s1 =	sshll.u32 s1, $0x11  }
0xbc: {  	s0 =	sor.u32 s1, s0  }
0xbd: {  	s0 =	sadd.s32 $0x8F2B, s0  }
0xbe: {  	[sflag:s0] =	ssyncadd.remote.s32 $0x1  }
0xbf: {  	_ =	sfence.sel $0xFFFF  }
0xc0: {  	[dreg:$0x0] =	wrdreg $0xFFFFFFFF;
	(pc) =	sbr.abs _section_cstart, $3  }
0xc1: {  	[dreg:$0x1] =	wrdreg $0xFFFFFFFF  }
0xc2: {  	_ =	task.clear_ibuf [dreg:s7], $0x2FFFF;
	_ =	strace $0x9FFFFFFF  }
0xc3: {  	(tm) =	ssettm $0x7FFFFFFF  }
tec
execute0_lowered:
.L_overlay_start_1:
0x0: {  	(tag) =	ssettag $0x1  }
0x1: {  	s1 =	rddreg [dreg:$0x0]  }
0x2: {  	s0 =	rddreg [dreg:$0x1]  }
0x3: {  	s2 =	rddreg [dreg:$0x2];
	s4 =	simm.s32 $0x0;
	s3 =	srdreg.scid  }
0x4: {  	s12 =	stileid.u32;
	s28 =	simm.s32 $0x80;
	s29 =	simm.s32 $0x200  }
0x5: {  	s30 =	simm.s32 $0x180;
	s31 =	simm.s32 $0x2;
	[smem:$0x7FF] =	sst s4  }
0x6: {  	s3 =	sand.u32 $0x1, s3;
	s6 =	smul.u32 $0x14000, s12;
	s7 =	sshll.u32 s12, $0x1  }
0x7: {  	s8 =	sadd.s32 $0x7C00, s0;
	s9 =	sadd.s32 $0x11A00, s0;
	s11 =	smul.u32 $0x50000, s12  }
0x8: {  	s13 =	sadd.s32 $0x45200, s0;
	s15 =	sshll.u32 s12, $0x6;
	s21 =	smul.u32 $0x4E20, s12  }
0x9: {  	s12 =	simm.s32 $0x0;
	s5 =	smul.u32 $0x140000, s3;
	_ =	strace $0x80000050  }
0xa: {  	s7 =	sor.u32 s3, s7;
	s26 =	ssub.s32 $0x2, s3;
	s3 =	smul.u32 $0x2710, s3  }
0xb: {  	[dreg:$0x4] =	wrdreg s13;
	s7 =	smul.u32 $0x2710, s7;
	s10 =	sshrl.u32 s26, $0x1  }
0xc: {  	s14 =	sshrl.u32 s11, $0x2;
	s11 =	simm.s32 $0x10;
	s5 =	sadd.s32 s6, s5  }
0xd: {  	s13 =	ssub.s32 s26, s10;
	s6 =	sadd.s32 s14, s2;
	s10 =	simm.s32 $0x8280  }
0xe: {  	s5 =	sshrl.u32 s5, $0x3;
	s16 =	sshrl.u32 s7, $0x3;
	[dreg:$0x5] =	wrdreg s6  }
0xf: {  	s7 =	sor.u32 $0x1C07, s15;
	s0 =	sadd.s32 s5, s0;
	s18 =	sadd.s32 s8, s16  }
0x10: {  	s17 =	sadd.s32 $0x4E0, s16;
	s19 =	sadd.s32 s9, s16;
	[dreg:$0x6] =	wrdreg s18  }
0x11: {  	s5 =	smax.u32 s13, $0x1;
	s22 =	sadd.s32 $0x10, s16;
	[dreg:$0x7] =	wrdreg s19  }
0x12: {  	s24 =	sadd.s32 $0x20, s16;
	s20 =	sadd.s32 s8, s17;
	[dreg:$0xb] =	wrdreg s5  }
0x13: {  	s26 =	sadd.s32 $0x4D0, s16;
	s6 =	sadd.s32 s9, s17;
	[dreg:$0x8] =	wrdreg s20  }
0x14: {  	s0 =	sadd.s32 $0x47A00, s0;
	s23 =	sadd.s32 s8, s22;
	[dreg:$0x9] =	wrdreg s6  }
0x15: {  	s5 =	sadd.s32 s9, s22;
	s25 =	sadd.s32 s8, s24;
	[dreg:$0xa] =	wrdreg s0  }
0x16: {  	s17 =	sadd.s32 s9, s24;
	s18 =	sadd.s32 s8, s26;
	[dreg:$0xc] =	wrdreg s23  }
0x17: {  	s19 =	sadd.s32 s9, s26;
	s24 =	simm.s32 $0x7;
	[dreg:$0xd] =	wrdreg s5  }
0x18: {  	s26 =	simm.s32 $0x1;
	[dreg:$0xe] =	wrdreg s25;
	s0 =	sadd.s32 s3, s21  }
0x19: {  	s25 =	simm.s32 $0x100;
	s5 =	simm.s32 $0x5;
	s3 =	sadd.s32 $0x200, s0  }
0x1a: {  	s6 =	simm.s32 $0x4;
	s0 =	sadd.s32 $0x180, s0;
	s3 =	sshrl.u32 s3, $0x3  }
0x1b: {  	s0 =	sshrl.u32 s0, $0x3;
	s20 =	sadd.s32 s3, s9;
	s21 =	sadd.s32 s3, s8  }
0x1c: {  	s22 =	sadd.s32 s0, s9;
	s23 =	sadd.s32 s0, s8;
	s0 =	simm.s32 $0x4200  }
0x1d: {  	s3 =	simm.s32 $0x3;
	s8 =	simm.s32 $0x6;
	s9 =	simm.s32 $0x8200  }
.LBB2_1:
0x1e: {  	s13 =	rddreg [dreg:$0x5]  }
0x1f: {  	s14 =	rddreg [dreg:$0x4];
	s13 =	sshrl.u32 s13, $0x3  }
0x20: {  	[spmem:s13], [sflag:s7] =	dma.local [hbm:s14], $0x2800  }
0x21: {  	_ =	swait.ge [sflag:s24], $0x2800  }
0x22: {  	[sflag:s24] =	ssyncset.done $0x0  }
0x23: {  	[sflag:s24] =	ssyncadd.s32 $0xFFFFD800  }
0x24: {  	[bflag:$0x0] =	sbarrier.arrive $0xFFFF  }
0x25: {  	s16 =	rddreg [dreg:$0x6]  }
0x26: {  	[tilespmem:s4], [sflag:$0x1] =	stream.linear.gather [hbm4b:s16+s4], $0x80, $0x38;
	[tilespmem:$0x1C300] =	vst v63  }
0x27: {  	s15 =	rddreg [dreg:$0x7]  }
0x28: {  	[tilespmem:s25], [sflag:$0x1] =	stream.linear.gather [hbm4b:s15+s4], $0x80, $0x38;
	[tilespmem:$0x1C300] =	vst v63  }
0x29: {  	_ =	swait.ge [sflag:s26], $0x80  }
0x2a: {  	[sflag:s26] =	ssyncset.done $0x0  }
0x2b: {  	[sflag:s26] =	ssyncadd.s32 $0xFFFFFF80  }
0x2c: {  	_ =	swait.ge [sflag:s26], $0x80  }
0x2d: {  	[sflag:s26] =	ssyncset.done $0x0  }
0x2e: {  	[sflag:s26] =	ssyncadd.s32 $0xFFFFFF80  }
0x2f: {  	[tilespmem:s29], [sflag:$0x3] =	stream.indirect.gather [hbm4b:s1+s28], $0x80, s4, s28, $0xb8;
	[tilespmem:$0x1C300] =	vst v63  }
0x30: {  	s16 =	rddreg [dreg:$0xc]  }
0x31: {  	[tilespmem:s28], [sflag:$0x2] =	stream.linear.gather [hbm4b:s16+s4], $0x80, $0x38;
	[tilespmem:$0x1C300] =	vst v63  }
0x32: {  	s15 =	rddreg [dreg:$0xd]  }
0x33: {  	[tilespmem:s30], [sflag:$0x2] =	stream.linear.gather [hbm4b:s15+s4], $0x80, $0x38;
	[tilespmem:$0x1C300] =	vst v63  }
0x34: {  	_ =	swait.ge [sflag:s31], $0x80  }
0x35: {  	[sflag:s31] =	ssyncset.done $0x0  }
0x36: {  	[sflag:s31] =	ssyncadd.s32 $0xFFFFFF80  }
0x37: {  	_ =	swait.ge [sflag:s31], $0x80  }
0x38: {  	[sflag:s31] =	ssyncset.done $0x0  }
0x39: {  	[sflag:s31] =	ssyncadd.s32 $0xFFFFFF80  }
0x3a: {  	[tilespmem:s0], [sflag:$0x4] =	stream.indirect.gather [hbm4b:s1+s28], $0x80, s28, s28, $0xb8;
	[tilespmem:$0x1C300] =	vst v63  }
0x3b: {  	_ =	swait.ge [sflag:s3], $0x4000  }
0x3c: {  	[sflag:s3] =	ssyncset.done $0x0  }
0x3d: {  	[sflag:s3] =	ssyncadd.s32 $0xFFFFC000  }
0x3e: {  	[spmem:s2] =	stream.indirect.scatter.add.f32 [tilespmem:s29], [sflag:$0x5], $0x80, s25, s28, $0xb8;
	[tilespmem:$0x1C300] =	vst v63  }
0x3f: {  	_ =	swait.ge [sflag:s5], $0x4000  }
0x40: {  	[sflag:s5] =	ssyncset.done $0x0  }
0x41: {  	s16 =	rddreg [dreg:$0xe];
	[sflag:s5] =	ssyncadd.s32 $0xFFFFC000  }
0x42: {  	[tilespmem:s4], [sflag:$0x1] =	stream.linear.gather [hbm4b:s16+s4], $0x80, $0x38;
	[tilespmem:$0x1C300] =	vst v63  }
0x43: {  	_ = 	snop  }
0x44: {  	[tilespmem:s25], [sflag:$0x1] =	stream.linear.gather [hbm4b:s17+s4], $0x80, $0x38;
	[tilespmem:$0x1C300] =	vst v63  }
0x45: {  	_ =	swait.ge [sflag:s26], $0x80  }
0x46: {  	[sflag:s26] =	ssyncset.done $0x0  }
0x47: {  	[sflag:s26] =	ssyncadd.s32 $0xFFFFFF80  }
0x48: {  	_ =	swait.ge [sflag:s26], $0x80  }
0x49: {  	[sflag:s26] =	ssyncset.done $0x0  }
0x4a: {  	[sflag:s26] =	ssyncadd.s32 $0xFFFFFF80  }
0x4b: {  	[tilespmem:s29], [sflag:$0x3] =	stream.indirect.gather [hbm4b:s1+s28], $0x80, s4, s28, $0xb8;
	[tilespmem:$0x1C300] =	vst v63  }
0x4c: {  	_ =	swait.ge [sflag:s6], $0x4000  }
0x4d: {  	[sflag:s6] =	ssyncset.done $0x0  }
0x4e: {  	[sflag:s6] =	ssyncadd.s32 $0xFFFFC000  }
0x4f: {  	[spmem:s2] =	stream.indirect.scatter.add.f32 [tilespmem:s0], [sflag:$0x6], $0x80, s30, s28, $0xb8;
	[tilespmem:$0x1C300] =	vst v63  }
0x50: {  	_ =	swait.ge [sflag:s8], $0x4000  }
0x51: {  	[sflag:s8] =	ssyncset.done $0x0  }
0x52: {  	s15 =	sadd.s32 $0x0, s23;
	[sflag:s8] =	ssyncadd.s32 $0xFFFFC000  }
0x53: {  	[tilespmem:s28], [sflag:$0x2] =	stream.linear.gather [hbm4b:s15+s4], $0x80, $0x38;
	[tilespmem:$0x1C300] =	vst v63  }
0x54: {  	s16 =	sadd.s32 $0x0, s22  }
0x55: {  	[tilespmem:s30], [sflag:$0x2] =	stream.linear.gather [hbm4b:s16+s4], $0x80, $0x38;
	[tilespmem:$0x1C300] =	vst v63  }
0x56: {  	_ =	swait.ge [sflag:s31], $0x80  }
0x57: {  	[sflag:s31] =	ssyncset.done $0x0  }
0x58: {  	[sflag:s31] =	ssyncadd.s32 $0xFFFFFF80  }
0x59: {  	_ =	swait.ge [sflag:s31], $0x80  }
0x5a: {  	[sflag:s31] =	ssyncset.done $0x0  }
0x5b: {  	[sflag:s31] =	ssyncadd.s32 $0xFFFFFF80  }
0x5c: {  	[tilespmem:s0], [sflag:$0x4] =	stream.indirect.gather [hbm4b:s1+s28], $0x80, s28, s28, $0xb8;
	[tilespmem:$0x1C300] =	vst v63  }
0x5d: {  	_ =	swait.ge [sflag:s3], $0x4000  }
0x5e: {  	[sflag:s3] =	ssyncset.done $0x0  }
0x5f: {  	[sflag:s3] =	ssyncadd.s32 $0xFFFFC000  }
0x60: {  	[spmem:s2] =	stream.indirect.scatter.add.f32 [tilespmem:s29], [sflag:$0x5], $0x80, s25, s28, $0xb8;
	[tilespmem:$0x1C300] =	vst v63  }
0x61: {  	_ =	swait.ge [sflag:s5], $0x4000  }
0x62: {  	[sflag:s5] =	ssyncset.done $0x0  }
0x63: {  	s15 =	sadd.s32 $0x0, s21;
	[sflag:s5] =	ssyncadd.s32 $0xFFFFC000  }
0x64: {  	[tilespmem:s4], [sflag:$0x1] =	stream.linear.gather [hbm4b:s15+s4], $0x80, $0x38;
	[tilespmem:$0x1C300] =	vst v63  }
0x65: {  	s16 =	sadd.s32 $0x0, s20  }
0x66: {  	[tilespmem:s25], [sflag:$0x1] =	stream.linear.gather [hbm4b:s16+s4], $0x80, $0x38;
	[tilespmem:$0x1C300] =	vst v63  }
0x67: {  	_ =	swait.ge [sflag:s26], $0x80  }
0x68: {  	[sflag:s26] =	ssyncset.done $0x0  }
0x69: {  	[sflag:s26] =	ssyncadd.s32 $0xFFFFFF80  }
0x6a: {  	_ =	swait.ge [sflag:s26], $0x80  }
0x6b: {  	[sflag:s26] =	ssyncset.done $0x0  }
0x6c: {  	[sflag:s26] =	ssyncadd.s32 $0xFFFFFF80  }
0x6d: {  	[tilespmem:s29], [sflag:$0x3] =	stream.indirect.gather [hbm4b:s1+s28], $0x80, s4, s28, $0xb8;
	[tilespmem:$0x1C300] =	vst v63  }
0x6e: {  	_ =	swait.ge [sflag:s6], $0x4000  }
0x6f: {  	[sflag:s6] =	ssyncset.done $0x0  }
0x70: {  	s14 =	simm.s32 $0x20;
	[sflag:s6] =	ssyncadd.s32 $0xFFFFC000  }
.LBB2_2:
0x71: {  	[spmem:s2] =	stream.indirect.scatter.add.f32 [tilespmem:s0], [sflag:$0x6], $0x80, s30, s28, $0xb8;
	[tilespmem:$0x1C300] =	vst v63  }
0x72: {  	s15 =	smov.u32 s14  }
0x73: {  	p0 =	sne.s32 s14, $0x480;
	s14 =	sadd.s32 $0x20, s14;
	_ =	swait.ge [sflag:s8], $0x4000  }
0x74: {  	[sflag:s8] =	ssyncset.done $0x0  }
0x75: {  	s16 =	sadd.s32 s15, s23;
	[sflag:s8] =	ssyncadd.s32 $0xFFFFC000  }
0x76: {  	[tilespmem:s28], [sflag:$0x2] =	stream.linear.gather [hbm4b:s16+s4], $0x80, $0x38;
	[tilespmem:$0x1C300] =	vst v63  }
0x77: {  	s16 =	sadd.s32 s15, s22  }
0x78: {  	[tilespmem:s30], [sflag:$0x2] =	stream.linear.gather [hbm4b:s16+s4], $0x80, $0x38;
	[tilespmem:$0x1C300] =	vst v63  }
0x79: {  	_ =	swait.ge [sflag:s31], $0x80  }
0x7a: {  	[sflag:s31] =	ssyncset.done $0x0  }
0x7b: {  	[sflag:s31] =	ssyncadd.s32 $0xFFFFFF80  }
0x7c: {  	_ =	swait.ge [sflag:s31], $0x80  }
0x7d: {  	[sflag:s31] =	ssyncset.done $0x0  }
0x7e: {  	[sflag:s31] =	ssyncadd.s32 $0xFFFFFF80  }
0x7f: {  	[tilespmem:s0], [sflag:$0x4] =	stream.indirect.gather [hbm4b:s1+s28], $0x80, s28, s28, $0xb8;
	[tilespmem:$0x1C300] =	vst v63  }
0x80: {  	_ =	swait.ge [sflag:s3], $0x4000  }
0x81: {  	[sflag:s3] =	ssyncset.done $0x0  }
0x82: {  	[sflag:s3] =	ssyncadd.s32 $0xFFFFC000  }
0x83: {  	[spmem:s2] =	stream.indirect.scatter.add.f32 [tilespmem:s29], [sflag:$0x5], $0x80, s25, s28, $0xb8;
	[tilespmem:$0x1C300] =	vst v63  }
0x84: {  	_ =	swait.ge [sflag:s5], $0x4000  }
0x85: {  	[sflag:s5] =	ssyncset.done $0x0  }
0x86: {  	s16 =	sadd.s32 s15, s21;
	[sflag:s5] =	ssyncadd.s32 $0xFFFFC000  }
0x87: {  	[tilespmem:s4], [sflag:$0x1] =	stream.linear.gather [hbm4b:s16+s4], $0x80, $0x38;
	[tilespmem:$0x1C300] =	vst v63  }
0x88: {  	s15 =	sadd.s32 s15, s20  }
0x89: {  	[tilespmem:s25], [sflag:$0x1] =	stream.linear.gather [hbm4b:s15+s4], $0x80, $0x38;
	[tilespmem:$0x1C300] =	vst v63  }
0x8a: {  	_ =	swait.ge [sflag:s26], $0x80  }
0x8b: {  	[sflag:s26] =	ssyncset.done $0x0  }
0x8c: {  	[sflag:s26] =	ssyncadd.s32 $0xFFFFFF80  }
0x8d: {  	_ =	swait.ge [sflag:s26], $0x80  }
0x8e: {  	[sflag:s26] =	ssyncset.done $0x0  }
.Ltmp0:
0x8f: {  	[sflag:s26] =	ssyncadd.s32 $0xFFFFFF80;
	(pc) =	sbr.rel @p0 .LBB2_2-.Ltmp0, $4  }
0x90: {  	[tilespmem:s29], [sflag:$0x3] =	stream.indirect.gather [hbm4b:s1+s28], $0x80, s4, s28, $0xb8;
	[tilespmem:$0x1C300] =	vst v63  }
0x91: {  	_ =	swait.ge [sflag:s6], $0x4000  }
0x92: {  	[sflag:s6] =	ssyncset.done $0x0  }
0x93: {  	[sflag:s6] =	ssyncadd.s32 $0xFFFFC000  }
0x94: {  	[spmem:s2] =	stream.indirect.scatter.add.f32 [tilespmem:s0], [sflag:$0x6], $0x80, s30, s28, $0xb8;
	[tilespmem:$0x1C300] =	vst v63  }
0x95: {  	_ =	swait.ge [sflag:s8], $0x4000  }
0x96: {  	[sflag:s8] =	ssyncset.done $0x0  }
0x97: {  	[sflag:s8] =	ssyncadd.s32 $0xFFFFC000  }
0x98: {  	[tilespmem:s28], [sflag:$0x2] =	stream.linear.gather [hbm4b:s18+s4], $0x80, $0x38;
	[tilespmem:$0x1C300] =	vst v63  }
0x99: {  	_ = 	snop  }
0x9a: {  	[tilespmem:s30], [sflag:$0x2] =	stream.linear.gather [hbm4b:s19+s4], $0x80, $0x38;
	[tilespmem:$0x1C300] =	vst v63  }
0x9b: {  	_ =	swait.ge [sflag:s31], $0x80  }
0x9c: {  	[sflag:s31] =	ssyncset.done $0x0  }
0x9d: {  	[sflag:s31] =	ssyncadd.s32 $0xFFFFFF80  }
0x9e: {  	_ =	swait.ge [sflag:s31], $0x80  }
0x9f: {  	[sflag:s31] =	ssyncset.done $0x0  }
0xa0: {  	[sflag:s31] =	ssyncadd.s32 $0xFFFFFF80  }
0xa1: {  	[tilespmem:s0], [sflag:$0x4] =	stream.indirect.gather [hbm4b:s1+s28], $0x80, s28, s28, $0xb8;
	[tilespmem:$0x1C300] =	vst v63  }
0xa2: {  	_ =	swait.ge [sflag:s3], $0x4000  }
0xa3: {  	[sflag:s3] =	ssyncset.done $0x0  }
0xa4: {  	[sflag:s3] =	ssyncadd.s32 $0xFFFFC000  }
0xa5: {  	[spmem:s2] =	stream.indirect.scatter.add.f32 [tilespmem:s29], [sflag:$0x5], $0x80, s25, s28, $0xb8;
	[tilespmem:$0x1C300] =	vst v63  }
0xa6: {  	_ =	swait.ge [sflag:s6], $0x4000  }
0xa7: {  	[sflag:s6] =	ssyncset.done $0x0  }
0xa8: {  	[sflag:s6] =	ssyncadd.s32 $0xFFFFC000  }
0xa9: {  	[spmem:s2] =	stream.indirect.scatter.add.f32 [tilespmem:s0], [sflag:$0x6], $0x80, s30, s28, $0xb8;
	[tilespmem:$0x1C300] =	vst v63  }
0xaa: {  	_ =	swait.ge [sflag:s5], $0x4000  }
0xab: {  	[sflag:s5] =	ssyncset.done $0x0  }
0xac: {  	[sflag:s5] =	ssyncadd.s32 $0xFFFFC000  }
0xad: {  	_ =	swait.ge [sflag:s8], $0x4000  }
0xae: {  	[sflag:s8] =	ssyncset.done $0x0  }
0xaf: {  	s14 =	rddreg [dreg:$0x8];
	[sflag:s8] =	ssyncadd.s32 $0xFFFFC000  }
0xb0: {  	[tilespmem:s9], [sflag:$0x7] =	stream.linear.gather [hbm4b:s14+s4], $0x10, $0x38;
	[tilespmem:$0x1C300] =	vst v63  }
0xb1: {  	_ =	swait.ge [sflag:s24], $0x10  }
0xb2: {  	[sflag:s24] =	ssyncset.done $0x0  }
0xb3: {  	s16 =	rddreg [dreg:$0x9];
	[sflag:s24] =	ssyncadd.s32 $0xFFFFFFF0  }
0xb4: {  	[tilespmem:s10], [sflag:$0x7] =	stream.linear.gather [hbm4b:s16+s4], $0x10, $0x38;
	[tilespmem:$0x1C300] =	vst v63  }
0xb5: {  	_ =	swait.ge [sflag:s24], $0x10  }
0xb6: {  	[sflag:s24] =	ssyncset.done $0x0  }
0xb7: {  	[sflag:s24] =	ssyncadd.s32 $0xFFFFFFF0  }
0xb8: {  	[tilespmem:s29], [sflag:$0x7] =	stream.indirect.gather [hbm4b:s1+s11], $0x80, s9, s11, $0xb8;
	[tilespmem:$0x1C300] =	vst v63  }
0xb9: {  	_ =	swait.ge [sflag:s24], $0x800  }
0xba: {  	[sflag:s24] =	ssyncset.done $0x0  }
0xbb: {  	[sflag:s24] =	ssyncadd.s32 $0xFFFFF800  }
0xbc: {  	[spmem:s2] =	stream.indirect.scatter.add.f32 [tilespmem:s29], [sflag:$0x7], $0x80, s10, s11, $0xb8;
	[tilespmem:$0x1C300] =	vst v63  }
0xbd: {  	_ =	swait.ge [sflag:s24], $0x800  }
0xbe: {  	[sflag:s24] =	ssyncset.done $0x0  }
0xbf: {  	[sflag:s24] =	ssyncadd.s32 $0xFFFFF800  }
0xc0: {  	[bflag:$0x0] =	sbarrier.arrive $0xFFFF  }
0xc1: {  	s15 =	rddreg [dreg:$0xa]  }
0xc2: {  	[hbm:s15], [sflag:s7] =	dma.local [spmem:s13], $0x2800  }
0xc3: {  	_ =	swait.ge [sflag:s24], $0x2800  }
0xc4: {  	s12 =	sadd.s32 $0x1, s12;
	s16 =	rddreg [dreg:$0xb]  }
0xc5: {  	p0 =	sne.s32 s12, s16  }
.Ltmp1:
0xc6: {  	_ = 	snop;
	(pc) =	sbr.rel @p0 .LBB2_1-.Ltmp1, $3  }
0xc7: {  	_ =	sdelay $0x1  }
0xc8: {  	[sflag:s24] =	ssyncset.done $0x0  }
0xc9: {  	[sflag:s24] =	ssyncadd.s32 $0xFFFFD800  }
0xca: {  	_ =	sfence.sel $0x180000  }
0xcb: {  	[bflag:$0x0] =	sbarrier.arrive $0xFFFF  }
0xcc: {  	_ =	strace $0x90000050  }
0xcd: {  	s0 =	stileid.u32;
	[bflag:$0x2] =	sbarrier.arrive $0xFFFF  }
0xce: {  	p0 =	sne.s32 s0, $0x0;
	s0 =	rddreg [dreg:$0x3]  }
0xcf: {  	s0 =	sadd.s32 @!p0 $0x100000, s0  }
0xd0: {  	[sflag:s0] =	ssyncadd.tile.s32 @!p0 $0x1;
	_ =	shalt  }
.Lfunc_end2:
_tile_overlayer_lowered:
.L_overlay_start_2:
0xd1: {  	(tag) =	ssettag $0x2  }
0xd2: {  	s0 =	rddreg [dreg:$0x0];
	s2 =	stileid.u32  }
0xd3: {  	s1 =	rddreg [dreg:$0x1];
	p0 =	sne.s32 s2, $0x0  }
0xd4: {  	s3 =	rddreg [dreg:$0x2];
	[bflag:$0x3] =	sbarrier.arrive $0xFFFF;
	s2 =	simm.s32 @!p0 $0x1C07  }
0xd5: {  	[timem:s3], [sflag:s2] =	dma.local @!p0 [hbm:s0], s1  }
0xd6: {  	s0 =	simm.s32 @!p0 $0x7  }
0xd7: {  	_ =	swait.ge @!p0 [sflag:s0], s1  }
0xd8: {  	s1 =	ssub.s32 @!p0 $0x0, s1;
	[sflag:s0] =	ssyncset.done @!p0 $0x0  }
0xd9: {  	[sflag:s0] =	ssyncadd.s32 @!p0 s1  }
0xda: {  	[bflag:$0x3] =	sbarrier.arrive $0xFFFF  }
0xdb: {  	_ =	shalt  }

// kernel: kernel.33.cloned.1.call-start
scs
__scs_entry_jumppad:
0x0: {  	(pc) =	sbr.rel $0x88, $3  }
0x1: {  	(tag) =	ssettag $0x0;
	lr =	simm.s32 $0x1  }
0x2: {  	[smem:$0x3F98] =	sst lr;
	_ =	strace $0xD0000000  }
0x3: {  	_ = 	snop  }
0x4: {  	_ = 	snop  }
0x5: {  	_ = 	snop  }
0x6: {  	_ = 	snop  }
0x7: {  	_ = 	snop  }
__scs_overlays_trampoline_lowered:
0x8: {  	[smem:$0x3FA7] =	sst s0  }
0x9: {  	[smem:$0x3FA8] =	sst s1  }
0xa: {  	[smem:$0x3FA9] =	sst s2  }
0xb: {  	[smem:$0x3FAA] =	sst s3  }
0xc: {  	[smem:$0x3FAB] =	sst s4  }
0xd: {  	[smem:$0x3FAC] =	sst s5  }
0xe: {  	[smem:$0x3FAD] =	sst s6  }
0xf: {  	[smem:$0x3FAE] =	sst s7  }
0x10: {  	[smem:$0x3FAF] =	sst s8  }
0x11: {  	[smem:$0x3FB0] =	sst s9;
	s0 =	simm.s32 @!p0 $0x0  }
0x12: {  	s1 =	sld [smem:$0x3F96];
	s0 =	simm.s32 @p0 $0x1  }
0x13: {  	[smem:$0x3FB1] =	sst s0;
	s0 =	simm.s32 @!p1 $0x0  }
0x14: {  	s2 =	sld [smem:$0x3F95];
	s0 =	simm.s32 @p1 $0x1  }
0x15: {  	[smem:$0x3FB2] =	sst s0;
	s0 =	simm.s32 @!p2 $0x0  }
0x16: {  	s3 =	sld [smem:$0x3FDB];
	s0 =	simm.s32 @p2 $0x1  }
0x17: {  	s4 =	simm.s32 $0x1BF5;
	[smem:$0x3FB4] =	sst s0  }
0x18: {  	s0 =	sld [smem:$0x3F97];
	_ =	swait.ge [sflag:s4], $0x0  }
0x19: {  	s7 =	sld [smem:$0x3F98]  }
0x1a: {  	s8 =	sadd.s32 $0xFFFFE003, lr  }
0x1b: {  	s9 =	sadd.s32 $0xFFFFFEF7, lr;
	s5 =	simm.s32 $0xFFFFFFFF;
	p2 =	slt.u32 s8, $0xFFFFF086  }
0x1c: {  	p1 =	slt.u32 s9, $0xF7A;
	s5 =	simm.s32 @!p2 $0x0  }
0x1d: {  	s5 =	simm.s32 @p1 $0x1;
	p0 =	seq.s32 s7, s2  }
0x1e: {  	s7 =	smul.u32 @!p0 $0xF7A, s2;
	p2 =	seq.s32 @!p0 s5, $0x0  }
0x1f: {  	s9 =	smul.u32 $0xF7A, s1;
	s8 =	simm.s32 @!p0 $0x1BF5;
	p2 =	por !p2, p0  }
0x20: {  	[sflag:s8] =	ssyncset.s32 @!p0 $0xFFFFF086;
	s6 =	sadd.s32 @!p0 s3, s7;
	s7 =	simm.s32 @!p0 $0x108  }
0x21: {  	s3 =	sadd.s32 s3, s9;
	s6 =	sadd.s32 @!p0 $0x88, s6;
	s7 =	simm.s32 @p2 $0x1082  }
0x22: {  	[simem:s7], [sflag:s8] =	dma.local @!p0 [hbm:s6], $0xF7A  }
0x23: {  	s9 =	sor.u32 $0xD0000000, s2;
	s6 =	simm.s32 $0x108;
	_ =	swait.ge @!p0 [sflag:s8], $0x0  }
0x24: {  	s3 =	sadd.s32 $0x88, s3;
	s6 =	simm.s32 @!p1 $0x1082;
	[sflag:s4] =	ssyncset.s32 $0xFFFFF086  }
0x25: {  	[simem:s6], [sflag:s4] =	dma.local [hbm:s3], $0xF7A  }
0x26: {  	[smem:$0x3F98] =	sst s1;
	(tag) =	ssettag s2;
	_ =	strace s9  }
0x27: {  	s1 =	sld [smem:$0x3FA8]  }
0x28: {  	s2 =	sld [smem:$0x3FA9]  }
0x29: {  	s4 =	sld [smem:$0x3FAB]  }
0x2a: {  	p0 =	seq.s32 s5, $0x0;
	s5 =	sld [smem:$0x3FAC]  }
0x2b: {  	s6 =	sld [smem:$0x3FAD]  }
0x2c: {  	s7 =	sld [smem:$0x3FAE]  }
0x2d: {  	s3 =	simm.s32 $0x108;
	s8 =	sld [smem:$0x3FAF]  }
0x2e: {  	s3 =	simm.s32 @!p0 $0x1082;
	s9 =	sld [smem:$0x3FB0]  }
0x2f: {  	lr =	sadd.s32 s0, s3;
	s0 =	sld [smem:$0x3FA7]  }
0x30: {  	s3 =	sld [smem:$0x3FAA]  }
0x31: {  	[smem:$0x3FB3] =	sst s10  }
0x32: {  	s10 =	sld [smem:$0x3FB1];
	_ =	sdelay $0x3  }
0x33: {  	p0 =	seq.s32 s10, $0x1;
	s10 =	sld [smem:$0x3FB3];
	_ =	sdelay $0x3  }
0x34: {  	[smem:$0x3FB3] =	sst s10  }
0x35: {  	s10 =	sld [smem:$0x3FB2];
	_ =	sdelay $0x3  }
0x36: {  	p1 =	seq.s32 s10, $0x1;
	s10 =	sld [smem:$0x3FB3];
	_ =	sdelay $0x3  }
0x37: {  	[smem:$0x3FB3] =	sst s10  }
0x38: {  	s10 =	sld [smem:$0x3FB4]  }
0x39: {  	_ = 	snop;
	(pc) =	sbr.ind lr, $3  }
0x3a: {  	_ = 	snop  }
0x3b: {  	_ = 	snop  }
0x3c: {  	p2 =	seq.s32 s10, $0x1;
	s10 =	sld [smem:$0x3FB3]  }
0x3d: {  	_ =	shalt  }
0x3e: {  	_ =	shalt  }
0x3f: {  	_ =	shalt  }
0x40: {  	_ =	shalt  }
0x41: {  	_ =	shalt  }
0x42: {  	_ =	shalt  }
0x43: {  	_ =	shalt  }
0x44: {  	_ =	shalt  }
0x45: {  	_ =	shalt  }
0x46: {  	_ =	shalt  }
0x47: {  	_ =	shalt  }
0x48: {  	_ =	shalt  }
0x49: {  	_ =	shalt  }
0x4a: {  	_ =	shalt  }
0x4b: {  	_ =	shalt  }
0x4c: {  	_ =	shalt  }
0x4d: {  	_ =	shalt  }
0x4e: {  	_ =	shalt  }
0x4f: {  	_ =	shalt  }
0x50: {  	_ =	shalt  }
0x51: {  	_ =	shalt  }
0x52: {  	_ =	shalt  }
0x53: {  	_ =	shalt  }
0x54: {  	_ =	shalt  }
0x55: {  	_ =	shalt  }
0x56: {  	_ =	shalt  }
0x57: {  	_ =	shalt  }
0x58: {  	_ =	shalt  }
0x59: {  	_ =	shalt  }
0x5a: {  	_ =	shalt  }
0x5b: {  	_ =	shalt  }
0x5c: {  	_ =	shalt  }
0x5d: {  	_ =	shalt  }
0x5e: {  	_ =	shalt  }
0x5f: {  	_ =	shalt  }
0x60: {  	_ =	shalt  }
0x61: {  	_ =	shalt  }
0x62: {  	_ =	shalt  }
0x63: {  	_ =	shalt  }
0x64: {  	_ =	shalt  }
0x65: {  	_ =	shalt  }
0x66: {  	_ =	shalt  }
0x67: {  	_ =	shalt  }
0x68: {  	_ =	shalt  }
0x69: {  	_ =	shalt  }
0x6a: {  	_ =	shalt  }
0x6b: {  	_ =	shalt  }
0x6c: {  	_ =	shalt  }
0x6d: {  	_ =	shalt  }
0x6e: {  	_ =	shalt  }
0x6f: {  	_ =	shalt  }
0x70: {  	_ =	shalt  }
0x71: {  	_ =	shalt  }
0x72: {  	_ =	shalt  }
0x73: {  	_ =	shalt  }
0x74: {  	_ =	shalt  }
0x75: {  	_ =	shalt  }
0x76: {  	_ =	shalt  }
0x77: {  	_ =	shalt  }
0x78: {  	_ =	shalt  }
0x79: {  	_ =	shalt  }
0x7a: {  	_ =	shalt  }
0x7b: {  	_ =	shalt  }
0x7c: {  	_ =	shalt  }
0x7d: {  	_ =	shalt  }
0x7e: {  	_ =	shalt  }
0x7f: {  	_ =	shalt  }
0x80: {  	_ =	shalt  }
0x81: {  	_ =	shalt  }
0x82: {  	_ =	shalt  }
0x83: {  	_ =	shalt  }
0x84: {  	_ =	shalt  }
0x85: {  	_ =	shalt  }
0x86: {  	_ =	shalt  }
0x87: {  	_ =	shalt  }
.Lfunc_end0:
.L_simem_size_0:
called_computation.4_lowered:
.L_overlay_start_0:
0x88: {  	s2 =	sld [smem:$0x3FD9]  }
0x89: {  	s3 =	sld [smem:$0x3FFE];
	_ =	sdelay $0x1  }
0x8a: {  	s1 =	srdreg.scid  }
0x8b: {  	s0 =	sand.u32 $0x1, s1  }
0x8c: {  	s17 =	sshll.u32 s0, $0xA;
	s2 =	sadd.s32 s3, s2  }
0x8d: {  	s2 =	sadd.s32 s2, s17  }
0x8e: {  	[smem:$0x3FBF] =	sst s2  }
0x8f: {  	_ = 	snop  }
0x90: {  	s2 =	sld [smem:$0x3FD0];
	(tm) =	ssettm $0x1  }
0x91: {  	s18 =	sld [smem:$0x3FFB];
	_ =	sdelay $0x3  }
0x92: {  	_ =	strace s18  }
0x93: {  	s3 =	sld [smem:$0x3FFC];
	_ =	sdelay $0x3  }
0x94: {  	_ =	strace s3  }
0x95: {  	s3 =	sld [smem:$0x3FFD];
	_ =	sdelay $0x3  }
0x96: {  	_ =	strace s3  }
0x97: {  	_ =	strace $0x8FFFFFFF  }
0x98: {  	s19 =	sld [smem:$0x3FDB];
	_ =	sdelay $0x1  }
0x99: {  	s4 =	simm.s32 $_scs_section_size  }
0x9a: {  	s5 =	simm.s32 $_size__tile_overlayer_lowered;
	s6 =	simm.s32 $_tile_overlayer_lowered  }
0x9b: {  	s22 =	simm.s32 $0x1BFF;
	s21 =	sshll.u32 s6, $0x1;
	s3 =	sadd.s32 s4, s19  }
0x9c: {  	s7 =	simm.s32 $0x0;
	s20 =	sshll.u32 s5, $0x1;
	s5 =	sadd.s32 s21, s3  }
0x9d: {  	[timem:s7], [sflag:s22] =	dma.local [hbm:s5], s20  }
0x9e: {  	_ =	swait.ge [sflag:s22], s20  }
0x9f: {  	s4 =	ssub.s32 $0x0, s20;
	[sflag:s22] =	ssyncset.done $0x0  }
0xa0: {  	[sflag:s22] =	ssyncadd.s32 s4;
	_ =	sdelay $0x1  }
0xa1: {  	s23 =	simm.s32 $0x1B8B  }
0xa2: {  	_ =	swait.ge [sflag:s23], $0x1  }
0xa3: {  	[sflag:s23] =	ssyncset.done $0x0  }
0xa4: {  	s25 =	simm.s32 $0x1B8E;
	s24 =	sld [smem:$0x3FFE];
	[sflag:s23] =	ssyncadd.s32 $0xFFFFFFFF  }
0xa5: {  	s26 =	simm.s32 $execute0_lowered;
	[smem:$0x3FD2] =	sst s25  }
0xa6: {  	s5 =	sshll.u32 s26, $0x1;
	_ =	strace $0x80000052;
	[dreg:$0x1] =	wrdreg $0xFFFFFFFF  }
0xa7: {  	s28 =	simm.s32 $_size_execute0_lowered;
	s3 =	sadd.s32 s3, s5;
	[dreg:$0x0] =	wrdreg $0x0  }
0xa8: {  	s5 =	sshll.u32 s28, $0x1;
	[dreg:$0x2] =	wrdreg s3  }
0xa9: {  	[dreg:$0x3] =	wrdreg s5  }
0xaa: {  	[dreg:$0x4] =	wrdreg $0xC0  }
0xab: {  	_ =	task [dreg:s7], $0x5FFFF  }
0xac: {  	[dreg:$0x1] =	wrdreg $0xFFFFFFFF  }
0xad: {  	[dreg:$0x0] =	wrdreg $0x60  }
0xae: {  	[dreg:$0x2] =	wrdreg s2  }
0xaf: {  	[dreg:$0x3] =	wrdreg s24  }
0xb0: {  	[dreg:$0x4] =	wrdreg $0x83000  }
0xb1: {  	[dreg:$0x5] =	wrdreg $0x9  }
0xb2: {  	_ =	task.clear_ibuf [dreg:s7], $0x6FFFF;
	_ =	strace $0x90000052  }
0xb3: {  	s29 =	simm.s32 $0x9;
	_ =	strace $0x80000054  }
0xb4: {  	_ =	swait.ge [sflag:s29], $0x1  }
0xb5: {  	[sflag:s29] =	ssyncadd.s32 $0xFFFFFFFF  }
0xb6: {  	_ =	strace $0x90000054  }
0xb7: {  	_ =	sfence  }
0xb8: {  	s30 =	sld [smem:$0x0];
	_ =	sdelay $0x2  }
0xb9: {  	s31 =	sshll.u32 s1, $0xD;
	s1 =	sshrl.u32 s1, $0x2  }
0xba: {  	s3 =	sand.u32 $0x4000, s31;
	s1 =	sadd.s32 s1, s30  }
0xbb: {  	s0 =	sor.u32 s3, s0;
	s1 =	sshll.u32 s1, $0x11  }
0xbc: {  	s0 =	sor.u32 s1, s0  }
0xbd: {  	s0 =	sadd.s32 $0x8F2B, s0  }
0xbe: {  	[sflag:s0] =	ssyncadd.remote.s32 $0x1  }
0xbf: {  	_ =	sfence.sel $0xFFFF  }
0xc0: {  	[dreg:$0x0] =	wrdreg $0xFFFFFFFF;
	(pc) =	sbr.abs _section_cstart, $3  }
0xc1: {  	[dreg:$0x1] =	wrdreg $0xFFFFFFFF  }
0xc2: {  	_ =	task.clear_ibuf [dreg:s7], $0x2FFFF;
	_ =	strace $0x9FFFFFFF  }
0xc3: {  	(tm) =	ssettm $0x7FFFFFFF  }
tec
execute0_lowered:
.L_overlay_start_1:
0x0: {  	(tag) =	ssettag $0x1  }
0x1: {  	s1 =	rddreg [dreg:$0x0]  }
0x2: {  	s0 =	rddreg [dreg:$0x1]  }
0x3: {  	s2 =	rddreg [dreg:$0x2];
	s4 =	simm.s32 $0x0;
	s3 =	srdreg.scid  }
0x4: {  	s12 =	stileid.u32;
	s28 =	simm.s32 $0x80;
	s29 =	simm.s32 $0x200  }
0x5: {  	s30 =	simm.s32 $0x180;
	s31 =	simm.s32 $0x2;
	[smem:$0x7FF] =	sst s4  }
0x6: {  	s3 =	sand.u32 $0x1, s3;
	s6 =	smul.u32 $0x14000, s12;
	s7 =	sshll.u32 s12, $0x1  }
0x7: {  	s8 =	sadd.s32 $0x7C00, s0;
	s9 =	sadd.s32 $0x11A00, s0;
	s11 =	smul.u32 $0x50000, s12  }
0x8: {  	s13 =	sadd.s32 $0x45200, s0;
	s15 =	sshll.u32 s12, $0x6;
	s21 =	smul.u32 $0x4E20, s12  }
0x9: {  	s12 =	simm.s32 $0x0;
	s5 =	smul.u32 $0x140000, s3;
	_ =	strace $0x80000053  }
0xa: {  	s7 =	sor.u32 s3, s7;
	s26 =	ssub.s32 $0x2, s3;
	s3 =	smul.u32 $0x2710, s3  }
0xb: {  	[dreg:$0x4] =	wrdreg s13;
	s7 =	smul.u32 $0x2710, s7;
	s10 =	sshrl.u32 s26, $0x1  }
0xc: {  	s14 =	sshrl.u32 s11, $0x2;
	s11 =	simm.s32 $0x10;
	s5 =	sadd.s32 s6, s5  }
0xd: {  	s13 =	ssub.s32 s26, s10;
	s6 =	sadd.s32 s14, s2;
	s10 =	simm.s32 $0x8280  }
0xe: {  	s5 =	sshrl.u32 s5, $0x3;
	s16 =	sshrl.u32 s7, $0x3;
	[dreg:$0x5] =	wrdreg s6  }
0xf: {  	s7 =	sor.u32 $0x1C07, s15;
	s0 =	sadd.s32 s5, s0;
	s18 =	sadd.s32 s8, s16  }
0x10: {  	s17 =	sadd.s32 $0x4E0, s16;
	s19 =	sadd.s32 s9, s16;
	[dreg:$0x6] =	wrdreg s18  }
0x11: {  	s5 =	smax.u32 s13, $0x1;
	s22 =	sadd.s32 $0x10, s16;
	[dreg:$0x7] =	wrdreg s19  }
0x12: {  	s24 =	sadd.s32 $0x20, s16;
	s20 =	sadd.s32 s8, s17;
	[dreg:$0xb] =	wrdreg s5  }
0x13: {  	s26 =	sadd.s32 $0x4D0, s16;
	s6 =	sadd.s32 s9, s17;
	[dreg:$0x8] =	wrdreg s20  }
0x14: {  	s0 =	sadd.s32 $0x47A00, s0;
	s23 =	sadd.s32 s8, s22;
	[dreg:$0x9] =	wrdreg s6  }
0x15: {  	s5 =	sadd.s32 s9, s22;
	s25 =	sadd.s32 s8, s24;
	[dreg:$0xa] =	wrdreg s0  }
0x16: {  	s17 =	sadd.s32 s9, s24;
	s18 =	sadd.s32 s8, s26;
	[dreg:$0xc] =	wrdreg s23  }
0x17: {  	s19 =	sadd.s32 s9, s26;
	s24 =	simm.s32 $0x7;
	[dreg:$0xd] =	wrdreg s5  }
0x18: {  	s26 =	simm.s32 $0x1;
	[dreg:$0xe] =	wrdreg s25;
	s0 =	sadd.s32 s3, s21  }
0x19: {  	s25 =	simm.s32 $0x100;
	s5 =	simm.s32 $0x5;
	s3 =	sadd.s32 $0x200, s0  }
0x1a: {  	s6 =	simm.s32 $0x4;
	s0 =	sadd.s32 $0x180, s0;
	s3 =	sshrl.u32 s3, $0x3  }
0x1b: {  	s0 =	sshrl.u32 s0, $0x3;
	s20 =	sadd.s32 s3, s9;
	s21 =	sadd.s32 s3, s8  }
0x1c: {  	s22 =	sadd.s32 s0, s9;
	s23 =	sadd.s32 s0, s8;
	s0 =	simm.s32 $0x4200  }
0x1d: {  	s3 =	simm.s32 $0x3;
	s8 =	simm.s32 $0x6;
	s9 =	simm.s32 $0x8200  }
.LBB2_1:
0x1e: {  	s13 =	rddreg [dreg:$0x5]  }
0x1f: {  	s14 =	rddreg [dreg:$0x4];
	s13 =	sshrl.u32 s13, $0x3  }
0x20: {  	[spmem:s13], [sflag:s7] =	dma.local [hbm:s14], $0x2800  }
0x21: {  	_ =	swait.ge [sflag:s24], $0x2800  }
0x22: {  	[sflag:s24] =	ssyncset.done $0x0  }
0x23: {  	[sflag:s24] =	ssyncadd.s32 $0xFFFFD800  }
0x24: {  	[bflag:$0x0] =	sbarrier.arrive $0xFFFF  }
0x25: {  	s16 =	rddreg [dreg:$0x6]  }
0x26: {  	[tilespmem:s4], [sflag:$0x1] =	stream.linear.gather [hbm4b:s16+s4], $0x80, $0x38;
	[tilespmem:$0x1C300] =	vst v63  }
0x27: {  	s15 =	rddreg [dreg:$0x7]  }
0x28: {  	[tilespmem:s25], [sflag:$0x1] =	stream.linear.gather [hbm4b:s15+s4], $0x80, $0x38;
	[tilespmem:$0x1C300] =	vst v63  }
0x29: {  	_ =	swait.ge [sflag:s26], $0x80  }
0x2a: {  	[sflag:s26] =	ssyncset.done $0x0  }
0x2b: {  	[sflag:s26] =	ssyncadd.s32 $0xFFFFFF80  }
0x2c: {  	_ =	swait.ge [sflag:s26], $0x80  }
0x2d: {  	[sflag:s26] =	ssyncset.done $0x0  }
0x2e: {  	[sflag:s26] =	ssyncadd.s32 $0xFFFFFF80  }
0x2f: {  	[tilespmem:s29], [sflag:$0x3] =	stream.indirect.gather [hbm4b:s1+s28], $0x80, s4, s28, $0xb8;
	[tilespmem:$0x1C300] =	vst v63  }
0x30: {  	s16 =	rddreg [dreg:$0xc]  }
0x31: {  	[tilespmem:s28], [sflag:$0x2] =	stream.linear.gather [hbm4b:s16+s4], $0x80, $0x38;
	[tilespmem:$0x1C300] =	vst v63  }
0x32: {  	s15 =	rddreg [dreg:$0xd]  }
0x33: {  	[tilespmem:s30], [sflag:$0x2] =	stream.linear.gather [hbm4b:s15+s4], $0x80, $0x38;
	[tilespmem:$0x1C300] =	vst v63  }
0x34: {  	_ =	swait.ge [sflag:s31], $0x80  }
0x35: {  	[sflag:s31] =	ssyncset.done $0x0  }
0x36: {  	[sflag:s31] =	ssyncadd.s32 $0xFFFFFF80  }
0x37: {  	_ =	swait.ge [sflag:s31], $0x80  }
0x38: {  	[sflag:s31] =	ssyncset.done $0x0  }
0x39: {  	[sflag:s31] =	ssyncadd.s32 $0xFFFFFF80  }
0x3a: {  	[tilespmem:s0], [sflag:$0x4] =	stream.indirect.gather [hbm4b:s1+s28], $0x80, s28, s28, $0xb8;
	[tilespmem:$0x1C300] =	vst v63  }
0x3b: {  	_ =	swait.ge [sflag:s3], $0x4000  }
0x3c: {  	[sflag:s3] =	ssyncset.done $0x0  }
0x3d: {  	[sflag:s3] =	ssyncadd.s32 $0xFFFFC000  }
0x3e: {  	[spmem:s2] =	stream.indirect.scatter.add.f32 [tilespmem:s29], [sflag:$0x5], $0x80, s25, s28, $0xb8;
	[tilespmem:$0x1C300] =	vst v63  }
0x3f: {  	_ =	swait.ge [sflag:s5], $0x4000  }
0x40: {  	[sflag:s5] =	ssyncset.done $0x0  }
0x41: {  	s16 =	rddreg [dreg:$0xe];
	[sflag:s5] =	ssyncadd.s32 $0xFFFFC000  }
0x42: {  	[tilespmem:s4], [sflag:$0x1] =	stream.linear.gather [hbm4b:s16+s4], $0x80, $0x38;
	[tilespmem:$0x1C300] =	vst v63  }
0x43: {  	_ = 	snop  }
0x44: {  	[tilespmem:s25], [sflag:$0x1] =	stream.linear.gather [hbm4b:s17+s4], $0x80, $0x38;
	[tilespmem:$0x1C300] =	vst v63  }
0x45: {  	_ =	swait.ge [sflag:s26], $0x80  }
0x46: {  	[sflag:s26] =	ssyncset.done $0x0  }
0x47: {  	[sflag:s26] =	ssyncadd.s32 $0xFFFFFF80  }
0x48: {  	_ =	swait.ge [sflag:s26], $0x80  }
0x49: {  	[sflag:s26] =	ssyncset.done $0x0  }
0x4a: {  	[sflag:s26] =	ssyncadd.s32 $0xFFFFFF80  }
0x4b: {  	[tilespmem:s29], [sflag:$0x3] =	stream.indirect.gather [hbm4b:s1+s28], $0x80, s4, s28, $0xb8;
	[tilespmem:$0x1C300] =	vst v63  }
0x4c: {  	_ =	swait.ge [sflag:s6], $0x4000  }
0x4d: {  	[sflag:s6] =	ssyncset.done $0x0  }
0x4e: {  	[sflag:s6] =	ssyncadd.s32 $0xFFFFC000  }
0x4f: {  	[spmem:s2] =	stream.indirect.scatter.add.f32 [tilespmem:s0], [sflag:$0x6], $0x80, s30, s28, $0xb8;
	[tilespmem:$0x1C300] =	vst v63  }
0x50: {  	_ =	swait.ge [sflag:s8], $0x4000  }
0x51: {  	[sflag:s8] =	ssyncset.done $0x0  }
0x52: {  	s15 =	sadd.s32 $0x0, s23;
	[sflag:s8] =	ssyncadd.s32 $0xFFFFC000  }
0x53: {  	[tilespmem:s28], [sflag:$0x2] =	stream.linear.gather [hbm4b:s15+s4], $0x80, $0x38;
	[tilespmem:$0x1C300] =	vst v63  }
0x54: {  	s16 =	sadd.s32 $0x0, s22  }
0x55: {  	[tilespmem:s30], [sflag:$0x2] =	stream.linear.gather [hbm4b:s16+s4], $0x80, $0x38;
	[tilespmem:$0x1C300] =	vst v63  }
0x56: {  	_ =	swait.ge [sflag:s31], $0x80  }
0x57: {  	[sflag:s31] =	ssyncset.done $0x0  }
0x58: {  	[sflag:s31] =	ssyncadd.s32 $0xFFFFFF80  }
0x59: {  	_ =	swait.ge [sflag:s31], $0x80  }
0x5a: {  	[sflag:s31] =	ssyncset.done $0x0  }
0x5b: {  	[sflag:s31] =	ssyncadd.s32 $0xFFFFFF80  }
0x5c: {  	[tilespmem:s0], [sflag:$0x4] =	stream.indirect.gather [hbm4b:s1+s28], $0x80, s28, s28, $0xb8;
	[tilespmem:$0x1C300] =	vst v63  }
0x5d: {  	_ =	swait.ge [sflag:s3], $0x4000  }
0x5e: {  	[sflag:s3] =	ssyncset.done $0x0  }
0x5f: {  	[sflag:s3] =	ssyncadd.s32 $0xFFFFC000  }
0x60: {  	[spmem:s2] =	stream.indirect.scatter.add.f32 [tilespmem:s29], [sflag:$0x5], $0x80, s25, s28, $0xb8;
	[tilespmem:$0x1C300] =	vst v63  }
0x61: {  	_ =	swait.ge [sflag:s5], $0x4000  }
0x62: {  	[sflag:s5] =	ssyncset.done $0x0  }
0x63: {  	s15 =	sadd.s32 $0x0, s21;
	[sflag:s5] =	ssyncadd.s32 $0xFFFFC000  }
0x64: {  	[tilespmem:s4], [sflag:$0x1] =	stream.linear.gather [hbm4b:s15+s4], $0x80, $0x38;
	[tilespmem:$0x1C300] =	vst v63  }
0x65: {  	s16 =	sadd.s32 $0x0, s20  }
0x66: {  	[tilespmem:s25], [sflag:$0x1] =	stream.linear.gather [hbm4b:s16+s4], $0x80, $0x38;
	[tilespmem:$0x1C300] =	vst v63  }
0x67: {  	_ =	swait.ge [sflag:s26], $0x80  }
0x68: {  	[sflag:s26] =	ssyncset.done $0x0  }
0x69: {  	[sflag:s26] =	ssyncadd.s32 $0xFFFFFF80  }
0x6a: {  	_ =	swait.ge [sflag:s26], $0x80  }
0x6b: {  	[sflag:s26] =	ssyncset.done $0x0  }
0x6c: {  	[sflag:s26] =	ssyncadd.s32 $0xFFFFFF80  }
0x6d: {  	[tilespmem:s29], [sflag:$0x3] =	stream.indirect.gather [hbm4b:s1+s28], $0x80, s4, s28, $0xb8;
	[tilespmem:$0x1C300] =	vst v63  }
0x6e: {  	_ =	swait.ge [sflag:s6], $0x4000  }
0x6f: {  	[sflag:s6] =	ssyncset.done $0x0  }
0x70: {  	s14 =	simm.s32 $0x20;
	[sflag:s6] =	ssyncadd.s32 $0xFFFFC000  }
.LBB2_2:
0x71: {  	[spmem:s2] =	stream.indirect.scatter.add.f32 [tilespmem:s0], [sflag:$0x6], $0x80, s30, s28, $0xb8;
	[tilespmem:$0x1C300] =	vst v63  }
0x72: {  	s15 =	smov.u32 s14  }
0x73: {  	p0 =	sne.s32 s14, $0x480;
	s14 =	sadd.s32 $0x20, s14;
	_ =	swait.ge [sflag:s8], $0x4000  }
0x74: {  	[sflag:s8] =	ssyncset.done $0x0  }
0x75: {  	s16 =	sadd.s32 s15, s23;
	[sflag:s8] =	ssyncadd.s32 $0xFFFFC000  }
0x76: {  	[tilespmem:s28], [sflag:$0x2] =	stream.linear.gather [hbm4b:s16+s4], $0x80, $0x38;
	[tilespmem:$0x1C300] =	vst v63  }
0x77: {  	s16 =	sadd.s32 s15, s22  }
0x78: {  	[tilespmem:s30], [sflag:$0x2] =	stream.linear.gather [hbm4b:s16+s4], $0x80, $0x38;
	[tilespmem:$0x1C300] =	vst v63  }
0x79: {  	_ =	swait.ge [sflag:s31], $0x80  }
0x7a: {  	[sflag:s31] =	ssyncset.done $0x0  }
0x7b: {  	[sflag:s31] =	ssyncadd.s32 $0xFFFFFF80  }
0x7c: {  	_ =	swait.ge [sflag:s31], $0x80  }
0x7d: {  	[sflag:s31] =	ssyncset.done $0x0  }
0x7e: {  	[sflag:s31] =	ssyncadd.s32 $0xFFFFFF80  }
0x7f: {  	[tilespmem:s0], [sflag:$0x4] =	stream.indirect.gather [hbm4b:s1+s28], $0x80, s28, s28, $0xb8;
	[tilespmem:$0x1C300] =	vst v63  }
0x80: {  	_ =	swait.ge [sflag:s3], $0x4000  }
0x81: {  	[sflag:s3] =	ssyncset.done $0x0  }
0x82: {  	[sflag:s3] =	ssyncadd.s32 $0xFFFFC000  }
0x83: {  	[spmem:s2] =	stream.indirect.scatter.add.f32 [tilespmem:s29], [sflag:$0x5], $0x80, s25, s28, $0xb8;
	[tilespmem:$0x1C300] =	vst v63  }
0x84: {  	_ =	swait.ge [sflag:s5], $0x4000  }
0x85: {  	[sflag:s5] =	ssyncset.done $0x0  }
0x86: {  	s16 =	sadd.s32 s15, s21;
	[sflag:s5] =	ssyncadd.s32 $0xFFFFC000  }
0x87: {  	[tilespmem:s4], [sflag:$0x1] =	stream.linear.gather [hbm4b:s16+s4], $0x80, $0x38;
	[tilespmem:$0x1C300] =	vst v63  }
0x88: {  	s15 =	sadd.s32 s15, s20  }
0x89: {  	[tilespmem:s25], [sflag:$0x1] =	stream.linear.gather [hbm4b:s15+s4], $0x80, $0x38;
	[tilespmem:$0x1C300] =	vst v63  }
0x8a: {  	_ =	swait.ge [sflag:s26], $0x80  }
0x8b: {  	[sflag:s26] =	ssyncset.done $0x0  }
0x8c: {  	[sflag:s26] =	ssyncadd.s32 $0xFFFFFF80  }
0x8d: {  	_ =	swait.ge [sflag:s26], $0x80  }
0x8e: {  	[sflag:s26] =	ssyncset.done $0x0  }
.Ltmp0:
0x8f: {  	[sflag:s26] =	ssyncadd.s32 $0xFFFFFF80;
	(pc) =	sbr.rel @p0 .LBB2_2-.Ltmp0, $4  }
0x90: {  	[tilespmem:s29], [sflag:$0x3] =	stream.indirect.gather [hbm4b:s1+s28], $0x80, s4, s28, $0xb8;
	[tilespmem:$0x1C300] =	vst v63  }
0x91: {  	_ =	swait.ge [sflag:s6], $0x4000  }
0x92: {  	[sflag:s6] =	ssyncset.done $0x0  }
0x93: {  	[sflag:s6] =	ssyncadd.s32 $0xFFFFC000  }
0x94: {  	[spmem:s2] =	stream.indirect.scatter.add.f32 [tilespmem:s0], [sflag:$0x6], $0x80, s30, s28, $0xb8;
	[tilespmem:$0x1C300] =	vst v63  }
0x95: {  	_ =	swait.ge [sflag:s8], $0x4000  }
0x96: {  	[sflag:s8] =	ssyncset.done $0x0  }
0x97: {  	[sflag:s8] =	ssyncadd.s32 $0xFFFFC000  }
0x98: {  	[tilespmem:s28], [sflag:$0x2] =	stream.linear.gather [hbm4b:s18+s4], $0x80, $0x38;
	[tilespmem:$0x1C300] =	vst v63  }
0x99: {  	_ = 	snop  }
0x9a: {  	[tilespmem:s30], [sflag:$0x2] =	stream.linear.gather [hbm4b:s19+s4], $0x80, $0x38;
	[tilespmem:$0x1C300] =	vst v63  }
0x9b: {  	_ =	swait.ge [sflag:s31], $0x80  }
0x9c: {  	[sflag:s31] =	ssyncset.done $0x0  }
0x9d: {  	[sflag:s31] =	ssyncadd.s32 $0xFFFFFF80  }
0x9e: {  	_ =	swait.ge [sflag:s31], $0x80  }
0x9f: {  	[sflag:s31] =	ssyncset.done $0x0  }
0xa0: {  	[sflag:s31] =	ssyncadd.s32 $0xFFFFFF80  }
0xa1: {  	[tilespmem:s0], [sflag:$0x4] =	stream.indirect.gather [hbm4b:s1+s28], $0x80, s28, s28, $0xb8;
	[tilespmem:$0x1C300] =	vst v63  }
0xa2: {  	_ =	swait.ge [sflag:s3], $0x4000  }
0xa3: {  	[sflag:s3] =	ssyncset.done $0x0  }
0xa4: {  	[sflag:s3] =	ssyncadd.s32 $0xFFFFC000  }
0xa5: {  	[spmem:s2] =	stream.indirect.scatter.add.f32 [tilespmem:s29], [sflag:$0x5], $0x80, s25, s28, $0xb8;
	[tilespmem:$0x1C300] =	vst v63  }
0xa6: {  	_ =	swait.ge [sflag:s6], $0x4000  }
0xa7: {  	[sflag:s6] =	ssyncset.done $0x0  }
0xa8: {  	[sflag:s6] =	ssyncadd.s32 $0xFFFFC000  }
0xa9: {  	[spmem:s2] =	stream.indirect.scatter.add.f32 [tilespmem:s0], [sflag:$0x6], $0x80, s30, s28, $0xb8;
	[tilespmem:$0x1C300] =	vst v63  }
0xaa: {  	_ =	swait.ge [sflag:s5], $0x4000  }
0xab: {  	[sflag:s5] =	ssyncset.done $0x0  }
0xac: {  	[sflag:s5] =	ssyncadd.s32 $0xFFFFC000  }
0xad: {  	_ =	swait.ge [sflag:s8], $0x4000  }
0xae: {  	[sflag:s8] =	ssyncset.done $0x0  }
0xaf: {  	s14 =	rddreg [dreg:$0x8];
	[sflag:s8] =	ssyncadd.s32 $0xFFFFC000  }
0xb0: {  	[tilespmem:s9], [sflag:$0x7] =	stream.linear.gather [hbm4b:s14+s4], $0x10, $0x38;
	[tilespmem:$0x1C300] =	vst v63  }
0xb1: {  	_ =	swait.ge [sflag:s24], $0x10  }
0xb2: {  	[sflag:s24] =	ssyncset.done $0x0  }
0xb3: {  	s16 =	rddreg [dreg:$0x9];
	[sflag:s24] =	ssyncadd.s32 $0xFFFFFFF0  }
0xb4: {  	[tilespmem:s10], [sflag:$0x7] =	stream.linear.gather [hbm4b:s16+s4], $0x10, $0x38;
	[tilespmem:$0x1C300] =	vst v63  }
0xb5: {  	_ =	swait.ge [sflag:s24], $0x10  }
0xb6: {  	[sflag:s24] =	ssyncset.done $0x0  }
0xb7: {  	[sflag:s24] =	ssyncadd.s32 $0xFFFFFFF0  }
0xb8: {  	[tilespmem:s29], [sflag:$0x7] =	stream.indirect.gather [hbm4b:s1+s11], $0x80, s9, s11, $0xb8;
	[tilespmem:$0x1C300] =	vst v63  }
0xb9: {  	_ =	swait.ge [sflag:s24], $0x800  }
0xba: {  	[sflag:s24] =	ssyncset.done $0x0  }
0xbb: {  	[sflag:s24] =	ssyncadd.s32 $0xFFFFF800  }
0xbc: {  	[spmem:s2] =	stream.indirect.scatter.add.f32 [tilespmem:s29], [sflag:$0x7], $0x80, s10, s11, $0xb8;
	[tilespmem:$0x1C300] =	vst v63  }
0xbd: {  	_ =	swait.ge [sflag:s24], $0x800  }
0xbe: {  	[sflag:s24] =	ssyncset.done $0x0  }
0xbf: {  	[sflag:s24] =	ssyncadd.s32 $0xFFFFF800  }
0xc0: {  	[bflag:$0x0] =	sbarrier.arrive $0xFFFF  }
0xc1: {  	s15 =	rddreg [dreg:$0xa]  }
0xc2: {  	[hbm:s15], [sflag:s7] =	dma.local [spmem:s13], $0x2800  }
0xc3: {  	_ =	swait.ge [sflag:s24], $0x2800  }
0xc4: {  	s12 =	sadd.s32 $0x1, s12;
	s16 =	rddreg [dreg:$0xb]  }
0xc5: {  	p0 =	sne.s32 s12, s16  }
.Ltmp1:
0xc6: {  	_ = 	snop;
	(pc) =	sbr.rel @p0 .LBB2_1-.Ltmp1, $3  }
0xc7: {  	_ =	sdelay $0x1  }
0xc8: {  	[sflag:s24] =	ssyncset.done $0x0  }
0xc9: {  	[sflag:s24] =	ssyncadd.s32 $0xFFFFD800  }
0xca: {  	_ =	sfence.sel $0x180000  }
0xcb: {  	[bflag:$0x0] =	sbarrier.arrive $0xFFFF  }
0xcc: {  	_ =	strace $0x90000053  }
0xcd: {  	s0 =	stileid.u32;
	[bflag:$0x2] =	sbarrier.arrive $0xFFFF  }
0xce: {  	p0 =	sne.s32 s0, $0x0;
	s0 =	rddreg [dreg:$0x3]  }
0xcf: {  	s0 =	sadd.s32 @!p0 $0x100000, s0  }
0xd0: {  	[sflag:s0] =	ssyncadd.tile.s32 @!p0 $0x1;
	_ =	shalt  }
.Lfunc_end2:
_tile_overlayer_lowered:
.L_overlay_start_2:
0xd1: {  	(tag) =	ssettag $0x2  }
0xd2: {  	s0 =	rddreg [dreg:$0x0];
	s2 =	stileid.u32  }
0xd3: {  	s1 =	rddreg [dreg:$0x1];
	p0 =	sne.s32 s2, $0x0  }
0xd4: {  	s3 =	rddreg [dreg:$0x2];
	[bflag:$0x3] =	sbarrier.arrive $0xFFFF;
	s2 =	simm.s32 @!p0 $0x1C07  }
0xd5: {  	[timem:s3], [sflag:s2] =	dma.local @!p0 [hbm:s0], s1  }
0xd6: {  	s0 =	simm.s32 @!p0 $0x7  }
0xd7: {  	_ =	swait.ge @!p0 [sflag:s0], s1  }
0xd8: {  	s1 =	ssub.s32 @!p0 $0x0, s1;
	[sflag:s0] =	ssyncset.done @!p0 $0x0  }
0xd9: {  	[sflag:s0] =	ssyncadd.s32 @!p0 s1  }
0xda: {  	[bflag:$0x3] =	sbarrier.arrive $0xFFFF  }
0xdb: {  	_ =	shalt  }

// kernel: kernel.36.cloned.1.call-start
scs
__scs_entry_jumppad:
0x0: {  	(pc) =	sbr.rel $0x88, $3  }
0x1: {  	(tag) =	ssettag $0x0;
	lr =	simm.s32 $0x1  }
0x2: {  	[smem:$0x3F98] =	sst lr;
	_ =	strace $0xD0000000  }
0x3: {  	_ = 	snop  }
0x4: {  	_ = 	snop  }
0x5: {  	_ = 	snop  }
0x6: {  	_ = 	snop  }
0x7: {  	_ = 	snop  }
__scs_overlays_trampoline_lowered:
0x8: {  	[smem:$0x3FA7] =	sst s0  }
0x9: {  	[smem:$0x3FA8] =	sst s1  }
0xa: {  	[smem:$0x3FA9] =	sst s2  }
0xb: {  	[smem:$0x3FAA] =	sst s3  }
0xc: {  	[smem:$0x3FAB] =	sst s4  }
0xd: {  	[smem:$0x3FAC] =	sst s5  }
0xe: {  	[smem:$0x3FAD] =	sst s6  }
0xf: {  	[smem:$0x3FAE] =	sst s7  }
0x10: {  	[smem:$0x3FAF] =	sst s8  }
0x11: {  	[smem:$0x3FB0] =	sst s9;
	s0 =	simm.s32 @!p0 $0x0  }
0x12: {  	s1 =	sld [smem:$0x3F96];
	s0 =	simm.s32 @p0 $0x1  }
0x13: {  	[smem:$0x3FB1] =	sst s0;
	s0 =	simm.s32 @!p1 $0x0  }
0x14: {  	s2 =	sld [smem:$0x3F95];
	s0 =	simm.s32 @p1 $0x1  }
0x15: {  	[smem:$0x3FB2] =	sst s0;
	s0 =	simm.s32 @!p2 $0x0  }
0x16: {  	s3 =	sld [smem:$0x3FDB];
	s0 =	simm.s32 @p2 $0x1  }
0x17: {  	s4 =	simm.s32 $0x1BF5;
	[smem:$0x3FB4] =	sst s0  }
0x18: {  	s0 =	sld [smem:$0x3F97];
	_ =	swait.ge [sflag:s4], $0x0  }
0x19: {  	s7 =	sld [smem:$0x3F98]  }
0x1a: {  	s8 =	sadd.s32 $0xFFFFE003, lr  }
0x1b: {  	s9 =	sadd.s32 $0xFFFFFEF7, lr;
	s5 =	simm.s32 $0xFFFFFFFF;
	p2 =	slt.u32 s8, $0xFFFFF086  }
0x1c: {  	p1 =	slt.u32 s9, $0xF7A;
	s5 =	simm.s32 @!p2 $0x0  }
0x1d: {  	s5 =	simm.s32 @p1 $0x1;
	p0 =	seq.s32 s7, s2  }
0x1e: {  	s7 =	smul.u32 @!p0 $0xF7A, s2;
	p2 =	seq.s32 @!p0 s5, $0x0  }
0x1f: {  	s9 =	smul.u32 $0xF7A, s1;
	s8 =	simm.s32 @!p0 $0x1BF5;
	p2 =	por !p2, p0  }
0x20: {  	[sflag:s8] =	ssyncset.s32 @!p0 $0xFFFFF086;
	s6 =	sadd.s32 @!p0 s3, s7;
	s7 =	simm.s32 @!p0 $0x108  }
0x21: {  	s3 =	sadd.s32 s3, s9;
	s6 =	sadd.s32 @!p0 $0x88, s6;
	s7 =	simm.s32 @p2 $0x1082  }
0x22: {  	[simem:s7], [sflag:s8] =	dma.local @!p0 [hbm:s6], $0xF7A  }
0x23: {  	s9 =	sor.u32 $0xD0000000, s2;
	s6 =	simm.s32 $0x108;
	_ =	swait.ge @!p0 [sflag:s8], $0x0  }
0x24: {  	s3 =	sadd.s32 $0x88, s3;
	s6 =	simm.s32 @!p1 $0x1082;
	[sflag:s4] =	ssyncset.s32 $0xFFFFF086  }
0x25: {  	[simem:s6], [sflag:s4] =	dma.local [hbm:s3], $0xF7A  }
0x26: {  	[smem:$0x3F98] =	sst s1;
	(tag) =	ssettag s2;
	_ =	strace s9  }
0x27: {  	s1 =	sld [smem:$0x3FA8]  }
0x28: {  	s2 =	sld [smem:$0x3FA9]  }
0x29: {  	s4 =	sld [smem:$0x3FAB]  }
0x2a: {  	p0 =	seq.s32 s5, $0x0;
	s5 =	sld [smem:$0x3FAC]  }
0x2b: {  	s6 =	sld [smem:$0x3FAD]  }
0x2c: {  	s7 =	sld [smem:$0x3FAE]  }
0x2d: {  	s3 =	simm.s32 $0x108;
	s8 =	sld [smem:$0x3FAF]  }
0x2e: {  	s3 =	simm.s32 @!p0 $0x1082;
	s9 =	sld [smem:$0x3FB0]  }
0x2f: {  	lr =	sadd.s32 s0, s3;
	s0 =	sld [smem:$0x3FA7]  }
0x30: {  	s3 =	sld [smem:$0x3FAA]  }
0x31: {  	[smem:$0x3FB3] =	sst s10  }
0x32: {  	s10 =	sld [smem:$0x3FB1];
	_ =	sdelay $0x3  }
0x33: {  	p0 =	seq.s32 s10, $0x1;
	s10 =	sld [smem:$0x3FB3];
	_ =	sdelay $0x3  }
0x34: {  	[smem:$0x3FB3] =	sst s10  }
0x35: {  	s10 =	sld [smem:$0x3FB2];
	_ =	sdelay $0x3  }
0x36: {  	p1 =	seq.s32 s10, $0x1;
	s10 =	sld [smem:$0x3FB3];
	_ =	sdelay $0x3  }
0x37: {  	[smem:$0x3FB3] =	sst s10  }
0x38: {  	s10 =	sld [smem:$0x3FB4]  }
0x39: {  	_ = 	snop;
	(pc) =	sbr.ind lr, $3  }
0x3a: {  	_ = 	snop  }
0x3b: {  	_ = 	snop  }
0x3c: {  	p2 =	seq.s32 s10, $0x1;
	s10 =	sld [smem:$0x3FB3]  }
0x3d: {  	_ =	shalt  }
0x3e: {  	_ =	shalt  }
0x3f: {  	_ =	shalt  }
0x40: {  	_ =	shalt  }
0x41: {  	_ =	shalt  }
0x42: {  	_ =	shalt  }
0x43: {  	_ =	shalt  }
0x44: {  	_ =	shalt  }
0x45: {  	_ =	shalt  }
0x46: {  	_ =	shalt  }
0x47: {  	_ =	shalt  }
0x48: {  	_ =	shalt  }
0x49: {  	_ =	shalt  }
0x4a: {  	_ =	shalt  }
0x4b: {  	_ =	shalt  }
0x4c: {  	_ =	shalt  }
0x4d: {  	_ =	shalt  }
0x4e: {  	_ =	shalt  }
0x4f: {  	_ =	shalt  }
0x50: {  	_ =	shalt  }
0x51: {  	_ =	shalt  }
0x52: {  	_ =	shalt  }
0x53: {  	_ =	shalt  }
0x54: {  	_ =	shalt  }
0x55: {  	_ =	shalt  }
0x56: {  	_ =	shalt  }
0x57: {  	_ =	shalt  }
0x58: {  	_ =	shalt  }
0x59: {  	_ =	shalt  }
0x5a: {  	_ =	shalt  }
0x5b: {  	_ =	shalt  }
0x5c: {  	_ =	shalt  }
0x5d: {  	_ =	shalt  }
0x5e: {  	_ =	shalt  }
0x5f: {  	_ =	shalt  }
0x60: {  	_ =	shalt  }
0x61: {  	_ =	shalt  }
0x62: {  	_ =	shalt  }
0x63: {  	_ =	shalt  }
0x64: {  	_ =	shalt  }
0x65: {  	_ =	shalt  }
0x66: {  	_ =	shalt  }
0x67: {  	_ =	shalt  }
0x68: {  	_ =	shalt  }
0x69: {  	_ =	shalt  }
0x6a: {  	_ =	shalt  }
0x6b: {  	_ =	shalt  }
0x6c: {  	_ =	shalt  }
0x6d: {  	_ =	shalt  }
0x6e: {  	_ =	shalt  }
0x6f: {  	_ =	shalt  }
0x70: {  	_ =	shalt  }
0x71: {  	_ =	shalt  }
0x72: {  	_ =	shalt  }
0x73: {  	_ =	shalt  }
0x74: {  	_ =	shalt  }
0x75: {  	_ =	shalt  }
0x76: {  	_ =	shalt  }
0x77: {  	_ =	shalt  }
0x78: {  	_ =	shalt  }
0x79: {  	_ =	shalt  }
0x7a: {  	_ =	shalt  }
0x7b: {  	_ =	shalt  }
0x7c: {  	_ =	shalt  }
0x7d: {  	_ =	shalt  }
0x7e: {  	_ =	shalt  }
0x7f: {  	_ =	shalt  }
0x80: {  	_ =	shalt  }
0x81: {  	_ =	shalt  }
0x82: {  	_ =	shalt  }
0x83: {  	_ =	shalt  }
0x84: {  	_ =	shalt  }
0x85: {  	_ =	shalt  }
0x86: {  	_ =	shalt  }
0x87: {  	_ =	shalt  }
.Lfunc_end0:
.L_simem_size_0:
called_computation.5_lowered:
.L_overlay_start_0:
0x88: {  	s2 =	sld [smem:$0x3FD9]  }
0x89: {  	s3 =	sld [smem:$0x3FFE];
	_ =	sdelay $0x1  }
0x8a: {  	s1 =	srdreg.scid  }
0x8b: {  	s0 =	sand.u32 $0x1, s1  }
0x8c: {  	s17 =	sshll.u32 s0, $0xA;
	s2 =	sadd.s32 s3, s2  }
0x8d: {  	s2 =	sadd.s32 s2, s17  }
0x8e: {  	[smem:$0x3FBF] =	sst s2  }
0x8f: {  	_ = 	snop  }
0x90: {  	s2 =	sld [smem:$0x3FD0];
	(tm) =	ssettm $0x1  }
0x91: {  	s18 =	sld [smem:$0x3FFB];
	_ =	sdelay $0x3  }
0x92: {  	_ =	strace s18  }
0x93: {  	s3 =	sld [smem:$0x3FFC];
	_ =	sdelay $0x3  }
0x94: {  	_ =	strace s3  }
0x95: {  	s3 =	sld [smem:$0x3FFD];
	_ =	sdelay $0x3  }
0x96: {  	_ =	strace s3  }
0x97: {  	_ =	strace $0x8FFFFFFF  }
0x98: {  	s19 =	sld [smem:$0x3FDB];
	_ =	sdelay $0x1  }
0x99: {  	s4 =	simm.s32 $_scs_section_size  }
0x9a: {  	s5 =	simm.s32 $_size__tile_overlayer_lowered;
	s6 =	simm.s32 $_tile_overlayer_lowered  }
0x9b: {  	s22 =	simm.s32 $0x1BFF;
	s21 =	sshll.u32 s6, $0x1;
	s3 =	sadd.s32 s4, s19  }
0x9c: {  	s7 =	simm.s32 $0x0;
	s20 =	sshll.u32 s5, $0x1;
	s5 =	sadd.s32 s21, s3  }
0x9d: {  	[timem:s7], [sflag:s22] =	dma.local [hbm:s5], s20  }
0x9e: {  	_ =	swait.ge [sflag:s22], s20  }
0x9f: {  	s4 =	ssub.s32 $0x0, s20;
	[sflag:s22] =	ssyncset.done $0x0  }
0xa0: {  	[sflag:s22] =	ssyncadd.s32 s4;
	_ =	sdelay $0x1  }
0xa1: {  	s23 =	simm.s32 $0x1B8B  }
0xa2: {  	_ =	swait.ge [sflag:s23], $0x1  }
0xa3: {  	[sflag:s23] =	ssyncset.done $0x0  }
0xa4: {  	s25 =	simm.s32 $0x1B8E;
	s24 =	sld [smem:$0x3FFE];
	[sflag:s23] =	ssyncadd.s32 $0xFFFFFFFF  }
0xa5: {  	s26 =	simm.s32 $execute0_lowered;
	[smem:$0x3FD2] =	sst s25  }
0xa6: {  	s5 =	sshll.u32 s26, $0x1;
	_ =	strace $0x80000055;
	[dreg:$0x1] =	wrdreg $0xFFFFFFFF  }
0xa7: {  	s28 =	simm.s32 $_size_execute0_lowered;
	s3 =	sadd.s32 s3, s5;
	[dreg:$0x0] =	wrdreg $0x0  }
0xa8: {  	s5 =	sshll.u32 s28, $0x1;
	[dreg:$0x2] =	wrdreg s3  }
0xa9: {  	[dreg:$0x3] =	wrdreg s5  }
0xaa: {  	[dreg:$0x4] =	wrdreg $0xC0  }
0xab: {  	_ =	task [dreg:s7], $0x5FFFF  }
0xac: {  	[dreg:$0x1] =	wrdreg $0xFFFFFFFF  }
0xad: {  	[dreg:$0x0] =	wrdreg $0x60  }
0xae: {  	[dreg:$0x2] =	wrdreg s2  }
0xaf: {  	[dreg:$0x3] =	wrdreg s24  }
0xb0: {  	[dreg:$0x4] =	wrdreg $0x83000  }
0xb1: {  	[dreg:$0x5] =	wrdreg $0x9  }
0xb2: {  	_ =	task.clear_ibuf [dreg:s7], $0x6FFFF;
	_ =	strace $0x90000055  }
0xb3: {  	s29 =	simm.s32 $0x9;
	_ =	strace $0x80000057  }
0xb4: {  	_ =	swait.ge [sflag:s29], $0x1  }
0xb5: {  	[sflag:s29] =	ssyncadd.s32 $0xFFFFFFFF  }
0xb6: {  	_ =	strace $0x90000057  }
0xb7: {  	_ =	sfence  }
0xb8: {  	s30 =	sld [smem:$0x0];
	_ =	sdelay $0x2  }
0xb9: {  	s31 =	sshll.u32 s1, $0xD;
	s1 =	sshrl.u32 s1, $0x2  }
0xba: {  	s3 =	sand.u32 $0x4000, s31;
	s1 =	sadd.s32 s1, s30  }
0xbb: {  	s0 =	sor.u32 s3, s0;
	s1 =	sshll.u32 s1, $0x11  }
0xbc: {  	s0 =	sor.u32 s1, s0  }
0xbd: {  	s0 =	sadd.s32 $0x8F2B, s0  }
0xbe: {  	[sflag:s0] =	ssyncadd.remote.s32 $0x1  }
0xbf: {  	_ =	sfence.sel $0xFFFF  }
0xc0: {  	[dreg:$0x0] =	wrdreg $0xFFFFFFFF;
	(pc) =	sbr.abs _section_cstart, $3  }
0xc1: {  	[dreg:$0x1] =	wrdreg $0xFFFFFFFF  }
0xc2: {  	_ =	task.clear_ibuf [dreg:s7], $0x2FFFF;
	_ =	strace $0x9FFFFFFF  }
0xc3: {  	(tm) =	ssettm $0x7FFFFFFF  }
tec
execute0_lowered:
.L_overlay_start_1:
0x0: {  	(tag) =	ssettag $0x1  }
0x1: {  	s1 =	rddreg [dreg:$0x0]  }
0x2: {  	s0 =	rddreg [dreg:$0x1]  }
0x3: {  	s2 =	rddreg [dreg:$0x2];
	s4 =	simm.s32 $0x0;
	s3 =	srdreg.scid  }
0x4: {  	s12 =	stileid.u32;
	s28 =	simm.s32 $0x80;
	s29 =	simm.s32 $0x200  }
0x5: {  	s30 =	simm.s32 $0x180;
	s31 =	simm.s32 $0x2;
	[smem:$0x7FF] =	sst s4  }
0x6: {  	s3 =	sand.u32 $0x1, s3;
	s6 =	smul.u32 $0x14000, s12;
	s7 =	sshll.u32 s12, $0x1  }
0x7: {  	s8 =	sadd.s32 $0x7C00, s0;
	s9 =	sadd.s32 $0x11A00, s0;
	s11 =	smul.u32 $0x50000, s12  }
0x8: {  	s13 =	sadd.s32 $0x45200, s0;
	s15 =	sshll.u32 s12, $0x6;
	s21 =	smul.u32 $0x4E20, s12  }
0x9: {  	s12 =	simm.s32 $0x0;
	s5 =	smul.u32 $0x140000, s3;
	_ =	strace $0x80000056  }
0xa: {  	s7 =	sor.u32 s3, s7;
	s26 =	ssub.s32 $0x2, s3;
	s3 =	smul.u32 $0x2710, s3  }
0xb: {  	[dreg:$0x4] =	wrdreg s13;
	s7 =	smul.u32 $0x2710, s7;
	s10 =	sshrl.u32 s26, $0x1  }
0xc: {  	s14 =	sshrl.u32 s11, $0x2;
	s11 =	simm.s32 $0x10;
	s5 =	sadd.s32 s6, s5  }
0xd: {  	s13 =	ssub.s32 s26, s10;
	s6 =	sadd.s32 s14, s2;
	s10 =	simm.s32 $0x8280  }
0xe: {  	s5 =	sshrl.u32 s5, $0x3;
	s16 =	sshrl.u32 s7, $0x3;
	[dreg:$0x5] =	wrdreg s6  }
0xf: {  	s7 =	sor.u32 $0x1C07, s15;
	s0 =	sadd.s32 s5, s0;
	s18 =	sadd.s32 s8, s16  }
0x10: {  	s17 =	sadd.s32 $0x4E0, s16;
	s19 =	sadd.s32 s9, s16;
	[dreg:$0x6] =	wrdreg s18  }
0x11: {  	s5 =	smax.u32 s13, $0x1;
	s22 =	sadd.s32 $0x10, s16;
	[dreg:$0x7] =	wrdreg s19  }
0x12: {  	s24 =	sadd.s32 $0x20, s16;
	s20 =	sadd.s32 s8, s17;
	[dreg:$0xb] =	wrdreg s5  }
0x13: {  	s26 =	sadd.s32 $0x4D0, s16;
	s6 =	sadd.s32 s9, s17;
	[dreg:$0x8] =	wrdreg s20  }
0x14: {  	s0 =	sadd.s32 $0x47A00, s0;
	s23 =	sadd.s32 s8, s22;
	[dreg:$0x9] =	wrdreg s6  }
0x15: {  	s5 =	sadd.s32 s9, s22;
	s25 =	sadd.s32 s8, s24;
	[dreg:$0xa] =	wrdreg s0  }
0x16: {  	s17 =	sadd.s32 s9, s24;
	s18 =	sadd.s32 s8, s26;
	[dreg:$0xc] =	wrdreg s23  }
0x17: {  	s19 =	sadd.s32 s9, s26;
	s24 =	simm.s32 $0x7;
	[dreg:$0xd] =	wrdreg s5  }
0x18: {  	s26 =	simm.s32 $0x1;
	[dreg:$0xe] =	wrdreg s25;
	s0 =	sadd.s32 s3, s21  }
0x19: {  	s25 =	simm.s32 $0x100;
	s5 =	simm.s32 $0x5;
	s3 =	sadd.s32 $0x200, s0  }
0x1a: {  	s6 =	simm.s32 $0x4;
	s0 =	sadd.s32 $0x180, s0;
	s3 =	sshrl.u32 s3, $0x3  }
0x1b: {  	s0 =	sshrl.u32 s0, $0x3;
	s20 =	sadd.s32 s3, s9;
	s21 =	sadd.s32 s3, s8  }
0x1c: {  	s22 =	sadd.s32 s0, s9;
	s23 =	sadd.s32 s0, s8;
	s0 =	simm.s32 $0x4200  }
0x1d: {  	s3 =	simm.s32 $0x3;
	s8 =	simm.s32 $0x6;
	s9 =	simm.s32 $0x8200  }
.LBB2_1:
0x1e: {  	s13 =	rddreg [dreg:$0x5]  }
0x1f: {  	s14 =	rddreg [dreg:$0x4];
	s13 =	sshrl.u32 s13, $0x3  }
0x20: {  	[spmem:s13], [sflag:s7] =	dma.local [hbm:s14], $0x2800  }
0x21: {  	_ =	swait.ge [sflag:s24], $0x2800  }
0x22: {  	[sflag:s24] =	ssyncset.done $0x0  }
0x23: {  	[sflag:s24] =	ssyncadd.s32 $0xFFFFD800  }
0x24: {  	[bflag:$0x0] =	sbarrier.arrive $0xFFFF  }
0x25: {  	s16 =	rddreg [dreg:$0x6]  }
0x26: {  	[tilespmem:s4], [sflag:$0x1] =	stream.linear.gather [hbm4b:s16+s4], $0x80, $0x38;
	[tilespmem:$0x1C300] =	vst v63  }
0x27: {  	s15 =	rddreg [dreg:$0x7]  }
0x28: {  	[tilespmem:s25], [sflag:$0x1] =	stream.linear.gather [hbm4b:s15+s4], $0x80, $0x38;
	[tilespmem:$0x1C300] =	vst v63  }
0x29: {  	_ =	swait.ge [sflag:s26], $0x80  }
0x2a: {  	[sflag:s26] =	ssyncset.done $0x0  }
0x2b: {  	[sflag:s26] =	ssyncadd.s32 $0xFFFFFF80  }
0x2c: {  	_ =	swait.ge [sflag:s26], $0x80  }
0x2d: {  	[sflag:s26] =	ssyncset.done $0x0  }
0x2e: {  	[sflag:s26] =	ssyncadd.s32 $0xFFFFFF80  }
0x2f: {  	[tilespmem:s29], [sflag:$0x3] =	stream.indirect.gather [hbm4b:s1+s28], $0x80, s4, s28, $0xb8;
	[tilespmem:$0x1C300] =	vst v63  }
0x30: {  	s16 =	rddreg [dreg:$0xc]  }
0x31: {  	[tilespmem:s28], [sflag:$0x2] =	stream.linear.gather [hbm4b:s16+s4], $0x80, $0x38;
	[tilespmem:$0x1C300] =	vst v63  }
0x32: {  	s15 =	rddreg [dreg:$0xd]  }
0x33: {  	[tilespmem:s30], [sflag:$0x2] =	stream.linear.gather [hbm4b:s15+s4], $0x80, $0x38;
	[tilespmem:$0x1C300] =	vst v63  }
0x34: {  	_ =	swait.ge [sflag:s31], $0x80  }
0x35: {  	[sflag:s31] =	ssyncset.done $0x0  }
0x36: {  	[sflag:s31] =	ssyncadd.s32 $0xFFFFFF80  }
0x37: {  	_ =	swait.ge [sflag:s31], $0x80  }
0x38: {  	[sflag:s31] =	ssyncset.done $0x0  }
0x39: {  	[sflag:s31] =	ssyncadd.s32 $0xFFFFFF80  }
0x3a: {  	[tilespmem:s0], [sflag:$0x4] =	stream.indirect.gather [hbm4b:s1+s28], $0x80, s28, s28, $0xb8;
	[tilespmem:$0x1C300] =	vst v63  }
0x3b: {  	_ =	swait.ge [sflag:s3], $0x4000  }
0x3c: {  	[sflag:s3] =	ssyncset.done $0x0  }
0x3d: {  	[sflag:s3] =	ssyncadd.s32 $0xFFFFC000  }
0x3e: {  	[spmem:s2] =	stream.indirect.scatter.add.f32 [tilespmem:s29], [sflag:$0x5], $0x80, s25, s28, $0xb8;
	[tilespmem:$0x1C300] =	vst v63  }
0x3f: {  	_ =	swait.ge [sflag:s5], $0x4000  }
0x40: {  	[sflag:s5] =	ssyncset.done $0x0  }
0x41: {  	s16 =	rddreg [dreg:$0xe];
	[sflag:s5] =	ssyncadd.s32 $0xFFFFC000  }
0x42: {  	[tilespmem:s4], [sflag:$0x1] =	stream.linear.gather [hbm4b:s16+s4], $0x80, $0x38;
	[tilespmem:$0x1C300] =	vst v63  }
0x43: {  	_ = 	snop  }
0x44: {  	[tilespmem:s25], [sflag:$0x1] =	stream.linear.gather [hbm4b:s17+s4], $0x80, $0x38;
	[tilespmem:$0x1C300] =	vst v63  }
0x45: {  	_ =	swait.ge [sflag:s26], $0x80  }
0x46: {  	[sflag:s26] =	ssyncset.done $0x0  }
0x47: {  	[sflag:s26] =	ssyncadd.s32 $0xFFFFFF80  }
0x48: {  	_ =	swait.ge [sflag:s26], $0x80  }
0x49: {  	[sflag:s26] =	ssyncset.done $0x0  }
0x4a: {  	[sflag:s26] =	ssyncadd.s32 $0xFFFFFF80  }
0x4b: {  	[tilespmem:s29], [sflag:$0x3] =	stream.indirect.gather [hbm4b:s1+s28], $0x80, s4, s28, $0xb8;
	[tilespmem:$0x1C300] =	vst v63  }
0x4c: {  	_ =	swait.ge [sflag:s6], $0x4000  }
0x4d: {  	[sflag:s6] =	ssyncset.done $0x0  }
0x4e: {  	[sflag:s6] =	ssyncadd.s32 $0xFFFFC000  }
0x4f: {  	[spmem:s2] =	stream.indirect.scatter.add.f32 [tilespmem:s0], [sflag:$0x6], $0x80, s30, s28, $0xb8;
	[tilespmem:$0x1C300] =	vst v63  }
0x50: {  	_ =	swait.ge [sflag:s8], $0x4000  }
0x51: {  	[sflag:s8] =	ssyncset.done $0x0  }
0x52: {  	s15 =	sadd.s32 $0x0, s23;
	[sflag:s8] =	ssyncadd.s32 $0xFFFFC000  }
0x53: {  	[tilespmem:s28], [sflag:$0x2] =	stream.linear.gather [hbm4b:s15+s4], $0x80, $0x38;
	[tilespmem:$0x1C300] =	vst v63  }
0x54: {  	s16 =	sadd.s32 $0x0, s22  }
0x55: {  	[tilespmem:s30], [sflag:$0x2] =	stream.linear.gather [hbm4b:s16+s4], $0x80, $0x38;
	[tilespmem:$0x1C300] =	vst v63  }
0x56: {  	_ =	swait.ge [sflag:s31], $0x80  }
0x57: {  	[sflag:s31] =	ssyncset.done $0x0  }
0x58: {  	[sflag:s31] =	ssyncadd.s32 $0xFFFFFF80  }
0x59: {  	_ =	swait.ge [sflag:s31], $0x80  }
0x5a: {  	[sflag:s31] =	ssyncset.done $0x0  }
0x5b: {  	[sflag:s31] =	ssyncadd.s32 $0xFFFFFF80  }
0x5c: {  	[tilespmem:s0], [sflag:$0x4] =	stream.indirect.gather [hbm4b:s1+s28], $0x80, s28, s28, $0xb8;
	[tilespmem:$0x1C300] =	vst v63  }
0x5d: {  	_ =	swait.ge [sflag:s3], $0x4000  }
0x5e: {  	[sflag:s3] =	ssyncset.done $0x0  }
0x5f: {  	[sflag:s3] =	ssyncadd.s32 $0xFFFFC000  }
0x60: {  	[spmem:s2] =	stream.indirect.scatter.add.f32 [tilespmem:s29], [sflag:$0x5], $0x80, s25, s28, $0xb8;
	[tilespmem:$0x1C300] =	vst v63  }
0x61: {  	_ =	swait.ge [sflag:s5], $0x4000  }
0x62: {  	[sflag:s5] =	ssyncset.done $0x0  }
0x63: {  	s15 =	sadd.s32 $0x0, s21;
	[sflag:s5] =	ssyncadd.s32 $0xFFFFC000  }
0x64: {  	[tilespmem:s4], [sflag:$0x1] =	stream.linear.gather [hbm4b:s15+s4], $0x80, $0x38;
	[tilespmem:$0x1C300] =	vst v63  }
0x65: {  	s16 =	sadd.s32 $0x0, s20  }
0x66: {  	[tilespmem:s25], [sflag:$0x1] =	stream.linear.gather [hbm4b:s16+s4], $0x80, $0x38;
	[tilespmem:$0x1C300] =	vst v63  }
0x67: {  	_ =	swait.ge [sflag:s26], $0x80  }
0x68: {  	[sflag:s26] =	ssyncset.done $0x0  }
0x69: {  	[sflag:s26] =	ssyncadd.s32 $0xFFFFFF80  }
0x6a: {  	_ =	swait.ge [sflag:s26], $0x80  }
0x6b: {  	[sflag:s26] =	ssyncset.done $0x0  }
0x6c: {  	[sflag:s26] =	ssyncadd.s32 $0xFFFFFF80  }
0x6d: {  	[tilespmem:s29], [sflag:$0x3] =	stream.indirect.gather [hbm4b:s1+s28], $0x80, s4, s28, $0xb8;
	[tilespmem:$0x1C300] =	vst v63  }
0x6e: {  	_ =	swait.ge [sflag:s6], $0x4000  }
0x6f: {  	[sflag:s6] =	ssyncset.done $0x0  }
0x70: {  	s14 =	simm.s32 $0x20;
	[sflag:s6] =	ssyncadd.s32 $0xFFFFC000  }
.LBB2_2:
0x71: {  	[spmem:s2] =	stream.indirect.scatter.add.f32 [tilespmem:s0], [sflag:$0x6], $0x80, s30, s28, $0xb8;
	[tilespmem:$0x1C300] =	vst v63  }
0x72: {  	s15 =	smov.u32 s14  }
0x73: {  	p0 =	sne.s32 s14, $0x480;
	s14 =	sadd.s32 $0x20, s14;
	_ =	swait.ge [sflag:s8], $0x4000  }
0x74: {  	[sflag:s8] =	ssyncset.done $0x0  }
0x75: {  	s16 =	sadd.s32 s15, s23;
	[sflag:s8] =	ssyncadd.s32 $0xFFFFC000  }
0x76: {  	[tilespmem:s28], [sflag:$0x2] =	stream.linear.gather [hbm4b:s16+s4], $0x80, $0x38;
	[tilespmem:$0x1C300] =	vst v63  }
0x77: {  	s16 =	sadd.s32 s15, s22  }
0x78: {  	[tilespmem:s30], [sflag:$0x2] =	stream.linear.gather [hbm4b:s16+s4], $0x80, $0x38;
	[tilespmem:$0x1C300] =	vst v63  }
0x79: {  	_ =	swait.ge [sflag:s31], $0x80  }
0x7a: {  	[sflag:s31] =	ssyncset.done $0x0  }
0x7b: {  	[sflag:s31] =	ssyncadd.s32 $0xFFFFFF80  }
0x7c: {  	_ =	swait.ge [sflag:s31], $0x80  }
0x7d: {  	[sflag:s31] =	ssyncset.done $0x0  }
0x7e: {  	[sflag:s31] =	ssyncadd.s32 $0xFFFFFF80  }
0x7f: {  	[tilespmem:s0], [sflag:$0x4] =	stream.indirect.gather [hbm4b:s1+s28], $0x80, s28, s28, $0xb8;
	[tilespmem:$0x1C300] =	vst v63  }
0x80: {  	_ =	swait.ge [sflag:s3], $0x4000  }
0x81: {  	[sflag:s3] =	ssyncset.done $0x0  }
0x82: {  	[sflag:s3] =	ssyncadd.s32 $0xFFFFC000  }
0x83: {  	[spmem:s2] =	stream.indirect.scatter.add.f32 [tilespmem:s29], [sflag:$0x5], $0x80, s25, s28, $0xb8;
	[tilespmem:$0x1C300] =	vst v63  }
0x84: {  	_ =	swait.ge [sflag:s5], $0x4000  }
0x85: {  	[sflag:s5] =	ssyncset.done $0x0  }
0x86: {  	s16 =	sadd.s32 s15, s21;
	[sflag:s5] =	ssyncadd.s32 $0xFFFFC000  }
0x87: {  	[tilespmem:s4], [sflag:$0x1] =	stream.linear.gather [hbm4b:s16+s4], $0x80, $0x38;
	[tilespmem:$0x1C300] =	vst v63  }
0x88: {  	s15 =	sadd.s32 s15, s20  }
0x89: {  	[tilespmem:s25], [sflag:$0x1] =	stream.linear.gather [hbm4b:s15+s4], $0x80, $0x38;
	[tilespmem:$0x1C300] =	vst v63  }
0x8a: {  	_ =	swait.ge [sflag:s26], $0x80  }
0x8b: {  	[sflag:s26] =	ssyncset.done $0x0  }
0x8c: {  	[sflag:s26] =	ssyncadd.s32 $0xFFFFFF80  }
0x8d: {  	_ =	swait.ge [sflag:s26], $0x80  }
0x8e: {  	[sflag:s26] =	ssyncset.done $0x0  }
.Ltmp0:
0x8f: {  	[sflag:s26] =	ssyncadd.s32 $0xFFFFFF80;
	(pc) =	sbr.rel @p0 .LBB2_2-.Ltmp0, $4  }
0x90: {  	[tilespmem:s29], [sflag:$0x3] =	stream.indirect.gather [hbm4b:s1+s28], $0x80, s4, s28, $0xb8;
	[tilespmem:$0x1C300] =	vst v63  }
0x91: {  	_ =	swait.ge [sflag:s6], $0x4000  }
0x92: {  	[sflag:s6] =	ssyncset.done $0x0  }
0x93: {  	[sflag:s6] =	ssyncadd.s32 $0xFFFFC000  }
0x94: {  	[spmem:s2] =	stream.indirect.scatter.add.f32 [tilespmem:s0], [sflag:$0x6], $0x80, s30, s28, $0xb8;
	[tilespmem:$0x1C300] =	vst v63  }
0x95: {  	_ =	swait.ge [sflag:s8], $0x4000  }
0x96: {  	[sflag:s8] =	ssyncset.done $0x0  }
0x97: {  	[sflag:s8] =	ssyncadd.s32 $0xFFFFC000  }
0x98: {  	[tilespmem:s28], [sflag:$0x2] =	stream.linear.gather [hbm4b:s18+s4], $0x80, $0x38;
	[tilespmem:$0x1C300] =	vst v63  }
0x99: {  	_ = 	snop  }
0x9a: {  	[tilespmem:s30], [sflag:$0x2] =	stream.linear.gather [hbm4b:s19+s4], $0x80, $0x38;
	[tilespmem:$0x1C300] =	vst v63  }
0x9b: {  	_ =	swait.ge [sflag:s31], $0x80  }
0x9c: {  	[sflag:s31] =	ssyncset.done $0x0  }
0x9d: {  	[sflag:s31] =	ssyncadd.s32 $0xFFFFFF80  }
0x9e: {  	_ =	swait.ge [sflag:s31], $0x80  }
0x9f: {  	[sflag:s31] =	ssyncset.done $0x0  }
0xa0: {  	[sflag:s31] =	ssyncadd.s32 $0xFFFFFF80  }
0xa1: {  	[tilespmem:s0], [sflag:$0x4] =	stream.indirect.gather [hbm4b:s1+s28], $0x80, s28, s28, $0xb8;
	[tilespmem:$0x1C300] =	vst v63  }
0xa2: {  	_ =	swait.ge [sflag:s3], $0x4000  }
0xa3: {  	[sflag:s3] =	ssyncset.done $0x0  }
0xa4: {  	[sflag:s3] =	ssyncadd.s32 $0xFFFFC000  }
0xa5: {  	[spmem:s2] =	stream.indirect.scatter.add.f32 [tilespmem:s29], [sflag:$0x5], $0x80, s25, s28, $0xb8;
	[tilespmem:$0x1C300] =	vst v63  }
0xa6: {  	_ =	swait.ge [sflag:s6], $0x4000  }
0xa7: {  	[sflag:s6] =	ssyncset.done $0x0  }
0xa8: {  	[sflag:s6] =	ssyncadd.s32 $0xFFFFC000  }
0xa9: {  	[spmem:s2] =	stream.indirect.scatter.add.f32 [tilespmem:s0], [sflag:$0x6], $0x80, s30, s28, $0xb8;
	[tilespmem:$0x1C300] =	vst v63  }
0xaa: {  	_ =	swait.ge [sflag:s5], $0x4000  }
0xab: {  	[sflag:s5] =	ssyncset.done $0x0  }
0xac: {  	[sflag:s5] =	ssyncadd.s32 $0xFFFFC000  }
0xad: {  	_ =	swait.ge [sflag:s8], $0x4000  }
0xae: {  	[sflag:s8] =	ssyncset.done $0x0  }
0xaf: {  	s14 =	rddreg [dreg:$0x8];
	[sflag:s8] =	ssyncadd.s32 $0xFFFFC000  }
0xb0: {  	[tilespmem:s9], [sflag:$0x7] =	stream.linear.gather [hbm4b:s14+s4], $0x10, $0x38;
	[tilespmem:$0x1C300] =	vst v63  }
0xb1: {  	_ =	swait.ge [sflag:s24], $0x10  }
0xb2: {  	[sflag:s24] =	ssyncset.done $0x0  }
0xb3: {  	s16 =	rddreg [dreg:$0x9];
	[sflag:s24] =	ssyncadd.s32 $0xFFFFFFF0  }
0xb4: {  	[tilespmem:s10], [sflag:$0x7] =	stream.linear.gather [hbm4b:s16+s4], $0x10, $0x38;
	[tilespmem:$0x1C300] =	vst v63  }
0xb5: {  	_ =	swait.ge [sflag:s24], $0x10  }
0xb6: {  	[sflag:s24] =	ssyncset.done $0x0  }
0xb7: {  	[sflag:s24] =	ssyncadd.s32 $0xFFFFFFF0  }
0xb8: {  	[tilespmem:s29], [sflag:$0x7] =	stream.indirect.gather [hbm4b:s1+s11], $0x80, s9, s11, $0xb8;
	[tilespmem:$0x1C300] =	vst v63  }
0xb9: {  	_ =	swait.ge [sflag:s24], $0x800  }
0xba: {  	[sflag:s24] =	ssyncset.done $0x0  }
0xbb: {  	[sflag:s24] =	ssyncadd.s32 $0xFFFFF800  }
0xbc: {  	[spmem:s2] =	stream.indirect.scatter.add.f32 [tilespmem:s29], [sflag:$0x7], $0x80, s10, s11, $0xb8;
	[tilespmem:$0x1C300] =	vst v63  }
0xbd: {  	_ =	swait.ge [sflag:s24], $0x800  }
0xbe: {  	[sflag:s24] =	ssyncset.done $0x0  }
0xbf: {  	[sflag:s24] =	ssyncadd.s32 $0xFFFFF800  }
0xc0: {  	[bflag:$0x0] =	sbarrier.arrive $0xFFFF  }
0xc1: {  	s15 =	rddreg [dreg:$0xa]  }
0xc2: {  	[hbm:s15], [sflag:s7] =	dma.local [spmem:s13], $0x2800  }
0xc3: {  	_ =	swait.ge [sflag:s24], $0x2800  }
0xc4: {  	s12 =	sadd.s32 $0x1, s12;
	s16 =	rddreg [dreg:$0xb]  }
0xc5: {  	p0 =	sne.s32 s12, s16  }
.Ltmp1:
0xc6: {  	_ = 	snop;
	(pc) =	sbr.rel @p0 .LBB2_1-.Ltmp1, $3  }
0xc7: {  	_ =	sdelay $0x1  }
0xc8: {  	[sflag:s24] =	ssyncset.done $0x0  }
0xc9: {  	[sflag:s24] =	ssyncadd.s32 $0xFFFFD800  }
0xca: {  	_ =	sfence.sel $0x180000  }
0xcb: {  	[bflag:$0x0] =	sbarrier.arrive $0xFFFF  }
0xcc: {  	_ =	strace $0x90000056  }
0xcd: {  	s0 =	stileid.u32;
	[bflag:$0x2] =	sbarrier.arrive $0xFFFF  }
0xce: {  	p0 =	sne.s32 s0, $0x0;
	s0 =	rddreg [dreg:$0x3]  }
0xcf: {  	s0 =	sadd.s32 @!p0 $0x100000, s0  }
0xd0: {  	[sflag:s0] =	ssyncadd.tile.s32 @!p0 $0x1;
	_ =	shalt  }
.Lfunc_end2:
_tile_overlayer_lowered:
.L_overlay_start_2:
0xd1: {  	(tag) =	ssettag $0x2  }
0xd2: {  	s0 =	rddreg [dreg:$0x0];
	s2 =	stileid.u32  }
0xd3: {  	s1 =	rddreg [dreg:$0x1];
	p0 =	sne.s32 s2, $0x0  }
0xd4: {  	s3 =	rddreg [dreg:$0x2];
	[bflag:$0x3] =	sbarrier.arrive $0xFFFF;
	s2 =	simm.s32 @!p0 $0x1C07  }
0xd5: {  	[timem:s3], [sflag:s2] =	dma.local @!p0 [hbm:s0], s1  }
0xd6: {  	s0 =	simm.s32 @!p0 $0x7  }
0xd7: {  	_ =	swait.ge @!p0 [sflag:s0], s1  }
0xd8: {  	s1 =	ssub.s32 @!p0 $0x0, s1;
	[sflag:s0] =	ssyncset.done @!p0 $0x0  }
0xd9: {  	[sflag:s0] =	ssyncadd.s32 @!p0 s1  }
0xda: {  	[bflag:$0x3] =	sbarrier.arrive $0xFFFF  }
0xdb: {  	_ =	shalt  }

// kernel: kernel.39.cloned.1.call-start
scs
__scs_entry_jumppad:
0x0: {  	(pc) =	sbr.rel $0x88, $3  }
0x1: {  	(tag) =	ssettag $0x0;
	lr =	simm.s32 $0x1  }
0x2: {  	[smem:$0x3F98] =	sst lr;
	_ =	strace $0xD0000000  }
0x3: {  	_ = 	snop  }
0x4: {  	_ = 	snop  }
0x5: {  	_ = 	snop  }
0x6: {  	_ = 	snop  }
0x7: {  	_ = 	snop  }
__scs_overlays_trampoline_lowered:
0x8: {  	[smem:$0x3FA7] =	sst s0  }
0x9: {  	[smem:$0x3FA8] =	sst s1  }
0xa: {  	[smem:$0x3FA9] =	sst s2  }
0xb: {  	[smem:$0x3FAA] =	sst s3  }
0xc: {  	[smem:$0x3FAB] =	sst s4  }
0xd: {  	[smem:$0x3FAC] =	sst s5  }
0xe: {  	[smem:$0x3FAD] =	sst s6  }
0xf: {  	[smem:$0x3FAE] =	sst s7  }
0x10: {  	[smem:$0x3FAF] =	sst s8  }
0x11: {  	[smem:$0x3FB0] =	sst s9;
	s0 =	simm.s32 @!p0 $0x0  }
0x12: {  	s1 =	sld [smem:$0x3F96];
	s0 =	simm.s32 @p0 $0x1  }
0x13: {  	[smem:$0x3FB1] =	sst s0;
	s0 =	simm.s32 @!p1 $0x0  }
0x14: {  	s2 =	sld [smem:$0x3F95];
	s0 =	simm.s32 @p1 $0x1  }
0x15: {  	[smem:$0x3FB2] =	sst s0;
	s0 =	simm.s32 @!p2 $0x0  }
0x16: {  	s3 =	sld [smem:$0x3FDB];
	s0 =	simm.s32 @p2 $0x1  }
0x17: {  	s4 =	simm.s32 $0x1BF5;
	[smem:$0x3FB4] =	sst s0  }
0x18: {  	s0 =	sld [smem:$0x3F97];
	_ =	swait.ge [sflag:s4], $0x0  }
0x19: {  	s7 =	sld [smem:$0x3F98]  }
0x1a: {  	s8 =	sadd.s32 $0xFFFFE003, lr  }
0x1b: {  	s9 =	sadd.s32 $0xFFFFFEF7, lr;
	s5 =	simm.s32 $0xFFFFFFFF;
	p2 =	slt.u32 s8, $0xFFFFF086  }
0x1c: {  	p1 =	slt.u32 s9, $0xF7A;
	s5 =	simm.s32 @!p2 $0x0  }
0x1d: {  	s5 =	simm.s32 @p1 $0x1;
	p0 =	seq.s32 s7, s2  }
0x1e: {  	s7 =	smul.u32 @!p0 $0xF7A, s2;
	p2 =	seq.s32 @!p0 s5, $0x0  }
0x1f: {  	s9 =	smul.u32 $0xF7A, s1;
	s8 =	simm.s32 @!p0 $0x1BF5;
	p2 =	por !p2, p0  }
0x20: {  	[sflag:s8] =	ssyncset.s32 @!p0 $0xFFFFF086;
	s6 =	sadd.s32 @!p0 s3, s7;
	s7 =	simm.s32 @!p0 $0x108  }
0x21: {  	s3 =	sadd.s32 s3, s9;
	s6 =	sadd.s32 @!p0 $0x88, s6;
	s7 =	simm.s32 @p2 $0x1082  }
0x22: {  	[simem:s7], [sflag:s8] =	dma.local @!p0 [hbm:s6], $0xF7A  }
0x23: {  	s9 =	sor.u32 $0xD0000000, s2;
	s6 =	simm.s32 $0x108;
	_ =	swait.ge @!p0 [sflag:s8], $0x0  }
0x24: {  	s3 =	sadd.s32 $0x88, s3;
	s6 =	simm.s32 @!p1 $0x1082;
	[sflag:s4] =	ssyncset.s32 $0xFFFFF086  }
0x25: {  	[simem:s6], [sflag:s4] =	dma.local [hbm:s3], $0xF7A  }
0x26: {  	[smem:$0x3F98] =	sst s1;
	(tag) =	ssettag s2;
	_ =	strace s9  }
0x27: {  	s1 =	sld [smem:$0x3FA8]  }
0x28: {  	s2 =	sld [smem:$0x3FA9]  }
0x29: {  	s4 =	sld [smem:$0x3FAB]  }
0x2a: {  	p0 =	seq.s32 s5, $0x0;
	s5 =	sld [smem:$0x3FAC]  }
0x2b: {  	s6 =	sld [smem:$0x3FAD]  }
0x2c: {  	s7 =	sld [smem:$0x3FAE]  }
0x2d: {  	s3 =	simm.s32 $0x108;
	s8 =	sld [smem:$0x3FAF]  }
0x2e: {  	s3 =	simm.s32 @!p0 $0x1082;
	s9 =	sld [smem:$0x3FB0]  }
0x2f: {  	lr =	sadd.s32 s0, s3;
	s0 =	sld [smem:$0x3FA7]  }
0x30: {  	s3 =	sld [smem:$0x3FAA]  }
0x31: {  	[smem:$0x3FB3] =	sst s10  }
0x32: {  	s10 =	sld [smem:$0x3FB1];
	_ =	sdelay $0x3  }
0x33: {  	p0 =	seq.s32 s10, $0x1;
	s10 =	sld [smem:$0x3FB3];
	_ =	sdelay $0x3  }
0x34: {  	[smem:$0x3FB3] =	sst s10  }
0x35: {  	s10 =	sld [smem:$0x3FB2];
	_ =	sdelay $0x3  }
0x36: {  	p1 =	seq.s32 s10, $0x1;
	s10 =	sld [smem:$0x3FB3];
	_ =	sdelay $0x3  }
0x37: {  	[smem:$0x3FB3] =	sst s10  }
0x38: {  	s10 =	sld [smem:$0x3FB4]  }
0x39: {  	_ = 	snop;
	(pc) =	sbr.ind lr, $3  }
0x3a: {  	_ = 	snop  }
0x3b: {  	_ = 	snop  }
0x3c: {  	p2 =	seq.s32 s10, $0x1;
	s10 =	sld [smem:$0x3FB3]  }
0x3d: {  	_ =	shalt  }
0x3e: {  	_ =	shalt  }
0x3f: {  	_ =	shalt  }
0x40: {  	_ =	shalt  }
0x41: {  	_ =	shalt  }
0x42: {  	_ =	shalt  }
0x43: {  	_ =	shalt  }
0x44: {  	_ =	shalt  }
0x45: {  	_ =	shalt  }
0x46: {  	_ =	shalt  }
0x47: {  	_ =	shalt  }
0x48: {  	_ =	shalt  }
0x49: {  	_ =	shalt  }
0x4a: {  	_ =	shalt  }
0x4b: {  	_ =	shalt  }
0x4c: {  	_ =	shalt  }
0x4d: {  	_ =	shalt  }
0x4e: {  	_ =	shalt  }
0x4f: {  	_ =	shalt  }
0x50: {  	_ =	shalt  }
0x51: {  	_ =	shalt  }
0x52: {  	_ =	shalt  }
0x53: {  	_ =	shalt  }
0x54: {  	_ =	shalt  }
0x55: {  	_ =	shalt  }
0x56: {  	_ =	shalt  }
0x57: {  	_ =	shalt  }
0x58: {  	_ =	shalt  }
0x59: {  	_ =	shalt  }
0x5a: {  	_ =	shalt  }
0x5b: {  	_ =	shalt  }
0x5c: {  	_ =	shalt  }
0x5d: {  	_ =	shalt  }
0x5e: {  	_ =	shalt  }
0x5f: {  	_ =	shalt  }
0x60: {  	_ =	shalt  }
0x61: {  	_ =	shalt  }
0x62: {  	_ =	shalt  }
0x63: {  	_ =	shalt  }
0x64: {  	_ =	shalt  }
0x65: {  	_ =	shalt  }
0x66: {  	_ =	shalt  }
0x67: {  	_ =	shalt  }
0x68: {  	_ =	shalt  }
0x69: {  	_ =	shalt  }
0x6a: {  	_ =	shalt  }
0x6b: {  	_ =	shalt  }
0x6c: {  	_ =	shalt  }
0x6d: {  	_ =	shalt  }
0x6e: {  	_ =	shalt  }
0x6f: {  	_ =	shalt  }
0x70: {  	_ =	shalt  }
0x71: {  	_ =	shalt  }
0x72: {  	_ =	shalt  }
0x73: {  	_ =	shalt  }
0x74: {  	_ =	shalt  }
0x75: {  	_ =	shalt  }
0x76: {  	_ =	shalt  }
0x77: {  	_ =	shalt  }
0x78: {  	_ =	shalt  }
0x79: {  	_ =	shalt  }
0x7a: {  	_ =	shalt  }
0x7b: {  	_ =	shalt  }
0x7c: {  	_ =	shalt  }
0x7d: {  	_ =	shalt  }
0x7e: {  	_ =	shalt  }
0x7f: {  	_ =	shalt  }
0x80: {  	_ =	shalt  }
0x81: {  	_ =	shalt  }
0x82: {  	_ =	shalt  }
0x83: {  	_ =	shalt  }
0x84: {  	_ =	shalt  }
0x85: {  	_ =	shalt  }
0x86: {  	_ =	shalt  }
0x87: {  	_ =	shalt  }
.Lfunc_end0:
.L_simem_size_0:
called_computation.6_lowered:
.L_overlay_start_0:
0x88: {  	s2 =	sld [smem:$0x3FD9]  }
0x89: {  	s3 =	sld [smem:$0x3FFE];
	_ =	sdelay $0x1  }
0x8a: {  	s1 =	srdreg.scid  }
0x8b: {  	s0 =	sand.u32 $0x1, s1  }
0x8c: {  	s17 =	sshll.u32 s0, $0xA;
	s2 =	sadd.s32 s3, s2  }
0x8d: {  	s2 =	sadd.s32 s2, s17  }
0x8e: {  	[smem:$0x3FBF] =	sst s2  }
0x8f: {  	_ = 	snop  }
0x90: {  	s2 =	sld [smem:$0x3FD0];
	(tm) =	ssettm $0x1  }
0x91: {  	s18 =	sld [smem:$0x3FFB];
	_ =	sdelay $0x3  }
0x92: {  	_ =	strace s18  }
0x93: {  	s3 =	sld [smem:$0x3FFC];
	_ =	sdelay $0x3  }
0x94: {  	_ =	strace s3  }
0x95: {  	s3 =	sld [smem:$0x3FFD];
	_ =	sdelay $0x3  }
0x96: {  	_ =	strace s3  }
0x97: {  	_ =	strace $0x8FFFFFFF  }
0x98: {  	s19 =	sld [smem:$0x3FDB];
	_ =	sdelay $0x1  }
0x99: {  	s4 =	simm.s32 $_scs_section_size  }
0x9a: {  	s5 =	simm.s32 $_size__tile_overlayer_lowered;
	s6 =	simm.s32 $_tile_overlayer_lowered  }
0x9b: {  	s22 =	simm.s32 $0x1BFF;
	s21 =	sshll.u32 s6, $0x1;
	s3 =	sadd.s32 s4, s19  }
0x9c: {  	s7 =	simm.s32 $0x0;
	s20 =	sshll.u32 s5, $0x1;
	s5 =	sadd.s32 s21, s3  }
0x9d: {  	[timem:s7], [sflag:s22] =	dma.local [hbm:s5], s20  }
0x9e: {  	_ =	swait.ge [sflag:s22], s20  }
0x9f: {  	s4 =	ssub.s32 $0x0, s20;
	[sflag:s22] =	ssyncset.done $0x0  }
0xa0: {  	[sflag:s22] =	ssyncadd.s32 s4;
	_ =	sdelay $0x1  }
0xa1: {  	s23 =	simm.s32 $0x1B8B  }
0xa2: {  	_ =	swait.ge [sflag:s23], $0x1  }
0xa3: {  	[sflag:s23] =	ssyncset.done $0x0  }
0xa4: {  	s25 =	simm.s32 $0x1B8E;
	s24 =	sld [smem:$0x3FFE];
	[sflag:s23] =	ssyncadd.s32 $0xFFFFFFFF  }
0xa5: {  	s26 =	simm.s32 $execute0_lowered;
	[smem:$0x3FD2] =	sst s25  }
0xa6: {  	s5 =	sshll.u32 s26, $0x1;
	_ =	strace $0x80000058;
	[dreg:$0x1] =	wrdreg $0xFFFFFFFF  }
0xa7: {  	s28 =	simm.s32 $_size_execute0_lowered;
	s3 =	sadd.s32 s3, s5;
	[dreg:$0x0] =	wrdreg $0x0  }
0xa8: {  	s5 =	sshll.u32 s28, $0x1;
	[dreg:$0x2] =	wrdreg s3  }
0xa9: {  	[dreg:$0x3] =	wrdreg s5  }
0xaa: {  	[dreg:$0x4] =	wrdreg $0xC0  }
0xab: {  	_ =	task [dreg:s7], $0x5FFFF  }
0xac: {  	[dreg:$0x1] =	wrdreg $0xFFFFFFFF  }
0xad: {  	[dreg:$0x0] =	wrdreg $0x60  }
0xae: {  	[dreg:$0x2] =	wrdreg s2  }
0xaf: {  	[dreg:$0x3] =	wrdreg s24  }
0xb0: {  	[dreg:$0x4] =	wrdreg $0x83000  }
0xb1: {  	[dreg:$0x5] =	wrdreg $0x9  }
0xb2: {  	_ =	task.clear_ibuf [dreg:s7], $0x6FFFF;
	_ =	strace $0x90000058  }
0xb3: {  	s29 =	simm.s32 $0x9;
	_ =	strace $0x8000005A  }
0xb4: {  	_ =	swait.ge [sflag:s29], $0x1  }
0xb5: {  	[sflag:s29] =	ssyncadd.s32 $0xFFFFFFFF  }
0xb6: {  	_ =	strace $0x9000005A  }
0xb7: {  	_ =	sfence  }
0xb8: {  	s30 =	sld [smem:$0x0];
	_ =	sdelay $0x2  }
0xb9: {  	s31 =	sshll.u32 s1, $0xD;
	s1 =	sshrl.u32 s1, $0x2  }
0xba: {  	s3 =	sand.u32 $0x4000, s31;
	s1 =	sadd.s32 s1, s30  }
0xbb: {  	s0 =	sor.u32 s3, s0;
	s1 =	sshll.u32 s1, $0x11  }
0xbc: {  	s0 =	sor.u32 s1, s0  }
0xbd: {  	s0 =	sadd.s32 $0x8F2B, s0  }
0xbe: {  	[sflag:s0] =	ssyncadd.remote.s32 $0x1  }
0xbf: {  	_ =	sfence.sel $0xFFFF  }
0xc0: {  	[dreg:$0x0] =	wrdreg $0xFFFFFFFF;
	(pc) =	sbr.abs _section_cstart, $3  }
0xc1: {  	[dreg:$0x1] =	wrdreg $0xFFFFFFFF  }
0xc2: {  	_ =	task.clear_ibuf [dreg:s7], $0x2FFFF;
	_ =	strace $0x9FFFFFFF  }
0xc3: {  	(tm) =	ssettm $0x7FFFFFFF  }
tec
execute0_lowered:
.L_overlay_start_1:
0x0: {  	(tag) =	ssettag $0x1  }
0x1: {  	s1 =	rddreg [dreg:$0x0]  }
0x2: {  	s0 =	rddreg [dreg:$0x1]  }
0x3: {  	s2 =	rddreg [dreg:$0x2];
	s4 =	simm.s32 $0x0;
	s3 =	srdreg.scid  }
0x4: {  	s12 =	stileid.u32;
	s28 =	simm.s32 $0x80;
	s29 =	simm.s32 $0x200  }
0x5: {  	s30 =	simm.s32 $0x180;
	s31 =	simm.s32 $0x2;
	[smem:$0x7FF] =	sst s4  }
0x6: {  	s3 =	sand.u32 $0x1, s3;
	s6 =	smul.u32 $0x14000, s12;
	s7 =	sshll.u32 s12, $0x1  }
0x7: {  	s8 =	sadd.s32 $0x7C00, s0;
	s9 =	sadd.s32 $0x11A00, s0;
	s11 =	smul.u32 $0x50000, s12  }
0x8: {  	s13 =	sadd.s32 $0x45200, s0;
	s15 =	sshll.u32 s12, $0x6;
	s21 =	smul.u32 $0x4E20, s12  }
0x9: {  	s12 =	simm.s32 $0x0;
	s5 =	smul.u32 $0x140000, s3;
	_ =	strace $0x80000059  }
0xa: {  	s7 =	sor.u32 s3, s7;
	s26 =	ssub.s32 $0x2, s3;
	s3 =	smul.u32 $0x2710, s3  }
0xb: {  	[dreg:$0x4] =	wrdreg s13;
	s7 =	smul.u32 $0x2710, s7;
	s10 =	sshrl.u32 s26, $0x1  }
0xc: {  	s14 =	sshrl.u32 s11, $0x2;
	s11 =	simm.s32 $0x10;
	s5 =	sadd.s32 s6, s5  }
0xd: {  	s13 =	ssub.s32 s26, s10;
	s6 =	sadd.s32 s14, s2;
	s10 =	simm.s32 $0x8280  }
0xe: {  	s5 =	sshrl.u32 s5, $0x3;
	s16 =	sshrl.u32 s7, $0x3;
	[dreg:$0x5] =	wrdreg s6  }
0xf: {  	s7 =	sor.u32 $0x1C07, s15;
	s0 =	sadd.s32 s5, s0;
	s18 =	sadd.s32 s8, s16  }
0x10: {  	s17 =	sadd.s32 $0x4E0, s16;
	s19 =	sadd.s32 s9, s16;
	[dreg:$0x6] =	wrdreg s18  }
0x11: {  	s5 =	smax.u32 s13, $0x1;
	s22 =	sadd.s32 $0x10, s16;
	[dreg:$0x7] =	wrdreg s19  }
0x12: {  	s24 =	sadd.s32 $0x20, s16;
	s20 =	sadd.s32 s8, s17;
	[dreg:$0xb] =	wrdreg s5  }
0x13: {  	s26 =	sadd.s32 $0x4D0, s16;
	s6 =	sadd.s32 s9, s17;
	[dreg:$0x8] =	wrdreg s20  }
0x14: {  	s0 =	sadd.s32 $0x47A00, s0;
	s23 =	sadd.s32 s8, s22;
	[dreg:$0x9] =	wrdreg s6  }
0x15: {  	s5 =	sadd.s32 s9, s22;
	s25 =	sadd.s32 s8, s24;
	[dreg:$0xa] =	wrdreg s0  }
0x16: {  	s17 =	sadd.s32 s9, s24;
	s18 =	sadd.s32 s8, s26;
	[dreg:$0xc] =	wrdreg s23  }
0x17: {  	s19 =	sadd.s32 s9, s26;
	s24 =	simm.s32 $0x7;
	[dreg:$0xd] =	wrdreg s5  }
0x18: {  	s26 =	simm.s32 $0x1;
	[dreg:$0xe] =	wrdreg s25;
	s0 =	sadd.s32 s3, s21  }
0x19: {  	s25 =	simm.s32 $0x100;
	s5 =	simm.s32 $0x5;
	s3 =	sadd.s32 $0x200, s0  }
0x1a: {  	s6 =	simm.s32 $0x4;
	s0 =	sadd.s32 $0x180, s0;
	s3 =	sshrl.u32 s3, $0x3  }
0x1b: {  	s0 =	sshrl.u32 s0, $0x3;
	s20 =	sadd.s32 s3, s9;
	s21 =	sadd.s32 s3, s8  }
0x1c: {  	s22 =	sadd.s32 s0, s9;
	s23 =	sadd.s32 s0, s8;
	s0 =	simm.s32 $0x4200  }
0x1d: {  	s3 =	simm.s32 $0x3;
	s8 =	simm.s32 $0x6;
	s9 =	simm.s32 $0x8200  }
.LBB2_1:
0x1e: {  	s13 =	rddreg [dreg:$0x5]  }
0x1f: {  	s14 =	rddreg [dreg:$0x4];
	s13 =	sshrl.u32 s13, $0x3  }
0x20: {  	[spmem:s13], [sflag:s7] =	dma.local [hbm:s14], $0x2800  }
0x21: {  	_ =	swait.ge [sflag:s24], $0x2800  }
0x22: {  	[sflag:s24] =	ssyncset.done $0x0  }
0x23: {  	[sflag:s24] =	ssyncadd.s32 $0xFFFFD800  }
0x24: {  	[bflag:$0x0] =	sbarrier.arrive $0xFFFF  }
0x25: {  	s16 =	rddreg [dreg:$0x6]  }
0x26: {  	[tilespmem:s4], [sflag:$0x1] =	stream.linear.gather [hbm4b:s16+s4], $0x80, $0x38;
	[tilespmem:$0x1C300] =	vst v63  }
0x27: {  	s15 =	rddreg [dreg:$0x7]  }
0x28: {  	[tilespmem:s25], [sflag:$0x1] =	stream.linear.gather [hbm4b:s15+s4], $0x80, $0x38;
	[tilespmem:$0x1C300] =	vst v63  }
0x29: {  	_ =	swait.ge [sflag:s26], $0x80  }
0x2a: {  	[sflag:s26] =	ssyncset.done $0x0  }
0x2b: {  	[sflag:s26] =	ssyncadd.s32 $0xFFFFFF80  }
0x2c: {  	_ =	swait.ge [sflag:s26], $0x80  }
0x2d: {  	[sflag:s26] =	ssyncset.done $0x0  }
0x2e: {  	[sflag:s26] =	ssyncadd.s32 $0xFFFFFF80  }
0x2f: {  	[tilespmem:s29], [sflag:$0x3] =	stream.indirect.gather [hbm4b:s1+s28], $0x80, s4, s28, $0xb8;
	[tilespmem:$0x1C300] =	vst v63  }
0x30: {  	s16 =	rddreg [dreg:$0xc]  }
0x31: {  	[tilespmem:s28], [sflag:$0x2] =	stream.linear.gather [hbm4b:s16+s4], $0x80, $0x38;
	[tilespmem:$0x1C300] =	vst v63  }
0x32: {  	s15 =	rddreg [dreg:$0xd]  }
0x33: {  	[tilespmem:s30], [sflag:$0x2] =	stream.linear.gather [hbm4b:s15+s4], $0x80, $0x38;
	[tilespmem:$0x1C300] =	vst v63  }
0x34: {  	_ =	swait.ge [sflag:s31], $0x80  }
0x35: {  	[sflag:s31] =	ssyncset.done $0x0  }
0x36: {  	[sflag:s31] =	ssyncadd.s32 $0xFFFFFF80  }
0x37: {  	_ =	swait.ge [sflag:s31], $0x80  }
0x38: {  	[sflag:s31] =	ssyncset.done $0x0  }
0x39: {  	[sflag:s31] =	ssyncadd.s32 $0xFFFFFF80  }
0x3a: {  	[tilespmem:s0], [sflag:$0x4] =	stream.indirect.gather [hbm4b:s1+s28], $0x80, s28, s28, $0xb8;
	[tilespmem:$0x1C300] =	vst v63  }
0x3b: {  	_ =	swait.ge [sflag:s3], $0x4000  }
0x3c: {  	[sflag:s3] =	ssyncset.done $0x0  }
0x3d: {  	[sflag:s3] =	ssyncadd.s32 $0xFFFFC000  }
0x3e: {  	[spmem:s2] =	stream.indirect.scatter.add.f32 [tilespmem:s29], [sflag:$0x5], $0x80, s25, s28, $0xb8;
	[tilespmem:$0x1C300] =	vst v63  }
0x3f: {  	_ =	swait.ge [sflag:s5], $0x4000  }
0x40: {  	[sflag:s5] =	ssyncset.done $0x0  }
0x41: {  	s16 =	rddreg [dreg:$0xe];
	[sflag:s5] =	ssyncadd.s32 $0xFFFFC000  }
0x42: {  	[tilespmem:s4], [sflag:$0x1] =	stream.linear.gather [hbm4b:s16+s4], $0x80, $0x38;
	[tilespmem:$0x1C300] =	vst v63  }
0x43: {  	_ = 	snop  }
0x44: {  	[tilespmem:s25], [sflag:$0x1] =	stream.linear.gather [hbm4b:s17+s4], $0x80, $0x38;
	[tilespmem:$0x1C300] =	vst v63  }
0x45: {  	_ =	swait.ge [sflag:s26], $0x80  }
0x46: {  	[sflag:s26] =	ssyncset.done $0x0  }
0x47: {  	[sflag:s26] =	ssyncadd.s32 $0xFFFFFF80  }
0x48: {  	_ =	swait.ge [sflag:s26], $0x80  }
0x49: {  	[sflag:s26] =	ssyncset.done $0x0  }
0x4a: {  	[sflag:s26] =	ssyncadd.s32 $0xFFFFFF80  }
0x4b: {  	[tilespmem:s29], [sflag:$0x3] =	stream.indirect.gather [hbm4b:s1+s28], $0x80, s4, s28, $0xb8;
	[tilespmem:$0x1C300] =	vst v63  }
0x4c: {  	_ =	swait.ge [sflag:s6], $0x4000  }
0x4d: {  	[sflag:s6] =	ssyncset.done $0x0  }
0x4e: {  	[sflag:s6] =	ssyncadd.s32 $0xFFFFC000  }
0x4f: {  	[spmem:s2] =	stream.indirect.scatter.add.f32 [tilespmem:s0], [sflag:$0x6], $0x80, s30, s28, $0xb8;
	[tilespmem:$0x1C300] =	vst v63  }
0x50: {  	_ =	swait.ge [sflag:s8], $0x4000  }
0x51: {  	[sflag:s8] =	ssyncset.done $0x0  }
0x52: {  	s15 =	sadd.s32 $0x0, s23;
	[sflag:s8] =	ssyncadd.s32 $0xFFFFC000  }
0x53: {  	[tilespmem:s28], [sflag:$0x2] =	stream.linear.gather [hbm4b:s15+s4], $0x80, $0x38;
	[tilespmem:$0x1C300] =	vst v63  }
0x54: {  	s16 =	sadd.s32 $0x0, s22  }
0x55: {  	[tilespmem:s30], [sflag:$0x2] =	stream.linear.gather [hbm4b:s16+s4], $0x80, $0x38;
	[tilespmem:$0x1C300] =	vst v63  }
0x56: {  	_ =	swait.ge [sflag:s31], $0x80  }
0x57: {  	[sflag:s31] =	ssyncset.done $0x0  }
0x58: {  	[sflag:s31] =	ssyncadd.s32 $0xFFFFFF80  }
0x59: {  	_ =	swait.ge [sflag:s31], $0x80  }
0x5a: {  	[sflag:s31] =	ssyncset.done $0x0  }
0x5b: {  	[sflag:s31] =	ssyncadd.s32 $0xFFFFFF80  }
0x5c: {  	[tilespmem:s0], [sflag:$0x4] =	stream.indirect.gather [hbm4b:s1+s28], $0x80, s28, s28, $0xb8;
	[tilespmem:$0x1C300] =	vst v63  }
0x5d: {  	_ =	swait.ge [sflag:s3], $0x4000  }
0x5e: {  	[sflag:s3] =	ssyncset.done $0x0  }
0x5f: {  	[sflag:s3] =	ssyncadd.s32 $0xFFFFC000  }
0x60: {  	[spmem:s2] =	stream.indirect.scatter.add.f32 [tilespmem:s29], [sflag:$0x5], $0x80, s25, s28, $0xb8;
	[tilespmem:$0x1C300] =	vst v63  }
0x61: {  	_ =	swait.ge [sflag:s5], $0x4000  }
0x62: {  	[sflag:s5] =	ssyncset.done $0x0  }
0x63: {  	s15 =	sadd.s32 $0x0, s21;
	[sflag:s5] =	ssyncadd.s32 $0xFFFFC000  }
0x64: {  	[tilespmem:s4], [sflag:$0x1] =	stream.linear.gather [hbm4b:s15+s4], $0x80, $0x38;
	[tilespmem:$0x1C300] =	vst v63  }
0x65: {  	s16 =	sadd.s32 $0x0, s20  }
0x66: {  	[tilespmem:s25], [sflag:$0x1] =	stream.linear.gather [hbm4b:s16+s4], $0x80, $0x38;
	[tilespmem:$0x1C300] =	vst v63  }
0x67: {  	_ =	swait.ge [sflag:s26], $0x80  }
0x68: {  	[sflag:s26] =	ssyncset.done $0x0  }
0x69: {  	[sflag:s26] =	ssyncadd.s32 $0xFFFFFF80  }
0x6a: {  	_ =	swait.ge [sflag:s26], $0x80  }
0x6b: {  	[sflag:s26] =	ssyncset.done $0x0  }
0x6c: {  	[sflag:s26] =	ssyncadd.s32 $0xFFFFFF80  }
0x6d: {  	[tilespmem:s29], [sflag:$0x3] =	stream.indirect.gather [hbm4b:s1+s28], $0x80, s4, s28, $0xb8;
	[tilespmem:$0x1C300] =	vst v63  }
0x6e: {  	_ =	swait.ge [sflag:s6], $0x4000  }
0x6f: {  	[sflag:s6] =	ssyncset.done $0x0  }
0x70: {  	s14 =	simm.s32 $0x20;
	[sflag:s6] =	ssyncadd.s32 $0xFFFFC000  }
.LBB2_2:
0x71: {  	[spmem:s2] =	stream.indirect.scatter.add.f32 [tilespmem:s0], [sflag:$0x6], $0x80, s30, s28, $0xb8;
	[tilespmem:$0x1C300] =	vst v63  }
0x72: {  	s15 =	smov.u32 s14  }
0x73: {  	p0 =	sne.s32 s14, $0x480;
	s14 =	sadd.s32 $0x20, s14;
	_ =	swait.ge [sflag:s8], $0x4000  }
0x74: {  	[sflag:s8] =	ssyncset.done $0x0  }
0x75: {  	s16 =	sadd.s32 s15, s23;
	[sflag:s8] =	ssyncadd.s32 $0xFFFFC000  }
0x76: {  	[tilespmem:s28], [sflag:$0x2] =	stream.linear.gather [hbm4b:s16+s4], $0x80, $0x38;
	[tilespmem:$0x1C300] =	vst v63  }
0x77: {  	s16 =	sadd.s32 s15, s22  }
0x78: {  	[tilespmem:s30], [sflag:$0x2] =	stream.linear.gather [hbm4b:s16+s4], $0x80, $0x38;
	[tilespmem:$0x1C300] =	vst v63  }
0x79: {  	_ =	swait.ge [sflag:s31], $0x80  }
0x7a: {  	[sflag:s31] =	ssyncset.done $0x0  }
0x7b: {  	[sflag:s31] =	ssyncadd.s32 $0xFFFFFF80  }
0x7c: {  	_ =	swait.ge [sflag:s31], $0x80  }
0x7d: {  	[sflag:s31] =	ssyncset.done $0x0  }
0x7e: {  	[sflag:s31] =	ssyncadd.s32 $0xFFFFFF80  }
0x7f: {  	[tilespmem:s0], [sflag:$0x4] =	stream.indirect.gather [hbm4b:s1+s28], $0x80, s28, s28, $0xb8;
	[tilespmem:$0x1C300] =	vst v63  }
0x80: {  	_ =	swait.ge [sflag:s3], $0x4000  }
0x81: {  	[sflag:s3] =	ssyncset.done $0x0  }
0x82: {  	[sflag:s3] =	ssyncadd.s32 $0xFFFFC000  }
0x83: {  	[spmem:s2] =	stream.indirect.scatter.add.f32 [tilespmem:s29], [sflag:$0x5], $0x80, s25, s28, $0xb8;
	[tilespmem:$0x1C300] =	vst v63  }
0x84: {  	_ =	swait.ge [sflag:s5], $0x4000  }
0x85: {  	[sflag:s5] =	ssyncset.done $0x0  }
0x86: {  	s16 =	sadd.s32 s15, s21;
	[sflag:s5] =	ssyncadd.s32 $0xFFFFC000  }
0x87: {  	[tilespmem:s4], [sflag:$0x1] =	stream.linear.gather [hbm4b:s16+s4], $0x80, $0x38;
	[tilespmem:$0x1C300] =	vst v63  }
0x88: {  	s15 =	sadd.s32 s15, s20  }
0x89: {  	[tilespmem:s25], [sflag:$0x1] =	stream.linear.gather [hbm4b:s15+s4], $0x80, $0x38;
	[tilespmem:$0x1C300] =	vst v63  }
0x8a: {  	_ =	swait.ge [sflag:s26], $0x80  }
0x8b: {  	[sflag:s26] =	ssyncset.done $0x0  }
0x8c: {  	[sflag:s26] =	ssyncadd.s32 $0xFFFFFF80  }
0x8d: {  	_ =	swait.ge [sflag:s26], $0x80  }
0x8e: {  	[sflag:s26] =	ssyncset.done $0x0  }
.Ltmp0:
0x8f: {  	[sflag:s26] =	ssyncadd.s32 $0xFFFFFF80;
	(pc) =	sbr.rel @p0 .LBB2_2-.Ltmp0, $4  }
0x90: {  	[tilespmem:s29], [sflag:$0x3] =	stream.indirect.gather [hbm4b:s1+s28], $0x80, s4, s28, $0xb8;
	[tilespmem:$0x1C300] =	vst v63  }
0x91: {  	_ =	swait.ge [sflag:s6], $0x4000  }
0x92: {  	[sflag:s6] =	ssyncset.done $0x0  }
0x93: {  	[sflag:s6] =	ssyncadd.s32 $0xFFFFC000  }
0x94: {  	[spmem:s2] =	stream.indirect.scatter.add.f32 [tilespmem:s0], [sflag:$0x6], $0x80, s30, s28, $0xb8;
	[tilespmem:$0x1C300] =	vst v63  }
0x95: {  	_ =	swait.ge [sflag:s8], $0x4000  }
0x96: {  	[sflag:s8] =	ssyncset.done $0x0  }
0x97: {  	[sflag:s8] =	ssyncadd.s32 $0xFFFFC000  }
0x98: {  	[tilespmem:s28], [sflag:$0x2] =	stream.linear.gather [hbm4b:s18+s4], $0x80, $0x38;
	[tilespmem:$0x1C300] =	vst v63  }
0x99: {  	_ = 	snop  }
0x9a: {  	[tilespmem:s30], [sflag:$0x2] =	stream.linear.gather [hbm4b:s19+s4], $0x80, $0x38;
	[tilespmem:$0x1C300] =	vst v63  }
0x9b: {  	_ =	swait.ge [sflag:s31], $0x80  }
0x9c: {  	[sflag:s31] =	ssyncset.done $0x0  }
0x9d: {  	[sflag:s31] =	ssyncadd.s32 $0xFFFFFF80  }
0x9e: {  	_ =	swait.ge [sflag:s31], $0x80  }
0x9f: {  	[sflag:s31] =	ssyncset.done $0x0  }
0xa0: {  	[sflag:s31] =	ssyncadd.s32 $0xFFFFFF80  }
0xa1: {  	[tilespmem:s0], [sflag:$0x4] =	stream.indirect.gather [hbm4b:s1+s28], $0x80, s28, s28, $0xb8;
	[tilespmem:$0x1C300] =	vst v63  }
0xa2: {  	_ =	swait.ge [sflag:s3], $0x4000  }
0xa3: {  	[sflag:s3] =	ssyncset.done $0x0  }
0xa4: {  	[sflag:s3] =	ssyncadd.s32 $0xFFFFC000  }
0xa5: {  	[spmem:s2] =	stream.indirect.scatter.add.f32 [tilespmem:s29], [sflag:$0x5], $0x80, s25, s28, $0xb8;
	[tilespmem:$0x1C300] =	vst v63  }
0xa6: {  	_ =	swait.ge [sflag:s6], $0x4000  }
0xa7: {  	[sflag:s6] =	ssyncset.done $0x0  }
0xa8: {  	[sflag:s6] =	ssyncadd.s32 $0xFFFFC000  }
0xa9: {  	[spmem:s2] =	stream.indirect.scatter.add.f32 [tilespmem:s0], [sflag:$0x6], $0x80, s30, s28, $0xb8;
	[tilespmem:$0x1C300] =	vst v63  }
0xaa: {  	_ =	swait.ge [sflag:s5], $0x4000  }
0xab: {  	[sflag:s5] =	ssyncset.done $0x0  }
0xac: {  	[sflag:s5] =	ssyncadd.s32 $0xFFFFC000  }
0xad: {  	_ =	swait.ge [sflag:s8], $0x4000  }
0xae: {  	[sflag:s8] =	ssyncset.done $0x0  }
0xaf: {  	s14 =	rddreg [dreg:$0x8];
	[sflag:s8] =	ssyncadd.s32 $0xFFFFC000  }
0xb0: {  	[tilespmem:s9], [sflag:$0x7] =	stream.linear.gather [hbm4b:s14+s4], $0x10, $0x38;
	[tilespmem:$0x1C300] =	vst v63  }
0xb1: {  	_ =	swait.ge [sflag:s24], $0x10  }
0xb2: {  	[sflag:s24] =	ssyncset.done $0x0  }
0xb3: {  	s16 =	rddreg [dreg:$0x9];
	[sflag:s24] =	ssyncadd.s32 $0xFFFFFFF0  }
0xb4: {  	[tilespmem:s10], [sflag:$0x7] =	stream.linear.gather [hbm4b:s16+s4], $0x10, $0x38;
	[tilespmem:$0x1C300] =	vst v63  }
0xb5: {  	_ =	swait.ge [sflag:s24], $0x10  }
0xb6: {  	[sflag:s24] =	ssyncset.done $0x0  }
0xb7: {  	[sflag:s24] =	ssyncadd.s32 $0xFFFFFFF0  }
0xb8: {  	[tilespmem:s29], [sflag:$0x7] =	stream.indirect.gather [hbm4b:s1+s11], $0x80, s9, s11, $0xb8;
	[tilespmem:$0x1C300] =	vst v63  }
0xb9: {  	_ =	swait.ge [sflag:s24], $0x800  }
0xba: {  	[sflag:s24] =	ssyncset.done $0x0  }
0xbb: {  	[sflag:s24] =	ssyncadd.s32 $0xFFFFF800  }
0xbc: {  	[spmem:s2] =	stream.indirect.scatter.add.f32 [tilespmem:s29], [sflag:$0x7], $0x80, s10, s11, $0xb8;
	[tilespmem:$0x1C300] =	vst v63  }
0xbd: {  	_ =	swait.ge [sflag:s24], $0x800  }
0xbe: {  	[sflag:s24] =	ssyncset.done $0x0  }
0xbf: {  	[sflag:s24] =	ssyncadd.s32 $0xFFFFF800  }
0xc0: {  	[bflag:$0x0] =	sbarrier.arrive $0xFFFF  }
0xc1: {  	s15 =	rddreg [dreg:$0xa]  }
0xc2: {  	[hbm:s15], [sflag:s7] =	dma.local [spmem:s13], $0x2800  }
0xc3: {  	_ =	swait.ge [sflag:s24], $0x2800  }
0xc4: {  	s12 =	sadd.s32 $0x1, s12;
	s16 =	rddreg [dreg:$0xb]  }
0xc5: {  	p0 =	sne.s32 s12, s16  }
.Ltmp1:
0xc6: {  	_ = 	snop;
	(pc) =	sbr.rel @p0 .LBB2_1-.Ltmp1, $3  }
0xc7: {  	_ =	sdelay $0x1  }
0xc8: {  	[sflag:s24] =	ssyncset.done $0x0  }
0xc9: {  	[sflag:s24] =	ssyncadd.s32 $0xFFFFD800  }
0xca: {  	_ =	sfence.sel $0x180000  }
0xcb: {  	[bflag:$0x0] =	sbarrier.arrive $0xFFFF  }
0xcc: {  	_ =	strace $0x90000059  }
0xcd: {  	s0 =	stileid.u32;
	[bflag:$0x2] =	sbarrier.arrive $0xFFFF  }
0xce: {  	p0 =	sne.s32 s0, $0x0;
	s0 =	rddreg [dreg:$0x3]  }
0xcf: {  	s0 =	sadd.s32 @!p0 $0x100000, s0  }
0xd0: {  	[sflag:s0] =	ssyncadd.tile.s32 @!p0 $0x1;
	_ =	shalt  }
.Lfunc_end2:
_tile_overlayer_lowered:
.L_overlay_start_2:
0xd1: {  	(tag) =	ssettag $0x2  }
0xd2: {  	s0 =	rddreg [dreg:$0x0];
	s2 =	stileid.u32  }
0xd3: {  	s1 =	rddreg [dreg:$0x1];
	p0 =	sne.s32 s2, $0x0  }
0xd4: {  	s3 =	rddreg [dreg:$0x2];
	[bflag:$0x3] =	sbarrier.arrive $0xFFFF;
	s2 =	simm.s32 @!p0 $0x1C07  }
0xd5: {  	[timem:s3], [sflag:s2] =	dma.local @!p0 [hbm:s0], s1  }
0xd6: {  	s0 =	simm.s32 @!p0 $0x7  }
0xd7: {  	_ =	swait.ge @!p0 [sflag:s0], s1  }
0xd8: {  	s1 =	ssub.s32 @!p0 $0x0, s1;
	[sflag:s0] =	ssyncset.done @!p0 $0x0  }
0xd9: {  	[sflag:s0] =	ssyncadd.s32 @!p0 s1  }
0xda: {  	[bflag:$0x3] =	sbarrier.arrive $0xFFFF  }
0xdb: {  	_ =	shalt  }

</sc_bundles>
